<compile_context>
chip_gen: v7x
topology: tpu7x:2x2x1
jax: 0.10.2.dev20260603
libtpu: 0.0.44.dev20260713+nightly
codegen_flags: <defaults>
</compile_context>

<pallas_src>
import functools

import jax
import jax.numpy as jnp
from jax import lax
from jax.experimental import pallas as pl
from jax.experimental.pallas import tpu as pltpu
from jax.experimental.pallas import tpu_sc as plsc

_N = 10000
_E = 320000
_D = 128
_LANES = 16

_NC = 2
_NS = 16
_NW = _NC * _NS

_CHUNK = 128
_NCHUNKS = -(-_E // (_NW * _CHUNK))
_EPAD = _NW * _NCHUNKS * _CHUNK

_BM = 400


def _mm_bias_body(x_ref, w_ref, b_ref, o_ref):
    o_ref[...] = (
        jnp.dot(x_ref[...], w_ref[...], preferred_element_type=jnp.float32)
        + b_ref[...]
    )


def _dense_bias(x, W, b):
    m, k = x.shape
    n = W.shape[1]
    return pl.pallas_call(
        _mm_bias_body,
        grid=(m // _BM,),
        in_specs=[
            pl.BlockSpec((_BM, k), lambda i: (i, 0)),
            pl.BlockSpec((k, n), lambda i: (0, 0)),
            pl.BlockSpec((1, n), lambda i: (0, 0)),
        ],
        out_specs=pl.BlockSpec((_BM, n), lambda i: (i, 0)),
        out_shape=jax.ShapeDtypeStruct((m, n), jnp.float32),
    )(x, W, b.reshape(1, n))


def _comb_mm_body(relu_flag, p_ref, w_ref, b_ref, o_ref):
    h = p_ref[0] + p_ref[1]
    if relu_flag:
        h = jnp.maximum(h, 0.0)
    o_ref[...] = (
        jnp.dot(h, w_ref[...], preferred_element_type=jnp.float32) + b_ref[...]
    )


def _combine_dense_bias(p, W, b, relu):
    m = p.shape[1]
    k = p.shape[2]
    n = W.shape[1]
    return pl.pallas_call(
        functools.partial(_comb_mm_body, relu),
        grid=(m // _BM,),
        in_specs=[
            pl.BlockSpec((2, _BM, k), lambda i: (0, i, 0)),
            pl.BlockSpec((k, n), lambda i: (0, 0)),
            pl.BlockSpec((1, n), lambda i: (0, 0)),
        ],
        out_specs=pl.BlockSpec((_BM, n), lambda i: (i, 0)),
        out_shape=jax.ShapeDtypeStruct((m, n), jnp.float32),
    )(p, W, b.reshape(1, n))


_sc_mesh = plsc.VectorSubcoreMesh(core_axis_name="c", subcore_axis_name="s")


@functools.partial(
    pl.kernel,
    mesh=_sc_mesh,
    out_type=jax.ShapeDtypeStruct((_NC, _N, _D), jnp.float32),
    scratch_types=[
        pltpu.VMEM((_NCHUNKS, _CHUNK), jnp.int32),
        pltpu.VMEM((_NCHUNKS, _CHUNK), jnp.int32),
        pltpu.VMEM((_NCHUNKS, _CHUNK), jnp.float32),
        pltpu.VMEM((_CHUNK, _D), jnp.float32),
        pltpu.VMEM_SHARED((_N, _D), jnp.float32),
        pltpu.SemaphoreType.DMA,
    ],
)
def _spmm_sc(s_hbm, row_hbm, col_hbm, adj_hbm, z_hbm, out_hbm,
             colv, rowv, adjv, gbuf, acc, sem):
    c = lax.axis_index("c")
    sid = lax.axis_index("s")
    wid = sid * _NC + c

    @pl.when(sid == 0)
    def _():
        pltpu.sync_copy(z_hbm, acc)

    pltpu.sync_copy(col_hbm.at[wid], colv)
    pltpu.sync_copy(row_hbm.at[wid], rowv)
    pltpu.sync_copy(adj_hbm.at[wid], adjv)
    plsc.subcore_barrier()

    def chunk_body(i, carry):
        pltpu.async_copy(s_hbm.at[colv.at[i]], gbuf, sem).wait()

        def group_body(g, carry2):
            av16 = adjv[i, pl.ds(g * _LANES, _LANES)]
            for l in range(_LANES):
                av = jnp.full((_LANES,), av16[l], jnp.float32)
                e = g * _LANES + l
                for j in range(_D // _LANES):
                    sl = pl.ds(j * _LANES, _LANES)
                    gbuf[e, sl] = gbuf[e, sl] * av
            return carry2

        lax.fori_loop(0, _CHUNK // _LANES, group_body, 0)

        pltpu.sync_copy(gbuf, acc.at[rowv.at[i]], add=True)
        return carry

    lax.fori_loop(0, _NCHUNKS, chunk_body, 0)
    plsc.subcore_barrier()

    @pl.when(sid == 0)
    def _():
        pltpu.sync_copy(acc, out_hbm.at[c])


def kernel(x, edge_index, adj_values, W1, b1, W2, b2, Wc, bc):
    row = edge_index[0].astype(jnp.int32)
    col = edge_index[1].astype(jnp.int32)
    adj = adj_values.astype(jnp.float32)

    pad = _EPAD - _E
    row_p = jnp.concatenate([row, jnp.zeros((pad,), jnp.int32)]).reshape(
        _NW, _NCHUNKS, _CHUNK)
    col_p = jnp.concatenate([col, jnp.zeros((pad,), jnp.int32)]).reshape(
        _NW, _NCHUNKS, _CHUNK)
    adj_p = jnp.concatenate([adj, jnp.zeros((pad,), jnp.float32)]).reshape(
        _NW, _NCHUNKS, _CHUNK)
    z = jnp.zeros((_N, _D), jnp.float32)

    s1 = _dense_bias(x, W1, b1)
    p = _spmm_sc(s1, row_p, col_p, adj_p, z)
    s2 = _combine_dense_bias(p, W2, b2, relu=True)
    q = _spmm_sc(s2, row_p, col_p, adj_p, z)
    logits = _combine_dense_bias(q, Wc, bc, relu=False)
    return logits

# --- scband reference (transcript-rebuilt; emitter-appended) ---
"""Pipeline reference for scband-node-classifier-8452495639101 (READ-ONLY COPY).

The authoritative reference and input builder live on the scoring server;
editing this copy changes nothing except your own understanding.
"""

import jax, jax.numpy as jnp
import numpy as np

N = 10000
E = 320000
D_IN = 128
D_HID = 128
N_CLASSES = 40

def setup_inputs(seed: int = 0) -> dict:
    key = jax.random.key(seed)
    ks = jax.random.split(key, 10)
    x = jax.random.normal(ks[0], (N, D_IN), dtype=jnp.float32)
    edge_index = jax.random.randint(ks[1], (2, E), 0, N, dtype=jnp.int64)
    adj_values = jax.random.uniform(ks[2], (E,), dtype=jnp.float32)
    # GCN layer 1 params
    W1 = jax.random.normal(ks[3], (D_IN, D_HID), dtype=jnp.float32) * (1.0 / np.sqrt(D_IN))
    b1 = jnp.zeros((D_HID,), dtype=jnp.float32)
    # GCN layer 2 params
    W2 = jax.random.normal(ks[4], (D_HID, D_HID), dtype=jnp.float32) * (1.0 / np.sqrt(D_HID))
    b2 = jnp.zeros((D_HID,), dtype=jnp.float32)
    # node classifier params
    Wc = jax.random.normal(ks[5], (D_HID, N_CLASSES), dtype=jnp.float32) * (1.0 / np.sqrt(D_HID))
    bc = jnp.zeros((N_CLASSES,), dtype=jnp.float32)
    return {"x": x, "edge_index": edge_index, "adj_values": adj_values,
            "W1": W1, "b1": b1, "W2": W2, "b2": b2, "Wc": Wc, "bc": bc}

def reference(x, edge_index, adj_values, W1, b1, W2, b2, Wc, bc):
    # Faithful translation: GCN (2 GraphConvolution layers, Kipf-style) + linear classifier.
    # adj is a sparse COO [N, N] matrix: row=edge_index[0], col=edge_index[1], vals=adj_values.
    # spmm(adj, h)[i] = sum_{e: row[e]==i} adj_values[e] * h[col[e], :]
    row = edge_index[0]
    col = edge_index[1]
    n = x.shape[0]
    def spmm(h):
        gathered = adj_values[:, None] * jnp.take(h, col, axis=0)
        return jax.ops.segment_sum(gathered, row, num_segments=n)
    # layer 1: support = x W1 + b1; out = A support; relu; (dropout identity at eval)
    h = jax.nn.relu(spmm(x @ W1 + b1))
    # layer 2
    h = spmm(h @ W2 + b2)
    # classify=True path
    logits = h @ Wc + bc
    return logits

if __name__ == "__main__":
    import jax
    _d = setup_inputs()
    print(jax.jit(kernel)(*tuple(_d.values())))

</pallas_src>

<mosaic_0001>
#map = affine_map<(d0, d1) -> (0, 0)>
#map1 = affine_map<(d0, d1) -> (0, 0, 0)>
module attributes {stable_mosaic.version = 14 : i64} {
  func.func @_spmm_sc(%arg0: i32, %arg1: i32, %arg2: memref<10000x128xf32, #tpu.memory_space<hbm>>, %arg3: memref<32x79x128xi32, #tpu.memory_space<hbm>>, %arg4: memref<32x79x128xi32, #tpu.memory_space<hbm>>, %arg5: memref<32x79x128xf32, #tpu.memory_space<hbm>>, %arg6: memref<10000x128xf32, #tpu.memory_space<hbm>>, %arg7: memref<2x10000x128xf32, #tpu.memory_space<hbm>>, %arg8: memref<79x128xi32, #tpu.memory_space<vmem>>, %arg9: memref<79x128xi32, #tpu.memory_space<vmem>>, %arg10: memref<79x128xf32, #tpu.memory_space<vmem>>, %arg11: memref<128x128xf32, #tpu.memory_space<vmem>>, %arg12: memref<10000x128xf32, #tpu.memory_space<vmem_shared>>, %arg13: memref<!tpu.dma_semaphore, #tpu.memory_space<semaphore_mem>>) attributes {dimension_semantics = [#tpu.dimension_semantics<core_parallel>, #tpu.dimension_semantics<subcore_parallel>], iteration_bounds = array<i64: 2, 16>, scalar_prefetch = 0 : i64, scratch_operands = 6 : i64, tpu.core_type = #tpu.core_type<sc_vector_subcore>, window_params = [{transform_indices = #map}, {transform_indices = #map1}, {transform_indices = #map1}, {transform_indices = #map1}, {transform_indices = #map}, {transform_indices = #map1}]} {
    %mul3A = arith.constant 2 : i32
    %mul3A_0 = arith.muli %arg1, %mul3A : i32
    %add3A = arith.addi %mul3A_0, %arg0 : i32
    %eq3A = arith.constant 0 : i32
    %eq3A_1 = arith.cmpi eq, %arg1, %eq3A : i32
    %convert_element_type3A = arith.extui %eq3A_1 : i1 to i32
    %cond3A = arith.constant 0 : i32
    %cond3A_2 = arith.cmpi ne, %convert_element_type3A, %cond3A : i32
    scf.if %cond3A_2 {
      "tpu.region"() ({
        %run_scoped3A = tpu.sem_alloc : memref<!tpu.dma_semaphore, #tpu.memory_space<semaphore_mem>>
        tpu.enqueue_dma source(%arg6 : memref<10000x128xf32, #tpu.memory_space<hbm>>) target(%arg12 : memref<10000x128xf32, #tpu.memory_space<vmem_shared>>) target_semaphore(%run_scoped3A : memref<!tpu.dma_semaphore, #tpu.memory_space<semaphore_mem>>)
        tpu.wait_dma2 semaphore(%run_scoped3A : memref<!tpu.dma_semaphore, #tpu.memory_space<semaphore_mem>>) src(%arg6 : memref<10000x128xf32, #tpu.memory_space<hbm>>) dst(%arg12 : memref<10000x128xf32, #tpu.memory_space<vmem_shared>>)
        tpu.yield
      }) : () -> ()
    } else {
    }
    "tpu.region"() ({
      %run_scoped3A = tpu.sem_alloc : memref<!tpu.dma_semaphore, #tpu.memory_space<semaphore_mem>>
      %dma_start3A = arith.constant 0 : i32
      %dma_start3A_14 = arith.constant 0 : i32
      %dma_start3A_15 = tpu.memref_slice %arg4[%add3A, %dma_start3A, %dma_start3A_14] : memref<32x79x128xi32, #tpu.memory_space<hbm>> -> memref<1x79x128xi32, #tpu.memory_space<hbm>>
      %dma_start3A_16 = tpu.memref_squeeze %dma_start3A_15 : memref<1x79x128xi32, #tpu.memory_space<hbm>> -> memref<79x128xi32, #tpu.memory_space<hbm>>
      %dma_start3A_17 = arith.constant 0 : i32
      %dma_start3A_18 = arith.constant 0 : i32
      %dma_start3A_19 = tpu.memref_slice %arg4[%add3A, %dma_start3A_17, %dma_start3A_18] : memref<32x79x128xi32, #tpu.memory_space<hbm>> -> memref<1x79x128xi32, #tpu.memory_space<hbm>>
      %dma_start3A_20 = tpu.memref_squeeze %dma_start3A_19 : memref<1x79x128xi32, #tpu.memory_space<hbm>> -> memref<79x128xi32, #tpu.memory_space<hbm>>
      tpu.enqueue_dma source(%dma_start3A_20 : memref<79x128xi32, #tpu.memory_space<hbm>>) target(%arg8 : memref<79x128xi32, #tpu.memory_space<vmem>>) target_semaphore(%run_scoped3A : memref<!tpu.dma_semaphore, #tpu.memory_space<semaphore_mem>>)
      %dma_wait3A = arith.constant 0 : i32
      %dma_wait3A_21 = arith.constant 0 : i32
      %dma_wait3A_22 = tpu.memref_slice %arg4[%add3A, %dma_wait3A, %dma_wait3A_21] : memref<32x79x128xi32, #tpu.memory_space<hbm>> -> memref<1x79x128xi32, #tpu.memory_space<hbm>>
      %dma_wait3A_23 = tpu.memref_squeeze %dma_wait3A_22 : memref<1x79x128xi32, #tpu.memory_space<hbm>> -> memref<79x128xi32, #tpu.memory_space<hbm>>
      %dma_wait3A_24 = arith.constant 0 : i32
      %dma_wait3A_25 = arith.constant 0 : i32
      %dma_wait3A_26 = tpu.memref_slice %arg4[%add3A, %dma_wait3A_24, %dma_wait3A_25] : memref<32x79x128xi32, #tpu.memory_space<hbm>> -> memref<1x79x128xi32, #tpu.memory_space<hbm>>
      %dma_wait3A_27 = tpu.memref_squeeze %dma_wait3A_26 : memref<1x79x128xi32, #tpu.memory_space<hbm>> -> memref<79x128xi32, #tpu.memory_space<hbm>>
      tpu.wait_dma2 semaphore(%run_scoped3A : memref<!tpu.dma_semaphore, #tpu.memory_space<semaphore_mem>>) src(%dma_wait3A_27 : memref<79x128xi32, #tpu.memory_space<hbm>>) dst(%arg8 : memref<79x128xi32, #tpu.memory_space<vmem>>)
      tpu.yield
    }) : () -> ()
    "tpu.region"() ({
      %run_scoped3A = tpu.sem_alloc : memref<!tpu.dma_semaphore, #tpu.memory_space<semaphore_mem>>
      %dma_start3A = arith.constant 0 : i32
      %dma_start3A_14 = arith.constant 0 : i32
      %dma_start3A_15 = tpu.memref_slice %arg3[%add3A, %dma_start3A, %dma_start3A_14] : memref<32x79x128xi32, #tpu.memory_space<hbm>> -> memref<1x79x128xi32, #tpu.memory_space<hbm>>
      %dma_start3A_16 = tpu.memref_squeeze %dma_start3A_15 : memref<1x79x128xi32, #tpu.memory_space<hbm>> -> memref<79x128xi32, #tpu.memory_space<hbm>>
      %dma_start3A_17 = arith.constant 0 : i32
      %dma_start3A_18 = arith.constant 0 : i32
      %dma_start3A_19 = tpu.memref_slice %arg3[%add3A, %dma_start3A_17, %dma_start3A_18] : memref<32x79x128xi32, #tpu.memory_space<hbm>> -> memref<1x79x128xi32, #tpu.memory_space<hbm>>
      %dma_start3A_20 = tpu.memref_squeeze %dma_start3A_19 : memref<1x79x128xi32, #tpu.memory_space<hbm>> -> memref<79x128xi32, #tpu.memory_space<hbm>>
      tpu.enqueue_dma source(%dma_start3A_20 : memref<79x128xi32, #tpu.memory_space<hbm>>) target(%arg9 : memref<79x128xi32, #tpu.memory_space<vmem>>) target_semaphore(%run_scoped3A : memref<!tpu.dma_semaphore, #tpu.memory_space<semaphore_mem>>)
      %dma_wait3A = arith.constant 0 : i32
      %dma_wait3A_21 = arith.constant 0 : i32
      %dma_wait3A_22 = tpu.memref_slice %arg3[%add3A, %dma_wait3A, %dma_wait3A_21] : memref<32x79x128xi32, #tpu.memory_space<hbm>> -> memref<1x79x128xi32, #tpu.memory_space<hbm>>
      %dma_wait3A_23 = tpu.memref_squeeze %dma_wait3A_22 : memref<1x79x128xi32, #tpu.memory_space<hbm>> -> memref<79x128xi32, #tpu.memory_space<hbm>>
      %dma_wait3A_24 = arith.constant 0 : i32
      %dma_wait3A_25 = arith.constant 0 : i32
      %dma_wait3A_26 = tpu.memref_slice %arg3[%add3A, %dma_wait3A_24, %dma_wait3A_25] : memref<32x79x128xi32, #tpu.memory_space<hbm>> -> memref<1x79x128xi32, #tpu.memory_space<hbm>>
      %dma_wait3A_27 = tpu.memref_squeeze %dma_wait3A_26 : memref<1x79x128xi32, #tpu.memory_space<hbm>> -> memref<79x128xi32, #tpu.memory_space<hbm>>
      tpu.wait_dma2 semaphore(%run_scoped3A : memref<!tpu.dma_semaphore, #tpu.memory_space<semaphore_mem>>) src(%dma_wait3A_27 : memref<79x128xi32, #tpu.memory_space<hbm>>) dst(%arg9 : memref<79x128xi32, #tpu.memory_space<vmem>>)
      tpu.yield
    }) : () -> ()
    "tpu.region"() ({
      %run_scoped3A = tpu.sem_alloc : memref<!tpu.dma_semaphore, #tpu.memory_space<semaphore_mem>>
      %dma_start3A = arith.constant 0 : i32
      %dma_start3A_14 = arith.constant 0 : i32
      %dma_start3A_15 = tpu.memref_slice %arg5[%add3A, %dma_start3A, %dma_start3A_14] : memref<32x79x128xf32, #tpu.memory_space<hbm>> -> memref<1x79x128xf32, #tpu.memory_space<hbm>>
      %dma_start3A_16 = tpu.memref_squeeze %dma_start3A_15 : memref<1x79x128xf32, #tpu.memory_space<hbm>> -> memref<79x128xf32, #tpu.memory_space<hbm>>
      %dma_start3A_17 = arith.constant 0 : i32
      %dma_start3A_18 = arith.constant 0 : i32
      %dma_start3A_19 = tpu.memref_slice %arg5[%add3A, %dma_start3A_17, %dma_start3A_18] : memref<32x79x128xf32, #tpu.memory_space<hbm>> -> memref<1x79x128xf32, #tpu.memory_space<hbm>>
      %dma_start3A_20 = tpu.memref_squeeze %dma_start3A_19 : memref<1x79x128xf32, #tpu.memory_space<hbm>> -> memref<79x128xf32, #tpu.memory_space<hbm>>
      tpu.enqueue_dma source(%dma_start3A_20 : memref<79x128xf32, #tpu.memory_space<hbm>>) target(%arg10 : memref<79x128xf32, #tpu.memory_space<vmem>>) target_semaphore(%run_scoped3A : memref<!tpu.dma_semaphore, #tpu.memory_space<semaphore_mem>>)
      %dma_wait3A = arith.constant 0 : i32
      %dma_wait3A_21 = arith.constant 0 : i32
      %dma_wait3A_22 = tpu.memref_slice %arg5[%add3A, %dma_wait3A, %dma_wait3A_21] : memref<32x79x128xf32, #tpu.memory_space<hbm>> -> memref<1x79x128xf32, #tpu.memory_space<hbm>>
      %dma_wait3A_23 = tpu.memref_squeeze %dma_wait3A_22 : memref<1x79x128xf32, #tpu.memory_space<hbm>> -> memref<79x128xf32, #tpu.memory_space<hbm>>
      %dma_wait3A_24 = arith.constant 0 : i32
      %dma_wait3A_25 = arith.constant 0 : i32
      %dma_wait3A_26 = tpu.memref_slice %arg5[%add3A, %dma_wait3A_24, %dma_wait3A_25] : memref<32x79x128xf32, #tpu.memory_space<hbm>> -> memref<1x79x128xf32, #tpu.memory_space<hbm>>
      %dma_wait3A_27 = tpu.memref_squeeze %dma_wait3A_26 : memref<1x79x128xf32, #tpu.memory_space<hbm>> -> memref<79x128xf32, #tpu.memory_space<hbm>>
      tpu.wait_dma2 semaphore(%run_scoped3A : memref<!tpu.dma_semaphore, #tpu.memory_space<semaphore_mem>>) src(%dma_wait3A_27 : memref<79x128xf32, #tpu.memory_space<hbm>>) dst(%arg10 : memref<79x128xf32, #tpu.memory_space<vmem>>)
      tpu.yield
    }) : () -> ()
    %barrier3A = arith.constant 0 : index
    tpu.barrier barrier_id(%barrier3A)
    %scan3A = arith.constant 0 : i32
    %scan3A_3 = arith.constant 0 : i32
    %scan3A_4 = arith.constant 79 : i32
    %scan3A_5 = arith.addi %scan3A_3, %scan3A_4 : i32
    %scan3A_6 = arith.constant 1 : i32
    scf.for %scan3A_14 = %scan3A_3 to %scan3A_5 step %scan3A_6  : i32 {
      %dma_start3A = arith.constant 0 : i32
      %dma_start3A_15 = tpu.memref_slice %arg8[%scan3A_14, %dma_start3A] : memref<79x128xi32, #tpu.memory_space<vmem>> -> memref<1x128xi32, #tpu.memory_space<vmem>>
      %dma_start3A_16 = tpu.memref_squeeze %dma_start3A_15 : memref<1x128xi32, #tpu.memory_space<vmem>> -> memref<128xi32, #tpu.memory_space<vmem>>
      %dma_start3A_17 = arith.constant 0 : i32
      %dma_start3A_18 = arith.constant 0 : i32
      %dma_start3A_19 = tpu.memref_slice %arg2[%dma_start3A_17, %dma_start3A_18] : memref<10000x128xf32, #tpu.memory_space<hbm>> -> memref<10000x128xf32, #tpu.memory_space<hbm>>
      tpu.enqueue_indirect_dma source(%dma_start3A_19 : memref<10000x128xf32, #tpu.memory_space<hbm>>) target(%arg11 : memref<128x128xf32, #tpu.memory_space<vmem>>) offsets(%dma_start3A_16 : memref<128xi32, #tpu.memory_space<vmem>>) semaphore(%arg13 : memref<!tpu.dma_semaphore, #tpu.memory_space<semaphore_mem>>)
      %dma_wait3A = arith.constant 0 : i32
      %dma_wait3A_20 = tpu.memref_slice %arg8[%scan3A_14, %dma_wait3A] : memref<79x128xi32, #tpu.memory_space<vmem>> -> memref<1x128xi32, #tpu.memory_space<vmem>>
      %dma_wait3A_21 = tpu.memref_squeeze %dma_wait3A_20 : memref<1x128xi32, #tpu.memory_space<vmem>> -> memref<128xi32, #tpu.memory_space<vmem>>
      %dma_wait3A_22 = arith.constant 0 : i32
      %dma_wait3A_23 = arith.constant 0 : i32
      %dma_wait3A_24 = tpu.memref_slice %arg2[%dma_wait3A_22, %dma_wait3A_23] : memref<10000x128xf32, #tpu.memory_space<hbm>> -> memref<10000x128xf32, #tpu.memory_space<hbm>>
      tpu.wait_indirect_dma semaphore(%arg13 : memref<!tpu.dma_semaphore, #tpu.memory_space<semaphore_mem>>) src(%dma_wait3A_24 : memref<10000x128xf32, #tpu.memory_space<hbm>>) dst(%arg11 : memref<128x128xf32, #tpu.memory_space<vmem>>)
      %scan3A_25 = arith.constant 0 : i32
      %scan3A_26 = arith.constant 0 : i32
      %scan3A_27 = arith.constant 8 : i32
      %scan3A_28 = arith.addi %scan3A_26, %scan3A_27 : i32
      %scan3A_29 = arith.constant 1 : i32
      scf.for %scan3A_31 = %scan3A_26 to %scan3A_28 step %scan3A_29  : i32 {
        %mul3A_32 = arith.constant 16 : i32
        %mul3A_33 = arith.muli %scan3A_31, %mul3A_32 : i32
        %get3A = arith.index_cast %scan3A_14 : i32 to index
        %get3A_34 = arith.index_cast %mul3A_33 : i32 to index
        %get3A_35 = tpu.vector_load %arg10[%get3A, %get3A_34] {strides = array<i32>} : memref<79x128xf32, #tpu.memory_space<vmem>>, vector<1x16xf32>,
        %get3A_36 = vector.shape_cast %get3A_35 : vector<1x16xf32> to vector<16xf32>
        %slice3A = vector.extract_strided_slice %get3A_36 {offsets = [0], sizes = [1], strides = [1]} : vector<16xf32> to vector<1xf32>
        %squeeze3A = vector.extract %slice3A[0] : f32 from vector<1xf32>
        %broadcast_in_dim3A = vector.broadcast %squeeze3A : f32 to vector<16xf32>
        %mul3A_37 = arith.constant 16 : i32
        %mul3A_38 = arith.muli %scan3A_31, %mul3A_37 : i32
        %add3A_39 = arith.constant 0 : i32
        %add3A_40 = arith.addi %mul3A_38, %add3A_39 : i32
        %get3A_41 = arith.index_cast %add3A_40 : i32 to index
        %get3A_42 = arith.constant 0 : index
        %get3A_43 = tpu.vector_load %arg11[%get3A_41, %get3A_42] {strides = array<i32>} : memref<128x128xf32, #tpu.memory_space<vmem>>, vector<1x16xf32>,
        %get3A_44 = vector.shape_cast %get3A_43 : vector<1x16xf32> to vector<16xf32>
        %mul3A_45 = arith.mulf %get3A_44, %broadcast_in_dim3A : vector<16xf32>
        %swap3A = arith.index_cast %add3A_40 : i32 to index
        %swap3A_46 = arith.constant 0 : index
        %swap3A_47 = tpu.vector_load %arg11[%swap3A, %swap3A_46] {strides = array<i32>} : memref<128x128xf32, #tpu.memory_space<vmem>>, vector<1x16xf32>,
        %swap3A_48 = vector.shape_cast %swap3A_47 : vector<1x16xf32> to vector<16xf32>
        %swap3A_49 = vector.shape_cast %mul3A_45 : vector<16xf32> to vector<1x16xf32>
        tpu.vector_store %arg11[%swap3A, %swap3A_46], %swap3A_49 {strides = array<i32>} : memref<128x128xf32, #tpu.memory_space<vmem>>, vector<1x16xf32>,
        %get3A_50 = arith.index_cast %add3A_40 : i32 to index
        %get3A_51 = arith.constant 16 : index
        %get3A_52 = tpu.vector_load %arg11[%get3A_50, %get3A_51] {strides = array<i32>} : memref<128x128xf32, #tpu.memory_space<vmem>>, vector<1x16xf32>,
        %get3A_53 = vector.shape_cast %get3A_52 : vector<1x16xf32> to vector<16xf32>
        %mul3A_54 = arith.mulf %get3A_53, %broadcast_in_dim3A : vector<16xf32>
        %swap3A_55 = arith.index_cast %add3A_40 : i32 to index
        %swap3A_56 = arith.constant 16 : index
        %swap3A_57 = tpu.vector_load %arg11[%swap3A_55, %swap3A_56] {strides = array<i32>} : memref<128x128xf32, #tpu.memory_space<vmem>>, vector<1x16xf32>,
        %swap3A_58 = vector.shape_cast %swap3A_57 : vector<1x16xf32> to vector<16xf32>
        %swap3A_59 = vector.shape_cast %mul3A_54 : vector<16xf32> to vector<1x16xf32>
        tpu.vector_store %arg11[%swap3A_55, %swap3A_56], %swap3A_59 {strides = array<i32>} : memref<128x128xf32, #tpu.memory_space<vmem>>, vector<1x16xf32>,
        %get3A_60 = arith.index_cast %add3A_40 : i32 to index
        %get3A_61 = arith.constant 32 : index
        %get3A_62 = tpu.vector_load %arg11[%get3A_60, %get3A_61] {strides = array<i32>} : memref<128x128xf32, #tpu.memory_space<vmem>>, vector<1x16xf32>,
        %get3A_63 = vector.shape_cast %get3A_62 : vector<1x16xf32> to vector<16xf32>
        %mul3A_64 = arith.mulf %get3A_63, %broadcast_in_dim3A : vector<16xf32>
        %swap3A_65 = arith.index_cast %add3A_40 : i32 to index
        %swap3A_66 = arith.constant 32 : index
        %swap3A_67 = tpu.vector_load %arg11[%swap3A_65, %swap3A_66] {strides = array<i32>} : memref<128x128xf32, #tpu.memory_space<vmem>>, vector<1x16xf32>,
        %swap3A_68 = vector.shape_cast %swap3A_67 : vector<1x16xf32> to vector<16xf32>
        %swap3A_69 = vector.shape_cast %mul3A_64 : vector<16xf32> to vector<1x16xf32>
        tpu.vector_store %arg11[%swap3A_65, %swap3A_66], %swap3A_69 {strides = array<i32>} : memref<128x128xf32, #tpu.memory_space<vmem>>, vector<1x16xf32>,
        %get3A_70 = arith.index_cast %add3A_40 : i32 to index
        %get3A_71 = arith.constant 48 : index
        %get3A_72 = tpu.vector_load %arg11[%get3A_70, %get3A_71] {strides = array<i32>} : memref<128x128xf32, #tpu.memory_space<vmem>>, vector<1x16xf32>,
        %get3A_73 = vector.shape_cast %get3A_72 : vector<1x16xf32> to vector<16xf32>
        %mul3A_74 = arith.mulf %get3A_73, %broadcast_in_dim3A : vector<16xf32>
        %swap3A_75 = arith.index_cast %add3A_40 : i32 to index
        %swap3A_76 = arith.constant 48 : index
        %swap3A_77 = tpu.vector_load %arg11[%swap3A_75, %swap3A_76] {strides = array<i32>} : memref<128x128xf32, #tpu.memory_space<vmem>>, vector<1x16xf32>,
        %swap3A_78 = vector.shape_cast %swap3A_77 : vector<1x16xf32> to vector<16xf32>
        %swap3A_79 = vector.shape_cast %mul3A_74 : vector<16xf32> to vector<1x16xf32>
        tpu.vector_store %arg11[%swap3A_75, %swap3A_76], %swap3A_79 {strides = array<i32>} : memref<128x128xf32, #tpu.memory_space<vmem>>, vector<1x16xf32>,
        %get3A_80 = arith.index_cast %add3A_40 : i32 to index
        %get3A_81 = arith.constant 64 : index
        %get3A_82 = tpu.vector_load %arg11[%get3A_80, %get3A_81] {strides = array<i32>} : memref<128x128xf32, #tpu.memory_space<vmem>>, vector<1x16xf32>,
        %get3A_83 = vector.shape_cast %get3A_82 : vector<1x16xf32> to vector<16xf32>
        %mul3A_84 = arith.mulf %get3A_83, %broadcast_in_dim3A : vector<16xf32>
        %swap3A_85 = arith.index_cast %add3A_40 : i32 to index
        %swap3A_86 = arith.constant 64 : index
        %swap3A_87 = tpu.vector_load %arg11[%swap3A_85, %swap3A_86] {strides = array<i32>} : memref<128x128xf32, #tpu.memory_space<vmem>>, vector<1x16xf32>,
        %swap3A_88 = vector.shape_cast %swap3A_87 : vector<1x16xf32> to vector<16xf32>
        %swap3A_89 = vector.shape_cast %mul3A_84 : vector<16xf32> to vector<1x16xf32>
        tpu.vector_store %arg11[%swap3A_85, %swap3A_86], %swap3A_89 {strides = array<i32>} : memref<128x128xf32, #tpu.memory_space<vmem>>, vector<1x16xf32>,
        %get3A_90 = arith.index_cast %add3A_40 : i32 to index
        %get3A_91 = arith.constant 80 : index
        %get3A_92 = tpu.vector_load %arg11[%get3A_90, %get3A_91] {strides = array<i32>} : memref<128x128xf32, #tpu.memory_space<vmem>>, vector<1x16xf32>,
        %get3A_93 = vector.shape_cast %get3A_92 : vector<1x16xf32> to vector<16xf32>
        %mul3A_94 = arith.mulf %get3A_93, %broadcast_in_dim3A : vector<16xf32>
        %swap3A_95 = arith.index_cast %add3A_40 : i32 to index
        %swap3A_96 = arith.constant 80 : index
        %swap3A_97 = tpu.vector_load %arg11[%swap3A_95, %swap3A_96] {strides = array<i32>} : memref<128x128xf32, #tpu.memory_space<vmem>>, vector<1x16xf32>,
        %swap3A_98 = vector.shape_cast %swap3A_97 : vector<1x16xf32> to vector<16xf32>
        %swap3A_99 = vector.shape_cast %mul3A_94 : vector<16xf32> to vector<1x16xf32>
        tpu.vector_store %arg11[%swap3A_95, %swap3A_96], %swap3A_99 {strides = array<i32>} : memref<128x128xf32, #tpu.memory_space<vmem>>, vector<1x16xf32>,
        %get3A_100 = arith.index_cast %add3A_40 : i32 to index
        %get3A_101 = arith.constant 96 : index
        %get3A_102 = tpu.vector_load %arg11[%get3A_100, %get3A_101] {strides = array<i32>} : memref<128x128xf32, #tpu.memory_space<vmem>>, vector<1x16xf32>,
        %get3A_103 = vector.shape_cast %get3A_102 : vector<1x16xf32> to vector<16xf32>
        %mul3A_104 = arith.mulf %get3A_103, %broadcast_in_dim3A : vector<16xf32>
        %swap3A_105 = arith.index_cast %add3A_40 : i32 to index
        %swap3A_106 = arith.constant 96 : index
        %swap3A_107 = tpu.vector_load %arg11[%swap3A_105, %swap3A_106] {strides = array<i32>} : memref<128x128xf32, #tpu.memory_space<vmem>>, vector<1x16xf32>,
        %swap3A_108 = vector.shape_cast %swap3A_107 : vector<1x16xf32> to vector<16xf32>
        %swap3A_109 = vector.shape_cast %mul3A_104 : vector<16xf32> to vector<1x16xf32>
        tpu.vector_store %arg11[%swap3A_105, %swap3A_106], %swap3A_109 {strides = array<i32>} : memref<128x128xf32, #tpu.memory_space<vmem>>, vector<1x16xf32>,
        %get3A_110 = arith.index_cast %add3A_40 : i32 to index
        %get3A_111 = arith.constant 112 : index
        %get3A_112 = tpu.vector_load %arg11[%get3A_110, %get3A_111] {strides = array<i32>} : memref<128x128xf32, #tpu.memory_space<vmem>>, vector<1x16xf32>,
        %get3A_113 = vector.shape_cast %get3A_112 : vector<1x16xf32> to vector<16xf32>
        %mul3A_114 = arith.mulf %get3A_113, %broadcast_in_dim3A : vector<16xf32>
        %swap3A_115 = arith.index_cast %add3A_40 : i32 to index
        %swap3A_116 = arith.constant 112 : index
        %swap3A_117 = tpu.vector_load %arg11[%swap3A_115, %swap3A_116] {strides = array<i32>} : memref<128x128xf32, #tpu.memory_space<vmem>>, vector<1x16xf32>,
        %swap3A_118 = vector.shape_cast %swap3A_117 : vector<1x16xf32> to vector<16xf32>
        %swap3A_119 = vector.shape_cast %mul3A_114 : vector<16xf32> to vector<1x16xf32>
        tpu.vector_store %arg11[%swap3A_115, %swap3A_116], %swap3A_119 {strides = array<i32>} : memref<128x128xf32, #tpu.memory_space<vmem>>, vector<1x16xf32>,
        %slice3A_120 = vector.extract_strided_slice %get3A_36 {offsets = [1], sizes = [1], strides = [1]} : vector<16xf32> to vector<1xf32>
        %squeeze3A_121 = vector.extract %slice3A_120[0] : f32 from vector<1xf32>
        %broadcast_in_dim3A_122 = vector.broadcast %squeeze3A_121 : f32 to vector<16xf32>
        %mul3A_123 = arith.constant 16 : i32
        %mul3A_124 = arith.muli %scan3A_31, %mul3A_123 : i32
        %add3A_125 = arith.constant 1 : i32
        %add3A_126 = arith.addi %mul3A_124, %add3A_125 : i32
        %get3A_127 = arith.index_cast %add3A_126 : i32 to index
        %get3A_128 = arith.constant 0 : index
        %get3A_129 = tpu.vector_load %arg11[%get3A_127, %get3A_128] {strides = array<i32>} : memref<128x128xf32, #tpu.memory_space<vmem>>, vector<1x16xf32>,
        %get3A_130 = vector.shape_cast %get3A_129 : vector<1x16xf32> to vector<16xf32>
        %mul3A_131 = arith.mulf %get3A_130, %broadcast_in_dim3A_122 : vector<16xf32>
        %swap3A_132 = arith.index_cast %add3A_126 : i32 to index
        %swap3A_133 = arith.constant 0 : index
        %swap3A_134 = tpu.vector_load %arg11[%swap3A_132, %swap3A_133] {strides = array<i32>} : memref<128x128xf32, #tpu.memory_space<vmem>>, vector<1x16xf32>,
        %swap3A_135 = vector.shape_cast %swap3A_134 : vector<1x16xf32> to vector<16xf32>
        %swap3A_136 = vector.shape_cast %mul3A_131 : vector<16xf32> to vector<1x16xf32>
        tpu.vector_store %arg11[%swap3A_132, %swap3A_133], %swap3A_136 {strides = array<i32>} : memref<128x128xf32, #tpu.memory_space<vmem>>, vector<1x16xf32>,
        %get3A_137 = arith.index_cast %add3A_126 : i32 to index
        %get3A_138 = arith.constant 16 : index
        %get3A_139 = tpu.vector_load %arg11[%get3A_137, %get3A_138] {strides = array<i32>} : memref<128x128xf32, #tpu.memory_space<vmem>>, vector<1x16xf32>,
        %get3A_140 = vector.shape_cast %get3A_139 : vector<1x16xf32> to vector<16xf32>
        %mul3A_141 = arith.mulf %get3A_140, %broadcast_in_dim3A_122 : vector<16xf32>
        %swap3A_142 = arith.index_cast %add3A_126 : i32 to index
        %swap3A_143 = arith.constant 16 : index
        %swap3A_144 = tpu.vector_load %arg11[%swap3A_142, %swap3A_143] {strides = array<i32>} : memref<128x128xf32, #tpu.memory_space<vmem>>, vector<1x16xf32>,
        %swap3A_145 = vector.shape_cast %swap3A_144 : vector<1x16xf32> to vector<16xf32>
        %swap3A_146 = vector.shape_cast %mul3A_141 : vector<16xf32> to vector<1x16xf32>
        tpu.vector_store %arg11[%swap3A_142, %swap3A_143], %swap3A_146 {strides = array<i32>} : memref<128x128xf32, #tpu.memory_space<vmem>>, vector<1x16xf32>,
        %get3A_147 = arith.index_cast %add3A_126 : i32 to index
        %get3A_148 = arith.constant 32 : index
        %get3A_149 = tpu.vector_load %arg11[%get3A_147, %get3A_148] {strides = array<i32>} : memref<128x128xf32, #tpu.memory_space<vmem>>, vector<1x16xf32>,
        %get3A_150 = vector.shape_cast %get3A_149 : vector<1x16xf32> to vector<16xf32>
        %mul3A_151 = arith.mulf %get3A_150, %broadcast_in_dim3A_122 : vector<16xf32>
        %swap3A_152 = arith.index_cast %add3A_126 : i32 to index
        %swap3A_153 = arith.constant 32 : index
        %swap3A_154 = tpu.vector_load %arg11[%swap3A_152, %swap3A_153] {strides = array<i32>} : memref<128x128xf32, #tpu.memory_space<vmem>>, vector<1x16xf32>,
        %swap3A_155 = vector.shape_cast %swap3A_154 : vector<1x16xf32> to vector<16xf32>
        %swap3A_156 = vector.shape_cast %mul3A_151 : vector<16xf32> to vector<1x16xf32>
        tpu.vector_store %arg11[%swap3A_152, %swap3A_153], %swap3A_156 {strides = array<i32>} : memref<128x128xf32, #tpu.memory_space<vmem>>, vector<1x16xf32>,
        %get3A_157 = arith.index_cast %add3A_126 : i32 to index
        %get3A_158 = arith.constant 48 : index
        %get3A_159 = tpu.vector_load %arg11[%get3A_157, %get3A_158] {strides = array<i32>} : memref<128x128xf32, #tpu.memory_space<vmem>>, vector<1x16xf32>,
        %get3A_160 = vector.shape_cast %get3A_159 : vector<1x16xf32> to vector<16xf32>
        %mul3A_161 = arith.mulf %get3A_160, %broadcast_in_dim3A_122 : vector<16xf32>
        %swap3A_162 = arith.index_cast %add3A_126 : i32 to index
        %swap3A_163 = arith.constant 48 : index
        %swap3A_164 = tpu.vector_load %arg11[%swap3A_162, %swap3A_163] {strides = array<i32>} : memref<128x128xf32, #tpu.memory_space<vmem>>, vector<1x16xf32>,
        %swap3A_165 = vector.shape_cast %swap3A_164 : vector<1x16xf32> to vector<16xf32>
        %swap3A_166 = vector.shape_cast %mul3A_161 : vector<16xf32> to vector<1x16xf32>
        tpu.vector_store %arg11[%swap3A_162, %swap3A_163], %swap3A_166 {strides = array<i32>} : memref<128x128xf32, #tpu.memory_space<vmem>>, vector<1x16xf32>,
        %get3A_167 = arith.index_cast %add3A_126 : i32 to index
        %get3A_168 = arith.constant 64 : index
        %get3A_169 = tpu.vector_load %arg11[%get3A_167, %get3A_168] {strides = array<i32>} : memref<128x128xf32, #tpu.memory_space<vmem>>, vector<1x16xf32>,
        %get3A_170 = vector.shape_cast %get3A_169 : vector<1x16xf32> to vector<16xf32>
        %mul3A_171 = arith.mulf %get3A_170, %broadcast_in_dim3A_122 : vector<16xf32>
        %swap3A_172 = arith.index_cast %add3A_126 : i32 to index
        %swap3A_173 = arith.constant 64 : index
        %swap3A_174 = tpu.vector_load %arg11[%swap3A_172, %swap3A_173] {strides = array<i32>} : memref<128x128xf32, #tpu.memory_space<vmem>>, vector<1x16xf32>,
        %swap3A_175 = vector.shape_cast %swap3A_174 : vector<1x16xf32> to vector<16xf32>
        %swap3A_176 = vector.shape_cast %mul3A_171 : vector<16xf32> to vector<1x16xf32>
        tpu.vector_store %arg11[%swap3A_172, %swap3A_173], %swap3A_176 {strides = array<i32>} : memref<128x128xf32, #tpu.memory_space<vmem>>, vector<1x16xf32>,
        %get3A_177 = arith.index_cast %add3A_126 : i32 to index
        %get3A_178 = arith.constant 80 : index
        %get3A_179 = tpu.vector_load %arg11[%get3A_177, %get3A_178] {strides = array<i32>} : memref<128x128xf32, #tpu.memory_space<vmem>>, vector<1x16xf32>,
        %get3A_180 = vector.shape_cast %get3A_179 : vector<1x16xf32> to vector<16xf32>
        %mul3A_181 = arith.mulf %get3A_180, %broadcast_in_dim3A_122 : vector<16xf32>
        %swap3A_182 = arith.index_cast %add3A_126 : i32 to index
        %swap3A_183 = arith.constant 80 : index
        %swap3A_184 = tpu.vector_load %arg11[%swap3A_182, %swap3A_183] {strides = array<i32>} : memref<128x128xf32, #tpu.memory_space<vmem>>, vector<1x16xf32>,
        %swap3A_185 = vector.shape_cast %swap3A_184 : vector<1x16xf32> to vector<16xf32>
        %swap3A_186 = vector.shape_cast %mul3A_181 : vector<16xf32> to vector<1x16xf32>
        tpu.vector_store %arg11[%swap3A_182, %swap3A_183], %swap3A_186 {strides = array<i32>} : memref<128x128xf32, #tpu.memory_space<vmem>>, vector<1x16xf32>,
        %get3A_187 = arith.index_cast %add3A_126 : i32 to index
        %get3A_188 = arith.constant 96 : index
        %get3A_189 = tpu.vector_load %arg11[%get3A_187, %get3A_188] {strides = array<i32>} : memref<128x128xf32, #tpu.memory_space<vmem>>, vector<1x16xf32>,
        %get3A_190 = vector.shape_cast %get3A_189 : vector<1x16xf32> to vector<16xf32>
        %mul3A_191 = arith.mulf %get3A_190, %broadcast_in_dim3A_122 : vector<16xf32>
        %swap3A_192 = arith.index_cast %add3A_126 : i32 to index
        %swap3A_193 = arith.constant 96 : index
        %swap3A_194 = tpu.vector_load %arg11[%swap3A_192, %swap3A_193] {strides = array<i32>} : memref<128x128xf32, #tpu.memory_space<vmem>>, vector<1x16xf32>,
        %swap3A_195 = vector.shape_cast %swap3A_194 : vector<1x16xf32> to vector<16xf32>
        %swap3A_196 = vector.shape_cast %mul3A_191 : vector<16xf32> to vector<1x16xf32>
        tpu.vector_store %arg11[%swap3A_192, %swap3A_193], %swap3A_196 {strides = array<i32>} : memref<128x128xf32, #tpu.memory_space<vmem>>, vector<1x16xf32>,
        %get3A_197 = arith.index_cast %add3A_126 : i32 to index
        %get3A_198 = arith.constant 112 : index
        %get3A_199 = tpu.vector_load %arg11[%get3A_197, %get3A_198] {strides = array<i32>} : memref<128x128xf32, #tpu.memory_space<vmem>>, vector<1x16xf32>,
        %get3A_200 = vector.shape_cast %get3A_199 : vector<1x16xf32> to vector<16xf32>
        %mul3A_201 = arith.mulf %get3A_200, %broadcast_in_dim3A_122 : vector<16xf32>
        %swap3A_202 = arith.index_cast %add3A_126 : i32 to index
        %swap3A_203 = arith.constant 112 : index
        %swap3A_204 = tpu.vector_load %arg11[%swap3A_202, %swap3A_203] {strides = array<i32>} : memref<128x128xf32, #tpu.memory_space<vmem>>, vector<1x16xf32>,
        %swap3A_205 = vector.shape_cast %swap3A_204 : vector<1x16xf32> to vector<16xf32>
        %swap3A_206 = vector.shape_cast %mul3A_201 : vector<16xf32> to vector<1x16xf32>
        tpu.vector_store %arg11[%swap3A_202, %swap3A_203], %swap3A_206 {strides = array<i32>} : memref<128x128xf32, #tpu.memory_space<vmem>>, vector<1x16xf32>,
        %slice3A_207 = vector.extract_strided_slice %get3A_36 {offsets = [2], sizes = [1], strides = [1]} : vector<16xf32> to vector<1xf32>
        %squeeze3A_208 = vector.extract %slice3A_207[0] : f32 from vector<1xf32>
        %broadcast_in_dim3A_209 = vector.broadcast %squeeze3A_208 : f32 to vector<16xf32>
        %mul3A_210 = arith.constant 16 : i32
        %mul3A_211 = arith.muli %scan3A_31, %mul3A_210 : i32
        %add3A_212 = arith.constant 2 : i32
        %add3A_213 = arith.addi %mul3A_211, %add3A_212 : i32
        %get3A_214 = arith.index_cast %add3A_213 : i32 to index
        %get3A_215 = arith.constant 0 : index
        %get3A_216 = tpu.vector_load %arg11[%get3A_214, %get3A_215] {strides = array<i32>} : memref<128x128xf32, #tpu.memory_space<vmem>>, vector<1x16xf32>,
        %get3A_217 = vector.shape_cast %get3A_216 : vector<1x16xf32> to vector<16xf32>
        %mul3A_218 = arith.mulf %get3A_217, %broadcast_in_dim3A_209 : vector<16xf32>
        %swap3A_219 = arith.index_cast %add3A_213 : i32 to index
        %swap3A_220 = arith.constant 0 : index
        %swap3A_221 = tpu.vector_load %arg11[%swap3A_219, %swap3A_220] {strides = array<i32>} : memref<128x128xf32, #tpu.memory_space<vmem>>, vector<1x16xf32>,
        %swap3A_222 = vector.shape_cast %swap3A_221 : vector<1x16xf32> to vector<16xf32>
        %swap3A_223 = vector.shape_cast %mul3A_218 : vector<16xf32> to vector<1x16xf32>
        tpu.vector_store %arg11[%swap3A_219, %swap3A_220], %swap3A_223 {strides = array<i32>} : memref<128x128xf32, #tpu.memory_space<vmem>>, vector<1x16xf32>,
        %get3A_224 = arith.index_cast %add3A_213 : i32 to index
        %get3A_225 = arith.constant 16 : index
        %get3A_226 = tpu.vector_load %arg11[%get3A_224, %get3A_225] {strides = array<i32>} : memref<128x128xf32, #tpu.memory_space<vmem>>, vector<1x16xf32>,
        %get3A_227 = vector.shape_cast %get3A_226 : vector<1x16xf32> to vector<16xf32>
        %mul3A_228 = arith.mulf %get3A_227, %broadcast_in_dim3A_209 : vector<16xf32>
        %swap3A_229 = arith.index_cast %add3A_213 : i32 to index
        %swap3A_230 = arith.constant 16 : index
        %swap3A_231 = tpu.vector_load %arg11[%swap3A_229, %swap3A_230] {strides = array<i32>} : memref<128x128xf32, #tpu.memory_space<vmem>>, vector<1x16xf32>,
        %swap3A_232 = vector.shape_cast %swap3A_231 : vector<1x16xf32> to vector<16xf32>
        %swap3A_233 = vector.shape_cast %mul3A_228 : vector<16xf32> to vector<1x16xf32>
        tpu.vector_store %arg11[%swap3A_229, %swap3A_230], %swap3A_233 {strides = array<i32>} : memref<128x128xf32, #tpu.memory_space<vmem>>, vector<1x16xf32>,
        %get3A_234 = arith.index_cast %add3A_213 : i32 to index
        %get3A_235 = arith.constant 32 : index
        %get3A_236 = tpu.vector_load %arg11[%get3A_234, %get3A_235] {strides = array<i32>} : memref<128x128xf32, #tpu.memory_space<vmem>>, vector<1x16xf32>,
        %get3A_237 = vector.shape_cast %get3A_236 : vector<1x16xf32> to vector<16xf32>
        %mul3A_238 = arith.mulf %get3A_237, %broadcast_in_dim3A_209 : vector<16xf32>
        %swap3A_239 = arith.index_cast %add3A_213 : i32 to index
        %swap3A_240 = arith.constant 32 : index
        %swap3A_241 = tpu.vector_load %arg11[%swap3A_239, %swap3A_240] {strides = array<i32>} : memref<128x128xf32, #tpu.memory_space<vmem>>, vector<1x16xf32>,
        %swap3A_242 = vector.shape_cast %swap3A_241 : vector<1x16xf32> to vector<16xf32>
        %swap3A_243 = vector.shape_cast %mul3A_238 : vector<16xf32> to vector<1x16xf32>
        tpu.vector_store %arg11[%swap3A_239, %swap3A_240], %swap3A_243 {strides = array<i32>} : memref<128x128xf32, #tpu.memory_space<vmem>>, vector<1x16xf32>,
        %get3A_244 = arith.index_cast %add3A_213 : i32 to index
        %get3A_245 = arith.constant 48 : index
        %get3A_246 = tpu.vector_load %arg11[%get3A_244, %get3A_245] {strides = array<i32>} : memref<128x128xf32, #tpu.memory_space<vmem>>, vector<1x16xf32>,
        %get3A_247 = vector.shape_cast %get3A_246 : vector<1x16xf32> to vector<16xf32>
        %mul3A_248 = arith.mulf %get3A_247, %broadcast_in_dim3A_209 : vector<16xf32>
        %swap3A_249 = arith.index_cast %add3A_213 : i32 to index
        %swap3A_250 = arith.constant 48 : index
        %swap3A_251 = tpu.vector_load %arg11[%swap3A_249, %swap3A_250] {strides = array<i32>} : memref<128x128xf32, #tpu.memory_space<vmem>>, vector<1x16xf32>,
        %swap3A_252 = vector.shape_cast %swap3A_251 : vector<1x16xf32> to vector<16xf32>
        %swap3A_253 = vector.shape_cast %mul3A_248 : vector<16xf32> to vector<1x16xf32>
        tpu.vector_store %arg11[%swap3A_249, %swap3A_250], %swap3A_253 {strides = array<i32>} : memref<128x128xf32, #tpu.memory_space<vmem>>, vector<1x16xf32>,
        %get3A_254 = arith.index_cast %add3A_213 : i32 to index
        %get3A_255 = arith.constant 64 : index
        %get3A_256 = tpu.vector_load %arg11[%get3A_254, %get3A_255] {strides = array<i32>} : memref<128x128xf32, #tpu.memory_space<vmem>>, vector<1x16xf32>,
        %get3A_257 = vector.shape_cast %get3A_256 : vector<1x16xf32> to vector<16xf32>
        %mul3A_258 = arith.mulf %get3A_257, %broadcast_in_dim3A_209 : vector<16xf32>
        %swap3A_259 = arith.index_cast %add3A_213 : i32 to index
        %swap3A_260 = arith.constant 64 : index
        %swap3A_261 = tpu.vector_load %arg11[%swap3A_259, %swap3A_260] {strides = array<i32>} : memref<128x128xf32, #tpu.memory_space<vmem>>, vector<1x16xf32>,
        %swap3A_262 = vector.shape_cast %swap3A_261 : vector<1x16xf32> to vector<16xf32>
        %swap3A_263 = vector.shape_cast %mul3A_258 : vector<16xf32> to vector<1x16xf32>
        tpu.vector_store %arg11[%swap3A_259, %swap3A_260], %swap3A_263 {strides = array<i32>} : memref<128x128xf32, #tpu.memory_space<vmem>>, vector<1x16xf32>,
        %get3A_264 = arith.index_cast %add3A_213 : i32 to index
        %get3A_265 = arith.constant 80 : index
        %get3A_266 = tpu.vector_load %arg11[%get3A_264, %get3A_265] {strides = array<i32>} : memref<128x128xf32, #tpu.memory_space<vmem>>, vector<1x16xf32>,
        %get3A_267 = vector.shape_cast %get3A_266 : vector<1x16xf32> to vector<16xf32>
        %mul3A_268 = arith.mulf %get3A_267, %broadcast_in_dim3A_209 : vector<16xf32>
        %swap3A_269 = arith.index_cast %add3A_213 : i32 to index
        %swap3A_270 = arith.constant 80 : index
        %swap3A_271 = tpu.vector_load %arg11[%swap3A_269, %swap3A_270] {strides = array<i32>} : memref<128x128xf32, #tpu.memory_space<vmem>>, vector<1x16xf32>,
        %swap3A_272 = vector.shape_cast %swap3A_271 : vector<1x16xf32> to vector<16xf32>
        %swap3A_273 = vector.shape_cast %mul3A_268 : vector<16xf32> to vector<1x16xf32>
        tpu.vector_store %arg11[%swap3A_269, %swap3A_270], %swap3A_273 {strides = array<i32>} : memref<128x128xf32, #tpu.memory_space<vmem>>, vector<1x16xf32>,
        %get3A_274 = arith.index_cast %add3A_213 : i32 to index
        %get3A_275 = arith.constant 96 : index
        %get3A_276 = tpu.vector_load %arg11[%get3A_274, %get3A_275] {strides = array<i32>} : memref<128x128xf32, #tpu.memory_space<vmem>>, vector<1x16xf32>,
        %get3A_277 = vector.shape_cast %get3A_276 : vector<1x16xf32> to vector<16xf32>
        %mul3A_278 = arith.mulf %get3A_277, %broadcast_in_dim3A_209 : vector<16xf32>
        %swap3A_279 = arith.index_cast %add3A_213 : i32 to index
        %swap3A_280 = arith.constant 96 : index
        %swap3A_281 = tpu.vector_load %arg11[%swap3A_279, %swap3A_280] {strides = array<i32>} : memref<128x128xf32, #tpu.memory_space<vmem>>, vector<1x16xf32>,
        %swap3A_282 = vector.shape_cast %swap3A_281 : vector<1x16xf32> to vector<16xf32>
        %swap3A_283 = vector.shape_cast %mul3A_278 : vector<16xf32> to vector<1x16xf32>
        tpu.vector_store %arg11[%swap3A_279, %swap3A_280], %swap3A_283 {strides = array<i32>} : memref<128x128xf32, #tpu.memory_space<vmem>>, vector<1x16xf32>,
        %get3A_284 = arith.index_cast %add3A_213 : i32 to index
        %get3A_285 = arith.constant 112 : index
        %get3A_286 = tpu.vector_load %arg11[%get3A_284, %get3A_285] {strides = array<i32>} : memref<128x128xf32, #tpu.memory_space<vmem>>, vector<1x16xf32>,
        %get3A_287 = vector.shape_cast %get3A_286 : vector<1x16xf32> to vector<16xf32>
        %mul3A_288 = arith.mulf %get3A_287, %broadcast_in_dim3A_209 : vector<16xf32>
        %swap3A_289 = arith.index_cast %add3A_213 : i32 to index
        %swap3A_290 = arith.constant 112 : index
        %swap3A_291 = tpu.vector_load %arg11[%swap3A_289, %swap3A_290] {strides = array<i32>} : memref<128x128xf32, #tpu.memory_space<vmem>>, vector<1x16xf32>,
        %swap3A_292 = vector.shape_cast %swap3A_291 : vector<1x16xf32> to vector<16xf32>
        %swap3A_293 = vector.shape_cast %mul3A_288 : vector<16xf32> to vector<1x16xf32>
        tpu.vector_store %arg11[%swap3A_289, %swap3A_290], %swap3A_293 {strides = array<i32>} : memref<128x128xf32, #tpu.memory_space<vmem>>, vector<1x16xf32>,
        %slice3A_294 = vector.extract_strided_slice %get3A_36 {offsets = [3], sizes = [1], strides = [1]} : vector<16xf32> to vector<1xf32>
        %squeeze3A_295 = vector.extract %slice3A_294[0] : f32 from vector<1xf32>
        %broadcast_in_dim3A_296 = vector.broadcast %squeeze3A_295 : f32 to vector<16xf32>
        %mul3A_297 = arith.constant 16 : i32
        %mul3A_298 = arith.muli %scan3A_31, %mul3A_297 : i32
        %add3A_299 = arith.constant 3 : i32
        %add3A_300 = arith.addi %mul3A_298, %add3A_299 : i32
        %get3A_301 = arith.index_cast %add3A_300 : i32 to index
        %get3A_302 = arith.constant 0 : index
        %get3A_303 = tpu.vector_load %arg11[%get3A_301, %get3A_302] {strides = array<i32>} : memref<128x128xf32, #tpu.memory_space<vmem>>, vector<1x16xf32>,
        %get3A_304 = vector.shape_cast %get3A_303 : vector<1x16xf32> to vector<16xf32>
        %mul3A_305 = arith.mulf %get3A_304, %broadcast_in_dim3A_296 : vector<16xf32>
        %swap3A_306 = arith.index_cast %add3A_300 : i32 to index
        %swap3A_307 = arith.constant 0 : index
        %swap3A_308 = tpu.vector_load %arg11[%swap3A_306, %swap3A_307] {strides = array<i32>} : memref<128x128xf32, #tpu.memory_space<vmem>>, vector<1x16xf32>,
        %swap3A_309 = vector.shape_cast %swap3A_308 : vector<1x16xf32> to vector<16xf32>
        %swap3A_310 = vector.shape_cast %mul3A_305 : vector<16xf32> to vector<1x16xf32>
        tpu.vector_store %arg11[%swap3A_306, %swap3A_307], %swap3A_310 {strides = array<i32>} : memref<128x128xf32, #tpu.memory_space<vmem>>, vector<1x16xf32>,
        %get3A_311 = arith.index_cast %add3A_300 : i32 to index
        %get3A_312 = arith.constant 16 : index
        %get3A_313 = tpu.vector_load %arg11[%get3A_311, %get3A_312] {strides = array<i32>} : memref<128x128xf32, #tpu.memory_space<vmem>>, vector<1x16xf32>,
        %get3A_314 = vector.shape_cast %get3A_313 : vector<1x16xf32> to vector<16xf32>
        %mul3A_315 = arith.mulf %get3A_314, %broadcast_in_dim3A_296 : vector<16xf32>
        %swap3A_316 = arith.index_cast %add3A_300 : i32 to index
        %swap3A_317 = arith.constant 16 : index
        %swap3A_318 = tpu.vector_load %arg11[%swap3A_316, %swap3A_317] {strides = array<i32>} : memref<128x128xf32, #tpu.memory_space<vmem>>, vector<1x16xf32>,
        %swap3A_319 = vector.shape_cast %swap3A_318 : vector<1x16xf32> to vector<16xf32>
        %swap3A_320 = vector.shape_cast %mul3A_315 : vector<16xf32> to vector<1x16xf32>
        tpu.vector_store %arg11[%swap3A_316, %swap3A_317], %swap3A_320 {strides = array<i32>} : memref<128x128xf32, #tpu.memory_space<vmem>>, vector<1x16xf32>,
        %get3A_321 = arith.index_cast %add3A_300 : i32 to index
        %get3A_322 = arith.constant 32 : index
        %get3A_323 = tpu.vector_load %arg11[%get3A_321, %get3A_322] {strides = array<i32>} : memref<128x128xf32, #tpu.memory_space<vmem>>, vector<1x16xf32>,
        %get3A_324 = vector.shape_cast %get3A_323 : vector<1x16xf32> to vector<16xf32>
        %mul3A_325 = arith.mulf %get3A_324, %broadcast_in_dim3A_296 : vector<16xf32>
        %swap3A_326 = arith.index_cast %add3A_300 : i32 to index
        %swap3A_327 = arith.constant 32 : index
        %swap3A_328 = tpu.vector_load %arg11[%swap3A_326, %swap3A_327] {strides = array<i32>} : memref<128x128xf32, #tpu.memory_space<vmem>>, vector<1x16xf32>,
        %swap3A_329 = vector.shape_cast %swap3A_328 : vector<1x16xf32> to vector<16xf32>
        %swap3A_330 = vector.shape_cast %mul3A_325 : vector<16xf32> to vector<1x16xf32>
        tpu.vector_store %arg11[%swap3A_326, %swap3A_327], %swap3A_330 {strides = array<i32>} : memref<128x128xf32, #tpu.memory_space<vmem>>, vector<1x16xf32>,
        %get3A_331 = arith.index_cast %add3A_300 : i32 to index
        %get3A_332 = arith.constant 48 : index
        %get3A_333 = tpu.vector_load %arg11[%get3A_331, %get3A_332] {strides = array<i32>} : memref<128x128xf32, #tpu.memory_space<vmem>>, vector<1x16xf32>,
        %get3A_334 = vector.shape_cast %get3A_333 : vector<1x16xf32> to vector<16xf32>
        %mul3A_335 = arith.mulf %get3A_334, %broadcast_in_dim3A_296 : vector<16xf32>
        %swap3A_336 = arith.index_cast %add3A_300 : i32 to index
        %swap3A_337 = arith.constant 48 : index
        %swap3A_338 = tpu.vector_load %arg11[%swap3A_336, %swap3A_337] {strides = array<i32>} : memref<128x128xf32, #tpu.memory_space<vmem>>, vector<1x16xf32>,
        %swap3A_339 = vector.shape_cast %swap3A_338 : vector<1x16xf32> to vector<16xf32>
        %swap3A_340 = vector.shape_cast %mul3A_335 : vector<16xf32> to vector<1x16xf32>
        tpu.vector_store %arg11[%swap3A_336, %swap3A_337], %swap3A_340 {strides = array<i32>} : memref<128x128xf32, #tpu.memory_space<vmem>>, vector<1x16xf32>,
        %get3A_341 = arith.index_cast %add3A_300 : i32 to index
        %get3A_342 = arith.constant 64 : index
        %get3A_343 = tpu.vector_load %arg11[%get3A_341, %get3A_342] {strides = array<i32>} : memref<128x128xf32, #tpu.memory_space<vmem>>, vector<1x16xf32>,
        %get3A_344 = vector.shape_cast %get3A_343 : vector<1x16xf32> to vector<16xf32>
        %mul3A_345 = arith.mulf %get3A_344, %broadcast_in_dim3A_296 : vector<16xf32>
        %swap3A_346 = arith.index_cast %add3A_300 : i32 to index
        %swap3A_347 = arith.constant 64 : index
        %swap3A_348 = tpu.vector_load %arg11[%swap3A_346, %swap3A_347] {strides = array<i32>} : memref<128x128xf32, #tpu.memory_space<vmem>>, vector<1x16xf32>,
        %swap3A_349 = vector.shape_cast %swap3A_348 : vector<1x16xf32> to vector<16xf32>
        %swap3A_350 = vector.shape_cast %mul3A_345 : vector<16xf32> to vector<1x16xf32>
        tpu.vector_store %arg11[%swap3A_346, %swap3A_347], %swap3A_350 {strides = array<i32>} : memref<128x128xf32, #tpu.memory_space<vmem>>, vector<1x16xf32>,
        %get3A_351 = arith.index_cast %add3A_300 : i32 to index
        %get3A_352 = arith.constant 80 : index
        %get3A_353 = tpu.vector_load %arg11[%get3A_351, %get3A_352] {strides = array<i32>} : memref<128x128xf32, #tpu.memory_space<vmem>>, vector<1x16xf32>,
        %get3A_354 = vector.shape_cast %get3A_353 : vector<1x16xf32> to vector<16xf32>
        %mul3A_355 = arith.mulf %get3A_354, %broadcast_in_dim3A_296 : vector<16xf32>
        %swap3A_356 = arith.index_cast %add3A_300 : i32 to index
        %swap3A_357 = arith.constant 80 : index
        %swap3A_358 = tpu.vector_load %arg11[%swap3A_356, %swap3A_357] {strides = array<i32>} : memref<128x128xf32, #tpu.memory_space<vmem>>, vector<1x16xf32>,
        %swap3A_359 = vector.shape_cast %swap3A_358 : vector<1x16xf32> to vector<16xf32>
        %swap3A_360 = vector.shape_cast %mul3A_355 : vector<16xf32> to vector<1x16xf32>
        tpu.vector_store %arg11[%swap3A_356, %swap3A_357], %swap3A_360 {strides = array<i32>} : memref<128x128xf32, #tpu.memory_space<vmem>>, vector<1x16xf32>,
        %get3A_361 = arith.index_cast %add3A_300 : i32 to index
        %get3A_362 = arith.constant 96 : index
        %get3A_363 = tpu.vector_load %arg11[%get3A_361, %get3A_362] {strides = array<i32>} : memref<128x128xf32, #tpu.memory_space<vmem>>, vector<1x16xf32>,
        %get3A_364 = vector.shape_cast %get3A_363 : vector<1x16xf32> to vector<16xf32>
        %mul3A_365 = arith.mulf %get3A_364, %broadcast_in_dim3A_296 : vector<16xf32>
        %swap3A_366 = arith.index_cast %add3A_300 : i32 to index
        %swap3A_367 = arith.constant 96 : index
        %swap3A_368 = tpu.vector_load %arg11[%swap3A_366, %swap3A_367] {strides = array<i32>} : memref<128x128xf32, #tpu.memory_space<vmem>>, vector<1x16xf32>,
        %swap3A_369 = vector.shape_cast %swap3A_368 : vector<1x16xf32> to vector<16xf32>
        %swap3A_370 = vector.shape_cast %mul3A_365 : vector<16xf32> to vector<1x16xf32>
        tpu.vector_store %arg11[%swap3A_366, %swap3A_367], %swap3A_370 {strides = array<i32>} : memref<128x128xf32, #tpu.memory_space<vmem>>, vector<1x16xf32>,
        %get3A_371 = arith.index_cast %add3A_300 : i32 to index
        %get3A_372 = arith.constant 112 : index
        %get3A_373 = tpu.vector_load %arg11[%get3A_371, %get3A_372] {strides = array<i32>} : memref<128x128xf32, #tpu.memory_space<vmem>>, vector<1x16xf32>,
        %get3A_374 = vector.shape_cast %get3A_373 : vector<1x16xf32> to vector<16xf32>
        %mul3A_375 = arith.mulf %get3A_374, %broadcast_in_dim3A_296 : vector<16xf32>
        %swap3A_376 = arith.index_cast %add3A_300 : i32 to index
        %swap3A_377 = arith.constant 112 : index
        %swap3A_378 = tpu.vector_load %arg11[%swap3A_376, %swap3A_377] {strides = array<i32>} : memref<128x128xf32, #tpu.memory_space<vmem>>, vector<1x16xf32>,
        %swap3A_379 = vector.shape_cast %swap3A_378 : vector<1x16xf32> to vector<16xf32>
        %swap3A_380 = vector.shape_cast %mul3A_375 : vector<16xf32> to vector<1x16xf32>
        tpu.vector_store %arg11[%swap3A_376, %swap3A_377], %swap3A_380 {strides = array<i32>} : memref<128x128xf32, #tpu.memory_space<vmem>>, vector<1x16xf32>,
        %slice3A_381 = vector.extract_strided_slice %get3A_36 {offsets = [4], sizes = [1], strides = [1]} : vector<16xf32> to vector<1xf32>
        %squeeze3A_382 = vector.extract %slice3A_381[0] : f32 from vector<1xf32>
        %broadcast_in_dim3A_383 = vector.broadcast %squeeze3A_382 : f32 to vector<16xf32>
        %mul3A_384 = arith.constant 16 : i32
        %mul3A_385 = arith.muli %scan3A_31, %mul3A_384 : i32
        %add3A_386 = arith.constant 4 : i32
        %add3A_387 = arith.addi %mul3A_385, %add3A_386 : i32
        %get3A_388 = arith.index_cast %add3A_387 : i32 to index
        %get3A_389 = arith.constant 0 : index
        %get3A_390 = tpu.vector_load %arg11[%get3A_388, %get3A_389] {strides = array<i32>} : memref<128x128xf32, #tpu.memory_space<vmem>>, vector<1x16xf32>,
        %get3A_391 = vector.shape_cast %get3A_390 : vector<1x16xf32> to vector<16xf32>
        %mul3A_392 = arith.mulf %get3A_391, %broadcast_in_dim3A_383 : vector<16xf32>
        %swap3A_393 = arith.index_cast %add3A_387 : i32 to index
        %swap3A_394 = arith.constant 0 : index
        %swap3A_395 = tpu.vector_load %arg11[%swap3A_393, %swap3A_394] {strides = array<i32>} : memref<128x128xf32, #tpu.memory_space<vmem>>, vector<1x16xf32>,
        %swap3A_396 = vector.shape_cast %swap3A_395 : vector<1x16xf32> to vector<16xf32>
        %swap3A_397 = vector.shape_cast %mul3A_392 : vector<16xf32> to vector<1x16xf32>
        tpu.vector_store %arg11[%swap3A_393, %swap3A_394], %swap3A_397 {strides = array<i32>} : memref<128x128xf32, #tpu.memory_space<vmem>>, vector<1x16xf32>,
        %get3A_398 = arith.index_cast %add3A_387 : i32 to index
        %get3A_399 = arith.constant 16 : index
        %get3A_400 = tpu.vector_load %arg11[%get3A_398, %get3A_399] {strides = array<i32>} : memref<128x128xf32, #tpu.memory_space<vmem>>, vector<1x16xf32>,
        %get3A_401 = vector.shape_cast %get3A_400 : vector<1x16xf32> to vector<16xf32>
        %mul3A_402 = arith.mulf %get3A_401, %broadcast_in_dim3A_383 : vector<16xf32>
        %swap3A_403 = arith.index_cast %add3A_387 : i32 to index
        %swap3A_404 = arith.constant 16 : index
        %swap3A_405 = tpu.vector_load %arg11[%swap3A_403, %swap3A_404] {strides = array<i32>} : memref<128x128xf32, #tpu.memory_space<vmem>>, vector<1x16xf32>,
        %swap3A_406 = vector.shape_cast %swap3A_405 : vector<1x16xf32> to vector<16xf32>
        %swap3A_407 = vector.shape_cast %mul3A_402 : vector<16xf32> to vector<1x16xf32>
        tpu.vector_store %arg11[%swap3A_403, %swap3A_404], %swap3A_407 {strides = array<i32>} : memref<128x128xf32, #tpu.memory_space<vmem>>, vector<1x16xf32>,
        %get3A_408 = arith.index_cast %add3A_387 : i32 to index
        %get3A_409 = arith.constant 32 : index
        %get3A_410 = tpu.vector_load %arg11[%get3A_408, %get3A_409] {strides = array<i32>} : memref<128x128xf32, #tpu.memory_space<vmem>>, vector<1x16xf32>,
        %get3A_411 = vector.shape_cast %get3A_410 : vector<1x16xf32> to vector<16xf32>
        %mul3A_412 = arith.mulf %get3A_411, %broadcast_in_dim3A_383 : vector<16xf32>
        %swap3A_413 = arith.index_cast %add3A_387 : i32 to index
        %swap3A_414 = arith.constant 32 : index
        %swap3A_415 = tpu.vector_load %arg11[%swap3A_413, %swap3A_414] {strides = array<i32>} : memref<128x128xf32, #tpu.memory_space<vmem>>, vector<1x16xf32>,
        %swap3A_416 = vector.shape_cast %swap3A_415 : vector<1x16xf32> to vector<16xf32>
        %swap3A_417 = vector.shape_cast %mul3A_412 : vector<16xf32> to vector<1x16xf32>
        tpu.vector_store %arg11[%swap3A_413, %swap3A_414], %swap3A_417 {strides = array<i32>} : memref<128x128xf32, #tpu.memory_space<vmem>>, vector<1x16xf32>,
        %get3A_418 = arith.index_cast %add3A_387 : i32 to index
        %get3A_419 = arith.constant 48 : index
        %get3A_420 = tpu.vector_load %arg11[%get3A_418, %get3A_419] {strides = array<i32>} : memref<128x128xf32, #tpu.memory_space<vmem>>, vector<1x16xf32>,
        %get3A_421 = vector.shape_cast %get3A_420 : vector<1x16xf32> to vector<16xf32>
        %mul3A_422 = arith.mulf %get3A_421, %broadcast_in_dim3A_383 : vector<16xf32>
        %swap3A_423 = arith.index_cast %add3A_387 : i32 to index
        %swap3A_424 = arith.constant 48 : index
        %swap3A_425 = tpu.vector_load %arg11[%swap3A_423, %swap3A_424] {strides = array<i32>} : memref<128x128xf32, #tpu.memory_space<vmem>>, vector<1x16xf32>,
        %swap3A_426 = vector.shape_cast %swap3A_425 : vector<1x16xf32> to vector<16xf32>
        %swap3A_427 = vector.shape_cast %mul3A_422 : vector<16xf32> to vector<1x16xf32>
        tpu.vector_store %arg11[%swap3A_423, %swap3A_424], %swap3A_427 {strides = array<i32>} : memref<128x128xf32, #tpu.memory_space<vmem>>, vector<1x16xf32>,
        %get3A_428 = arith.index_cast %add3A_387 : i32 to index
        %get3A_429 = arith.constant 64 : index
        %get3A_430 = tpu.vector_load %arg11[%get3A_428, %get3A_429] {strides = array<i32>} : memref<128x128xf32, #tpu.memory_space<vmem>>, vector<1x16xf32>,
        %get3A_431 = vector.shape_cast %get3A_430 : vector<1x16xf32> to vector<16xf32>
        %mul3A_432 = arith.mulf %get3A_431, %broadcast_in_dim3A_383 : vector<16xf32>
        %swap3A_433 = arith.index_cast %add3A_387 : i32 to index
        %swap3A_434 = arith.constant 64 : index
        %swap3A_435 = tpu.vector_load %arg11[%swap3A_433, %swap3A_434] {strides = array<i32>} : memref<128x128xf32, #tpu.memory_space<vmem>>, vector<1x16xf32>,
        %swap3A_436 = vector.shape_cast %swap3A_435 : vector<1x16xf32> to vector<16xf32>
        %swap3A_437 = vector.shape_cast %mul3A_432 : vector<16xf32> to vector<1x16xf32>
        tpu.vector_store %arg11[%swap3A_433, %swap3A_434], %swap3A_437 {strides = array<i32>} : memref<128x128xf32, #tpu.memory_space<vmem>>, vector<1x16xf32>,
        %get3A_438 = arith.index_cast %add3A_387 : i32 to index
        %get3A_439 = arith.constant 80 : index
        %get3A_440 = tpu.vector_load %arg11[%get3A_438, %get3A_439] {strides = array<i32>} : memref<128x128xf32, #tpu.memory_space<vmem>>, vector<1x16xf32>,
        %get3A_441 = vector.shape_cast %get3A_440 : vector<1x16xf32> to vector<16xf32>
        %mul3A_442 = arith.mulf %get3A_441, %broadcast_in_dim3A_383 : vector<16xf32>
        %swap3A_443 = arith.index_cast %add3A_387 : i32 to index
        %swap3A_444 = arith.constant 80 : index
        %swap3A_445 = tpu.vector_load %arg11[%swap3A_443, %swap3A_444] {strides = array<i32>} : memref<128x128xf32, #tpu.memory_space<vmem>>, vector<1x16xf32>,
        %swap3A_446 = vector.shape_cast %swap3A_445 : vector<1x16xf32> to vector<16xf32>
        %swap3A_447 = vector.shape_cast %mul3A_442 : vector<16xf32> to vector<1x16xf32>
        tpu.vector_store %arg11[%swap3A_443, %swap3A_444], %swap3A_447 {strides = array<i32>} : memref<128x128xf32, #tpu.memory_space<vmem>>, vector<1x16xf32>,
        %get3A_448 = arith.index_cast %add3A_387 : i32 to index
        %get3A_449 = arith.constant 96 : index
        %get3A_450 = tpu.vector_load %arg11[%get3A_448, %get3A_449] {strides = array<i32>} : memref<128x128xf32, #tpu.memory_space<vmem>>, vector<1x16xf32>,
        %get3A_451 = vector.shape_cast %get3A_450 : vector<1x16xf32> to vector<16xf32>
        %mul3A_452 = arith.mulf %get3A_451, %broadcast_in_dim3A_383 : vector<16xf32>
        %swap3A_453 = arith.index_cast %add3A_387 : i32 to index
        %swap3A_454 = arith.constant 96 : index
        %swap3A_455 = tpu.vector_load %arg11[%swap3A_453, %swap3A_454] {strides = array<i32>} : memref<128x128xf32, #tpu.memory_space<vmem>>, vector<1x16xf32>,
        %swap3A_456 = vector.shape_cast %swap3A_455 : vector<1x16xf32> to vector<16xf32>
        %swap3A_457 = vector.shape_cast %mul3A_452 : vector<16xf32> to vector<1x16xf32>
        tpu.vector_store %arg11[%swap3A_453, %swap3A_454], %swap3A_457 {strides = array<i32>} : memref<128x128xf32, #tpu.memory_space<vmem>>, vector<1x16xf32>,
        %get3A_458 = arith.index_cast %add3A_387 : i32 to index
        %get3A_459 = arith.constant 112 : index
        %get3A_460 = tpu.vector_load %arg11[%get3A_458, %get3A_459] {strides = array<i32>} : memref<128x128xf32, #tpu.memory_space<vmem>>, vector<1x16xf32>,
        %get3A_461 = vector.shape_cast %get3A_460 : vector<1x16xf32> to vector<16xf32>
        %mul3A_462 = arith.mulf %get3A_461, %broadcast_in_dim3A_383 : vector<16xf32>
        %swap3A_463 = arith.index_cast %add3A_387 : i32 to index
        %swap3A_464 = arith.constant 112 : index
        %swap3A_465 = tpu.vector_load %arg11[%swap3A_463, %swap3A_464] {strides = array<i32>} : memref<128x128xf32, #tpu.memory_space<vmem>>, vector<1x16xf32>,
        %swap3A_466 = vector.shape_cast %swap3A_465 : vector<1x16xf32> to vector<16xf32>
        %swap3A_467 = vector.shape_cast %mul3A_462 : vector<16xf32> to vector<1x16xf32>
        tpu.vector_store %arg11[%swap3A_463, %swap3A_464], %swap3A_467 {strides = array<i32>} : memref<128x128xf32, #tpu.memory_space<vmem>>, vector<1x16xf32>,
        %slice3A_468 = vector.extract_strided_slice %get3A_36 {offsets = [5], sizes = [1], strides = [1]} : vector<16xf32> to vector<1xf32>
        %squeeze3A_469 = vector.extract %slice3A_468[0] : f32 from vector<1xf32>
        %broadcast_in_dim3A_470 = vector.broadcast %squeeze3A_469 : f32 to vector<16xf32>
        %mul3A_471 = arith.constant 16 : i32
        %mul3A_472 = arith.muli %scan3A_31, %mul3A_471 : i32
        %add3A_473 = arith.constant 5 : i32
        %add3A_474 = arith.addi %mul3A_472, %add3A_473 : i32
        %get3A_475 = arith.index_cast %add3A_474 : i32 to index
        %get3A_476 = arith.constant 0 : index
        %get3A_477 = tpu.vector_load %arg11[%get3A_475, %get3A_476] {strides = array<i32>} : memref<128x128xf32, #tpu.memory_space<vmem>>, vector<1x16xf32>,
        %get3A_478 = vector.shape_cast %get3A_477 : vector<1x16xf32> to vector<16xf32>
        %mul3A_479 = arith.mulf %get3A_478, %broadcast_in_dim3A_470 : vector<16xf32>
        %swap3A_480 = arith.index_cast %add3A_474 : i32 to index
        %swap3A_481 = arith.constant 0 : index
        %swap3A_482 = tpu.vector_load %arg11[%swap3A_480, %swap3A_481] {strides = array<i32>} : memref<128x128xf32, #tpu.memory_space<vmem>>, vector<1x16xf32>,
        %swap3A_483 = vector.shape_cast %swap3A_482 : vector<1x16xf32> to vector<16xf32>
        %swap3A_484 = vector.shape_cast %mul3A_479 : vector<16xf32> to vector<1x16xf32>
        tpu.vector_store %arg11[%swap3A_480, %swap3A_481], %swap3A_484 {strides = array<i32>} : memref<128x128xf32, #tpu.memory_space<vmem>>, vector<1x16xf32>,
        %get3A_485 = arith.index_cast %add3A_474 : i32 to index
        %get3A_486 = arith.constant 16 : index
        %get3A_487 = tpu.vector_load %arg11[%get3A_485, %get3A_486] {strides = array<i32>} : memref<128x128xf32, #tpu.memory_space<vmem>>, vector<1x16xf32>,
        %get3A_488 = vector.shape_cast %get3A_487 : vector<1x16xf32> to vector<16xf32>
        %mul3A_489 = arith.mulf %get3A_488, %broadcast_in_dim3A_470 : vector<16xf32>
        %swap3A_490 = arith.index_cast %add3A_474 : i32 to index
        %swap3A_491 = arith.constant 16 : index
        %swap3A_492 = tpu.vector_load %arg11[%swap3A_490, %swap3A_491] {strides = array<i32>} : memref<128x128xf32, #tpu.memory_space<vmem>>, vector<1x16xf32>,
        %swap3A_493 = vector.shape_cast %swap3A_492 : vector<1x16xf32> to vector<16xf32>
        %swap3A_494 = vector.shape_cast %mul3A_489 : vector<16xf32> to vector<1x16xf32>
        tpu.vector_store %arg11[%swap3A_490, %swap3A_491], %swap3A_494 {strides = array<i32>} : memref<128x128xf32, #tpu.memory_space<vmem>>, vector<1x16xf32>,
        %get3A_495 = arith.index_cast %add3A_474 : i32 to index
        %get3A_496 = arith.constant 32 : index
        %get3A_497 = tpu.vector_load %arg11[%get3A_495, %get3A_496] {strides = array<i32>} : memref<128x128xf32, #tpu.memory_space<vmem>>, vector<1x16xf32>,
        %get3A_498 = vector.shape_cast %get3A_497 : vector<1x16xf32> to vector<16xf32>
        %mul3A_499 = arith.mulf %get3A_498, %broadcast_in_dim3A_470 : vector<16xf32>
        %swap3A_500 = arith.index_cast %add3A_474 : i32 to index
        %swap3A_501 = arith.constant 32 : index
        %swap3A_502 = tpu.vector_load %arg11[%swap3A_500, %swap3A_501] {strides = array<i32>} : memref<128x128xf32, #tpu.memory_space<vmem>>, vector<1x16xf32>,
        %swap3A_503 = vector.shape_cast %swap3A_502 : vector<1x16xf32> to vector<16xf32>
        %swap3A_504 = vector.shape_cast %mul3A_499 : vector<16xf32> to vector<1x16xf32>
        tpu.vector_store %arg11[%swap3A_500, %swap3A_501], %swap3A_504 {strides = array<i32>} : memref<128x128xf32, #tpu.memory_space<vmem>>, vector<1x16xf32>,
        %get3A_505 = arith.index_cast %add3A_474 : i32 to index
        %get3A_506 = arith.constant 48 : index
        %get3A_507 = tpu.vector_load %arg11[%get3A_505, %get3A_506] {strides = array<i32>} : memref<128x128xf32, #tpu.memory_space<vmem>>, vector<1x16xf32>,
        %get3A_508 = vector.shape_cast %get3A_507 : vector<1x16xf32> to vector<16xf32>
        %mul3A_509 = arith.mulf %get3A_508, %broadcast_in_dim3A_470 : vector<16xf32>
        %swap3A_510 = arith.index_cast %add3A_474 : i32 to index
        %swap3A_511 = arith.constant 48 : index
        %swap3A_512 = tpu.vector_load %arg11[%swap3A_510, %swap3A_511] {strides = array<i32>} : memref<128x128xf32, #tpu.memory_space<vmem>>, vector<1x16xf32>,
        %swap3A_513 = vector.shape_cast %swap3A_512 : vector<1x16xf32> to vector<16xf32>
        %swap3A_514 = vector.shape_cast %mul3A_509 : vector<16xf32> to vector<1x16xf32>
        tpu.vector_store %arg11[%swap3A_510, %swap3A_511], %swap3A_514 {strides = array<i32>} : memref<128x128xf32, #tpu.memory_space<vmem>>, vector<1x16xf32>,
        %get3A_515 = arith.index_cast %add3A_474 : i32 to index
        %get3A_516 = arith.constant 64 : index
        %get3A_517 = tpu.vector_load %arg11[%get3A_515, %get3A_516] {strides = array<i32>} : memref<128x128xf32, #tpu.memory_space<vmem>>, vector<1x16xf32>,
        %get3A_518 = vector.shape_cast %get3A_517 : vector<1x16xf32> to vector<16xf32>
        %mul3A_519 = arith.mulf %get3A_518, %broadcast_in_dim3A_470 : vector<16xf32>
        %swap3A_520 = arith.index_cast %add3A_474 : i32 to index
        %swap3A_521 = arith.constant 64 : index
        %swap3A_522 = tpu.vector_load %arg11[%swap3A_520, %swap3A_521] {strides = array<i32>} : memref<128x128xf32, #tpu.memory_space<vmem>>, vector<1x16xf32>,
        %swap3A_523 = vector.shape_cast %swap3A_522 : vector<1x16xf32> to vector<16xf32>
        %swap3A_524 = vector.shape_cast %mul3A_519 : vector<16xf32> to vector<1x16xf32>
        tpu.vector_store %arg11[%swap3A_520, %swap3A_521], %swap3A_524 {strides = array<i32>} : memref<128x128xf32, #tpu.memory_space<vmem>>, vector<1x16xf32>,
        %get3A_525 = arith.index_cast %add3A_474 : i32 to index
        %get3A_526 = arith.constant 80 : index
        %get3A_527 = tpu.vector_load %arg11[%get3A_525, %get3A_526] {strides = array<i32>} : memref<128x128xf32, #tpu.memory_space<vmem>>, vector<1x16xf32>,
        %get3A_528 = vector.shape_cast %get3A_527 : vector<1x16xf32> to vector<16xf32>
        %mul3A_529 = arith.mulf %get3A_528, %broadcast_in_dim3A_470 : vector<16xf32>
        %swap3A_530 = arith.index_cast %add3A_474 : i32 to index
        %swap3A_531 = arith.constant 80 : index
        %swap3A_532 = tpu.vector_load %arg11[%swap3A_530, %swap3A_531] {strides = array<i32>} : memref<128x128xf32, #tpu.memory_space<vmem>>, vector<1x16xf32>,
        %swap3A_533 = vector.shape_cast %swap3A_532 : vector<1x16xf32> to vector<16xf32>
        %swap3A_534 = vector.shape_cast %mul3A_529 : vector<16xf32> to vector<1x16xf32>
        tpu.vector_store %arg11[%swap3A_530, %swap3A_531], %swap3A_534 {strides = array<i32>} : memref<128x128xf32, #tpu.memory_space<vmem>>, vector<1x16xf32>,
        %get3A_535 = arith.index_cast %add3A_474 : i32 to index
        %get3A_536 = arith.constant 96 : index
        %get3A_537 = tpu.vector_load %arg11[%get3A_535, %get3A_536] {strides = array<i32>} : memref<128x128xf32, #tpu.memory_space<vmem>>, vector<1x16xf32>,
        %get3A_538 = vector.shape_cast %get3A_537 : vector<1x16xf32> to vector<16xf32>
        %mul3A_539 = arith.mulf %get3A_538, %broadcast_in_dim3A_470 : vector<16xf32>
        %swap3A_540 = arith.index_cast %add3A_474 : i32 to index
        %swap3A_541 = arith.constant 96 : index
        %swap3A_542 = tpu.vector_load %arg11[%swap3A_540, %swap3A_541] {strides = array<i32>} : memref<128x128xf32, #tpu.memory_space<vmem>>, vector<1x16xf32>,
        %swap3A_543 = vector.shape_cast %swap3A_542 : vector<1x16xf32> to vector<16xf32>
        %swap3A_544 = vector.shape_cast %mul3A_539 : vector<16xf32> to vector<1x16xf32>
        tpu.vector_store %arg11[%swap3A_540, %swap3A_541], %swap3A_544 {strides = array<i32>} : memref<128x128xf32, #tpu.memory_space<vmem>>, vector<1x16xf32>,
        %get3A_545 = arith.index_cast %add3A_474 : i32 to index
        %get3A_546 = arith.constant 112 : index
        %get3A_547 = tpu.vector_load %arg11[%get3A_545, %get3A_546] {strides = array<i32>} : memref<128x128xf32, #tpu.memory_space<vmem>>, vector<1x16xf32>,
        %get3A_548 = vector.shape_cast %get3A_547 : vector<1x16xf32> to vector<16xf32>
        %mul3A_549 = arith.mulf %get3A_548, %broadcast_in_dim3A_470 : vector<16xf32>
        %swap3A_550 = arith.index_cast %add3A_474 : i32 to index
        %swap3A_551 = arith.constant 112 : index
        %swap3A_552 = tpu.vector_load %arg11[%swap3A_550, %swap3A_551] {strides = array<i32>} : memref<128x128xf32, #tpu.memory_space<vmem>>, vector<1x16xf32>,
        %swap3A_553 = vector.shape_cast %swap3A_552 : vector<1x16xf32> to vector<16xf32>
        %swap3A_554 = vector.shape_cast %mul3A_549 : vector<16xf32> to vector<1x16xf32>
        tpu.vector_store %arg11[%swap3A_550, %swap3A_551], %swap3A_554 {strides = array<i32>} : memref<128x128xf32, #tpu.memory_space<vmem>>, vector<1x16xf32>,
        %slice3A_555 = vector.extract_strided_slice %get3A_36 {offsets = [6], sizes = [1], strides = [1]} : vector<16xf32> to vector<1xf32>
        %squeeze3A_556 = vector.extract %slice3A_555[0] : f32 from vector<1xf32>
        %broadcast_in_dim3A_557 = vector.broadcast %squeeze3A_556 : f32 to vector<16xf32>
        %mul3A_558 = arith.constant 16 : i32
        %mul3A_559 = arith.muli %scan3A_31, %mul3A_558 : i32
        %add3A_560 = arith.constant 6 : i32
        %add3A_561 = arith.addi %mul3A_559, %add3A_560 : i32
        %get3A_562 = arith.index_cast %add3A_561 : i32 to index
        %get3A_563 = arith.constant 0 : index
        %get3A_564 = tpu.vector_load %arg11[%get3A_562, %get3A_563] {strides = array<i32>} : memref<128x128xf32, #tpu.memory_space<vmem>>, vector<1x16xf32>,
        %get3A_565 = vector.shape_cast %get3A_564 : vector<1x16xf32> to vector<16xf32>
        %mul3A_566 = arith.mulf %get3A_565, %broadcast_in_dim3A_557 : vector<16xf32>
        %swap3A_567 = arith.index_cast %add3A_561 : i32 to index
        %swap3A_568 = arith.constant 0 : index
        %swap3A_569 = tpu.vector_load %arg11[%swap3A_567, %swap3A_568] {strides = array<i32>} : memref<128x128xf32, #tpu.memory_space<vmem>>, vector<1x16xf32>,
        %swap3A_570 = vector.shape_cast %swap3A_569 : vector<1x16xf32> to vector<16xf32>
        %swap3A_571 = vector.shape_cast %mul3A_566 : vector<16xf32> to vector<1x16xf32>
        tpu.vector_store %arg11[%swap3A_567, %swap3A_568], %swap3A_571 {strides = array<i32>} : memref<128x128xf32, #tpu.memory_space<vmem>>, vector<1x16xf32>,
        %get3A_572 = arith.index_cast %add3A_561 : i32 to index
        %get3A_573 = arith.constant 16 : index
        %get3A_574 = tpu.vector_load %arg11[%get3A_572, %get3A_573] {strides = array<i32>} : memref<128x128xf32, #tpu.memory_space<vmem>>, vector<1x16xf32>,
        %get3A_575 = vector.shape_cast %get3A_574 : vector<1x16xf32> to vector<16xf32>
        %mul3A_576 = arith.mulf %get3A_575, %broadcast_in_dim3A_557 : vector<16xf32>
        %swap3A_577 = arith.index_cast %add3A_561 : i32 to index
        %swap3A_578 = arith.constant 16 : index
        %swap3A_579 = tpu.vector_load %arg11[%swap3A_577, %swap3A_578] {strides = array<i32>} : memref<128x128xf32, #tpu.memory_space<vmem>>, vector<1x16xf32>,
        %swap3A_580 = vector.shape_cast %swap3A_579 : vector<1x16xf32> to vector<16xf32>
        %swap3A_581 = vector.shape_cast %mul3A_576 : vector<16xf32> to vector<1x16xf32>
        tpu.vector_store %arg11[%swap3A_577, %swap3A_578], %swap3A_581 {strides = array<i32>} : memref<128x128xf32, #tpu.memory_space<vmem>>, vector<1x16xf32>,
        %get3A_582 = arith.index_cast %add3A_561 : i32 to index
        %get3A_583 = arith.constant 32 : index
        %get3A_584 = tpu.vector_load %arg11[%get3A_582, %get3A_583] {strides = array<i32>} : memref<128x128xf32, #tpu.memory_space<vmem>>, vector<1x16xf32>,
        %get3A_585 = vector.shape_cast %get3A_584 : vector<1x16xf32> to vector<16xf32>
        %mul3A_586 = arith.mulf %get3A_585, %broadcast_in_dim3A_557 : vector<16xf32>
        %swap3A_587 = arith.index_cast %add3A_561 : i32 to index
        %swap3A_588 = arith.constant 32 : index
        %swap3A_589 = tpu.vector_load %arg11[%swap3A_587, %swap3A_588] {strides = array<i32>} : memref<128x128xf32, #tpu.memory_space<vmem>>, vector<1x16xf32>,
        %swap3A_590 = vector.shape_cast %swap3A_589 : vector<1x16xf32> to vector<16xf32>
        %swap3A_591 = vector.shape_cast %mul3A_586 : vector<16xf32> to vector<1x16xf32>
        tpu.vector_store %arg11[%swap3A_587, %swap3A_588], %swap3A_591 {strides = array<i32>} : memref<128x128xf32, #tpu.memory_space<vmem>>, vector<1x16xf32>,
        %get3A_592 = arith.index_cast %add3A_561 : i32 to index
        %get3A_593 = arith.constant 48 : index
        %get3A_594 = tpu.vector_load %arg11[%get3A_592, %get3A_593] {strides = array<i32>} : memref<128x128xf32, #tpu.memory_space<vmem>>, vector<1x16xf32>,
        %get3A_595 = vector.shape_cast %get3A_594 : vector<1x16xf32> to vector<16xf32>
        %mul3A_596 = arith.mulf %get3A_595, %broadcast_in_dim3A_557 : vector<16xf32>
        %swap3A_597 = arith.index_cast %add3A_561 : i32 to index
        %swap3A_598 = arith.constant 48 : index
        %swap3A_599 = tpu.vector_load %arg11[%swap3A_597, %swap3A_598] {strides = array<i32>} : memref<128x128xf32, #tpu.memory_space<vmem>>, vector<1x16xf32>,
        %swap3A_600 = vector.shape_cast %swap3A_599 : vector<1x16xf32> to vector<16xf32>
        %swap3A_601 = vector.shape_cast %mul3A_596 : vector<16xf32> to vector<1x16xf32>
        tpu.vector_store %arg11[%swap3A_597, %swap3A_598], %swap3A_601 {strides = array<i32>} : memref<128x128xf32, #tpu.memory_space<vmem>>, vector<1x16xf32>,
        %get3A_602 = arith.index_cast %add3A_561 : i32 to index
        %get3A_603 = arith.constant 64 : index
        %get3A_604 = tpu.vector_load %arg11[%get3A_602, %get3A_603] {strides = array<i32>} : memref<128x128xf32, #tpu.memory_space<vmem>>, vector<1x16xf32>,
        %get3A_605 = vector.shape_cast %get3A_604 : vector<1x16xf32> to vector<16xf32>
        %mul3A_606 = arith.mulf %get3A_605, %broadcast_in_dim3A_557 : vector<16xf32>
        %swap3A_607 = arith.index_cast %add3A_561 : i32 to index
        %swap3A_608 = arith.constant 64 : index
        %swap3A_609 = tpu.vector_load %arg11[%swap3A_607, %swap3A_608] {strides = array<i32>} : memref<128x128xf32, #tpu.memory_space<vmem>>, vector<1x16xf32>,
        %swap3A_610 = vector.shape_cast %swap3A_609 : vector<1x16xf32> to vector<16xf32>
        %swap3A_611 = vector.shape_cast %mul3A_606 : vector<16xf32> to vector<1x16xf32>
        tpu.vector_store %arg11[%swap3A_607, %swap3A_608], %swap3A_611 {strides = array<i32>} : memref<128x128xf32, #tpu.memory_space<vmem>>, vector<1x16xf32>,
        %get3A_612 = arith.index_cast %add3A_561 : i32 to index
        %get3A_613 = arith.constant 80 : index
        %get3A_614 = tpu.vector_load %arg11[%get3A_612, %get3A_613] {strides = array<i32>} : memref<128x128xf32, #tpu.memory_space<vmem>>, vector<1x16xf32>,
        %get3A_615 = vector.shape_cast %get3A_614 : vector<1x16xf32> to vector<16xf32>
        %mul3A_616 = arith.mulf %get3A_615, %broadcast_in_dim3A_557 : vector<16xf32>
        %swap3A_617 = arith.index_cast %add3A_561 : i32 to index
        %swap3A_618 = arith.constant 80 : index
        %swap3A_619 = tpu.vector_load %arg11[%swap3A_617, %swap3A_618] {strides = array<i32>} : memref<128x128xf32, #tpu.memory_space<vmem>>, vector<1x16xf32>,
        %swap3A_620 = vector.shape_cast %swap3A_619 : vector<1x16xf32> to vector<16xf32>
        %swap3A_621 = vector.shape_cast %mul3A_616 : vector<16xf32> to vector<1x16xf32>
        tpu.vector_store %arg11[%swap3A_617, %swap3A_618], %swap3A_621 {strides = array<i32>} : memref<128x128xf32, #tpu.memory_space<vmem>>, vector<1x16xf32>,
        %get3A_622 = arith.index_cast %add3A_561 : i32 to index
        %get3A_623 = arith.constant 96 : index
        %get3A_624 = tpu.vector_load %arg11[%get3A_622, %get3A_623] {strides = array<i32>} : memref<128x128xf32, #tpu.memory_space<vmem>>, vector<1x16xf32>,
        %get3A_625 = vector.shape_cast %get3A_624 : vector<1x16xf32> to vector<16xf32>
        %mul3A_626 = arith.mulf %get3A_625, %broadcast_in_dim3A_557 : vector<16xf32>
        %swap3A_627 = arith.index_cast %add3A_561 : i32 to index
        %swap3A_628 = arith.constant 96 : index
        %swap3A_629 = tpu.vector_load %arg11[%swap3A_627, %swap3A_628] {strides = array<i32>} : memref<128x128xf32, #tpu.memory_space<vmem>>, vector<1x16xf32>,
        %swap3A_630 = vector.shape_cast %swap3A_629 : vector<1x16xf32> to vector<16xf32>
        %swap3A_631 = vector.shape_cast %mul3A_626 : vector<16xf32> to vector<1x16xf32>
        tpu.vector_store %arg11[%swap3A_627, %swap3A_628], %swap3A_631 {strides = array<i32>} : memref<128x128xf32, #tpu.memory_space<vmem>>, vector<1x16xf32>,
        %get3A_632 = arith.index_cast %add3A_561 : i32 to index
        %get3A_633 = arith.constant 112 : index
        %get3A_634 = tpu.vector_load %arg11[%get3A_632, %get3A_633] {strides = array<i32>} : memref<128x128xf32, #tpu.memory_space<vmem>>, vector<1x16xf32>,
        %get3A_635 = vector.shape_cast %get3A_634 : vector<1x16xf32> to vector<16xf32>
        %mul3A_636 = arith.mulf %get3A_635, %broadcast_in_dim3A_557 : vector<16xf32>
        %swap3A_637 = arith.index_cast %add3A_561 : i32 to index
        %swap3A_638 = arith.constant 112 : index
        %swap3A_639 = tpu.vector_load %arg11[%swap3A_637, %swap3A_638] {strides = array<i32>} : memref<128x128xf32, #tpu.memory_space<vmem>>, vector<1x16xf32>,
        %swap3A_640 = vector.shape_cast %swap3A_639 : vector<1x16xf32> to vector<16xf32>
        %swap3A_641 = vector.shape_cast %mul3A_636 : vector<16xf32> to vector<1x16xf32>
        tpu.vector_store %arg11[%swap3A_637, %swap3A_638], %swap3A_641 {strides = array<i32>} : memref<128x128xf32, #tpu.memory_space<vmem>>, vector<1x16xf32>,
        %slice3A_642 = vector.extract_strided_slice %get3A_36 {offsets = [7], sizes = [1], strides = [1]} : vector<16xf32> to vector<1xf32>
        %squeeze3A_643 = vector.extract %slice3A_642[0] : f32 from vector<1xf32>
        %broadcast_in_dim3A_644 = vector.broadcast %squeeze3A_643 : f32 to vector<16xf32>
        %mul3A_645 = arith.constant 16 : i32
        %mul3A_646 = arith.muli %scan3A_31, %mul3A_645 : i32
        %add3A_647 = arith.constant 7 : i32
        %add3A_648 = arith.addi %mul3A_646, %add3A_647 : i32
        %get3A_649 = arith.index_cast %add3A_648 : i32 to index
        %get3A_650 = arith.constant 0 : index
        %get3A_651 = tpu.vector_load %arg11[%get3A_649, %get3A_650] {strides = array<i32>} : memref<128x128xf32, #tpu.memory_space<vmem>>, vector<1x16xf32>,
        %get3A_652 = vector.shape_cast %get3A_651 : vector<1x16xf32> to vector<16xf32>
        %mul3A_653 = arith.mulf %get3A_652, %broadcast_in_dim3A_644 : vector<16xf32>
        %swap3A_654 = arith.index_cast %add3A_648 : i32 to index
        %swap3A_655 = arith.constant 0 : index
        %swap3A_656 = tpu.vector_load %arg11[%swap3A_654, %swap3A_655] {strides = array<i32>} : memref<128x128xf32, #tpu.memory_space<vmem>>, vector<1x16xf32>,
        %swap3A_657 = vector.shape_cast %swap3A_656 : vector<1x16xf32> to vector<16xf32>
        %swap3A_658 = vector.shape_cast %mul3A_653 : vector<16xf32> to vector<1x16xf32>
        tpu.vector_store %arg11[%swap3A_654, %swap3A_655], %swap3A_658 {strides = array<i32>} : memref<128x128xf32, #tpu.memory_space<vmem>>, vector<1x16xf32>,
        %get3A_659 = arith.index_cast %add3A_648 : i32 to index
        %get3A_660 = arith.constant 16 : index
        %get3A_661 = tpu.vector_load %arg11[%get3A_659, %get3A_660] {strides = array<i32>} : memref<128x128xf32, #tpu.memory_space<vmem>>, vector<1x16xf32>,
        %get3A_662 = vector.shape_cast %get3A_661 : vector<1x16xf32> to vector<16xf32>
        %mul3A_663 = arith.mulf %get3A_662, %broadcast_in_dim3A_644 : vector<16xf32>
        %swap3A_664 = arith.index_cast %add3A_648 : i32 to index
        %swap3A_665 = arith.constant 16 : index
        %swap3A_666 = tpu.vector_load %arg11[%swap3A_664, %swap3A_665] {strides = array<i32>} : memref<128x128xf32, #tpu.memory_space<vmem>>, vector<1x16xf32>,
        %swap3A_667 = vector.shape_cast %swap3A_666 : vector<1x16xf32> to vector<16xf32>
        %swap3A_668 = vector.shape_cast %mul3A_663 : vector<16xf32> to vector<1x16xf32>
        tpu.vector_store %arg11[%swap3A_664, %swap3A_665], %swap3A_668 {strides = array<i32>} : memref<128x128xf32, #tpu.memory_space<vmem>>, vector<1x16xf32>,
        %get3A_669 = arith.index_cast %add3A_648 : i32 to index
        %get3A_670 = arith.constant 32 : index
        %get3A_671 = tpu.vector_load %arg11[%get3A_669, %get3A_670] {strides = array<i32>} : memref<128x128xf32, #tpu.memory_space<vmem>>, vector<1x16xf32>,
        %get3A_672 = vector.shape_cast %get3A_671 : vector<1x16xf32> to vector<16xf32>
        %mul3A_673 = arith.mulf %get3A_672, %broadcast_in_dim3A_644 : vector<16xf32>
        %swap3A_674 = arith.index_cast %add3A_648 : i32 to index
        %swap3A_675 = arith.constant 32 : index
        %swap3A_676 = tpu.vector_load %arg11[%swap3A_674, %swap3A_675] {strides = array<i32>} : memref<128x128xf32, #tpu.memory_space<vmem>>, vector<1x16xf32>,
        %swap3A_677 = vector.shape_cast %swap3A_676 : vector<1x16xf32> to vector<16xf32>
        %swap3A_678 = vector.shape_cast %mul3A_673 : vector<16xf32> to vector<1x16xf32>
        tpu.vector_store %arg11[%swap3A_674, %swap3A_675], %swap3A_678 {strides = array<i32>} : memref<128x128xf32, #tpu.memory_space<vmem>>, vector<1x16xf32>,
        %get3A_679 = arith.index_cast %add3A_648 : i32 to index
        %get3A_680 = arith.constant 48 : index
        %get3A_681 = tpu.vector_load %arg11[%get3A_679, %get3A_680] {strides = array<i32>} : memref<128x128xf32, #tpu.memory_space<vmem>>, vector<1x16xf32>,
        %get3A_682 = vector.shape_cast %get3A_681 : vector<1x16xf32> to vector<16xf32>
        %mul3A_683 = arith.mulf %get3A_682, %broadcast_in_dim3A_644 : vector<16xf32>
        %swap3A_684 = arith.index_cast %add3A_648 : i32 to index
        %swap3A_685 = arith.constant 48 : index
        %swap3A_686 = tpu.vector_load %arg11[%swap3A_684, %swap3A_685] {strides = array<i32>} : memref<128x128xf32, #tpu.memory_space<vmem>>, vector<1x16xf32>,
        %swap3A_687 = vector.shape_cast %swap3A_686 : vector<1x16xf32> to vector<16xf32>
        %swap3A_688 = vector.shape_cast %mul3A_683 : vector<16xf32> to vector<1x16xf32>
        tpu.vector_store %arg11[%swap3A_684, %swap3A_685], %swap3A_688 {strides = array<i32>} : memref<128x128xf32, #tpu.memory_space<vmem>>, vector<1x16xf32>,
        %get3A_689 = arith.index_cast %add3A_648 : i32 to index
        %get3A_690 = arith.constant 64 : index
        %get3A_691 = tpu.vector_load %arg11[%get3A_689, %get3A_690] {strides = array<i32>} : memref<128x128xf32, #tpu.memory_space<vmem>>, vector<1x16xf32>,
        %get3A_692 = vector.shape_cast %get3A_691 : vector<1x16xf32> to vector<16xf32>
        %mul3A_693 = arith.mulf %get3A_692, %broadcast_in_dim3A_644 : vector<16xf32>
        %swap3A_694 = arith.index_cast %add3A_648 : i32 to index
        %swap3A_695 = arith.constant 64 : index
        %swap3A_696 = tpu.vector_load %arg11[%swap3A_694, %swap3A_695] {strides = array<i32>} : memref<128x128xf32, #tpu.memory_space<vmem>>, vector<1x16xf32>,
        %swap3A_697 = vector.shape_cast %swap3A_696 : vector<1x16xf32> to vector<16xf32>
        %swap3A_698 = vector.shape_cast %mul3A_693 : vector<16xf32> to vector<1x16xf32>
        tpu.vector_store %arg11[%swap3A_694, %swap3A_695], %swap3A_698 {strides = array<i32>} : memref<128x128xf32, #tpu.memory_space<vmem>>, vector<1x16xf32>,
        %get3A_699 = arith.index_cast %add3A_648 : i32 to index
        %get3A_700 = arith.constant 80 : index
        %get3A_701 = tpu.vector_load %arg11[%get3A_699, %get3A_700] {strides = array<i32>} : memref<128x128xf32, #tpu.memory_space<vmem>>, vector<1x16xf32>,
        %get3A_702 = vector.shape_cast %get3A_701 : vector<1x16xf32> to vector<16xf32>
        %mul3A_703 = arith.mulf %get3A_702, %broadcast_in_dim3A_644 : vector<16xf32>
        %swap3A_704 = arith.index_cast %add3A_648 : i32 to index
        %swap3A_705 = arith.constant 80 : index
        %swap3A_706 = tpu.vector_load %arg11[%swap3A_704, %swap3A_705] {strides = array<i32>} : memref<128x128xf32, #tpu.memory_space<vmem>>, vector<1x16xf32>,
        %swap3A_707 = vector.shape_cast %swap3A_706 : vector<1x16xf32> to vector<16xf32>
        %swap3A_708 = vector.shape_cast %mul3A_703 : vector<16xf32> to vector<1x16xf32>
        tpu.vector_store %arg11[%swap3A_704, %swap3A_705], %swap3A_708 {strides = array<i32>} : memref<128x128xf32, #tpu.memory_space<vmem>>, vector<1x16xf32>,
        %get3A_709 = arith.index_cast %add3A_648 : i32 to index
        %get3A_710 = arith.constant 96 : index
        %get3A_711 = tpu.vector_load %arg11[%get3A_709, %get3A_710] {strides = array<i32>} : memref<128x128xf32, #tpu.memory_space<vmem>>, vector<1x16xf32>,
        %get3A_712 = vector.shape_cast %get3A_711 : vector<1x16xf32> to vector<16xf32>
        %mul3A_713 = arith.mulf %get3A_712, %broadcast_in_dim3A_644 : vector<16xf32>
        %swap3A_714 = arith.index_cast %add3A_648 : i32 to index
        %swap3A_715 = arith.constant 96 : index
        %swap3A_716 = tpu.vector_load %arg11[%swap3A_714, %swap3A_715] {strides = array<i32>} : memref<128x128xf32, #tpu.memory_space<vmem>>, vector<1x16xf32>,
        %swap3A_717 = vector.shape_cast %swap3A_716 : vector<1x16xf32> to vector<16xf32>
        %swap3A_718 = vector.shape_cast %mul3A_713 : vector<16xf32> to vector<1x16xf32>
        tpu.vector_store %arg11[%swap3A_714, %swap3A_715], %swap3A_718 {strides = array<i32>} : memref<128x128xf32, #tpu.memory_space<vmem>>, vector<1x16xf32>,
        %get3A_719 = arith.index_cast %add3A_648 : i32 to index
        %get3A_720 = arith.constant 112 : index
        %get3A_721 = tpu.vector_load %arg11[%get3A_719, %get3A_720] {strides = array<i32>} : memref<128x128xf32, #tpu.memory_space<vmem>>, vector<1x16xf32>,
        %get3A_722 = vector.shape_cast %get3A_721 : vector<1x16xf32> to vector<16xf32>
        %mul3A_723 = arith.mulf %get3A_722, %broadcast_in_dim3A_644 : vector<16xf32>
        %swap3A_724 = arith.index_cast %add3A_648 : i32 to index
        %swap3A_725 = arith.constant 112 : index
        %swap3A_726 = tpu.vector_load %arg11[%swap3A_724, %swap3A_725] {strides = array<i32>} : memref<128x128xf32, #tpu.memory_space<vmem>>, vector<1x16xf32>,
        %swap3A_727 = vector.shape_cast %swap3A_726 : vector<1x16xf32> to vector<16xf32>
        %swap3A_728 = vector.shape_cast %mul3A_723 : vector<16xf32> to vector<1x16xf32>
        tpu.vector_store %arg11[%swap3A_724, %swap3A_725], %swap3A_728 {strides = array<i32>} : memref<128x128xf32, #tpu.memory_space<vmem>>, vector<1x16xf32>,
        %slice3A_729 = vector.extract_strided_slice %get3A_36 {offsets = [8], sizes = [1], strides = [1]} : vector<16xf32> to vector<1xf32>
        %squeeze3A_730 = vector.extract %slice3A_729[0] : f32 from vector<1xf32>
        %broadcast_in_dim3A_731 = vector.broadcast %squeeze3A_730 : f32 to vector<16xf32>
        %mul3A_732 = arith.constant 16 : i32
        %mul3A_733 = arith.muli %scan3A_31, %mul3A_732 : i32
        %add3A_734 = arith.constant 8 : i32
        %add3A_735 = arith.addi %mul3A_733, %add3A_734 : i32
        %get3A_736 = arith.index_cast %add3A_735 : i32 to index
        %get3A_737 = arith.constant 0 : index
        %get3A_738 = tpu.vector_load %arg11[%get3A_736, %get3A_737] {strides = array<i32>} : memref<128x128xf32, #tpu.memory_space<vmem>>, vector<1x16xf32>,
        %get3A_739 = vector.shape_cast %get3A_738 : vector<1x16xf32> to vector<16xf32>
        %mul3A_740 = arith.mulf %get3A_739, %broadcast_in_dim3A_731 : vector<16xf32>
        %swap3A_741 = arith.index_cast %add3A_735 : i32 to index
        %swap3A_742 = arith.constant 0 : index
        %swap3A_743 = tpu.vector_load %arg11[%swap3A_741, %swap3A_742] {strides = array<i32>} : memref<128x128xf32, #tpu.memory_space<vmem>>, vector<1x16xf32>,
        %swap3A_744 = vector.shape_cast %swap3A_743 : vector<1x16xf32> to vector<16xf32>
        %swap3A_745 = vector.shape_cast %mul3A_740 : vector<16xf32> to vector<1x16xf32>
        tpu.vector_store %arg11[%swap3A_741, %swap3A_742], %swap3A_745 {strides = array<i32>} : memref<128x128xf32, #tpu.memory_space<vmem>>, vector<1x16xf32>,
        %get3A_746 = arith.index_cast %add3A_735 : i32 to index
        %get3A_747 = arith.constant 16 : index
        %get3A_748 = tpu.vector_load %arg11[%get3A_746, %get3A_747] {strides = array<i32>} : memref<128x128xf32, #tpu.memory_space<vmem>>, vector<1x16xf32>,
        %get3A_749 = vector.shape_cast %get3A_748 : vector<1x16xf32> to vector<16xf32>
        %mul3A_750 = arith.mulf %get3A_749, %broadcast_in_dim3A_731 : vector<16xf32>
        %swap3A_751 = arith.index_cast %add3A_735 : i32 to index
        %swap3A_752 = arith.constant 16 : index
        %swap3A_753 = tpu.vector_load %arg11[%swap3A_751, %swap3A_752] {strides = array<i32>} : memref<128x128xf32, #tpu.memory_space<vmem>>, vector<1x16xf32>,
        %swap3A_754 = vector.shape_cast %swap3A_753 : vector<1x16xf32> to vector<16xf32>
        %swap3A_755 = vector.shape_cast %mul3A_750 : vector<16xf32> to vector<1x16xf32>
        tpu.vector_store %arg11[%swap3A_751, %swap3A_752], %swap3A_755 {strides = array<i32>} : memref<128x128xf32, #tpu.memory_space<vmem>>, vector<1x16xf32>,
        %get3A_756 = arith.index_cast %add3A_735 : i32 to index
        %get3A_757 = arith.constant 32 : index
        %get3A_758 = tpu.vector_load %arg11[%get3A_756, %get3A_757] {strides = array<i32>} : memref<128x128xf32, #tpu.memory_space<vmem>>, vector<1x16xf32>,
        %get3A_759 = vector.shape_cast %get3A_758 : vector<1x16xf32> to vector<16xf32>
        %mul3A_760 = arith.mulf %get3A_759, %broadcast_in_dim3A_731 : vector<16xf32>
        %swap3A_761 = arith.index_cast %add3A_735 : i32 to index
        %swap3A_762 = arith.constant 32 : index
        %swap3A_763 = tpu.vector_load %arg11[%swap3A_761, %swap3A_762] {strides = array<i32>} : memref<128x128xf32, #tpu.memory_space<vmem>>, vector<1x16xf32>,
        %swap3A_764 = vector.shape_cast %swap3A_763 : vector<1x16xf32> to vector<16xf32>
        %swap3A_765 = vector.shape_cast %mul3A_760 : vector<16xf32> to vector<1x16xf32>
        tpu.vector_store %arg11[%swap3A_761, %swap3A_762], %swap3A_765 {strides = array<i32>} : memref<128x128xf32, #tpu.memory_space<vmem>>, vector<1x16xf32>,
        %get3A_766 = arith.index_cast %add3A_735 : i32 to index
        %get3A_767 = arith.constant 48 : index
        %get3A_768 = tpu.vector_load %arg11[%get3A_766, %get3A_767] {strides = array<i32>} : memref<128x128xf32, #tpu.memory_space<vmem>>, vector<1x16xf32>,
        %get3A_769 = vector.shape_cast %get3A_768 : vector<1x16xf32> to vector<16xf32>
        %mul3A_770 = arith.mulf %get3A_769, %broadcast_in_dim3A_731 : vector<16xf32>
        %swap3A_771 = arith.index_cast %add3A_735 : i32 to index
        %swap3A_772 = arith.constant 48 : index
        %swap3A_773 = tpu.vector_load %arg11[%swap3A_771, %swap3A_772] {strides = array<i32>} : memref<128x128xf32, #tpu.memory_space<vmem>>, vector<1x16xf32>,
        %swap3A_774 = vector.shape_cast %swap3A_773 : vector<1x16xf32> to vector<16xf32>
        %swap3A_775 = vector.shape_cast %mul3A_770 : vector<16xf32> to vector<1x16xf32>
        tpu.vector_store %arg11[%swap3A_771, %swap3A_772], %swap3A_775 {strides = array<i32>} : memref<128x128xf32, #tpu.memory_space<vmem>>, vector<1x16xf32>,
        %get3A_776 = arith.index_cast %add3A_735 : i32 to index
        %get3A_777 = arith.constant 64 : index
        %get3A_778 = tpu.vector_load %arg11[%get3A_776, %get3A_777] {strides = array<i32>} : memref<128x128xf32, #tpu.memory_space<vmem>>, vector<1x16xf32>,
        %get3A_779 = vector.shape_cast %get3A_778 : vector<1x16xf32> to vector<16xf32>
        %mul3A_780 = arith.mulf %get3A_779, %broadcast_in_dim3A_731 : vector<16xf32>
        %swap3A_781 = arith.index_cast %add3A_735 : i32 to index
        %swap3A_782 = arith.constant 64 : index
        %swap3A_783 = tpu.vector_load %arg11[%swap3A_781, %swap3A_782] {strides = array<i32>} : memref<128x128xf32, #tpu.memory_space<vmem>>, vector<1x16xf32>,
        %swap3A_784 = vector.shape_cast %swap3A_783 : vector<1x16xf32> to vector<16xf32>
        %swap3A_785 = vector.shape_cast %mul3A_780 : vector<16xf32> to vector<1x16xf32>
        tpu.vector_store %arg11[%swap3A_781, %swap3A_782], %swap3A_785 {strides = array<i32>} : memref<128x128xf32, #tpu.memory_space<vmem>>, vector<1x16xf32>,
        %get3A_786 = arith.index_cast %add3A_735 : i32 to index
        %get3A_787 = arith.constant 80 : index
        %get3A_788 = tpu.vector_load %arg11[%get3A_786, %get3A_787] {strides = array<i32>} : memref<128x128xf32, #tpu.memory_space<vmem>>, vector<1x16xf32>,
        %get3A_789 = vector.shape_cast %get3A_788 : vector<1x16xf32> to vector<16xf32>
        %mul3A_790 = arith.mulf %get3A_789, %broadcast_in_dim3A_731 : vector<16xf32>
        %swap3A_791 = arith.index_cast %add3A_735 : i32 to index
        %swap3A_792 = arith.constant 80 : index
        %swap3A_793 = tpu.vector_load %arg11[%swap3A_791, %swap3A_792] {strides = array<i32>} : memref<128x128xf32, #tpu.memory_space<vmem>>, vector<1x16xf32>,
        %swap3A_794 = vector.shape_cast %swap3A_793 : vector<1x16xf32> to vector<16xf32>
        %swap3A_795 = vector.shape_cast %mul3A_790 : vector<16xf32> to vector<1x16xf32>
        tpu.vector_store %arg11[%swap3A_791, %swap3A_792], %swap3A_795 {strides = array<i32>} : memref<128x128xf32, #tpu.memory_space<vmem>>, vector<1x16xf32>,
        %get3A_796 = arith.index_cast %add3A_735 : i32 to index
        %get3A_797 = arith.constant 96 : index
        %get3A_798 = tpu.vector_load %arg11[%get3A_796, %get3A_797] {strides = array<i32>} : memref<128x128xf32, #tpu.memory_space<vmem>>, vector<1x16xf32>,
        %get3A_799 = vector.shape_cast %get3A_798 : vector<1x16xf32> to vector<16xf32>
        %mul3A_800 = arith.mulf %get3A_799, %broadcast_in_dim3A_731 : vector<16xf32>
        %swap3A_801 = arith.index_cast %add3A_735 : i32 to index
        %swap3A_802 = arith.constant 96 : index
        %swap3A_803 = tpu.vector_load %arg11[%swap3A_801, %swap3A_802] {strides = array<i32>} : memref<128x128xf32, #tpu.memory_space<vmem>>, vector<1x16xf32>,
        %swap3A_804 = vector.shape_cast %swap3A_803 : vector<1x16xf32> to vector<16xf32>
        %swap3A_805 = vector.shape_cast %mul3A_800 : vector<16xf32> to vector<1x16xf32>
        tpu.vector_store %arg11[%swap3A_801, %swap3A_802], %swap3A_805 {strides = array<i32>} : memref<128x128xf32, #tpu.memory_space<vmem>>, vector<1x16xf32>,
        %get3A_806 = arith.index_cast %add3A_735 : i32 to index
        %get3A_807 = arith.constant 112 : index
        %get3A_808 = tpu.vector_load %arg11[%get3A_806, %get3A_807] {strides = array<i32>} : memref<128x128xf32, #tpu.memory_space<vmem>>, vector<1x16xf32>,
        %get3A_809 = vector.shape_cast %get3A_808 : vector<1x16xf32> to vector<16xf32>
        %mul3A_810 = arith.mulf %get3A_809, %broadcast_in_dim3A_731 : vector<16xf32>
        %swap3A_811 = arith.index_cast %add3A_735 : i32 to index
        %swap3A_812 = arith.constant 112 : index
        %swap3A_813 = tpu.vector_load %arg11[%swap3A_811, %swap3A_812] {strides = array<i32>} : memref<128x128xf32, #tpu.memory_space<vmem>>, vector<1x16xf32>,
        %swap3A_814 = vector.shape_cast %swap3A_813 : vector<1x16xf32> to vector<16xf32>
        %swap3A_815 = vector.shape_cast %mul3A_810 : vector<16xf32> to vector<1x16xf32>
        tpu.vector_store %arg11[%swap3A_811, %swap3A_812], %swap3A_815 {strides = array<i32>} : memref<128x128xf32, #tpu.memory_space<vmem>>, vector<1x16xf32>,
        %slice3A_816 = vector.extract_strided_slice %get3A_36 {offsets = [9], sizes = [1], strides = [1]} : vector<16xf32> to vector<1xf32>
        %squeeze3A_817 = vector.extract %slice3A_816[0] : f32 from vector<1xf32>
        %broadcast_in_dim3A_818 = vector.broadcast %squeeze3A_817 : f32 to vector<16xf32>
        %mul3A_819 = arith.constant 16 : i32
        %mul3A_820 = arith.muli %scan3A_31, %mul3A_819 : i32
        %add3A_821 = arith.constant 9 : i32
        %add3A_822 = arith.addi %mul3A_820, %add3A_821 : i32
        %get3A_823 = arith.index_cast %add3A_822 : i32 to index
        %get3A_824 = arith.constant 0 : index
        %get3A_825 = tpu.vector_load %arg11[%get3A_823, %get3A_824] {strides = array<i32>} : memref<128x128xf32, #tpu.memory_space<vmem>>, vector<1x16xf32>,
        %get3A_826 = vector.shape_cast %get3A_825 : vector<1x16xf32> to vector<16xf32>
        %mul3A_827 = arith.mulf %get3A_826, %broadcast_in_dim3A_818 : vector<16xf32>
        %swap3A_828 = arith.index_cast %add3A_822 : i32 to index
        %swap3A_829 = arith.constant 0 : index
        %swap3A_830 = tpu.vector_load %arg11[%swap3A_828, %swap3A_829] {strides = array<i32>} : memref<128x128xf32, #tpu.memory_space<vmem>>, vector<1x16xf32>,
        %swap3A_831 = vector.shape_cast %swap3A_830 : vector<1x16xf32> to vector<16xf32>
        %swap3A_832 = vector.shape_cast %mul3A_827 : vector<16xf32> to vector<1x16xf32>
        tpu.vector_store %arg11[%swap3A_828, %swap3A_829], %swap3A_832 {strides = array<i32>} : memref<128x128xf32, #tpu.memory_space<vmem>>, vector<1x16xf32>,
        %get3A_833 = arith.index_cast %add3A_822 : i32 to index
        %get3A_834 = arith.constant 16 : index
        %get3A_835 = tpu.vector_load %arg11[%get3A_833, %get3A_834] {strides = array<i32>} : memref<128x128xf32, #tpu.memory_space<vmem>>, vector<1x16xf32>,
        %get3A_836 = vector.shape_cast %get3A_835 : vector<1x16xf32> to vector<16xf32>
        %mul3A_837 = arith.mulf %get3A_836, %broadcast_in_dim3A_818 : vector<16xf32>
        %swap3A_838 = arith.index_cast %add3A_822 : i32 to index
        %swap3A_839 = arith.constant 16 : index
        %swap3A_840 = tpu.vector_load %arg11[%swap3A_838, %swap3A_839] {strides = array<i32>} : memref<128x128xf32, #tpu.memory_space<vmem>>, vector<1x16xf32>,
        %swap3A_841 = vector.shape_cast %swap3A_840 : vector<1x16xf32> to vector<16xf32>
        %swap3A_842 = vector.shape_cast %mul3A_837 : vector<16xf32> to vector<1x16xf32>
        tpu.vector_store %arg11[%swap3A_838, %swap3A_839], %swap3A_842 {strides = array<i32>} : memref<128x128xf32, #tpu.memory_space<vmem>>, vector<1x16xf32>,
        %get3A_843 = arith.index_cast %add3A_822 : i32 to index
        %get3A_844 = arith.constant 32 : index
        %get3A_845 = tpu.vector_load %arg11[%get3A_843, %get3A_844] {strides = array<i32>} : memref<128x128xf32, #tpu.memory_space<vmem>>, vector<1x16xf32>,
        %get3A_846 = vector.shape_cast %get3A_845 : vector<1x16xf32> to vector<16xf32>
        %mul3A_847 = arith.mulf %get3A_846, %broadcast_in_dim3A_818 : vector<16xf32>
        %swap3A_848 = arith.index_cast %add3A_822 : i32 to index
        %swap3A_849 = arith.constant 32 : index
        %swap3A_850 = tpu.vector_load %arg11[%swap3A_848, %swap3A_849] {strides = array<i32>} : memref<128x128xf32, #tpu.memory_space<vmem>>, vector<1x16xf32>,
        %swap3A_851 = vector.shape_cast %swap3A_850 : vector<1x16xf32> to vector<16xf32>
        %swap3A_852 = vector.shape_cast %mul3A_847 : vector<16xf32> to vector<1x16xf32>
        tpu.vector_store %arg11[%swap3A_848, %swap3A_849], %swap3A_852 {strides = array<i32>} : memref<128x128xf32, #tpu.memory_space<vmem>>, vector<1x16xf32>,
        %get3A_853 = arith.index_cast %add3A_822 : i32 to index
        %get3A_854 = arith.constant 48 : index
        %get3A_855 = tpu.vector_load %arg11[%get3A_853, %get3A_854] {strides = array<i32>} : memref<128x128xf32, #tpu.memory_space<vmem>>, vector<1x16xf32>,
        %get3A_856 = vector.shape_cast %get3A_855 : vector<1x16xf32> to vector<16xf32>
        %mul3A_857 = arith.mulf %get3A_856, %broadcast_in_dim3A_818 : vector<16xf32>
        %swap3A_858 = arith.index_cast %add3A_822 : i32 to index
        %swap3A_859 = arith.constant 48 : index
        %swap3A_860 = tpu.vector_load %arg11[%swap3A_858, %swap3A_859] {strides = array<i32>} : memref<128x128xf32, #tpu.memory_space<vmem>>, vector<1x16xf32>,
        %swap3A_861 = vector.shape_cast %swap3A_860 : vector<1x16xf32> to vector<16xf32>
        %swap3A_862 = vector.shape_cast %mul3A_857 : vector<16xf32> to vector<1x16xf32>
        tpu.vector_store %arg11[%swap3A_858, %swap3A_859], %swap3A_862 {strides = array<i32>} : memref<128x128xf32, #tpu.memory_space<vmem>>, vector<1x16xf32>,
        %get3A_863 = arith.index_cast %add3A_822 : i32 to index
        %get3A_864 = arith.constant 64 : index
        %get3A_865 = tpu.vector_load %arg11[%get3A_863, %get3A_864] {strides = array<i32>} : memref<128x128xf32, #tpu.memory_space<vmem>>, vector<1x16xf32>,
        %get3A_866 = vector.shape_cast %get3A_865 : vector<1x16xf32> to vector<16xf32>
        %mul3A_867 = arith.mulf %get3A_866, %broadcast_in_dim3A_818 : vector<16xf32>
        %swap3A_868 = arith.index_cast %add3A_822 : i32 to index
        %swap3A_869 = arith.constant 64 : index
        %swap3A_870 = tpu.vector_load %arg11[%swap3A_868, %swap3A_869] {strides = array<i32>} : memref<128x128xf32, #tpu.memory_space<vmem>>, vector<1x16xf32>,
        %swap3A_871 = vector.shape_cast %swap3A_870 : vector<1x16xf32> to vector<16xf32>
        %swap3A_872 = vector.shape_cast %mul3A_867 : vector<16xf32> to vector<1x16xf32>
        tpu.vector_store %arg11[%swap3A_868, %swap3A_869], %swap3A_872 {strides = array<i32>} : memref<128x128xf32, #tpu.memory_space<vmem>>, vector<1x16xf32>,
        %get3A_873 = arith.index_cast %add3A_822 : i32 to index
        %get3A_874 = arith.constant 80 : index
        %get3A_875 = tpu.vector_load %arg11[%get3A_873, %get3A_874] {strides = array<i32>} : memref<128x128xf32, #tpu.memory_space<vmem>>, vector<1x16xf32>,
        %get3A_876 = vector.shape_cast %get3A_875 : vector<1x16xf32> to vector<16xf32>
        %mul3A_877 = arith.mulf %get3A_876, %broadcast_in_dim3A_818 : vector<16xf32>
        %swap3A_878 = arith.index_cast %add3A_822 : i32 to index
        %swap3A_879 = arith.constant 80 : index
        %swap3A_880 = tpu.vector_load %arg11[%swap3A_878, %swap3A_879] {strides = array<i32>} : memref<128x128xf32, #tpu.memory_space<vmem>>, vector<1x16xf32>,
        %swap3A_881 = vector.shape_cast %swap3A_880 : vector<1x16xf32> to vector<16xf32>
        %swap3A_882 = vector.shape_cast %mul3A_877 : vector<16xf32> to vector<1x16xf32>
        tpu.vector_store %arg11[%swap3A_878, %swap3A_879], %swap3A_882 {strides = array<i32>} : memref<128x128xf32, #tpu.memory_space<vmem>>, vector<1x16xf32>,
        %get3A_883 = arith.index_cast %add3A_822 : i32 to index
        %get3A_884 = arith.constant 96 : index
        %get3A_885 = tpu.vector_load %arg11[%get3A_883, %get3A_884] {strides = array<i32>} : memref<128x128xf32, #tpu.memory_space<vmem>>, vector<1x16xf32>,
        %get3A_886 = vector.shape_cast %get3A_885 : vector<1x16xf32> to vector<16xf32>
        %mul3A_887 = arith.mulf %get3A_886, %broadcast_in_dim3A_818 : vector<16xf32>
        %swap3A_888 = arith.index_cast %add3A_822 : i32 to index
        %swap3A_889 = arith.constant 96 : index
        %swap3A_890 = tpu.vector_load %arg11[%swap3A_888, %swap3A_889] {strides = array<i32>} : memref<128x128xf32, #tpu.memory_space<vmem>>, vector<1x16xf32>,
        %swap3A_891 = vector.shape_cast %swap3A_890 : vector<1x16xf32> to vector<16xf32>
        %swap3A_892 = vector.shape_cast %mul3A_887 : vector<16xf32> to vector<1x16xf32>
        tpu.vector_store %arg11[%swap3A_888, %swap3A_889], %swap3A_892 {strides = array<i32>} : memref<128x128xf32, #tpu.memory_space<vmem>>, vector<1x16xf32>,
        %get3A_893 = arith.index_cast %add3A_822 : i32 to index
        %get3A_894 = arith.constant 112 : index
        %get3A_895 = tpu.vector_load %arg11[%get3A_893, %get3A_894] {strides = array<i32>} : memref<128x128xf32, #tpu.memory_space<vmem>>, vector<1x16xf32>,
        %get3A_896 = vector.shape_cast %get3A_895 : vector<1x16xf32> to vector<16xf32>
        %mul3A_897 = arith.mulf %get3A_896, %broadcast_in_dim3A_818 : vector<16xf32>
        %swap3A_898 = arith.index_cast %add3A_822 : i32 to index
        %swap3A_899 = arith.constant 112 : index
        %swap3A_900 = tpu.vector_load %arg11[%swap3A_898, %swap3A_899] {strides = array<i32>} : memref<128x128xf32, #tpu.memory_space<vmem>>, vector<1x16xf32>,
        %swap3A_901 = vector.shape_cast %swap3A_900 : vector<1x16xf32> to vector<16xf32>
        %swap3A_902 = vector.shape_cast %mul3A_897 : vector<16xf32> to vector<1x16xf32>
        tpu.vector_store %arg11[%swap3A_898, %swap3A_899], %swap3A_902 {strides = array<i32>} : memref<128x128xf32, #tpu.memory_space<vmem>>, vector<1x16xf32>,
        %slice3A_903 = vector.extract_strided_slice %get3A_36 {offsets = [10], sizes = [1], strides = [1]} : vector<16xf32> to vector<1xf32>
        %squeeze3A_904 = vector.extract %slice3A_903[0] : f32 from vector<1xf32>
        %broadcast_in_dim3A_905 = vector.broadcast %squeeze3A_904 : f32 to vector<16xf32>
        %mul3A_906 = arith.constant 16 : i32
        %mul3A_907 = arith.muli %scan3A_31, %mul3A_906 : i32
        %add3A_908 = arith.constant 10 : i32
        %add3A_909 = arith.addi %mul3A_907, %add3A_908 : i32
        %get3A_910 = arith.index_cast %add3A_909 : i32 to index
        %get3A_911 = arith.constant 0 : index
        %get3A_912 = tpu.vector_load %arg11[%get3A_910, %get3A_911] {strides = array<i32>} : memref<128x128xf32, #tpu.memory_space<vmem>>, vector<1x16xf32>,
        %get3A_913 = vector.shape_cast %get3A_912 : vector<1x16xf32> to vector<16xf32>
        %mul3A_914 = arith.mulf %get3A_913, %broadcast_in_dim3A_905 : vector<16xf32>
        %swap3A_915 = arith.index_cast %add3A_909 : i32 to index
        %swap3A_916 = arith.constant 0 : index
        %swap3A_917 = tpu.vector_load %arg11[%swap3A_915, %swap3A_916] {strides = array<i32>} : memref<128x128xf32, #tpu.memory_space<vmem>>, vector<1x16xf32>,
        %swap3A_918 = vector.shape_cast %swap3A_917 : vector<1x16xf32> to vector<16xf32>
        %swap3A_919 = vector.shape_cast %mul3A_914 : vector<16xf32> to vector<1x16xf32>
        tpu.vector_store %arg11[%swap3A_915, %swap3A_916], %swap3A_919 {strides = array<i32>} : memref<128x128xf32, #tpu.memory_space<vmem>>, vector<1x16xf32>,
        %get3A_920 = arith.index_cast %add3A_909 : i32 to index
        %get3A_921 = arith.constant 16 : index
        %get3A_922 = tpu.vector_load %arg11[%get3A_920, %get3A_921] {strides = array<i32>} : memref<128x128xf32, #tpu.memory_space<vmem>>, vector<1x16xf32>,
        %get3A_923 = vector.shape_cast %get3A_922 : vector<1x16xf32> to vector<16xf32>
        %mul3A_924 = arith.mulf %get3A_923, %broadcast_in_dim3A_905 : vector<16xf32>
        %swap3A_925 = arith.index_cast %add3A_909 : i32 to index
        %swap3A_926 = arith.constant 16 : index
        %swap3A_927 = tpu.vector_load %arg11[%swap3A_925, %swap3A_926] {strides = array<i32>} : memref<128x128xf32, #tpu.memory_space<vmem>>, vector<1x16xf32>,
        %swap3A_928 = vector.shape_cast %swap3A_927 : vector<1x16xf32> to vector<16xf32>
        %swap3A_929 = vector.shape_cast %mul3A_924 : vector<16xf32> to vector<1x16xf32>
        tpu.vector_store %arg11[%swap3A_925, %swap3A_926], %swap3A_929 {strides = array<i32>} : memref<128x128xf32, #tpu.memory_space<vmem>>, vector<1x16xf32>,
        %get3A_930 = arith.index_cast %add3A_909 : i32 to index
        %get3A_931 = arith.constant 32 : index
        %get3A_932 = tpu.vector_load %arg11[%get3A_930, %get3A_931] {strides = array<i32>} : memref<128x128xf32, #tpu.memory_space<vmem>>, vector<1x16xf32>,
        %get3A_933 = vector.shape_cast %get3A_932 : vector<1x16xf32> to vector<16xf32>
        %mul3A_934 = arith.mulf %get3A_933, %broadcast_in_dim3A_905 : vector<16xf32>
        %swap3A_935 = arith.index_cast %add3A_909 : i32 to index
        %swap3A_936 = arith.constant 32 : index
        %swap3A_937 = tpu.vector_load %arg11[%swap3A_935, %swap3A_936] {strides = array<i32>} : memref<128x128xf32, #tpu.memory_space<vmem>>, vector<1x16xf32>,
        %swap3A_938 = vector.shape_cast %swap3A_937 : vector<1x16xf32> to vector<16xf32>
        %swap3A_939 = vector.shape_cast %mul3A_934 : vector<16xf32> to vector<1x16xf32>
        tpu.vector_store %arg11[%swap3A_935, %swap3A_936], %swap3A_939 {strides = array<i32>} : memref<128x128xf32, #tpu.memory_space<vmem>>, vector<1x16xf32>,
        %get3A_940 = arith.index_cast %add3A_909 : i32 to index
        %get3A_941 = arith.constant 48 : index
        %get3A_942 = tpu.vector_load %arg11[%get3A_940, %get3A_941] {strides = array<i32>} : memref<128x128xf32, #tpu.memory_space<vmem>>, vector<1x16xf32>,
        %get3A_943 = vector.shape_cast %get3A_942 : vector<1x16xf32> to vector<16xf32>
        %mul3A_944 = arith.mulf %get3A_943, %broadcast_in_dim3A_905 : vector<16xf32>
        %swap3A_945 = arith.index_cast %add3A_909 : i32 to index
        %swap3A_946 = arith.constant 48 : index
        %swap3A_947 = tpu.vector_load %arg11[%swap3A_945, %swap3A_946] {strides = array<i32>} : memref<128x128xf32, #tpu.memory_space<vmem>>, vector<1x16xf32>,
        %swap3A_948 = vector.shape_cast %swap3A_947 : vector<1x16xf32> to vector<16xf32>
        %swap3A_949 = vector.shape_cast %mul3A_944 : vector<16xf32> to vector<1x16xf32>
        tpu.vector_store %arg11[%swap3A_945, %swap3A_946], %swap3A_949 {strides = array<i32>} : memref<128x128xf32, #tpu.memory_space<vmem>>, vector<1x16xf32>,
        %get3A_950 = arith.index_cast %add3A_909 : i32 to index
        %get3A_951 = arith.constant 64 : index
        %get3A_952 = tpu.vector_load %arg11[%get3A_950, %get3A_951] {strides = array<i32>} : memref<128x128xf32, #tpu.memory_space<vmem>>, vector<1x16xf32>,
        %get3A_953 = vector.shape_cast %get3A_952 : vector<1x16xf32> to vector<16xf32>
        %mul3A_954 = arith.mulf %get3A_953, %broadcast_in_dim3A_905 : vector<16xf32>
        %swap3A_955 = arith.index_cast %add3A_909 : i32 to index
        %swap3A_956 = arith.constant 64 : index
        %swap3A_957 = tpu.vector_load %arg11[%swap3A_955, %swap3A_956] {strides = array<i32>} : memref<128x128xf32, #tpu.memory_space<vmem>>, vector<1x16xf32>,
        %swap3A_958 = vector.shape_cast %swap3A_957 : vector<1x16xf32> to vector<16xf32>
        %swap3A_959 = vector.shape_cast %mul3A_954 : vector<16xf32> to vector<1x16xf32>
        tpu.vector_store %arg11[%swap3A_955, %swap3A_956], %swap3A_959 {strides = array<i32>} : memref<128x128xf32, #tpu.memory_space<vmem>>, vector<1x16xf32>,
        %get3A_960 = arith.index_cast %add3A_909 : i32 to index
        %get3A_961 = arith.constant 80 : index
        %get3A_962 = tpu.vector_load %arg11[%get3A_960, %get3A_961] {strides = array<i32>} : memref<128x128xf32, #tpu.memory_space<vmem>>, vector<1x16xf32>,
        %get3A_963 = vector.shape_cast %get3A_962 : vector<1x16xf32> to vector<16xf32>
        %mul3A_964 = arith.mulf %get3A_963, %broadcast_in_dim3A_905 : vector<16xf32>
        %swap3A_965 = arith.index_cast %add3A_909 : i32 to index
        %swap3A_966 = arith.constant 80 : index
        %swap3A_967 = tpu.vector_load %arg11[%swap3A_965, %swap3A_966] {strides = array<i32>} : memref<128x128xf32, #tpu.memory_space<vmem>>, vector<1x16xf32>,
        %swap3A_968 = vector.shape_cast %swap3A_967 : vector<1x16xf32> to vector<16xf32>
        %swap3A_969 = vector.shape_cast %mul3A_964 : vector<16xf32> to vector<1x16xf32>
        tpu.vector_store %arg11[%swap3A_965, %swap3A_966], %swap3A_969 {strides = array<i32>} : memref<128x128xf32, #tpu.memory_space<vmem>>, vector<1x16xf32>,
        %get3A_970 = arith.index_cast %add3A_909 : i32 to index
        %get3A_971 = arith.constant 96 : index
        %get3A_972 = tpu.vector_load %arg11[%get3A_970, %get3A_971] {strides = array<i32>} : memref<128x128xf32, #tpu.memory_space<vmem>>, vector<1x16xf32>,
        %get3A_973 = vector.shape_cast %get3A_972 : vector<1x16xf32> to vector<16xf32>
        %mul3A_974 = arith.mulf %get3A_973, %broadcast_in_dim3A_905 : vector<16xf32>
        %swap3A_975 = arith.index_cast %add3A_909 : i32 to index
        %swap3A_976 = arith.constant 96 : index
        %swap3A_977 = tpu.vector_load %arg11[%swap3A_975, %swap3A_976] {strides = array<i32>} : memref<128x128xf32, #tpu.memory_space<vmem>>, vector<1x16xf32>,
        %swap3A_978 = vector.shape_cast %swap3A_977 : vector<1x16xf32> to vector<16xf32>
        %swap3A_979 = vector.shape_cast %mul3A_974 : vector<16xf32> to vector<1x16xf32>
        tpu.vector_store %arg11[%swap3A_975, %swap3A_976], %swap3A_979 {strides = array<i32>} : memref<128x128xf32, #tpu.memory_space<vmem>>, vector<1x16xf32>,
        %get3A_980 = arith.index_cast %add3A_909 : i32 to index
        %get3A_981 = arith.constant 112 : index
        %get3A_982 = tpu.vector_load %arg11[%get3A_980, %get3A_981] {strides = array<i32>} : memref<128x128xf32, #tpu.memory_space<vmem>>, vector<1x16xf32>,
        %get3A_983 = vector.shape_cast %get3A_982 : vector<1x16xf32> to vector<16xf32>
        %mul3A_984 = arith.mulf %get3A_983, %broadcast_in_dim3A_905 : vector<16xf32>
        %swap3A_985 = arith.index_cast %add3A_909 : i32 to index
        %swap3A_986 = arith.constant 112 : index
        %swap3A_987 = tpu.vector_load %arg11[%swap3A_985, %swap3A_986] {strides = array<i32>} : memref<128x128xf32, #tpu.memory_space<vmem>>, vector<1x16xf32>,
        %swap3A_988 = vector.shape_cast %swap3A_987 : vector<1x16xf32> to vector<16xf32>
        %swap3A_989 = vector.shape_cast %mul3A_984 : vector<16xf32> to vector<1x16xf32>
        tpu.vector_store %arg11[%swap3A_985, %swap3A_986], %swap3A_989 {strides = array<i32>} : memref<128x128xf32, #tpu.memory_space<vmem>>, vector<1x16xf32>,
        %slice3A_990 = vector.extract_strided_slice %get3A_36 {offsets = [11], sizes = [1], strides = [1]} : vector<16xf32> to vector<1xf32>
        %squeeze3A_991 = vector.extract %slice3A_990[0] : f32 from vector<1xf32>
        %broadcast_in_dim3A_992 = vector.broadcast %squeeze3A_991 : f32 to vector<16xf32>
        %mul3A_993 = arith.constant 16 : i32
        %mul3A_994 = arith.muli %scan3A_31, %mul3A_993 : i32
        %add3A_995 = arith.constant 11 : i32
        %add3A_996 = arith.addi %mul3A_994, %add3A_995 : i32
        %get3A_997 = arith.index_cast %add3A_996 : i32 to index
        %get3A_998 = arith.constant 0 : index
        %get3A_999 = tpu.vector_load %arg11[%get3A_997, %get3A_998] {strides = array<i32>} : memref<128x128xf32, #tpu.memory_space<vmem>>, vector<1x16xf32>,
        %get3A_1000 = vector.shape_cast %get3A_999 : vector<1x16xf32> to vector<16xf32>
        %mul3A_1001 = arith.mulf %get3A_1000, %broadcast_in_dim3A_992 : vector<16xf32>
        %swap3A_1002 = arith.index_cast %add3A_996 : i32 to index
        %swap3A_1003 = arith.constant 0 : index
        %swap3A_1004 = tpu.vector_load %arg11[%swap3A_1002, %swap3A_1003] {strides = array<i32>} : memref<128x128xf32, #tpu.memory_space<vmem>>, vector<1x16xf32>,
        %swap3A_1005 = vector.shape_cast %swap3A_1004 : vector<1x16xf32> to vector<16xf32>
        %swap3A_1006 = vector.shape_cast %mul3A_1001 : vector<16xf32> to vector<1x16xf32>
        tpu.vector_store %arg11[%swap3A_1002, %swap3A_1003], %swap3A_1006 {strides = array<i32>} : memref<128x128xf32, #tpu.memory_space<vmem>>, vector<1x16xf32>,
        %get3A_1007 = arith.index_cast %add3A_996 : i32 to index
        %get3A_1008 = arith.constant 16 : index
        %get3A_1009 = tpu.vector_load %arg11[%get3A_1007, %get3A_1008] {strides = array<i32>} : memref<128x128xf32, #tpu.memory_space<vmem>>, vector<1x16xf32>,
        %get3A_1010 = vector.shape_cast %get3A_1009 : vector<1x16xf32> to vector<16xf32>
        %mul3A_1011 = arith.mulf %get3A_1010, %broadcast_in_dim3A_992 : vector<16xf32>
        %swap3A_1012 = arith.index_cast %add3A_996 : i32 to index
        %swap3A_1013 = arith.constant 16 : index
        %swap3A_1014 = tpu.vector_load %arg11[%swap3A_1012, %swap3A_1013] {strides = array<i32>} : memref<128x128xf32, #tpu.memory_space<vmem>>, vector<1x16xf32>,
        %swap3A_1015 = vector.shape_cast %swap3A_1014 : vector<1x16xf32> to vector<16xf32>
        %swap3A_1016 = vector.shape_cast %mul3A_1011 : vector<16xf32> to vector<1x16xf32>
        tpu.vector_store %arg11[%swap3A_1012, %swap3A_1013], %swap3A_1016 {strides = array<i32>} : memref<128x128xf32, #tpu.memory_space<vmem>>, vector<1x16xf32>,
        %get3A_1017 = arith.index_cast %add3A_996 : i32 to index
        %get3A_1018 = arith.constant 32 : index
        %get3A_1019 = tpu.vector_load %arg11[%get3A_1017, %get3A_1018] {strides = array<i32>} : memref<128x128xf32, #tpu.memory_space<vmem>>, vector<1x16xf32>,
        %get3A_1020 = vector.shape_cast %get3A_1019 : vector<1x16xf32> to vector<16xf32>
        %mul3A_1021 = arith.mulf %get3A_1020, %broadcast_in_dim3A_992 : vector<16xf32>
        %swap3A_1022 = arith.index_cast %add3A_996 : i32 to index
        %swap3A_1023 = arith.constant 32 : index
        %swap3A_1024 = tpu.vector_load %arg11[%swap3A_1022, %swap3A_1023] {strides = array<i32>} : memref<128x128xf32, #tpu.memory_space<vmem>>, vector<1x16xf32>,
        %swap3A_1025 = vector.shape_cast %swap3A_1024 : vector<1x16xf32> to vector<16xf32>
        %swap3A_1026 = vector.shape_cast %mul3A_1021 : vector<16xf32> to vector<1x16xf32>
        tpu.vector_store %arg11[%swap3A_1022, %swap3A_1023], %swap3A_1026 {strides = array<i32>} : memref<128x128xf32, #tpu.memory_space<vmem>>, vector<1x16xf32>,
        %get3A_1027 = arith.index_cast %add3A_996 : i32 to index
        %get3A_1028 = arith.constant 48 : index
        %get3A_1029 = tpu.vector_load %arg11[%get3A_1027, %get3A_1028] {strides = array<i32>} : memref<128x128xf32, #tpu.memory_space<vmem>>, vector<1x16xf32>,
        %get3A_1030 = vector.shape_cast %get3A_1029 : vector<1x16xf32> to vector<16xf32>
        %mul3A_1031 = arith.mulf %get3A_1030, %broadcast_in_dim3A_992 : vector<16xf32>
        %swap3A_1032 = arith.index_cast %add3A_996 : i32 to index
        %swap3A_1033 = arith.constant 48 : index
        %swap3A_1034 = tpu.vector_load %arg11[%swap3A_1032, %swap3A_1033] {strides = array<i32>} : memref<128x128xf32, #tpu.memory_space<vmem>>, vector<1x16xf32>,
        %swap3A_1035 = vector.shape_cast %swap3A_1034 : vector<1x16xf32> to vector<16xf32>
        %swap3A_1036 = vector.shape_cast %mul3A_1031 : vector<16xf32> to vector<1x16xf32>
        tpu.vector_store %arg11[%swap3A_1032, %swap3A_1033], %swap3A_1036 {strides = array<i32>} : memref<128x128xf32, #tpu.memory_space<vmem>>, vector<1x16xf32>,
        %get3A_1037 = arith.index_cast %add3A_996 : i32 to index
        %get3A_1038 = arith.constant 64 : index
        %get3A_1039 = tpu.vector_load %arg11[%get3A_1037, %get3A_1038] {strides = array<i32>} : memref<128x128xf32, #tpu.memory_space<vmem>>, vector<1x16xf32>,
        %get3A_1040 = vector.shape_cast %get3A_1039 : vector<1x16xf32> to vector<16xf32>
        %mul3A_1041 = arith.mulf %get3A_1040, %broadcast_in_dim3A_992 : vector<16xf32>
        %swap3A_1042 = arith.index_cast %add3A_996 : i32 to index
        %swap3A_1043 = arith.constant 64 : index
        %swap3A_1044 = tpu.vector_load %arg11[%swap3A_1042, %swap3A_1043] {strides = array<i32>} : memref<128x128xf32, #tpu.memory_space<vmem>>, vector<1x16xf32>,
        %swap3A_1045 = vector.shape_cast %swap3A_1044 : vector<1x16xf32> to vector<16xf32>
        %swap3A_1046 = vector.shape_cast %mul3A_1041 : vector<16xf32> to vector<1x16xf32>
        tpu.vector_store %arg11[%swap3A_1042, %swap3A_1043], %swap3A_1046 {strides = array<i32>} : memref<128x128xf32, #tpu.memory_space<vmem>>, vector<1x16xf32>,
        %get3A_1047 = arith.index_cast %add3A_996 : i32 to index
        %get3A_1048 = arith.constant 80 : index
        %get3A_1049 = tpu.vector_load %arg11[%get3A_1047, %get3A_1048] {strides = array<i32>} : memref<128x128xf32, #tpu.memory_space<vmem>>, vector<1x16xf32>,
        %get3A_1050 = vector.shape_cast %get3A_1049 : vector<1x16xf32> to vector<16xf32>
        %mul3A_1051 = arith.mulf %get3A_1050, %broadcast_in_dim3A_992 : vector<16xf32>
        %swap3A_1052 = arith.index_cast %add3A_996 : i32 to index
        %swap3A_1053 = arith.constant 80 : index
        %swap3A_1054 = tpu.vector_load %arg11[%swap3A_1052, %swap3A_1053] {strides = array<i32>} : memref<128x128xf32, #tpu.memory_space<vmem>>, vector<1x16xf32>,
        %swap3A_1055 = vector.shape_cast %swap3A_1054 : vector<1x16xf32> to vector<16xf32>
        %swap3A_1056 = vector.shape_cast %mul3A_1051 : vector<16xf32> to vector<1x16xf32>
        tpu.vector_store %arg11[%swap3A_1052, %swap3A_1053], %swap3A_1056 {strides = array<i32>} : memref<128x128xf32, #tpu.memory_space<vmem>>, vector<1x16xf32>,
        %get3A_1057 = arith.index_cast %add3A_996 : i32 to index
        %get3A_1058 = arith.constant 96 : index
        %get3A_1059 = tpu.vector_load %arg11[%get3A_1057, %get3A_1058] {strides = array<i32>} : memref<128x128xf32, #tpu.memory_space<vmem>>, vector<1x16xf32>,
        %get3A_1060 = vector.shape_cast %get3A_1059 : vector<1x16xf32> to vector<16xf32>
        %mul3A_1061 = arith.mulf %get3A_1060, %broadcast_in_dim3A_992 : vector<16xf32>
        %swap3A_1062 = arith.index_cast %add3A_996 : i32 to index
        %swap3A_1063 = arith.constant 96 : index
        %swap3A_1064 = tpu.vector_load %arg11[%swap3A_1062, %swap3A_1063] {strides = array<i32>} : memref<128x128xf32, #tpu.memory_space<vmem>>, vector<1x16xf32>,
        %swap3A_1065 = vector.shape_cast %swap3A_1064 : vector<1x16xf32> to vector<16xf32>
        %swap3A_1066 = vector.shape_cast %mul3A_1061 : vector<16xf32> to vector<1x16xf32>
        tpu.vector_store %arg11[%swap3A_1062, %swap3A_1063], %swap3A_1066 {strides = array<i32>} : memref<128x128xf32, #tpu.memory_space<vmem>>, vector<1x16xf32>,
        %get3A_1067 = arith.index_cast %add3A_996 : i32 to index
        %get3A_1068 = arith.constant 112 : index
        %get3A_1069 = tpu.vector_load %arg11[%get3A_1067, %get3A_1068] {strides = array<i32>} : memref<128x128xf32, #tpu.memory_space<vmem>>, vector<1x16xf32>,
        %get3A_1070 = vector.shape_cast %get3A_1069 : vector<1x16xf32> to vector<16xf32>
        %mul3A_1071 = arith.mulf %get3A_1070, %broadcast_in_dim3A_992 : vector<16xf32>
        %swap3A_1072 = arith.index_cast %add3A_996 : i32 to index
        %swap3A_1073 = arith.constant 112 : index
        %swap3A_1074 = tpu.vector_load %arg11[%swap3A_1072, %swap3A_1073] {strides = array<i32>} : memref<128x128xf32, #tpu.memory_space<vmem>>, vector<1x16xf32>,
        %swap3A_1075 = vector.shape_cast %swap3A_1074 : vector<1x16xf32> to vector<16xf32>
        %swap3A_1076 = vector.shape_cast %mul3A_1071 : vector<16xf32> to vector<1x16xf32>
        tpu.vector_store %arg11[%swap3A_1072, %swap3A_1073], %swap3A_1076 {strides = array<i32>} : memref<128x128xf32, #tpu.memory_space<vmem>>, vector<1x16xf32>,
        %slice3A_1077 = vector.extract_strided_slice %get3A_36 {offsets = [12], sizes = [1], strides = [1]} : vector<16xf32> to vector<1xf32>
        %squeeze3A_1078 = vector.extract %slice3A_1077[0] : f32 from vector<1xf32>
        %broadcast_in_dim3A_1079 = vector.broadcast %squeeze3A_1078 : f32 to vector<16xf32>
        %mul3A_1080 = arith.constant 16 : i32
        %mul3A_1081 = arith.muli %scan3A_31, %mul3A_1080 : i32
        %add3A_1082 = arith.constant 12 : i32
        %add3A_1083 = arith.addi %mul3A_1081, %add3A_1082 : i32
        %get3A_1084 = arith.index_cast %add3A_1083 : i32 to index
        %get3A_1085 = arith.constant 0 : index
        %get3A_1086 = tpu.vector_load %arg11[%get3A_1084, %get3A_1085] {strides = array<i32>} : memref<128x128xf32, #tpu.memory_space<vmem>>, vector<1x16xf32>,
        %get3A_1087 = vector.shape_cast %get3A_1086 : vector<1x16xf32> to vector<16xf32>
        %mul3A_1088 = arith.mulf %get3A_1087, %broadcast_in_dim3A_1079 : vector<16xf32>
        %swap3A_1089 = arith.index_cast %add3A_1083 : i32 to index
        %swap3A_1090 = arith.constant 0 : index
        %swap3A_1091 = tpu.vector_load %arg11[%swap3A_1089, %swap3A_1090] {strides = array<i32>} : memref<128x128xf32, #tpu.memory_space<vmem>>, vector<1x16xf32>,
        %swap3A_1092 = vector.shape_cast %swap3A_1091 : vector<1x16xf32> to vector<16xf32>
        %swap3A_1093 = vector.shape_cast %mul3A_1088 : vector<16xf32> to vector<1x16xf32>
        tpu.vector_store %arg11[%swap3A_1089, %swap3A_1090], %swap3A_1093 {strides = array<i32>} : memref<128x128xf32, #tpu.memory_space<vmem>>, vector<1x16xf32>,
        %get3A_1094 = arith.index_cast %add3A_1083 : i32 to index
        %get3A_1095 = arith.constant 16 : index
        %get3A_1096 = tpu.vector_load %arg11[%get3A_1094, %get3A_1095] {strides = array<i32>} : memref<128x128xf32, #tpu.memory_space<vmem>>, vector<1x16xf32>,
        %get3A_1097 = vector.shape_cast %get3A_1096 : vector<1x16xf32> to vector<16xf32>
        %mul3A_1098 = arith.mulf %get3A_1097, %broadcast_in_dim3A_1079 : vector<16xf32>
        %swap3A_1099 = arith.index_cast %add3A_1083 : i32 to index
        %swap3A_1100 = arith.constant 16 : index
        %swap3A_1101 = tpu.vector_load %arg11[%swap3A_1099, %swap3A_1100] {strides = array<i32>} : memref<128x128xf32, #tpu.memory_space<vmem>>, vector<1x16xf32>,
        %swap3A_1102 = vector.shape_cast %swap3A_1101 : vector<1x16xf32> to vector<16xf32>
        %swap3A_1103 = vector.shape_cast %mul3A_1098 : vector<16xf32> to vector<1x16xf32>
        tpu.vector_store %arg11[%swap3A_1099, %swap3A_1100], %swap3A_1103 {strides = array<i32>} : memref<128x128xf32, #tpu.memory_space<vmem>>, vector<1x16xf32>,
        %get3A_1104 = arith.index_cast %add3A_1083 : i32 to index
        %get3A_1105 = arith.constant 32 : index
        %get3A_1106 = tpu.vector_load %arg11[%get3A_1104, %get3A_1105] {strides = array<i32>} : memref<128x128xf32, #tpu.memory_space<vmem>>, vector<1x16xf32>,
        %get3A_1107 = vector.shape_cast %get3A_1106 : vector<1x16xf32> to vector<16xf32>
        %mul3A_1108 = arith.mulf %get3A_1107, %broadcast_in_dim3A_1079 : vector<16xf32>
        %swap3A_1109 = arith.index_cast %add3A_1083 : i32 to index
        %swap3A_1110 = arith.constant 32 : index
        %swap3A_1111 = tpu.vector_load %arg11[%swap3A_1109, %swap3A_1110] {strides = array<i32>} : memref<128x128xf32, #tpu.memory_space<vmem>>, vector<1x16xf32>,
        %swap3A_1112 = vector.shape_cast %swap3A_1111 : vector<1x16xf32> to vector<16xf32>
        %swap3A_1113 = vector.shape_cast %mul3A_1108 : vector<16xf32> to vector<1x16xf32>
        tpu.vector_store %arg11[%swap3A_1109, %swap3A_1110], %swap3A_1113 {strides = array<i32>} : memref<128x128xf32, #tpu.memory_space<vmem>>, vector<1x16xf32>,
        %get3A_1114 = arith.index_cast %add3A_1083 : i32 to index
        %get3A_1115 = arith.constant 48 : index
        %get3A_1116 = tpu.vector_load %arg11[%get3A_1114, %get3A_1115] {strides = array<i32>} : memref<128x128xf32, #tpu.memory_space<vmem>>, vector<1x16xf32>,
        %get3A_1117 = vector.shape_cast %get3A_1116 : vector<1x16xf32> to vector<16xf32>
        %mul3A_1118 = arith.mulf %get3A_1117, %broadcast_in_dim3A_1079 : vector<16xf32>
        %swap3A_1119 = arith.index_cast %add3A_1083 : i32 to index
        %swap3A_1120 = arith.constant 48 : index
        %swap3A_1121 = tpu.vector_load %arg11[%swap3A_1119, %swap3A_1120] {strides = array<i32>} : memref<128x128xf32, #tpu.memory_space<vmem>>, vector<1x16xf32>,
        %swap3A_1122 = vector.shape_cast %swap3A_1121 : vector<1x16xf32> to vector<16xf32>
        %swap3A_1123 = vector.shape_cast %mul3A_1118 : vector<16xf32> to vector<1x16xf32>
        tpu.vector_store %arg11[%swap3A_1119, %swap3A_1120], %swap3A_1123 {strides = array<i32>} : memref<128x128xf32, #tpu.memory_space<vmem>>, vector<1x16xf32>,
        %get3A_1124 = arith.index_cast %add3A_1083 : i32 to index
        %get3A_1125 = arith.constant 64 : index
        %get3A_1126 = tpu.vector_load %arg11[%get3A_1124, %get3A_1125] {strides = array<i32>} : memref<128x128xf32, #tpu.memory_space<vmem>>, vector<1x16xf32>,
        %get3A_1127 = vector.shape_cast %get3A_1126 : vector<1x16xf32> to vector<16xf32>
        %mul3A_1128 = arith.mulf %get3A_1127, %broadcast_in_dim3A_1079 : vector<16xf32>
        %swap3A_1129 = arith.index_cast %add3A_1083 : i32 to index
        %swap3A_1130 = arith.constant 64 : index
        %swap3A_1131 = tpu.vector_load %arg11[%swap3A_1129, %swap3A_1130] {strides = array<i32>} : memref<128x128xf32, #tpu.memory_space<vmem>>, vector<1x16xf32>,
        %swap3A_1132 = vector.shape_cast %swap3A_1131 : vector<1x16xf32> to vector<16xf32>
        %swap3A_1133 = vector.shape_cast %mul3A_1128 : vector<16xf32> to vector<1x16xf32>
        tpu.vector_store %arg11[%swap3A_1129, %swap3A_1130], %swap3A_1133 {strides = array<i32>} : memref<128x128xf32, #tpu.memory_space<vmem>>, vector<1x16xf32>,
        %get3A_1134 = arith.index_cast %add3A_1083 : i32 to index
        %get3A_1135 = arith.constant 80 : index
        %get3A_1136 = tpu.vector_load %arg11[%get3A_1134, %get3A_1135] {strides = array<i32>} : memref<128x128xf32, #tpu.memory_space<vmem>>, vector<1x16xf32>,
        %get3A_1137 = vector.shape_cast %get3A_1136 : vector<1x16xf32> to vector<16xf32>
        %mul3A_1138 = arith.mulf %get3A_1137, %broadcast_in_dim3A_1079 : vector<16xf32>
        %swap3A_1139 = arith.index_cast %add3A_1083 : i32 to index
        %swap3A_1140 = arith.constant 80 : index
        %swap3A_1141 = tpu.vector_load %arg11[%swap3A_1139, %swap3A_1140] {strides = array<i32>} : memref<128x128xf32, #tpu.memory_space<vmem>>, vector<1x16xf32>,
        %swap3A_1142 = vector.shape_cast %swap3A_1141 : vector<1x16xf32> to vector<16xf32>
        %swap3A_1143 = vector.shape_cast %mul3A_1138 : vector<16xf32> to vector<1x16xf32>
        tpu.vector_store %arg11[%swap3A_1139, %swap3A_1140], %swap3A_1143 {strides = array<i32>} : memref<128x128xf32, #tpu.memory_space<vmem>>, vector<1x16xf32>,
        %get3A_1144 = arith.index_cast %add3A_1083 : i32 to index
        %get3A_1145 = arith.constant 96 : index
        %get3A_1146 = tpu.vector_load %arg11[%get3A_1144, %get3A_1145] {strides = array<i32>} : memref<128x128xf32, #tpu.memory_space<vmem>>, vector<1x16xf32>,
        %get3A_1147 = vector.shape_cast %get3A_1146 : vector<1x16xf32> to vector<16xf32>
        %mul3A_1148 = arith.mulf %get3A_1147, %broadcast_in_dim3A_1079 : vector<16xf32>
        %swap3A_1149 = arith.index_cast %add3A_1083 : i32 to index
        %swap3A_1150 = arith.constant 96 : index
        %swap3A_1151 = tpu.vector_load %arg11[%swap3A_1149, %swap3A_1150] {strides = array<i32>} : memref<128x128xf32, #tpu.memory_space<vmem>>, vector<1x16xf32>,
        %swap3A_1152 = vector.shape_cast %swap3A_1151 : vector<1x16xf32> to vector<16xf32>
        %swap3A_1153 = vector.shape_cast %mul3A_1148 : vector<16xf32> to vector<1x16xf32>
        tpu.vector_store %arg11[%swap3A_1149, %swap3A_1150], %swap3A_1153 {strides = array<i32>} : memref<128x128xf32, #tpu.memory_space<vmem>>, vector<1x16xf32>,
        %get3A_1154 = arith.index_cast %add3A_1083 : i32 to index
        %get3A_1155 = arith.constant 112 : index
        %get3A_1156 = tpu.vector_load %arg11[%get3A_1154, %get3A_1155] {strides = array<i32>} : memref<128x128xf32, #tpu.memory_space<vmem>>, vector<1x16xf32>,
        %get3A_1157 = vector.shape_cast %get3A_1156 : vector<1x16xf32> to vector<16xf32>
        %mul3A_1158 = arith.mulf %get3A_1157, %broadcast_in_dim3A_1079 : vector<16xf32>
        %swap3A_1159 = arith.index_cast %add3A_1083 : i32 to index
        %swap3A_1160 = arith.constant 112 : index
        %swap3A_1161 = tpu.vector_load %arg11[%swap3A_1159, %swap3A_1160] {strides = array<i32>} : memref<128x128xf32, #tpu.memory_space<vmem>>, vector<1x16xf32>,
        %swap3A_1162 = vector.shape_cast %swap3A_1161 : vector<1x16xf32> to vector<16xf32>
        %swap3A_1163 = vector.shape_cast %mul3A_1158 : vector<16xf32> to vector<1x16xf32>
        tpu.vector_store %arg11[%swap3A_1159, %swap3A_1160], %swap3A_1163 {strides = array<i32>} : memref<128x128xf32, #tpu.memory_space<vmem>>, vector<1x16xf32>,
        %slice3A_1164 = vector.extract_strided_slice %get3A_36 {offsets = [13], sizes = [1], strides = [1]} : vector<16xf32> to vector<1xf32>
        %squeeze3A_1165 = vector.extract %slice3A_1164[0] : f32 from vector<1xf32>
        %broadcast_in_dim3A_1166 = vector.broadcast %squeeze3A_1165 : f32 to vector<16xf32>
        %mul3A_1167 = arith.constant 16 : i32
        %mul3A_1168 = arith.muli %scan3A_31, %mul3A_1167 : i32
        %add3A_1169 = arith.constant 13 : i32
        %add3A_1170 = arith.addi %mul3A_1168, %add3A_1169 : i32
        %get3A_1171 = arith.index_cast %add3A_1170 : i32 to index
        %get3A_1172 = arith.constant 0 : index
        %get3A_1173 = tpu.vector_load %arg11[%get3A_1171, %get3A_1172] {strides = array<i32>} : memref<128x128xf32, #tpu.memory_space<vmem>>, vector<1x16xf32>,
        %get3A_1174 = vector.shape_cast %get3A_1173 : vector<1x16xf32> to vector<16xf32>
        %mul3A_1175 = arith.mulf %get3A_1174, %broadcast_in_dim3A_1166 : vector<16xf32>
        %swap3A_1176 = arith.index_cast %add3A_1170 : i32 to index
        %swap3A_1177 = arith.constant 0 : index
        %swap3A_1178 = tpu.vector_load %arg11[%swap3A_1176, %swap3A_1177] {strides = array<i32>} : memref<128x128xf32, #tpu.memory_space<vmem>>, vector<1x16xf32>,
        %swap3A_1179 = vector.shape_cast %swap3A_1178 : vector<1x16xf32> to vector<16xf32>
        %swap3A_1180 = vector.shape_cast %mul3A_1175 : vector<16xf32> to vector<1x16xf32>
        tpu.vector_store %arg11[%swap3A_1176, %swap3A_1177], %swap3A_1180 {strides = array<i32>} : memref<128x128xf32, #tpu.memory_space<vmem>>, vector<1x16xf32>,
        %get3A_1181 = arith.index_cast %add3A_1170 : i32 to index
        %get3A_1182 = arith.constant 16 : index
        %get3A_1183 = tpu.vector_load %arg11[%get3A_1181, %get3A_1182] {strides = array<i32>} : memref<128x128xf32, #tpu.memory_space<vmem>>, vector<1x16xf32>,
        %get3A_1184 = vector.shape_cast %get3A_1183 : vector<1x16xf32> to vector<16xf32>
        %mul3A_1185 = arith.mulf %get3A_1184, %broadcast_in_dim3A_1166 : vector<16xf32>
        %swap3A_1186 = arith.index_cast %add3A_1170 : i32 to index
        %swap3A_1187 = arith.constant 16 : index
        %swap3A_1188 = tpu.vector_load %arg11[%swap3A_1186, %swap3A_1187] {strides = array<i32>} : memref<128x128xf32, #tpu.memory_space<vmem>>, vector<1x16xf32>,
        %swap3A_1189 = vector.shape_cast %swap3A_1188 : vector<1x16xf32> to vector<16xf32>
        %swap3A_1190 = vector.shape_cast %mul3A_1185 : vector<16xf32> to vector<1x16xf32>
        tpu.vector_store %arg11[%swap3A_1186, %swap3A_1187], %swap3A_1190 {strides = array<i32>} : memref<128x128xf32, #tpu.memory_space<vmem>>, vector<1x16xf32>,
        %get3A_1191 = arith.index_cast %add3A_1170 : i32 to index
        %get3A_1192 = arith.constant 32 : index
        %get3A_1193 = tpu.vector_load %arg11[%get3A_1191, %get3A_1192] {strides = array<i32>} : memref<128x128xf32, #tpu.memory_space<vmem>>, vector<1x16xf32>,
        %get3A_1194 = vector.shape_cast %get3A_1193 : vector<1x16xf32> to vector<16xf32>
        %mul3A_1195 = arith.mulf %get3A_1194, %broadcast_in_dim3A_1166 : vector<16xf32>
        %swap3A_1196 = arith.index_cast %add3A_1170 : i32 to index
        %swap3A_1197 = arith.constant 32 : index
        %swap3A_1198 = tpu.vector_load %arg11[%swap3A_1196, %swap3A_1197] {strides = array<i32>} : memref<128x128xf32, #tpu.memory_space<vmem>>, vector<1x16xf32>,
        %swap3A_1199 = vector.shape_cast %swap3A_1198 : vector<1x16xf32> to vector<16xf32>
        %swap3A_1200 = vector.shape_cast %mul3A_1195 : vector<16xf32> to vector<1x16xf32>
        tpu.vector_store %arg11[%swap3A_1196, %swap3A_1197], %swap3A_1200 {strides = array<i32>} : memref<128x128xf32, #tpu.memory_space<vmem>>, vector<1x16xf32>,
        %get3A_1201 = arith.index_cast %add3A_1170 : i32 to index
        %get3A_1202 = arith.constant 48 : index
        %get3A_1203 = tpu.vector_load %arg11[%get3A_1201, %get3A_1202] {strides = array<i32>} : memref<128x128xf32, #tpu.memory_space<vmem>>, vector<1x16xf32>,
        %get3A_1204 = vector.shape_cast %get3A_1203 : vector<1x16xf32> to vector<16xf32>
        %mul3A_1205 = arith.mulf %get3A_1204, %broadcast_in_dim3A_1166 : vector<16xf32>
        %swap3A_1206 = arith.index_cast %add3A_1170 : i32 to index
        %swap3A_1207 = arith.constant 48 : index
        %swap3A_1208 = tpu.vector_load %arg11[%swap3A_1206, %swap3A_1207] {strides = array<i32>} : memref<128x128xf32, #tpu.memory_space<vmem>>, vector<1x16xf32>,
        %swap3A_1209 = vector.shape_cast %swap3A_1208 : vector<1x16xf32> to vector<16xf32>
        %swap3A_1210 = vector.shape_cast %mul3A_1205 : vector<16xf32> to vector<1x16xf32>
        tpu.vector_store %arg11[%swap3A_1206, %swap3A_1207], %swap3A_1210 {strides = array<i32>} : memref<128x128xf32, #tpu.memory_space<vmem>>, vector<1x16xf32>,
        %get3A_1211 = arith.index_cast %add3A_1170 : i32 to index
        %get3A_1212 = arith.constant 64 : index
        %get3A_1213 = tpu.vector_load %arg11[%get3A_1211, %get3A_1212] {strides = array<i32>} : memref<128x128xf32, #tpu.memory_space<vmem>>, vector<1x16xf32>,
        %get3A_1214 = vector.shape_cast %get3A_1213 : vector<1x16xf32> to vector<16xf32>
        %mul3A_1215 = arith.mulf %get3A_1214, %broadcast_in_dim3A_1166 : vector<16xf32>
        %swap3A_1216 = arith.index_cast %add3A_1170 : i32 to index
        %swap3A_1217 = arith.constant 64 : index
        %swap3A_1218 = tpu.vector_load %arg11[%swap3A_1216, %swap3A_1217] {strides = array<i32>} : memref<128x128xf32, #tpu.memory_space<vmem>>, vector<1x16xf32>,
        %swap3A_1219 = vector.shape_cast %swap3A_1218 : vector<1x16xf32> to vector<16xf32>
        %swap3A_1220 = vector.shape_cast %mul3A_1215 : vector<16xf32> to vector<1x16xf32>
        tpu.vector_store %arg11[%swap3A_1216, %swap3A_1217], %swap3A_1220 {strides = array<i32>} : memref<128x128xf32, #tpu.memory_space<vmem>>, vector<1x16xf32>,
        %get3A_1221 = arith.index_cast %add3A_1170 : i32 to index
        %get3A_1222 = arith.constant 80 : index
        %get3A_1223 = tpu.vector_load %arg11[%get3A_1221, %get3A_1222] {strides = array<i32>} : memref<128x128xf32, #tpu.memory_space<vmem>>, vector<1x16xf32>,
        %get3A_1224 = vector.shape_cast %get3A_1223 : vector<1x16xf32> to vector<16xf32>
        %mul3A_1225 = arith.mulf %get3A_1224, %broadcast_in_dim3A_1166 : vector<16xf32>
        %swap3A_1226 = arith.index_cast %add3A_1170 : i32 to index
        %swap3A_1227 = arith.constant 80 : index
        %swap3A_1228 = tpu.vector_load %arg11[%swap3A_1226, %swap3A_1227] {strides = array<i32>} : memref<128x128xf32, #tpu.memory_space<vmem>>, vector<1x16xf32>,
        %swap3A_1229 = vector.shape_cast %swap3A_1228 : vector<1x16xf32> to vector<16xf32>
        %swap3A_1230 = vector.shape_cast %mul3A_1225 : vector<16xf32> to vector<1x16xf32>
        tpu.vector_store %arg11[%swap3A_1226, %swap3A_1227], %swap3A_1230 {strides = array<i32>} : memref<128x128xf32, #tpu.memory_space<vmem>>, vector<1x16xf32>,
        %get3A_1231 = arith.index_cast %add3A_1170 : i32 to index
        %get3A_1232 = arith.constant 96 : index
        %get3A_1233 = tpu.vector_load %arg11[%get3A_1231, %get3A_1232] {strides = array<i32>} : memref<128x128xf32, #tpu.memory_space<vmem>>, vector<1x16xf32>,
        %get3A_1234 = vector.shape_cast %get3A_1233 : vector<1x16xf32> to vector<16xf32>
        %mul3A_1235 = arith.mulf %get3A_1234, %broadcast_in_dim3A_1166 : vector<16xf32>
        %swap3A_1236 = arith.index_cast %add3A_1170 : i32 to index
        %swap3A_1237 = arith.constant 96 : index
        %swap3A_1238 = tpu.vector_load %arg11[%swap3A_1236, %swap3A_1237] {strides = array<i32>} : memref<128x128xf32, #tpu.memory_space<vmem>>, vector<1x16xf32>,
        %swap3A_1239 = vector.shape_cast %swap3A_1238 : vector<1x16xf32> to vector<16xf32>
        %swap3A_1240 = vector.shape_cast %mul3A_1235 : vector<16xf32> to vector<1x16xf32>
        tpu.vector_store %arg11[%swap3A_1236, %swap3A_1237], %swap3A_1240 {strides = array<i32>} : memref<128x128xf32, #tpu.memory_space<vmem>>, vector<1x16xf32>,
        %get3A_1241 = arith.index_cast %add3A_1170 : i32 to index
        %get3A_1242 = arith.constant 112 : index
        %get3A_1243 = tpu.vector_load %arg11[%get3A_1241, %get3A_1242] {strides = array<i32>} : memref<128x128xf32, #tpu.memory_space<vmem>>, vector<1x16xf32>,
        %get3A_1244 = vector.shape_cast %get3A_1243 : vector<1x16xf32> to vector<16xf32>
        %mul3A_1245 = arith.mulf %get3A_1244, %broadcast_in_dim3A_1166 : vector<16xf32>
        %swap3A_1246 = arith.index_cast %add3A_1170 : i32 to index
        %swap3A_1247 = arith.constant 112 : index
        %swap3A_1248 = tpu.vector_load %arg11[%swap3A_1246, %swap3A_1247] {strides = array<i32>} : memref<128x128xf32, #tpu.memory_space<vmem>>, vector<1x16xf32>,
        %swap3A_1249 = vector.shape_cast %swap3A_1248 : vector<1x16xf32> to vector<16xf32>
        %swap3A_1250 = vector.shape_cast %mul3A_1245 : vector<16xf32> to vector<1x16xf32>
        tpu.vector_store %arg11[%swap3A_1246, %swap3A_1247], %swap3A_1250 {strides = array<i32>} : memref<128x128xf32, #tpu.memory_space<vmem>>, vector<1x16xf32>,
        %slice3A_1251 = vector.extract_strided_slice %get3A_36 {offsets = [14], sizes = [1], strides = [1]} : vector<16xf32> to vector<1xf32>
        %squeeze3A_1252 = vector.extract %slice3A_1251[0] : f32 from vector<1xf32>
        %broadcast_in_dim3A_1253 = vector.broadcast %squeeze3A_1252 : f32 to vector<16xf32>
        %mul3A_1254 = arith.constant 16 : i32
        %mul3A_1255 = arith.muli %scan3A_31, %mul3A_1254 : i32
        %add3A_1256 = arith.constant 14 : i32
        %add3A_1257 = arith.addi %mul3A_1255, %add3A_1256 : i32
        %get3A_1258 = arith.index_cast %add3A_1257 : i32 to index
        %get3A_1259 = arith.constant 0 : index
        %get3A_1260 = tpu.vector_load %arg11[%get3A_1258, %get3A_1259] {strides = array<i32>} : memref<128x128xf32, #tpu.memory_space<vmem>>, vector<1x16xf32>,
        %get3A_1261 = vector.shape_cast %get3A_1260 : vector<1x16xf32> to vector<16xf32>
        %mul3A_1262 = arith.mulf %get3A_1261, %broadcast_in_dim3A_1253 : vector<16xf32>
        %swap3A_1263 = arith.index_cast %add3A_1257 : i32 to index
        %swap3A_1264 = arith.constant 0 : index
        %swap3A_1265 = tpu.vector_load %arg11[%swap3A_1263, %swap3A_1264] {strides = array<i32>} : memref<128x128xf32, #tpu.memory_space<vmem>>, vector<1x16xf32>,
        %swap3A_1266 = vector.shape_cast %swap3A_1265 : vector<1x16xf32> to vector<16xf32>
        %swap3A_1267 = vector.shape_cast %mul3A_1262 : vector<16xf32> to vector<1x16xf32>
        tpu.vector_store %arg11[%swap3A_1263, %swap3A_1264], %swap3A_1267 {strides = array<i32>} : memref<128x128xf32, #tpu.memory_space<vmem>>, vector<1x16xf32>,
        %get3A_1268 = arith.index_cast %add3A_1257 : i32 to index
        %get3A_1269 = arith.constant 16 : index
        %get3A_1270 = tpu.vector_load %arg11[%get3A_1268, %get3A_1269] {strides = array<i32>} : memref<128x128xf32, #tpu.memory_space<vmem>>, vector<1x16xf32>,
        %get3A_1271 = vector.shape_cast %get3A_1270 : vector<1x16xf32> to vector<16xf32>
        %mul3A_1272 = arith.mulf %get3A_1271, %broadcast_in_dim3A_1253 : vector<16xf32>
        %swap3A_1273 = arith.index_cast %add3A_1257 : i32 to index
        %swap3A_1274 = arith.constant 16 : index
        %swap3A_1275 = tpu.vector_load %arg11[%swap3A_1273, %swap3A_1274] {strides = array<i32>} : memref<128x128xf32, #tpu.memory_space<vmem>>, vector<1x16xf32>,
        %swap3A_1276 = vector.shape_cast %swap3A_1275 : vector<1x16xf32> to vector<16xf32>
        %swap3A_1277 = vector.shape_cast %mul3A_1272 : vector<16xf32> to vector<1x16xf32>
        tpu.vector_store %arg11[%swap3A_1273, %swap3A_1274], %swap3A_1277 {strides = array<i32>} : memref<128x128xf32, #tpu.memory_space<vmem>>, vector<1x16xf32>,
        %get3A_1278 = arith.index_cast %add3A_1257 : i32 to index
        %get3A_1279 = arith.constant 32 : index
        %get3A_1280 = tpu.vector_load %arg11[%get3A_1278, %get3A_1279] {strides = array<i32>} : memref<128x128xf32, #tpu.memory_space<vmem>>, vector<1x16xf32>,
        %get3A_1281 = vector.shape_cast %get3A_1280 : vector<1x16xf32> to vector<16xf32>
        %mul3A_1282 = arith.mulf %get3A_1281, %broadcast_in_dim3A_1253 : vector<16xf32>
        %swap3A_1283 = arith.index_cast %add3A_1257 : i32 to index
        %swap3A_1284 = arith.constant 32 : index
        %swap3A_1285 = tpu.vector_load %arg11[%swap3A_1283, %swap3A_1284] {strides = array<i32>} : memref<128x128xf32, #tpu.memory_space<vmem>>, vector<1x16xf32>,
        %swap3A_1286 = vector.shape_cast %swap3A_1285 : vector<1x16xf32> to vector<16xf32>
        %swap3A_1287 = vector.shape_cast %mul3A_1282 : vector<16xf32> to vector<1x16xf32>
        tpu.vector_store %arg11[%swap3A_1283, %swap3A_1284], %swap3A_1287 {strides = array<i32>} : memref<128x128xf32, #tpu.memory_space<vmem>>, vector<1x16xf32>,
        %get3A_1288 = arith.index_cast %add3A_1257 : i32 to index
        %get3A_1289 = arith.constant 48 : index
        %get3A_1290 = tpu.vector_load %arg11[%get3A_1288, %get3A_1289] {strides = array<i32>} : memref<128x128xf32, #tpu.memory_space<vmem>>, vector<1x16xf32>,
        %get3A_1291 = vector.shape_cast %get3A_1290 : vector<1x16xf32> to vector<16xf32>
        %mul3A_1292 = arith.mulf %get3A_1291, %broadcast_in_dim3A_1253 : vector<16xf32>
        %swap3A_1293 = arith.index_cast %add3A_1257 : i32 to index
        %swap3A_1294 = arith.constant 48 : index
        %swap3A_1295 = tpu.vector_load %arg11[%swap3A_1293, %swap3A_1294] {strides = array<i32>} : memref<128x128xf32, #tpu.memory_space<vmem>>, vector<1x16xf32>,
        %swap3A_1296 = vector.shape_cast %swap3A_1295 : vector<1x16xf32> to vector<16xf32>
        %swap3A_1297 = vector.shape_cast %mul3A_1292 : vector<16xf32> to vector<1x16xf32>
        tpu.vector_store %arg11[%swap3A_1293, %swap3A_1294], %swap3A_1297 {strides = array<i32>} : memref<128x128xf32, #tpu.memory_space<vmem>>, vector<1x16xf32>,
        %get3A_1298 = arith.index_cast %add3A_1257 : i32 to index
        %get3A_1299 = arith.constant 64 : index
        %get3A_1300 = tpu.vector_load %arg11[%get3A_1298, %get3A_1299] {strides = array<i32>} : memref<128x128xf32, #tpu.memory_space<vmem>>, vector<1x16xf32>,
        %get3A_1301 = vector.shape_cast %get3A_1300 : vector<1x16xf32> to vector<16xf32>
        %mul3A_1302 = arith.mulf %get3A_1301, %broadcast_in_dim3A_1253 : vector<16xf32>
        %swap3A_1303 = arith.index_cast %add3A_1257 : i32 to index
        %swap3A_1304 = arith.constant 64 : index
        %swap3A_1305 = tpu.vector_load %arg11[%swap3A_1303, %swap3A_1304] {strides = array<i32>} : memref<128x128xf32, #tpu.memory_space<vmem>>, vector<1x16xf32>,
        %swap3A_1306 = vector.shape_cast %swap3A_1305 : vector<1x16xf32> to vector<16xf32>
        %swap3A_1307 = vector.shape_cast %mul3A_1302 : vector<16xf32> to vector<1x16xf32>
        tpu.vector_store %arg11[%swap3A_1303, %swap3A_1304], %swap3A_1307 {strides = array<i32>} : memref<128x128xf32, #tpu.memory_space<vmem>>, vector<1x16xf32>,
        %get3A_1308 = arith.index_cast %add3A_1257 : i32 to index
        %get3A_1309 = arith.constant 80 : index
        %get3A_1310 = tpu.vector_load %arg11[%get3A_1308, %get3A_1309] {strides = array<i32>} : memref<128x128xf32, #tpu.memory_space<vmem>>, vector<1x16xf32>,
        %get3A_1311 = vector.shape_cast %get3A_1310 : vector<1x16xf32> to vector<16xf32>
        %mul3A_1312 = arith.mulf %get3A_1311, %broadcast_in_dim3A_1253 : vector<16xf32>
        %swap3A_1313 = arith.index_cast %add3A_1257 : i32 to index
        %swap3A_1314 = arith.constant 80 : index
        %swap3A_1315 = tpu.vector_load %arg11[%swap3A_1313, %swap3A_1314] {strides = array<i32>} : memref<128x128xf32, #tpu.memory_space<vmem>>, vector<1x16xf32>,
        %swap3A_1316 = vector.shape_cast %swap3A_1315 : vector<1x16xf32> to vector<16xf32>
        %swap3A_1317 = vector.shape_cast %mul3A_1312 : vector<16xf32> to vector<1x16xf32>
        tpu.vector_store %arg11[%swap3A_1313, %swap3A_1314], %swap3A_1317 {strides = array<i32>} : memref<128x128xf32, #tpu.memory_space<vmem>>, vector<1x16xf32>,
        %get3A_1318 = arith.index_cast %add3A_1257 : i32 to index
        %get3A_1319 = arith.constant 96 : index
        %get3A_1320 = tpu.vector_load %arg11[%get3A_1318, %get3A_1319] {strides = array<i32>} : memref<128x128xf32, #tpu.memory_space<vmem>>, vector<1x16xf32>,
        %get3A_1321 = vector.shape_cast %get3A_1320 : vector<1x16xf32> to vector<16xf32>
        %mul3A_1322 = arith.mulf %get3A_1321, %broadcast_in_dim3A_1253 : vector<16xf32>
        %swap3A_1323 = arith.index_cast %add3A_1257 : i32 to index
        %swap3A_1324 = arith.constant 96 : index
        %swap3A_1325 = tpu.vector_load %arg11[%swap3A_1323, %swap3A_1324] {strides = array<i32>} : memref<128x128xf32, #tpu.memory_space<vmem>>, vector<1x16xf32>,
        %swap3A_1326 = vector.shape_cast %swap3A_1325 : vector<1x16xf32> to vector<16xf32>
        %swap3A_1327 = vector.shape_cast %mul3A_1322 : vector<16xf32> to vector<1x16xf32>
        tpu.vector_store %arg11[%swap3A_1323, %swap3A_1324], %swap3A_1327 {strides = array<i32>} : memref<128x128xf32, #tpu.memory_space<vmem>>, vector<1x16xf32>,
        %get3A_1328 = arith.index_cast %add3A_1257 : i32 to index
        %get3A_1329 = arith.constant 112 : index
        %get3A_1330 = tpu.vector_load %arg11[%get3A_1328, %get3A_1329] {strides = array<i32>} : memref<128x128xf32, #tpu.memory_space<vmem>>, vector<1x16xf32>,
        %get3A_1331 = vector.shape_cast %get3A_1330 : vector<1x16xf32> to vector<16xf32>
        %mul3A_1332 = arith.mulf %get3A_1331, %broadcast_in_dim3A_1253 : vector<16xf32>
        %swap3A_1333 = arith.index_cast %add3A_1257 : i32 to index
        %swap3A_1334 = arith.constant 112 : index
        %swap3A_1335 = tpu.vector_load %arg11[%swap3A_1333, %swap3A_1334] {strides = array<i32>} : memref<128x128xf32, #tpu.memory_space<vmem>>, vector<1x16xf32>,
        %swap3A_1336 = vector.shape_cast %swap3A_1335 : vector<1x16xf32> to vector<16xf32>
        %swap3A_1337 = vector.shape_cast %mul3A_1332 : vector<16xf32> to vector<1x16xf32>
        tpu.vector_store %arg11[%swap3A_1333, %swap3A_1334], %swap3A_1337 {strides = array<i32>} : memref<128x128xf32, #tpu.memory_space<vmem>>, vector<1x16xf32>,
        %slice3A_1338 = vector.extract_strided_slice %get3A_36 {offsets = [15], sizes = [1], strides = [1]} : vector<16xf32> to vector<1xf32>
        %squeeze3A_1339 = vector.extract %slice3A_1338[0] : f32 from vector<1xf32>
        %broadcast_in_dim3A_1340 = vector.broadcast %squeeze3A_1339 : f32 to vector<16xf32>
        %mul3A_1341 = arith.constant 16 : i32
        %mul3A_1342 = arith.muli %scan3A_31, %mul3A_1341 : i32
        %add3A_1343 = arith.constant 15 : i32
        %add3A_1344 = arith.addi %mul3A_1342, %add3A_1343 : i32
        %get3A_1345 = arith.index_cast %add3A_1344 : i32 to index
        %get3A_1346 = arith.constant 0 : index
        %get3A_1347 = tpu.vector_load %arg11[%get3A_1345, %get3A_1346] {strides = array<i32>} : memref<128x128xf32, #tpu.memory_space<vmem>>, vector<1x16xf32>,
        %get3A_1348 = vector.shape_cast %get3A_1347 : vector<1x16xf32> to vector<16xf32>
        %mul3A_1349 = arith.mulf %get3A_1348, %broadcast_in_dim3A_1340 : vector<16xf32>
        %swap3A_1350 = arith.index_cast %add3A_1344 : i32 to index
        %swap3A_1351 = arith.constant 0 : index
        %swap3A_1352 = tpu.vector_load %arg11[%swap3A_1350, %swap3A_1351] {strides = array<i32>} : memref<128x128xf32, #tpu.memory_space<vmem>>, vector<1x16xf32>,
        %swap3A_1353 = vector.shape_cast %swap3A_1352 : vector<1x16xf32> to vector<16xf32>
        %swap3A_1354 = vector.shape_cast %mul3A_1349 : vector<16xf32> to vector<1x16xf32>
        tpu.vector_store %arg11[%swap3A_1350, %swap3A_1351], %swap3A_1354 {strides = array<i32>} : memref<128x128xf32, #tpu.memory_space<vmem>>, vector<1x16xf32>,
        %get3A_1355 = arith.index_cast %add3A_1344 : i32 to index
        %get3A_1356 = arith.constant 16 : index
        %get3A_1357 = tpu.vector_load %arg11[%get3A_1355, %get3A_1356] {strides = array<i32>} : memref<128x128xf32, #tpu.memory_space<vmem>>, vector<1x16xf32>,
        %get3A_1358 = vector.shape_cast %get3A_1357 : vector<1x16xf32> to vector<16xf32>
        %mul3A_1359 = arith.mulf %get3A_1358, %broadcast_in_dim3A_1340 : vector<16xf32>
        %swap3A_1360 = arith.index_cast %add3A_1344 : i32 to index
        %swap3A_1361 = arith.constant 16 : index
        %swap3A_1362 = tpu.vector_load %arg11[%swap3A_1360, %swap3A_1361] {strides = array<i32>} : memref<128x128xf32, #tpu.memory_space<vmem>>, vector<1x16xf32>,
        %swap3A_1363 = vector.shape_cast %swap3A_1362 : vector<1x16xf32> to vector<16xf32>
        %swap3A_1364 = vector.shape_cast %mul3A_1359 : vector<16xf32> to vector<1x16xf32>
        tpu.vector_store %arg11[%swap3A_1360, %swap3A_1361], %swap3A_1364 {strides = array<i32>} : memref<128x128xf32, #tpu.memory_space<vmem>>, vector<1x16xf32>,
        %get3A_1365 = arith.index_cast %add3A_1344 : i32 to index
        %get3A_1366 = arith.constant 32 : index
        %get3A_1367 = tpu.vector_load %arg11[%get3A_1365, %get3A_1366] {strides = array<i32>} : memref<128x128xf32, #tpu.memory_space<vmem>>, vector<1x16xf32>,
        %get3A_1368 = vector.shape_cast %get3A_1367 : vector<1x16xf32> to vector<16xf32>
        %mul3A_1369 = arith.mulf %get3A_1368, %broadcast_in_dim3A_1340 : vector<16xf32>
        %swap3A_1370 = arith.index_cast %add3A_1344 : i32 to index
        %swap3A_1371 = arith.constant 32 : index
        %swap3A_1372 = tpu.vector_load %arg11[%swap3A_1370, %swap3A_1371] {strides = array<i32>} : memref<128x128xf32, #tpu.memory_space<vmem>>, vector<1x16xf32>,
        %swap3A_1373 = vector.shape_cast %swap3A_1372 : vector<1x16xf32> to vector<16xf32>
        %swap3A_1374 = vector.shape_cast %mul3A_1369 : vector<16xf32> to vector<1x16xf32>
        tpu.vector_store %arg11[%swap3A_1370, %swap3A_1371], %swap3A_1374 {strides = array<i32>} : memref<128x128xf32, #tpu.memory_space<vmem>>, vector<1x16xf32>,
        %get3A_1375 = arith.index_cast %add3A_1344 : i32 to index
        %get3A_1376 = arith.constant 48 : index
        %get3A_1377 = tpu.vector_load %arg11[%get3A_1375, %get3A_1376] {strides = array<i32>} : memref<128x128xf32, #tpu.memory_space<vmem>>, vector<1x16xf32>,
        %get3A_1378 = vector.shape_cast %get3A_1377 : vector<1x16xf32> to vector<16xf32>
        %mul3A_1379 = arith.mulf %get3A_1378, %broadcast_in_dim3A_1340 : vector<16xf32>
        %swap3A_1380 = arith.index_cast %add3A_1344 : i32 to index
        %swap3A_1381 = arith.constant 48 : index
        %swap3A_1382 = tpu.vector_load %arg11[%swap3A_1380, %swap3A_1381] {strides = array<i32>} : memref<128x128xf32, #tpu.memory_space<vmem>>, vector<1x16xf32>,
        %swap3A_1383 = vector.shape_cast %swap3A_1382 : vector<1x16xf32> to vector<16xf32>
        %swap3A_1384 = vector.shape_cast %mul3A_1379 : vector<16xf32> to vector<1x16xf32>
        tpu.vector_store %arg11[%swap3A_1380, %swap3A_1381], %swap3A_1384 {strides = array<i32>} : memref<128x128xf32, #tpu.memory_space<vmem>>, vector<1x16xf32>,
        %get3A_1385 = arith.index_cast %add3A_1344 : i32 to index
        %get3A_1386 = arith.constant 64 : index
        %get3A_1387 = tpu.vector_load %arg11[%get3A_1385, %get3A_1386] {strides = array<i32>} : memref<128x128xf32, #tpu.memory_space<vmem>>, vector<1x16xf32>,
        %get3A_1388 = vector.shape_cast %get3A_1387 : vector<1x16xf32> to vector<16xf32>
        %mul3A_1389 = arith.mulf %get3A_1388, %broadcast_in_dim3A_1340 : vector<16xf32>
        %swap3A_1390 = arith.index_cast %add3A_1344 : i32 to index
        %swap3A_1391 = arith.constant 64 : index
        %swap3A_1392 = tpu.vector_load %arg11[%swap3A_1390, %swap3A_1391] {strides = array<i32>} : memref<128x128xf32, #tpu.memory_space<vmem>>, vector<1x16xf32>,
        %swap3A_1393 = vector.shape_cast %swap3A_1392 : vector<1x16xf32> to vector<16xf32>
        %swap3A_1394 = vector.shape_cast %mul3A_1389 : vector<16xf32> to vector<1x16xf32>
        tpu.vector_store %arg11[%swap3A_1390, %swap3A_1391], %swap3A_1394 {strides = array<i32>} : memref<128x128xf32, #tpu.memory_space<vmem>>, vector<1x16xf32>,
        %get3A_1395 = arith.index_cast %add3A_1344 : i32 to index
        %get3A_1396 = arith.constant 80 : index
        %get3A_1397 = tpu.vector_load %arg11[%get3A_1395, %get3A_1396] {strides = array<i32>} : memref<128x128xf32, #tpu.memory_space<vmem>>, vector<1x16xf32>,
        %get3A_1398 = vector.shape_cast %get3A_1397 : vector<1x16xf32> to vector<16xf32>
        %mul3A_1399 = arith.mulf %get3A_1398, %broadcast_in_dim3A_1340 : vector<16xf32>
        %swap3A_1400 = arith.index_cast %add3A_1344 : i32 to index
        %swap3A_1401 = arith.constant 80 : index
        %swap3A_1402 = tpu.vector_load %arg11[%swap3A_1400, %swap3A_1401] {strides = array<i32>} : memref<128x128xf32, #tpu.memory_space<vmem>>, vector<1x16xf32>,
        %swap3A_1403 = vector.shape_cast %swap3A_1402 : vector<1x16xf32> to vector<16xf32>
        %swap3A_1404 = vector.shape_cast %mul3A_1399 : vector<16xf32> to vector<1x16xf32>
        tpu.vector_store %arg11[%swap3A_1400, %swap3A_1401], %swap3A_1404 {strides = array<i32>} : memref<128x128xf32, #tpu.memory_space<vmem>>, vector<1x16xf32>,
        %get3A_1405 = arith.index_cast %add3A_1344 : i32 to index
        %get3A_1406 = arith.constant 96 : index
        %get3A_1407 = tpu.vector_load %arg11[%get3A_1405, %get3A_1406] {strides = array<i32>} : memref<128x128xf32, #tpu.memory_space<vmem>>, vector<1x16xf32>,
        %get3A_1408 = vector.shape_cast %get3A_1407 : vector<1x16xf32> to vector<16xf32>
        %mul3A_1409 = arith.mulf %get3A_1408, %broadcast_in_dim3A_1340 : vector<16xf32>
        %swap3A_1410 = arith.index_cast %add3A_1344 : i32 to index
        %swap3A_1411 = arith.constant 96 : index
        %swap3A_1412 = tpu.vector_load %arg11[%swap3A_1410, %swap3A_1411] {strides = array<i32>} : memref<128x128xf32, #tpu.memory_space<vmem>>, vector<1x16xf32>,
        %swap3A_1413 = vector.shape_cast %swap3A_1412 : vector<1x16xf32> to vector<16xf32>
        %swap3A_1414 = vector.shape_cast %mul3A_1409 : vector<16xf32> to vector<1x16xf32>
        tpu.vector_store %arg11[%swap3A_1410, %swap3A_1411], %swap3A_1414 {strides = array<i32>} : memref<128x128xf32, #tpu.memory_space<vmem>>, vector<1x16xf32>,
        %get3A_1415 = arith.index_cast %add3A_1344 : i32 to index
        %get3A_1416 = arith.constant 112 : index
        %get3A_1417 = tpu.vector_load %arg11[%get3A_1415, %get3A_1416] {strides = array<i32>} : memref<128x128xf32, #tpu.memory_space<vmem>>, vector<1x16xf32>,
        %get3A_1418 = vector.shape_cast %get3A_1417 : vector<1x16xf32> to vector<16xf32>
        %mul3A_1419 = arith.mulf %get3A_1418, %broadcast_in_dim3A_1340 : vector<16xf32>
        %swap3A_1420 = arith.index_cast %add3A_1344 : i32 to index
        %swap3A_1421 = arith.constant 112 : index
        %swap3A_1422 = tpu.vector_load %arg11[%swap3A_1420, %swap3A_1421] {strides = array<i32>} : memref<128x128xf32, #tpu.memory_space<vmem>>, vector<1x16xf32>,
        %swap3A_1423 = vector.shape_cast %swap3A_1422 : vector<1x16xf32> to vector<16xf32>
        %swap3A_1424 = vector.shape_cast %mul3A_1419 : vector<16xf32> to vector<1x16xf32>
        tpu.vector_store %arg11[%swap3A_1420, %swap3A_1421], %swap3A_1424 {strides = array<i32>} : memref<128x128xf32, #tpu.memory_space<vmem>>, vector<1x16xf32>,
      }
      %scan3A_30 = arith.constant 8 : i32
      "tpu.region"() ({
        %run_scoped3A = tpu.sem_alloc : memref<!tpu.dma_semaphore, #tpu.memory_space<semaphore_mem>>
        %dma_start3A_31 = arith.constant 0 : i32
        %dma_start3A_32 = tpu.memref_slice %arg9[%scan3A_14, %dma_start3A_31] : memref<79x128xi32, #tpu.memory_space<vmem>> -> memref<1x128xi32, #tpu.memory_space<vmem>>
        %dma_start3A_33 = tpu.memref_squeeze %dma_start3A_32 : memref<1x128xi32, #tpu.memory_space<vmem>> -> memref<128xi32, #tpu.memory_space<vmem>>
        %dma_start3A_34 = arith.constant 0 : i32
        %dma_start3A_35 = arith.constant 0 : i32
        %dma_start3A_36 = tpu.memref_slice %arg12[%dma_start3A_34, %dma_start3A_35] : memref<10000x128xf32, #tpu.memory_space<vmem_shared>> -> memref<10000x128xf32, #tpu.memory_space<vmem_shared>>
        tpu.enqueue_indirect_dma source(%arg11 : memref<128x128xf32, #tpu.memory_space<vmem>>) target(%dma_start3A_36 : memref<10000x128xf32, #tpu.memory_space<vmem_shared>>) offsets(%dma_start3A_33 : memref<128xi32, #tpu.memory_space<vmem>>) semaphore(%run_scoped3A : memref<!tpu.dma_semaphore, #tpu.memory_space<semaphore_mem>>) {add = true}
        %dma_wait3A_37 = arith.constant 0 : i32
        %dma_wait3A_38 = tpu.memref_slice %arg9[%scan3A_14, %dma_wait3A_37] : memref<79x128xi32, #tpu.memory_space<vmem>> -> memref<1x128xi32, #tpu.memory_space<vmem>>
        %dma_wait3A_39 = tpu.memref_squeeze %dma_wait3A_38 : memref<1x128xi32, #tpu.memory_space<vmem>> -> memref<128xi32, #tpu.memory_space<vmem>>
        %dma_wait3A_40 = arith.constant 0 : i32
        %dma_wait3A_41 = arith.constant 0 : i32
        %dma_wait3A_42 = tpu.memref_slice %arg12[%dma_wait3A_40, %dma_wait3A_41] : memref<10000x128xf32, #tpu.memory_space<vmem_shared>> -> memref<10000x128xf32, #tpu.memory_space<vmem_shared>>
        tpu.wait_indirect_dma semaphore(%run_scoped3A : memref<!tpu.dma_semaphore, #tpu.memory_space<semaphore_mem>>) src(%arg11 : memref<128x128xf32, #tpu.memory_space<vmem>>) dst(%dma_wait3A_42 : memref<10000x128xf32, #tpu.memory_space<vmem_shared>>)
        tpu.yield
      }) : () -> ()
    }
    %scan3A_7 = arith.constant 79 : i32
    %barrier3A_8 = arith.constant 0 : index
    tpu.barrier barrier_id(%barrier3A_8)
    %eq3A_9 = arith.constant 0 : i32
    %eq3A_10 = arith.cmpi eq, %arg1, %eq3A_9 : i32
    %convert_element_type3A_11 = arith.extui %eq3A_10 : i1 to i32
    %cond3A_12 = arith.constant 0 : i32
    %cond3A_13 = arith.cmpi ne, %convert_element_type3A_11, %cond3A_12 : i32
    scf.if %cond3A_13 {
      "tpu.region"() ({
        %run_scoped3A = tpu.sem_alloc : memref<!tpu.dma_semaphore, #tpu.memory_space<semaphore_mem>>
        %dma_start3A = arith.constant 0 : i32
        %dma_start3A_14 = arith.constant 0 : i32
        %dma_start3A_15 = tpu.memref_slice %arg7[%arg0, %dma_start3A, %dma_start3A_14] : memref<2x10000x128xf32, #tpu.memory_space<hbm>> -> memref<1x10000x128xf32, #tpu.memory_space<hbm>>
        %dma_start3A_16 = tpu.memref_squeeze %dma_start3A_15 : memref<1x10000x128xf32, #tpu.memory_space<hbm>> -> memref<10000x128xf32, #tpu.memory_space<hbm>>
        tpu.enqueue_dma source(%arg12 : memref<10000x128xf32, #tpu.memory_space<vmem_shared>>) target(%dma_start3A_16 : memref<10000x128xf32, #tpu.memory_space<hbm>>) target_semaphore(%run_scoped3A : memref<!tpu.dma_semaphore, #tpu.memory_space<semaphore_mem>>)
        %dma_wait3A = arith.constant 0 : i32
        %dma_wait3A_17 = arith.constant 0 : i32
        %dma_wait3A_18 = tpu.memref_slice %arg7[%arg0, %dma_wait3A, %dma_wait3A_17] : memref<2x10000x128xf32, #tpu.memory_space<hbm>> -> memref<1x10000x128xf32, #tpu.memory_space<hbm>>
        %dma_wait3A_19 = tpu.memref_squeeze %dma_wait3A_18 : memref<1x10000x128xf32, #tpu.memory_space<hbm>> -> memref<10000x128xf32, #tpu.memory_space<hbm>>
        tpu.wait_dma2 semaphore(%run_scoped3A : memref<!tpu.dma_semaphore, #tpu.memory_space<semaphore_mem>>) src(%arg12 : memref<10000x128xf32, #tpu.memory_space<vmem_shared>>) dst(%dma_wait3A_19 : memref<10000x128xf32, #tpu.memory_space<hbm>>)
        tpu.yield
      }) : () -> ()
    } else {
    }
    return
  }
}

#map = affine_map<(d0, d1) -> (0, 0)>
#map1 = affine_map<(d0, d1) -> (0, 0, 0)>
module attributes {stable_mosaic.version = 14 : i64} {
  func.func @_spmm_sc(%arg0: i32, %arg1: i32, %arg2: memref<10000x128xf32, #tpu.memory_space<hbm>>, %arg3: memref<32x79x128xi32, #tpu.memory_space<hbm>>, %arg4: memref<32x79x128xi32, #tpu.memory_space<hbm>>, %arg5: memref<32x79x128xf32, #tpu.memory_space<hbm>>, %arg6: memref<10000x128xf32, #tpu.memory_space<hbm>>, %arg7: memref<2x10000x128xf32, #tpu.memory_space<hbm>>, %arg8: memref<79x128xi32, #tpu.memory_space<vmem>>, %arg9: memref<79x128xi32, #tpu.memory_space<vmem>>, %arg10: memref<79x128xf32, #tpu.memory_space<vmem>>, %arg11: memref<128x128xf32, #tpu.memory_space<vmem>>, %arg12: memref<10000x128xf32, #tpu.memory_space<vmem_shared>>, %arg13: memref<!tpu.dma_semaphore, #tpu.memory_space<semaphore_mem>>) attributes {dimension_semantics = [#tpu.dimension_semantics<core_parallel>, #tpu.dimension_semantics<subcore_parallel>], iteration_bounds = array<i64: 2, 16>, scalar_prefetch = 0 : i64, scratch_operands = 6 : i64, tpu.core_type = #tpu.core_type<sc_vector_subcore>, window_params = [{transform_indices = #map}, {transform_indices = #map1}, {transform_indices = #map1}, {transform_indices = #map1}, {transform_indices = #map}, {transform_indices = #map1}]} {
    %mul3A = arith.constant 2 : i32
    %mul3A_0 = arith.muli %arg1, %mul3A : i32
    %add3A = arith.addi %mul3A_0, %arg0 : i32
    %eq3A = arith.constant 0 : i32
    %eq3A_1 = arith.cmpi eq, %arg1, %eq3A : i32
    %convert_element_type3A = arith.extui %eq3A_1 : i1 to i32
    %cond3A = arith.constant 0 : i32
    %cond3A_2 = arith.cmpi ne, %convert_element_type3A, %cond3A : i32
    scf.if %cond3A_2 {
      "tpu.region"() ({
        %run_scoped3A = tpu.sem_alloc : memref<!tpu.dma_semaphore, #tpu.memory_space<semaphore_mem>>
        tpu.enqueue_dma source(%arg6 : memref<10000x128xf32, #tpu.memory_space<hbm>>) target(%arg12 : memref<10000x128xf32, #tpu.memory_space<vmem_shared>>) target_semaphore(%run_scoped3A : memref<!tpu.dma_semaphore, #tpu.memory_space<semaphore_mem>>)
        tpu.wait_dma2 semaphore(%run_scoped3A : memref<!tpu.dma_semaphore, #tpu.memory_space<semaphore_mem>>) src(%arg6 : memref<10000x128xf32, #tpu.memory_space<hbm>>) dst(%arg12 : memref<10000x128xf32, #tpu.memory_space<vmem_shared>>)
        tpu.yield
      }) : () -> ()
    } else {
    }
    "tpu.region"() ({
      %run_scoped3A = tpu.sem_alloc : memref<!tpu.dma_semaphore, #tpu.memory_space<semaphore_mem>>
      %dma_start3A = arith.constant 0 : i32
      %dma_start3A_14 = arith.constant 0 : i32
      %dma_start3A_15 = tpu.memref_slice %arg4[%add3A, %dma_start3A, %dma_start3A_14] : memref<32x79x128xi32, #tpu.memory_space<hbm>> -> memref<1x79x128xi32, #tpu.memory_space<hbm>>
      %dma_start3A_16 = tpu.memref_squeeze %dma_start3A_15 : memref<1x79x128xi32, #tpu.memory_space<hbm>> -> memref<79x128xi32, #tpu.memory_space<hbm>>
      %dma_start3A_17 = arith.constant 0 : i32
      %dma_start3A_18 = arith.constant 0 : i32
      %dma_start3A_19 = tpu.memref_slice %arg4[%add3A, %dma_start3A_17, %dma_start3A_18] : memref<32x79x128xi32, #tpu.memory_space<hbm>> -> memref<1x79x128xi32, #tpu.memory_space<hbm>>
      %dma_start3A_20 = tpu.memref_squeeze %dma_start3A_19 : memref<1x79x128xi32, #tpu.memory_space<hbm>> -> memref<79x128xi32, #tpu.memory_space<hbm>>
      tpu.enqueue_dma source(%dma_start3A_20 : memref<79x128xi32, #tpu.memory_space<hbm>>) target(%arg8 : memref<79x128xi32, #tpu.memory_space<vmem>>) target_semaphore(%run_scoped3A : memref<!tpu.dma_semaphore, #tpu.memory_space<semaphore_mem>>)
      %dma_wait3A = arith.constant 0 : i32
      %dma_wait3A_21 = arith.constant 0 : i32
      %dma_wait3A_22 = tpu.memref_slice %arg4[%add3A, %dma_wait3A, %dma_wait3A_21] : memref<32x79x128xi32, #tpu.memory_space<hbm>> -> memref<1x79x128xi32, #tpu.memory_space<hbm>>
      %dma_wait3A_23 = tpu.memref_squeeze %dma_wait3A_22 : memref<1x79x128xi32, #tpu.memory_space<hbm>> -> memref<79x128xi32, #tpu.memory_space<hbm>>
      %dma_wait3A_24 = arith.constant 0 : i32
      %dma_wait3A_25 = arith.constant 0 : i32
      %dma_wait3A_26 = tpu.memref_slice %arg4[%add3A, %dma_wait3A_24, %dma_wait3A_25] : memref<32x79x128xi32, #tpu.memory_space<hbm>> -> memref<1x79x128xi32, #tpu.memory_space<hbm>>
      %dma_wait3A_27 = tpu.memref_squeeze %dma_wait3A_26 : memref<1x79x128xi32, #tpu.memory_space<hbm>> -> memref<79x128xi32, #tpu.memory_space<hbm>>
      tpu.wait_dma2 semaphore(%run_scoped3A : memref<!tpu.dma_semaphore, #tpu.memory_space<semaphore_mem>>) src(%dma_wait3A_27 : memref<79x128xi32, #tpu.memory_space<hbm>>) dst(%arg8 : memref<79x128xi32, #tpu.memory_space<vmem>>)
      tpu.yield
    }) : () -> ()
    "tpu.region"() ({
      %run_scoped3A = tpu.sem_alloc : memref<!tpu.dma_semaphore, #tpu.memory_space<semaphore_mem>>
      %dma_start3A = arith.constant 0 : i32
      %dma_start3A_14 = arith.constant 0 : i32
      %dma_start3A_15 = tpu.memref_slice %arg3[%add3A, %dma_start3A, %dma_start3A_14] : memref<32x79x128xi32, #tpu.memory_space<hbm>> -> memref<1x79x128xi32, #tpu.memory_space<hbm>>
      %dma_start3A_16 = tpu.memref_squeeze %dma_start3A_15 : memref<1x79x128xi32, #tpu.memory_space<hbm>> -> memref<79x128xi32, #tpu.memory_space<hbm>>
      %dma_start3A_17 = arith.constant 0 : i32
      %dma_start3A_18 = arith.constant 0 : i32
      %dma_start3A_19 = tpu.memref_slice %arg3[%add3A, %dma_start3A_17, %dma_start3A_18] : memref<32x79x128xi32, #tpu.memory_space<hbm>> -> memref<1x79x128xi32, #tpu.memory_space<hbm>>
      %dma_start3A_20 = tpu.memref_squeeze %dma_start3A_19 : memref<1x79x128xi32, #tpu.memory_space<hbm>> -> memref<79x128xi32, #tpu.memory_space<hbm>>
      tpu.enqueue_dma source(%dma_start3A_20 : memref<79x128xi32, #tpu.memory_space<hbm>>) target(%arg9 : memref<79x128xi32, #tpu.memory_space<vmem>>) target_semaphore(%run_scoped3A : memref<!tpu.dma_semaphore, #tpu.memory_space<semaphore_mem>>)
      %dma_wait3A = arith.constant 0 : i32
      %dma_wait3A_21 = arith.constant 0 : i32
      %dma_wait3A_22 = tpu.memref_slice %arg3[%add3A, %dma_wait3A, %dma_wait3A_21] : memref<32x79x128xi32, #tpu.memory_space<hbm>> -> memref<1x79x128xi32, #tpu.memory_space<hbm>>
      %dma_wait3A_23 = tpu.memref_squeeze %dma_wait3A_22 : memref<1x79x128xi32, #tpu.memory_space<hbm>> -> memref<79x128xi32, #tpu.memory_space<hbm>>
      %dma_wait3A_24 = arith.constant 0 : i32
      %dma_wait3A_25 = arith.constant 0 : i32
      %dma_wait3A_26 = tpu.memref_slice %arg3[%add3A, %dma_wait3A_24, %dma_wait3A_25] : memref<32x79x128xi32, #tpu.memory_space<hbm>> -> memref<1x79x128xi32, #tpu.memory_space<hbm>>
      %dma_wait3A_27 = tpu.memref_squeeze %dma_wait3A_26 : memref<1x79x128xi32, #tpu.memory_space<hbm>> -> memref<79x128xi32, #tpu.memory_space<hbm>>
      tpu.wait_dma2 semaphore(%run_scoped3A : memref<!tpu.dma_semaphore, #tpu.memory_space<semaphore_mem>>) src(%dma_wait3A_27 : memref<79x128xi32, #tpu.memory_space<hbm>>) dst(%arg9 : memref<79x128xi32, #tpu.memory_space<vmem>>)
      tpu.yield
    }) : () -> ()
    "tpu.region"() ({
      %run_scoped3A = tpu.sem_alloc : memref<!tpu.dma_semaphore, #tpu.memory_space<semaphore_mem>>
      %dma_start3A = arith.constant 0 : i32
      %dma_start3A_14 = arith.constant 0 : i32
      %dma_start3A_15 = tpu.memref_slice %arg5[%add3A, %dma_start3A, %dma_start3A_14] : memref<32x79x128xf32, #tpu.memory_space<hbm>> -> memref<1x79x128xf32, #tpu.memory_space<hbm>>
      %dma_start3A_16 = tpu.memref_squeeze %dma_start3A_15 : memref<1x79x128xf32, #tpu.memory_space<hbm>> -> memref<79x128xf32, #tpu.memory_space<hbm>>
      %dma_start3A_17 = arith.constant 0 : i32
      %dma_start3A_18 = arith.constant 0 : i32
      %dma_start3A_19 = tpu.memref_slice %arg5[%add3A, %dma_start3A_17, %dma_start3A_18] : memref<32x79x128xf32, #tpu.memory_space<hbm>> -> memref<1x79x128xf32, #tpu.memory_space<hbm>>
      %dma_start3A_20 = tpu.memref_squeeze %dma_start3A_19 : memref<1x79x128xf32, #tpu.memory_space<hbm>> -> memref<79x128xf32, #tpu.memory_space<hbm>>
      tpu.enqueue_dma source(%dma_start3A_20 : memref<79x128xf32, #tpu.memory_space<hbm>>) target(%arg10 : memref<79x128xf32, #tpu.memory_space<vmem>>) target_semaphore(%run_scoped3A : memref<!tpu.dma_semaphore, #tpu.memory_space<semaphore_mem>>)
      %dma_wait3A = arith.constant 0 : i32
      %dma_wait3A_21 = arith.constant 0 : i32
      %dma_wait3A_22 = tpu.memref_slice %arg5[%add3A, %dma_wait3A, %dma_wait3A_21] : memref<32x79x128xf32, #tpu.memory_space<hbm>> -> memref<1x79x128xf32, #tpu.memory_space<hbm>>
      %dma_wait3A_23 = tpu.memref_squeeze %dma_wait3A_22 : memref<1x79x128xf32, #tpu.memory_space<hbm>> -> memref<79x128xf32, #tpu.memory_space<hbm>>
      %dma_wait3A_24 = arith.constant 0 : i32
      %dma_wait3A_25 = arith.constant 0 : i32
      %dma_wait3A_26 = tpu.memref_slice %arg5[%add3A, %dma_wait3A_24, %dma_wait3A_25] : memref<32x79x128xf32, #tpu.memory_space<hbm>> -> memref<1x79x128xf32, #tpu.memory_space<hbm>>
      %dma_wait3A_27 = tpu.memref_squeeze %dma_wait3A_26 : memref<1x79x128xf32, #tpu.memory_space<hbm>> -> memref<79x128xf32, #tpu.memory_space<hbm>>
      tpu.wait_dma2 semaphore(%run_scoped3A : memref<!tpu.dma_semaphore, #tpu.memory_space<semaphore_mem>>) src(%dma_wait3A_27 : memref<79x128xf32, #tpu.memory_space<hbm>>) dst(%arg10 : memref<79x128xf32, #tpu.memory_space<vmem>>)
      tpu.yield
    }) : () -> ()
    %barrier3A = arith.constant 0 : index
    tpu.barrier barrier_id(%barrier3A)
    %scan3A = arith.constant 0 : i32
    %scan3A_3 = arith.constant 0 : i32
    %scan3A_4 = arith.constant 79 : i32
    %scan3A_5 = arith.addi %scan3A_3, %scan3A_4 : i32
    %scan3A_6 = arith.constant 1 : i32
    scf.for %scan3A_14 = %scan3A_3 to %scan3A_5 step %scan3A_6  : i32 {
      %dma_start3A = arith.constant 0 : i32
      %dma_start3A_15 = tpu.memref_slice %arg8[%scan3A_14, %dma_start3A] : memref<79x128xi32, #tpu.memory_space<vmem>> -> memref<1x128xi32, #tpu.memory_space<vmem>>
      %dma_start3A_16 = tpu.memref_squeeze %dma_start3A_15 : memref<1x128xi32, #tpu.memory_space<vmem>> -> memref<128xi32, #tpu.memory_space<vmem>>
      %dma_start3A_17 = arith.constant 0 : i32
      %dma_start3A_18 = arith.constant 0 : i32
      %dma_start3A_19 = tpu.memref_slice %arg2[%dma_start3A_17, %dma_start3A_18] : memref<10000x128xf32, #tpu.memory_space<hbm>> -> memref<10000x128xf32, #tpu.memory_space<hbm>>
      tpu.enqueue_indirect_dma source(%dma_start3A_19 : memref<10000x128xf32, #tpu.memory_space<hbm>>) target(%arg11 : memref<128x128xf32, #tpu.memory_space<vmem>>) offsets(%dma_start3A_16 : memref<128xi32, #tpu.memory_space<vmem>>) semaphore(%arg13 : memref<!tpu.dma_semaphore, #tpu.memory_space<semaphore_mem>>)
      %dma_wait3A = arith.constant 0 : i32
      %dma_wait3A_20 = tpu.memref_slice %arg8[%scan3A_14, %dma_wait3A] : memref<79x128xi32, #tpu.memory_space<vmem>> -> memref<1x128xi32, #tpu.memory_space<vmem>>
      %dma_wait3A_21 = tpu.memref_squeeze %dma_wait3A_20 : memref<1x128xi32, #tpu.memory_space<vmem>> -> memref<128xi32, #tpu.memory_space<vmem>>
      %dma_wait3A_22 = arith.constant 0 : i32
      %dma_wait3A_23 = arith.constant 0 : i32
      %dma_wait3A_24 = tpu.memref_slice %arg2[%dma_wait3A_22, %dma_wait3A_23] : memref<10000x128xf32, #tpu.memory_space<hbm>> -> memref<10000x128xf32, #tpu.memory_space<hbm>>
      tpu.wait_indirect_dma semaphore(%arg13 : memref<!tpu.dma_semaphore, #tpu.memory_space<semaphore_mem>>) src(%dma_wait3A_24 : memref<10000x128xf32, #tpu.memory_space<hbm>>) dst(%arg11 : memref<128x128xf32, #tpu.memory_space<vmem>>)
      %scan3A_25 = arith.constant 0 : i32
      %scan3A_26 = arith.constant 0 : i32
      %scan3A_27 = arith.constant 8 : i32
      %scan3A_28 = arith.addi %scan3A_26, %scan3A_27 : i32
      %scan3A_29 = arith.constant 1 : i32
      scf.for %scan3A_31 = %scan3A_26 to %scan3A_28 step %scan3A_29  : i32 {
        %mul3A_32 = arith.constant 16 : i32
        %mul3A_33 = arith.muli %scan3A_31, %mul3A_32 : i32
        %get3A = arith.index_cast %scan3A_14 : i32 to index
        %get3A_34 = arith.index_cast %mul3A_33 : i32 to index
        %get3A_35 = tpu.vector_load %arg10[%get3A, %get3A_34] {strides = array<i32>} : memref<79x128xf32, #tpu.memory_space<vmem>>, vector<1x16xf32>,
        %get3A_36 = vector.shape_cast %get3A_35 : vector<1x16xf32> to vector<16xf32>
        %slice3A = vector.extract_strided_slice %get3A_36 {offsets = [0], sizes = [1], strides = [1]} : vector<16xf32> to vector<1xf32>
        %squeeze3A = vector.extract %slice3A[0] : f32 from vector<1xf32>
        %broadcast_in_dim3A = vector.broadcast %squeeze3A : f32 to vector<16xf32>
        %mul3A_37 = arith.constant 16 : i32
        %mul3A_38 = arith.muli %scan3A_31, %mul3A_37 : i32
        %add3A_39 = arith.constant 0 : i32
        %add3A_40 = arith.addi %mul3A_38, %add3A_39 : i32
        %get3A_41 = arith.index_cast %add3A_40 : i32 to index
        %get3A_42 = arith.constant 0 : index
        %get3A_43 = tpu.vector_load %arg11[%get3A_41, %get3A_42] {strides = array<i32>} : memref<128x128xf32, #tpu.memory_space<vmem>>, vector<1x16xf32>,
        %get3A_44 = vector.shape_cast %get3A_43 : vector<1x16xf32> to vector<16xf32>
        %mul3A_45 = arith.mulf %get3A_44, %broadcast_in_dim3A : vector<16xf32>
        %swap3A = arith.index_cast %add3A_40 : i32 to index
        %swap3A_46 = arith.constant 0 : index
        %swap3A_47 = tpu.vector_load %arg11[%swap3A, %swap3A_46] {strides = array<i32>} : memref<128x128xf32, #tpu.memory_space<vmem>>, vector<1x16xf32>,
        %swap3A_48 = vector.shape_cast %swap3A_47 : vector<1x16xf32> to vector<16xf32>
        %swap3A_49 = vector.shape_cast %mul3A_45 : vector<16xf32> to vector<1x16xf32>
        tpu.vector_store %arg11[%swap3A, %swap3A_46], %swap3A_49 {strides = array<i32>} : memref<128x128xf32, #tpu.memory_space<vmem>>, vector<1x16xf32>,
        %get3A_50 = arith.index_cast %add3A_40 : i32 to index
        %get3A_51 = arith.constant 16 : index
        %get3A_52 = tpu.vector_load %arg11[%get3A_50, %get3A_51] {strides = array<i32>} : memref<128x128xf32, #tpu.memory_space<vmem>>, vector<1x16xf32>,
        %get3A_53 = vector.shape_cast %get3A_52 : vector<1x16xf32> to vector<16xf32>
        %mul3A_54 = arith.mulf %get3A_53, %broadcast_in_dim3A : vector<16xf32>
        %swap3A_55 = arith.index_cast %add3A_40 : i32 to index
        %swap3A_56 = arith.constant 16 : index
        %swap3A_57 = tpu.vector_load %arg11[%swap3A_55, %swap3A_56] {strides = array<i32>} : memref<128x128xf32, #tpu.memory_space<vmem>>, vector<1x16xf32>,
        %swap3A_58 = vector.shape_cast %swap3A_57 : vector<1x16xf32> to vector<16xf32>
        %swap3A_59 = vector.shape_cast %mul3A_54 : vector<16xf32> to vector<1x16xf32>
        tpu.vector_store %arg11[%swap3A_55, %swap3A_56], %swap3A_59 {strides = array<i32>} : memref<128x128xf32, #tpu.memory_space<vmem>>, vector<1x16xf32>,
        %get3A_60 = arith.index_cast %add3A_40 : i32 to index
        %get3A_61 = arith.constant 32 : index
        %get3A_62 = tpu.vector_load %arg11[%get3A_60, %get3A_61] {strides = array<i32>} : memref<128x128xf32, #tpu.memory_space<vmem>>, vector<1x16xf32>,
        %get3A_63 = vector.shape_cast %get3A_62 : vector<1x16xf32> to vector<16xf32>
        %mul3A_64 = arith.mulf %get3A_63, %broadcast_in_dim3A : vector<16xf32>
        %swap3A_65 = arith.index_cast %add3A_40 : i32 to index
        %swap3A_66 = arith.constant 32 : index
        %swap3A_67 = tpu.vector_load %arg11[%swap3A_65, %swap3A_66] {strides = array<i32>} : memref<128x128xf32, #tpu.memory_space<vmem>>, vector<1x16xf32>,
        %swap3A_68 = vector.shape_cast %swap3A_67 : vector<1x16xf32> to vector<16xf32>
        %swap3A_69 = vector.shape_cast %mul3A_64 : vector<16xf32> to vector<1x16xf32>
        tpu.vector_store %arg11[%swap3A_65, %swap3A_66], %swap3A_69 {strides = array<i32>} : memref<128x128xf32, #tpu.memory_space<vmem>>, vector<1x16xf32>,
        %get3A_70 = arith.index_cast %add3A_40 : i32 to index
        %get3A_71 = arith.constant 48 : index
        %get3A_72 = tpu.vector_load %arg11[%get3A_70, %get3A_71] {strides = array<i32>} : memref<128x128xf32, #tpu.memory_space<vmem>>, vector<1x16xf32>,
        %get3A_73 = vector.shape_cast %get3A_72 : vector<1x16xf32> to vector<16xf32>
        %mul3A_74 = arith.mulf %get3A_73, %broadcast_in_dim3A : vector<16xf32>
        %swap3A_75 = arith.index_cast %add3A_40 : i32 to index
        %swap3A_76 = arith.constant 48 : index
        %swap3A_77 = tpu.vector_load %arg11[%swap3A_75, %swap3A_76] {strides = array<i32>} : memref<128x128xf32, #tpu.memory_space<vmem>>, vector<1x16xf32>,
        %swap3A_78 = vector.shape_cast %swap3A_77 : vector<1x16xf32> to vector<16xf32>
        %swap3A_79 = vector.shape_cast %mul3A_74 : vector<16xf32> to vector<1x16xf32>
        tpu.vector_store %arg11[%swap3A_75, %swap3A_76], %swap3A_79 {strides = array<i32>} : memref<128x128xf32, #tpu.memory_space<vmem>>, vector<1x16xf32>,
        %get3A_80 = arith.index_cast %add3A_40 : i32 to index
        %get3A_81 = arith.constant 64 : index
        %get3A_82 = tpu.vector_load %arg11[%get3A_80, %get3A_81] {strides = array<i32>} : memref<128x128xf32, #tpu.memory_space<vmem>>, vector<1x16xf32>,
        %get3A_83 = vector.shape_cast %get3A_82 : vector<1x16xf32> to vector<16xf32>
        %mul3A_84 = arith.mulf %get3A_83, %broadcast_in_dim3A : vector<16xf32>
        %swap3A_85 = arith.index_cast %add3A_40 : i32 to index
        %swap3A_86 = arith.constant 64 : index
        %swap3A_87 = tpu.vector_load %arg11[%swap3A_85, %swap3A_86] {strides = array<i32>} : memref<128x128xf32, #tpu.memory_space<vmem>>, vector<1x16xf32>,
        %swap3A_88 = vector.shape_cast %swap3A_87 : vector<1x16xf32> to vector<16xf32>
        %swap3A_89 = vector.shape_cast %mul3A_84 : vector<16xf32> to vector<1x16xf32>
        tpu.vector_store %arg11[%swap3A_85, %swap3A_86], %swap3A_89 {strides = array<i32>} : memref<128x128xf32, #tpu.memory_space<vmem>>, vector<1x16xf32>,
        %get3A_90 = arith.index_cast %add3A_40 : i32 to index
        %get3A_91 = arith.constant 80 : index
        %get3A_92 = tpu.vector_load %arg11[%get3A_90, %get3A_91] {strides = array<i32>} : memref<128x128xf32, #tpu.memory_space<vmem>>, vector<1x16xf32>,
        %get3A_93 = vector.shape_cast %get3A_92 : vector<1x16xf32> to vector<16xf32>
        %mul3A_94 = arith.mulf %get3A_93, %broadcast_in_dim3A : vector<16xf32>
        %swap3A_95 = arith.index_cast %add3A_40 : i32 to index
        %swap3A_96 = arith.constant 80 : index
        %swap3A_97 = tpu.vector_load %arg11[%swap3A_95, %swap3A_96] {strides = array<i32>} : memref<128x128xf32, #tpu.memory_space<vmem>>, vector<1x16xf32>,
        %swap3A_98 = vector.shape_cast %swap3A_97 : vector<1x16xf32> to vector<16xf32>
        %swap3A_99 = vector.shape_cast %mul3A_94 : vector<16xf32> to vector<1x16xf32>
        tpu.vector_store %arg11[%swap3A_95, %swap3A_96], %swap3A_99 {strides = array<i32>} : memref<128x128xf32, #tpu.memory_space<vmem>>, vector<1x16xf32>,
        %get3A_100 = arith.index_cast %add3A_40 : i32 to index
        %get3A_101 = arith.constant 96 : index
        %get3A_102 = tpu.vector_load %arg11[%get3A_100, %get3A_101] {strides = array<i32>} : memref<128x128xf32, #tpu.memory_space<vmem>>, vector<1x16xf32>,
        %get3A_103 = vector.shape_cast %get3A_102 : vector<1x16xf32> to vector<16xf32>
        %mul3A_104 = arith.mulf %get3A_103, %broadcast_in_dim3A : vector<16xf32>
        %swap3A_105 = arith.index_cast %add3A_40 : i32 to index
        %swap3A_106 = arith.constant 96 : index
        %swap3A_107 = tpu.vector_load %arg11[%swap3A_105, %swap3A_106] {strides = array<i32>} : memref<128x128xf32, #tpu.memory_space<vmem>>, vector<1x16xf32>,
        %swap3A_108 = vector.shape_cast %swap3A_107 : vector<1x16xf32> to vector<16xf32>
        %swap3A_109 = vector.shape_cast %mul3A_104 : vector<16xf32> to vector<1x16xf32>
        tpu.vector_store %arg11[%swap3A_105, %swap3A_106], %swap3A_109 {strides = array<i32>} : memref<128x128xf32, #tpu.memory_space<vmem>>, vector<1x16xf32>,
        %get3A_110 = arith.index_cast %add3A_40 : i32 to index
        %get3A_111 = arith.constant 112 : index
        %get3A_112 = tpu.vector_load %arg11[%get3A_110, %get3A_111] {strides = array<i32>} : memref<128x128xf32, #tpu.memory_space<vmem>>, vector<1x16xf32>,
        %get3A_113 = vector.shape_cast %get3A_112 : vector<1x16xf32> to vector<16xf32>
        %mul3A_114 = arith.mulf %get3A_113, %broadcast_in_dim3A : vector<16xf32>
        %swap3A_115 = arith.index_cast %add3A_40 : i32 to index
        %swap3A_116 = arith.constant 112 : index
        %swap3A_117 = tpu.vector_load %arg11[%swap3A_115, %swap3A_116] {strides = array<i32>} : memref<128x128xf32, #tpu.memory_space<vmem>>, vector<1x16xf32>,
        %swap3A_118 = vector.shape_cast %swap3A_117 : vector<1x16xf32> to vector<16xf32>
        %swap3A_119 = vector.shape_cast %mul3A_114 : vector<16xf32> to vector<1x16xf32>
        tpu.vector_store %arg11[%swap3A_115, %swap3A_116], %swap3A_119 {strides = array<i32>} : memref<128x128xf32, #tpu.memory_space<vmem>>, vector<1x16xf32>,
        %slice3A_120 = vector.extract_strided_slice %get3A_36 {offsets = [1], sizes = [1], strides = [1]} : vector<16xf32> to vector<1xf32>
        %squeeze3A_121 = vector.extract %slice3A_120[0] : f32 from vector<1xf32>
        %broadcast_in_dim3A_122 = vector.broadcast %squeeze3A_121 : f32 to vector<16xf32>
        %mul3A_123 = arith.constant 16 : i32
        %mul3A_124 = arith.muli %scan3A_31, %mul3A_123 : i32
        %add3A_125 = arith.constant 1 : i32
        %add3A_126 = arith.addi %mul3A_124, %add3A_125 : i32
        %get3A_127 = arith.index_cast %add3A_126 : i32 to index
        %get3A_128 = arith.constant 0 : index
        %get3A_129 = tpu.vector_load %arg11[%get3A_127, %get3A_128] {strides = array<i32>} : memref<128x128xf32, #tpu.memory_space<vmem>>, vector<1x16xf32>,
        %get3A_130 = vector.shape_cast %get3A_129 : vector<1x16xf32> to vector<16xf32>
        %mul3A_131 = arith.mulf %get3A_130, %broadcast_in_dim3A_122 : vector<16xf32>
        %swap3A_132 = arith.index_cast %add3A_126 : i32 to index
        %swap3A_133 = arith.constant 0 : index
        %swap3A_134 = tpu.vector_load %arg11[%swap3A_132, %swap3A_133] {strides = array<i32>} : memref<128x128xf32, #tpu.memory_space<vmem>>, vector<1x16xf32>,
        %swap3A_135 = vector.shape_cast %swap3A_134 : vector<1x16xf32> to vector<16xf32>
        %swap3A_136 = vector.shape_cast %mul3A_131 : vector<16xf32> to vector<1x16xf32>
        tpu.vector_store %arg11[%swap3A_132, %swap3A_133], %swap3A_136 {strides = array<i32>} : memref<128x128xf32, #tpu.memory_space<vmem>>, vector<1x16xf32>,
        %get3A_137 = arith.index_cast %add3A_126 : i32 to index
        %get3A_138 = arith.constant 16 : index
        %get3A_139 = tpu.vector_load %arg11[%get3A_137, %get3A_138] {strides = array<i32>} : memref<128x128xf32, #tpu.memory_space<vmem>>, vector<1x16xf32>,
        %get3A_140 = vector.shape_cast %get3A_139 : vector<1x16xf32> to vector<16xf32>
        %mul3A_141 = arith.mulf %get3A_140, %broadcast_in_dim3A_122 : vector<16xf32>
        %swap3A_142 = arith.index_cast %add3A_126 : i32 to index
        %swap3A_143 = arith.constant 16 : index
        %swap3A_144 = tpu.vector_load %arg11[%swap3A_142, %swap3A_143] {strides = array<i32>} : memref<128x128xf32, #tpu.memory_space<vmem>>, vector<1x16xf32>,
        %swap3A_145 = vector.shape_cast %swap3A_144 : vector<1x16xf32> to vector<16xf32>
        %swap3A_146 = vector.shape_cast %mul3A_141 : vector<16xf32> to vector<1x16xf32>
        tpu.vector_store %arg11[%swap3A_142, %swap3A_143], %swap3A_146 {strides = array<i32>} : memref<128x128xf32, #tpu.memory_space<vmem>>, vector<1x16xf32>,
        %get3A_147 = arith.index_cast %add3A_126 : i32 to index
        %get3A_148 = arith.constant 32 : index
        %get3A_149 = tpu.vector_load %arg11[%get3A_147, %get3A_148] {strides = array<i32>} : memref<128x128xf32, #tpu.memory_space<vmem>>, vector<1x16xf32>,
        %get3A_150 = vector.shape_cast %get3A_149 : vector<1x16xf32> to vector<16xf32>
        %mul3A_151 = arith.mulf %get3A_150, %broadcast_in_dim3A_122 : vector<16xf32>
        %swap3A_152 = arith.index_cast %add3A_126 : i32 to index
        %swap3A_153 = arith.constant 32 : index
        %swap3A_154 = tpu.vector_load %arg11[%swap3A_152, %swap3A_153] {strides = array<i32>} : memref<128x128xf32, #tpu.memory_space<vmem>>, vector<1x16xf32>,
        %swap3A_155 = vector.shape_cast %swap3A_154 : vector<1x16xf32> to vector<16xf32>
        %swap3A_156 = vector.shape_cast %mul3A_151 : vector<16xf32> to vector<1x16xf32>
        tpu.vector_store %arg11[%swap3A_152, %swap3A_153], %swap3A_156 {strides = array<i32>} : memref<128x128xf32, #tpu.memory_space<vmem>>, vector<1x16xf32>,
        %get3A_157 = arith.index_cast %add3A_126 : i32 to index
        %get3A_158 = arith.constant 48 : index
        %get3A_159 = tpu.vector_load %arg11[%get3A_157, %get3A_158] {strides = array<i32>} : memref<128x128xf32, #tpu.memory_space<vmem>>, vector<1x16xf32>,
        %get3A_160 = vector.shape_cast %get3A_159 : vector<1x16xf32> to vector<16xf32>
        %mul3A_161 = arith.mulf %get3A_160, %broadcast_in_dim3A_122 : vector<16xf32>
        %swap3A_162 = arith.index_cast %add3A_126 : i32 to index
        %swap3A_163 = arith.constant 48 : index
        %swap3A_164 = tpu.vector_load %arg11[%swap3A_162, %swap3A_163] {strides = array<i32>} : memref<128x128xf32, #tpu.memory_space<vmem>>, vector<1x16xf32>,
        %swap3A_165 = vector.shape_cast %swap3A_164 : vector<1x16xf32> to vector<16xf32>
        %swap3A_166 = vector.shape_cast %mul3A_161 : vector<16xf32> to vector<1x16xf32>
        tpu.vector_store %arg11[%swap3A_162, %swap3A_163], %swap3A_166 {strides = array<i32>} : memref<128x128xf32, #tpu.memory_space<vmem>>, vector<1x16xf32>,
        %get3A_167 = arith.index_cast %add3A_126 : i32 to index
        %get3A_168 = arith.constant 64 : index
        %get3A_169 = tpu.vector_load %arg11[%get3A_167, %get3A_168] {strides = array<i32>} : memref<128x128xf32, #tpu.memory_space<vmem>>, vector<1x16xf32>,
        %get3A_170 = vector.shape_cast %get3A_169 : vector<1x16xf32> to vector<16xf32>
        %mul3A_171 = arith.mulf %get3A_170, %broadcast_in_dim3A_122 : vector<16xf32>
        %swap3A_172 = arith.index_cast %add3A_126 : i32 to index
        %swap3A_173 = arith.constant 64 : index
        %swap3A_174 = tpu.vector_load %arg11[%swap3A_172, %swap3A_173] {strides = array<i32>} : memref<128x128xf32, #tpu.memory_space<vmem>>, vector<1x16xf32>,
        %swap3A_175 = vector.shape_cast %swap3A_174 : vector<1x16xf32> to vector<16xf32>
        %swap3A_176 = vector.shape_cast %mul3A_171 : vector<16xf32> to vector<1x16xf32>
        tpu.vector_store %arg11[%swap3A_172, %swap3A_173], %swap3A_176 {strides = array<i32>} : memref<128x128xf32, #tpu.memory_space<vmem>>, vector<1x16xf32>,
        %get3A_177 = arith.index_cast %add3A_126 : i32 to index
        %get3A_178 = arith.constant 80 : index
        %get3A_179 = tpu.vector_load %arg11[%get3A_177, %get3A_178] {strides = array<i32>} : memref<128x128xf32, #tpu.memory_space<vmem>>, vector<1x16xf32>,
        %get3A_180 = vector.shape_cast %get3A_179 : vector<1x16xf32> to vector<16xf32>
        %mul3A_181 = arith.mulf %get3A_180, %broadcast_in_dim3A_122 : vector<16xf32>
        %swap3A_182 = arith.index_cast %add3A_126 : i32 to index
        %swap3A_183 = arith.constant 80 : index
        %swap3A_184 = tpu.vector_load %arg11[%swap3A_182, %swap3A_183] {strides = array<i32>} : memref<128x128xf32, #tpu.memory_space<vmem>>, vector<1x16xf32>,
        %swap3A_185 = vector.shape_cast %swap3A_184 : vector<1x16xf32> to vector<16xf32>
        %swap3A_186 = vector.shape_cast %mul3A_181 : vector<16xf32> to vector<1x16xf32>
        tpu.vector_store %arg11[%swap3A_182, %swap3A_183], %swap3A_186 {strides = array<i32>} : memref<128x128xf32, #tpu.memory_space<vmem>>, vector<1x16xf32>,
        %get3A_187 = arith.index_cast %add3A_126 : i32 to index
        %get3A_188 = arith.constant 96 : index
        %get3A_189 = tpu.vector_load %arg11[%get3A_187, %get3A_188] {strides = array<i32>} : memref<128x128xf32, #tpu.memory_space<vmem>>, vector<1x16xf32>,
        %get3A_190 = vector.shape_cast %get3A_189 : vector<1x16xf32> to vector<16xf32>
        %mul3A_191 = arith.mulf %get3A_190, %broadcast_in_dim3A_122 : vector<16xf32>
        %swap3A_192 = arith.index_cast %add3A_126 : i32 to index
        %swap3A_193 = arith.constant 96 : index
        %swap3A_194 = tpu.vector_load %arg11[%swap3A_192, %swap3A_193] {strides = array<i32>} : memref<128x128xf32, #tpu.memory_space<vmem>>, vector<1x16xf32>,
        %swap3A_195 = vector.shape_cast %swap3A_194 : vector<1x16xf32> to vector<16xf32>
        %swap3A_196 = vector.shape_cast %mul3A_191 : vector<16xf32> to vector<1x16xf32>
        tpu.vector_store %arg11[%swap3A_192, %swap3A_193], %swap3A_196 {strides = array<i32>} : memref<128x128xf32, #tpu.memory_space<vmem>>, vector<1x16xf32>,
        %get3A_197 = arith.index_cast %add3A_126 : i32 to index
        %get3A_198 = arith.constant 112 : index
        %get3A_199 = tpu.vector_load %arg11[%get3A_197, %get3A_198] {strides = array<i32>} : memref<128x128xf32, #tpu.memory_space<vmem>>, vector<1x16xf32>,
        %get3A_200 = vector.shape_cast %get3A_199 : vector<1x16xf32> to vector<16xf32>
        %mul3A_201 = arith.mulf %get3A_200, %broadcast_in_dim3A_122 : vector<16xf32>
        %swap3A_202 = arith.index_cast %add3A_126 : i32 to index
        %swap3A_203 = arith.constant 112 : index
        %swap3A_204 = tpu.vector_load %arg11[%swap3A_202, %swap3A_203] {strides = array<i32>} : memref<128x128xf32, #tpu.memory_space<vmem>>, vector<1x16xf32>,
        %swap3A_205 = vector.shape_cast %swap3A_204 : vector<1x16xf32> to vector<16xf32>
        %swap3A_206 = vector.shape_cast %mul3A_201 : vector<16xf32> to vector<1x16xf32>
        tpu.vector_store %arg11[%swap3A_202, %swap3A_203], %swap3A_206 {strides = array<i32>} : memref<128x128xf32, #tpu.memory_space<vmem>>, vector<1x16xf32>,
        %slice3A_207 = vector.extract_strided_slice %get3A_36 {offsets = [2], sizes = [1], strides = [1]} : vector<16xf32> to vector<1xf32>
        %squeeze3A_208 = vector.extract %slice3A_207[0] : f32 from vector<1xf32>
        %broadcast_in_dim3A_209 = vector.broadcast %squeeze3A_208 : f32 to vector<16xf32>
        %mul3A_210 = arith.constant 16 : i32
        %mul3A_211 = arith.muli %scan3A_31, %mul3A_210 : i32
        %add3A_212 = arith.constant 2 : i32
        %add3A_213 = arith.addi %mul3A_211, %add3A_212 : i32
        %get3A_214 = arith.index_cast %add3A_213 : i32 to index
        %get3A_215 = arith.constant 0 : index
        %get3A_216 = tpu.vector_load %arg11[%get3A_214, %get3A_215] {strides = array<i32>} : memref<128x128xf32, #tpu.memory_space<vmem>>, vector<1x16xf32>,
        %get3A_217 = vector.shape_cast %get3A_216 : vector<1x16xf32> to vector<16xf32>
        %mul3A_218 = arith.mulf %get3A_217, %broadcast_in_dim3A_209 : vector<16xf32>
        %swap3A_219 = arith.index_cast %add3A_213 : i32 to index
        %swap3A_220 = arith.constant 0 : index
        %swap3A_221 = tpu.vector_load %arg11[%swap3A_219, %swap3A_220] {strides = array<i32>} : memref<128x128xf32, #tpu.memory_space<vmem>>, vector<1x16xf32>,
        %swap3A_222 = vector.shape_cast %swap3A_221 : vector<1x16xf32> to vector<16xf32>
        %swap3A_223 = vector.shape_cast %mul3A_218 : vector<16xf32> to vector<1x16xf32>
        tpu.vector_store %arg11[%swap3A_219, %swap3A_220], %swap3A_223 {strides = array<i32>} : memref<128x128xf32, #tpu.memory_space<vmem>>, vector<1x16xf32>,
        %get3A_224 = arith.index_cast %add3A_213 : i32 to index
        %get3A_225 = arith.constant 16 : index
        %get3A_226 = tpu.vector_load %arg11[%get3A_224, %get3A_225] {strides = array<i32>} : memref<128x128xf32, #tpu.memory_space<vmem>>, vector<1x16xf32>,
        %get3A_227 = vector.shape_cast %get3A_226 : vector<1x16xf32> to vector<16xf32>
        %mul3A_228 = arith.mulf %get3A_227, %broadcast_in_dim3A_209 : vector<16xf32>
        %swap3A_229 = arith.index_cast %add3A_213 : i32 to index
        %swap3A_230 = arith.constant 16 : index
        %swap3A_231 = tpu.vector_load %arg11[%swap3A_229, %swap3A_230] {strides = array<i32>} : memref<128x128xf32, #tpu.memory_space<vmem>>, vector<1x16xf32>,
        %swap3A_232 = vector.shape_cast %swap3A_231 : vector<1x16xf32> to vector<16xf32>
        %swap3A_233 = vector.shape_cast %mul3A_228 : vector<16xf32> to vector<1x16xf32>
        tpu.vector_store %arg11[%swap3A_229, %swap3A_230], %swap3A_233 {strides = array<i32>} : memref<128x128xf32, #tpu.memory_space<vmem>>, vector<1x16xf32>,
        %get3A_234 = arith.index_cast %add3A_213 : i32 to index
        %get3A_235 = arith.constant 32 : index
        %get3A_236 = tpu.vector_load %arg11[%get3A_234, %get3A_235] {strides = array<i32>} : memref<128x128xf32, #tpu.memory_space<vmem>>, vector<1x16xf32>,
        %get3A_237 = vector.shape_cast %get3A_236 : vector<1x16xf32> to vector<16xf32>
        %mul3A_238 = arith.mulf %get3A_237, %broadcast_in_dim3A_209 : vector<16xf32>
        %swap3A_239 = arith.index_cast %add3A_213 : i32 to index
        %swap3A_240 = arith.constant 32 : index
        %swap3A_241 = tpu.vector_load %arg11[%swap3A_239, %swap3A_240] {strides = array<i32>} : memref<128x128xf32, #tpu.memory_space<vmem>>, vector<1x16xf32>,
        %swap3A_242 = vector.shape_cast %swap3A_241 : vector<1x16xf32> to vector<16xf32>
        %swap3A_243 = vector.shape_cast %mul3A_238 : vector<16xf32> to vector<1x16xf32>
        tpu.vector_store %arg11[%swap3A_239, %swap3A_240], %swap3A_243 {strides = array<i32>} : memref<128x128xf32, #tpu.memory_space<vmem>>, vector<1x16xf32>,
        %get3A_244 = arith.index_cast %add3A_213 : i32 to index
        %get3A_245 = arith.constant 48 : index
        %get3A_246 = tpu.vector_load %arg11[%get3A_244, %get3A_245] {strides = array<i32>} : memref<128x128xf32, #tpu.memory_space<vmem>>, vector<1x16xf32>,
        %get3A_247 = vector.shape_cast %get3A_246 : vector<1x16xf32> to vector<16xf32>
        %mul3A_248 = arith.mulf %get3A_247, %broadcast_in_dim3A_209 : vector<16xf32>
        %swap3A_249 = arith.index_cast %add3A_213 : i32 to index
        %swap3A_250 = arith.constant 48 : index
        %swap3A_251 = tpu.vector_load %arg11[%swap3A_249, %swap3A_250] {strides = array<i32>} : memref<128x128xf32, #tpu.memory_space<vmem>>, vector<1x16xf32>,
        %swap3A_252 = vector.shape_cast %swap3A_251 : vector<1x16xf32> to vector<16xf32>
        %swap3A_253 = vector.shape_cast %mul3A_248 : vector<16xf32> to vector<1x16xf32>
        tpu.vector_store %arg11[%swap3A_249, %swap3A_250], %swap3A_253 {strides = array<i32>} : memref<128x128xf32, #tpu.memory_space<vmem>>, vector<1x16xf32>,
        %get3A_254 = arith.index_cast %add3A_213 : i32 to index
        %get3A_255 = arith.constant 64 : index
        %get3A_256 = tpu.vector_load %arg11[%get3A_254, %get3A_255] {strides = array<i32>} : memref<128x128xf32, #tpu.memory_space<vmem>>, vector<1x16xf32>,
        %get3A_257 = vector.shape_cast %get3A_256 : vector<1x16xf32> to vector<16xf32>
        %mul3A_258 = arith.mulf %get3A_257, %broadcast_in_dim3A_209 : vector<16xf32>
        %swap3A_259 = arith.index_cast %add3A_213 : i32 to index
        %swap3A_260 = arith.constant 64 : index
        %swap3A_261 = tpu.vector_load %arg11[%swap3A_259, %swap3A_260] {strides = array<i32>} : memref<128x128xf32, #tpu.memory_space<vmem>>, vector<1x16xf32>,
        %swap3A_262 = vector.shape_cast %swap3A_261 : vector<1x16xf32> to vector<16xf32>
        %swap3A_263 = vector.shape_cast %mul3A_258 : vector<16xf32> to vector<1x16xf32>
        tpu.vector_store %arg11[%swap3A_259, %swap3A_260], %swap3A_263 {strides = array<i32>} : memref<128x128xf32, #tpu.memory_space<vmem>>, vector<1x16xf32>,
        %get3A_264 = arith.index_cast %add3A_213 : i32 to index
        %get3A_265 = arith.constant 80 : index
        %get3A_266 = tpu.vector_load %arg11[%get3A_264, %get3A_265] {strides = array<i32>} : memref<128x128xf32, #tpu.memory_space<vmem>>, vector<1x16xf32>,
        %get3A_267 = vector.shape_cast %get3A_266 : vector<1x16xf32> to vector<16xf32>
        %mul3A_268 = arith.mulf %get3A_267, %broadcast_in_dim3A_209 : vector<16xf32>
        %swap3A_269 = arith.index_cast %add3A_213 : i32 to index
        %swap3A_270 = arith.constant 80 : index
        %swap3A_271 = tpu.vector_load %arg11[%swap3A_269, %swap3A_270] {strides = array<i32>} : memref<128x128xf32, #tpu.memory_space<vmem>>, vector<1x16xf32>,
        %swap3A_272 = vector.shape_cast %swap3A_271 : vector<1x16xf32> to vector<16xf32>
        %swap3A_273 = vector.shape_cast %mul3A_268 : vector<16xf32> to vector<1x16xf32>
        tpu.vector_store %arg11[%swap3A_269, %swap3A_270], %swap3A_273 {strides = array<i32>} : memref<128x128xf32, #tpu.memory_space<vmem>>, vector<1x16xf32>,
        %get3A_274 = arith.index_cast %add3A_213 : i32 to index
        %get3A_275 = arith.constant 96 : index
        %get3A_276 = tpu.vector_load %arg11[%get3A_274, %get3A_275] {strides = array<i32>} : memref<128x128xf32, #tpu.memory_space<vmem>>, vector<1x16xf32>,
        %get3A_277 = vector.shape_cast %get3A_276 : vector<1x16xf32> to vector<16xf32>
        %mul3A_278 = arith.mulf %get3A_277, %broadcast_in_dim3A_209 : vector<16xf32>
        %swap3A_279 = arith.index_cast %add3A_213 : i32 to index
        %swap3A_280 = arith.constant 96 : index
        %swap3A_281 = tpu.vector_load %arg11[%swap3A_279, %swap3A_280] {strides = array<i32>} : memref<128x128xf32, #tpu.memory_space<vmem>>, vector<1x16xf32>,
        %swap3A_282 = vector.shape_cast %swap3A_281 : vector<1x16xf32> to vector<16xf32>
        %swap3A_283 = vector.shape_cast %mul3A_278 : vector<16xf32> to vector<1x16xf32>
        tpu.vector_store %arg11[%swap3A_279, %swap3A_280], %swap3A_283 {strides = array<i32>} : memref<128x128xf32, #tpu.memory_space<vmem>>, vector<1x16xf32>,
        %get3A_284 = arith.index_cast %add3A_213 : i32 to index
        %get3A_285 = arith.constant 112 : index
        %get3A_286 = tpu.vector_load %arg11[%get3A_284, %get3A_285] {strides = array<i32>} : memref<128x128xf32, #tpu.memory_space<vmem>>, vector<1x16xf32>,
        %get3A_287 = vector.shape_cast %get3A_286 : vector<1x16xf32> to vector<16xf32>
        %mul3A_288 = arith.mulf %get3A_287, %broadcast_in_dim3A_209 : vector<16xf32>
        %swap3A_289 = arith.index_cast %add3A_213 : i32 to index
        %swap3A_290 = arith.constant 112 : index
        %swap3A_291 = tpu.vector_load %arg11[%swap3A_289, %swap3A_290] {strides = array<i32>} : memref<128x128xf32, #tpu.memory_space<vmem>>, vector<1x16xf32>,
        %swap3A_292 = vector.shape_cast %swap3A_291 : vector<1x16xf32> to vector<16xf32>
        %swap3A_293 = vector.shape_cast %mul3A_288 : vector<16xf32> to vector<1x16xf32>
        tpu.vector_store %arg11[%swap3A_289, %swap3A_290], %swap3A_293 {strides = array<i32>} : memref<128x128xf32, #tpu.memory_space<vmem>>, vector<1x16xf32>,
        %slice3A_294 = vector.extract_strided_slice %get3A_36 {offsets = [3], sizes = [1], strides = [1]} : vector<16xf32> to vector<1xf32>
        %squeeze3A_295 = vector.extract %slice3A_294[0] : f32 from vector<1xf32>
        %broadcast_in_dim3A_296 = vector.broadcast %squeeze3A_295 : f32 to vector<16xf32>
        %mul3A_297 = arith.constant 16 : i32
        %mul3A_298 = arith.muli %scan3A_31, %mul3A_297 : i32
        %add3A_299 = arith.constant 3 : i32
        %add3A_300 = arith.addi %mul3A_298, %add3A_299 : i32
        %get3A_301 = arith.index_cast %add3A_300 : i32 to index
        %get3A_302 = arith.constant 0 : index
        %get3A_303 = tpu.vector_load %arg11[%get3A_301, %get3A_302] {strides = array<i32>} : memref<128x128xf32, #tpu.memory_space<vmem>>, vector<1x16xf32>,
        %get3A_304 = vector.shape_cast %get3A_303 : vector<1x16xf32> to vector<16xf32>
        %mul3A_305 = arith.mulf %get3A_304, %broadcast_in_dim3A_296 : vector<16xf32>
        %swap3A_306 = arith.index_cast %add3A_300 : i32 to index
        %swap3A_307 = arith.constant 0 : index
        %swap3A_308 = tpu.vector_load %arg11[%swap3A_306, %swap3A_307] {strides = array<i32>} : memref<128x128xf32, #tpu.memory_space<vmem>>, vector<1x16xf32>,
        %swap3A_309 = vector.shape_cast %swap3A_308 : vector<1x16xf32> to vector<16xf32>
        %swap3A_310 = vector.shape_cast %mul3A_305 : vector<16xf32> to vector<1x16xf32>
        tpu.vector_store %arg11[%swap3A_306, %swap3A_307], %swap3A_310 {strides = array<i32>} : memref<128x128xf32, #tpu.memory_space<vmem>>, vector<1x16xf32>,
        %get3A_311 = arith.index_cast %add3A_300 : i32 to index
        %get3A_312 = arith.constant 16 : index
        %get3A_313 = tpu.vector_load %arg11[%get3A_311, %get3A_312] {strides = array<i32>} : memref<128x128xf32, #tpu.memory_space<vmem>>, vector<1x16xf32>,
        %get3A_314 = vector.shape_cast %get3A_313 : vector<1x16xf32> to vector<16xf32>
        %mul3A_315 = arith.mulf %get3A_314, %broadcast_in_dim3A_296 : vector<16xf32>
        %swap3A_316 = arith.index_cast %add3A_300 : i32 to index
        %swap3A_317 = arith.constant 16 : index
        %swap3A_318 = tpu.vector_load %arg11[%swap3A_316, %swap3A_317] {strides = array<i32>} : memref<128x128xf32, #tpu.memory_space<vmem>>, vector<1x16xf32>,
        %swap3A_319 = vector.shape_cast %swap3A_318 : vector<1x16xf32> to vector<16xf32>
        %swap3A_320 = vector.shape_cast %mul3A_315 : vector<16xf32> to vector<1x16xf32>
        tpu.vector_store %arg11[%swap3A_316, %swap3A_317], %swap3A_320 {strides = array<i32>} : memref<128x128xf32, #tpu.memory_space<vmem>>, vector<1x16xf32>,
        %get3A_321 = arith.index_cast %add3A_300 : i32 to index
        %get3A_322 = arith.constant 32 : index
        %get3A_323 = tpu.vector_load %arg11[%get3A_321, %get3A_322] {strides = array<i32>} : memref<128x128xf32, #tpu.memory_space<vmem>>, vector<1x16xf32>,
        %get3A_324 = vector.shape_cast %get3A_323 : vector<1x16xf32> to vector<16xf32>
        %mul3A_325 = arith.mulf %get3A_324, %broadcast_in_dim3A_296 : vector<16xf32>
        %swap3A_326 = arith.index_cast %add3A_300 : i32 to index
        %swap3A_327 = arith.constant 32 : index
        %swap3A_328 = tpu.vector_load %arg11[%swap3A_326, %swap3A_327] {strides = array<i32>} : memref<128x128xf32, #tpu.memory_space<vmem>>, vector<1x16xf32>,
        %swap3A_329 = vector.shape_cast %swap3A_328 : vector<1x16xf32> to vector<16xf32>
        %swap3A_330 = vector.shape_cast %mul3A_325 : vector<16xf32> to vector<1x16xf32>
        tpu.vector_store %arg11[%swap3A_326, %swap3A_327], %swap3A_330 {strides = array<i32>} : memref<128x128xf32, #tpu.memory_space<vmem>>, vector<1x16xf32>,
        %get3A_331 = arith.index_cast %add3A_300 : i32 to index
        %get3A_332 = arith.constant 48 : index
        %get3A_333 = tpu.vector_load %arg11[%get3A_331, %get3A_332] {strides = array<i32>} : memref<128x128xf32, #tpu.memory_space<vmem>>, vector<1x16xf32>,
        %get3A_334 = vector.shape_cast %get3A_333 : vector<1x16xf32> to vector<16xf32>
        %mul3A_335 = arith.mulf %get3A_334, %broadcast_in_dim3A_296 : vector<16xf32>
        %swap3A_336 = arith.index_cast %add3A_300 : i32 to index
        %swap3A_337 = arith.constant 48 : index
        %swap3A_338 = tpu.vector_load %arg11[%swap3A_336, %swap3A_337] {strides = array<i32>} : memref<128x128xf32, #tpu.memory_space<vmem>>, vector<1x16xf32>,
        %swap3A_339 = vector.shape_cast %swap3A_338 : vector<1x16xf32> to vector<16xf32>
        %swap3A_340 = vector.shape_cast %mul3A_335 : vector<16xf32> to vector<1x16xf32>
        tpu.vector_store %arg11[%swap3A_336, %swap3A_337], %swap3A_340 {strides = array<i32>} : memref<128x128xf32, #tpu.memory_space<vmem>>, vector<1x16xf32>,
        %get3A_341 = arith.index_cast %add3A_300 : i32 to index
        %get3A_342 = arith.constant 64 : index
        %get3A_343 = tpu.vector_load %arg11[%get3A_341, %get3A_342] {strides = array<i32>} : memref<128x128xf32, #tpu.memory_space<vmem>>, vector<1x16xf32>,
        %get3A_344 = vector.shape_cast %get3A_343 : vector<1x16xf32> to vector<16xf32>
        %mul3A_345 = arith.mulf %get3A_344, %broadcast_in_dim3A_296 : vector<16xf32>
        %swap3A_346 = arith.index_cast %add3A_300 : i32 to index
        %swap3A_347 = arith.constant 64 : index
        %swap3A_348 = tpu.vector_load %arg11[%swap3A_346, %swap3A_347] {strides = array<i32>} : memref<128x128xf32, #tpu.memory_space<vmem>>, vector<1x16xf32>,
        %swap3A_349 = vector.shape_cast %swap3A_348 : vector<1x16xf32> to vector<16xf32>
        %swap3A_350 = vector.shape_cast %mul3A_345 : vector<16xf32> to vector<1x16xf32>
        tpu.vector_store %arg11[%swap3A_346, %swap3A_347], %swap3A_350 {strides = array<i32>} : memref<128x128xf32, #tpu.memory_space<vmem>>, vector<1x16xf32>,
        %get3A_351 = arith.index_cast %add3A_300 : i32 to index
        %get3A_352 = arith.constant 80 : index
        %get3A_353 = tpu.vector_load %arg11[%get3A_351, %get3A_352] {strides = array<i32>} : memref<128x128xf32, #tpu.memory_space<vmem>>, vector<1x16xf32>,
        %get3A_354 = vector.shape_cast %get3A_353 : vector<1x16xf32> to vector<16xf32>
        %mul3A_355 = arith.mulf %get3A_354, %broadcast_in_dim3A_296 : vector<16xf32>
        %swap3A_356 = arith.index_cast %add3A_300 : i32 to index
        %swap3A_357 = arith.constant 80 : index
        %swap3A_358 = tpu.vector_load %arg11[%swap3A_356, %swap3A_357] {strides = array<i32>} : memref<128x128xf32, #tpu.memory_space<vmem>>, vector<1x16xf32>,
        %swap3A_359 = vector.shape_cast %swap3A_358 : vector<1x16xf32> to vector<16xf32>
        %swap3A_360 = vector.shape_cast %mul3A_355 : vector<16xf32> to vector<1x16xf32>
        tpu.vector_store %arg11[%swap3A_356, %swap3A_357], %swap3A_360 {strides = array<i32>} : memref<128x128xf32, #tpu.memory_space<vmem>>, vector<1x16xf32>,
        %get3A_361 = arith.index_cast %add3A_300 : i32 to index
        %get3A_362 = arith.constant 96 : index
        %get3A_363 = tpu.vector_load %arg11[%get3A_361, %get3A_362] {strides = array<i32>} : memref<128x128xf32, #tpu.memory_space<vmem>>, vector<1x16xf32>,
        %get3A_364 = vector.shape_cast %get3A_363 : vector<1x16xf32> to vector<16xf32>
        %mul3A_365 = arith.mulf %get3A_364, %broadcast_in_dim3A_296 : vector<16xf32>
        %swap3A_366 = arith.index_cast %add3A_300 : i32 to index
        %swap3A_367 = arith.constant 96 : index
        %swap3A_368 = tpu.vector_load %arg11[%swap3A_366, %swap3A_367] {strides = array<i32>} : memref<128x128xf32, #tpu.memory_space<vmem>>, vector<1x16xf32>,
        %swap3A_369 = vector.shape_cast %swap3A_368 : vector<1x16xf32> to vector<16xf32>
        %swap3A_370 = vector.shape_cast %mul3A_365 : vector<16xf32> to vector<1x16xf32>
        tpu.vector_store %arg11[%swap3A_366, %swap3A_367], %swap3A_370 {strides = array<i32>} : memref<128x128xf32, #tpu.memory_space<vmem>>, vector<1x16xf32>,
        %get3A_371 = arith.index_cast %add3A_300 : i32 to index
        %get3A_372 = arith.constant 112 : index
        %get3A_373 = tpu.vector_load %arg11[%get3A_371, %get3A_372] {strides = array<i32>} : memref<128x128xf32, #tpu.memory_space<vmem>>, vector<1x16xf32>,
        %get3A_374 = vector.shape_cast %get3A_373 : vector<1x16xf32> to vector<16xf32>
        %mul3A_375 = arith.mulf %get3A_374, %broadcast_in_dim3A_296 : vector<16xf32>
        %swap3A_376 = arith.index_cast %add3A_300 : i32 to index
        %swap3A_377 = arith.constant 112 : index
        %swap3A_378 = tpu.vector_load %arg11[%swap3A_376, %swap3A_377] {strides = array<i32>} : memref<128x128xf32, #tpu.memory_space<vmem>>, vector<1x16xf32>,
        %swap3A_379 = vector.shape_cast %swap3A_378 : vector<1x16xf32> to vector<16xf32>
        %swap3A_380 = vector.shape_cast %mul3A_375 : vector<16xf32> to vector<1x16xf32>
        tpu.vector_store %arg11[%swap3A_376, %swap3A_377], %swap3A_380 {strides = array<i32>} : memref<128x128xf32, #tpu.memory_space<vmem>>, vector<1x16xf32>,
        %slice3A_381 = vector.extract_strided_slice %get3A_36 {offsets = [4], sizes = [1], strides = [1]} : vector<16xf32> to vector<1xf32>
        %squeeze3A_382 = vector.extract %slice3A_381[0] : f32 from vector<1xf32>
        %broadcast_in_dim3A_383 = vector.broadcast %squeeze3A_382 : f32 to vector<16xf32>
        %mul3A_384 = arith.constant 16 : i32
        %mul3A_385 = arith.muli %scan3A_31, %mul3A_384 : i32
        %add3A_386 = arith.constant 4 : i32
        %add3A_387 = arith.addi %mul3A_385, %add3A_386 : i32
        %get3A_388 = arith.index_cast %add3A_387 : i32 to index
        %get3A_389 = arith.constant 0 : index
        %get3A_390 = tpu.vector_load %arg11[%get3A_388, %get3A_389] {strides = array<i32>} : memref<128x128xf32, #tpu.memory_space<vmem>>, vector<1x16xf32>,
        %get3A_391 = vector.shape_cast %get3A_390 : vector<1x16xf32> to vector<16xf32>
        %mul3A_392 = arith.mulf %get3A_391, %broadcast_in_dim3A_383 : vector<16xf32>
        %swap3A_393 = arith.index_cast %add3A_387 : i32 to index
        %swap3A_394 = arith.constant 0 : index
        %swap3A_395 = tpu.vector_load %arg11[%swap3A_393, %swap3A_394] {strides = array<i32>} : memref<128x128xf32, #tpu.memory_space<vmem>>, vector<1x16xf32>,
        %swap3A_396 = vector.shape_cast %swap3A_395 : vector<1x16xf32> to vector<16xf32>
        %swap3A_397 = vector.shape_cast %mul3A_392 : vector<16xf32> to vector<1x16xf32>
        tpu.vector_store %arg11[%swap3A_393, %swap3A_394], %swap3A_397 {strides = array<i32>} : memref<128x128xf32, #tpu.memory_space<vmem>>, vector<1x16xf32>,
        %get3A_398 = arith.index_cast %add3A_387 : i32 to index
        %get3A_399 = arith.constant 16 : index
        %get3A_400 = tpu.vector_load %arg11[%get3A_398, %get3A_399] {strides = array<i32>} : memref<128x128xf32, #tpu.memory_space<vmem>>, vector<1x16xf32>,
        %get3A_401 = vector.shape_cast %get3A_400 : vector<1x16xf32> to vector<16xf32>
        %mul3A_402 = arith.mulf %get3A_401, %broadcast_in_dim3A_383 : vector<16xf32>
        %swap3A_403 = arith.index_cast %add3A_387 : i32 to index
        %swap3A_404 = arith.constant 16 : index
        %swap3A_405 = tpu.vector_load %arg11[%swap3A_403, %swap3A_404] {strides = array<i32>} : memref<128x128xf32, #tpu.memory_space<vmem>>, vector<1x16xf32>,
        %swap3A_406 = vector.shape_cast %swap3A_405 : vector<1x16xf32> to vector<16xf32>
        %swap3A_407 = vector.shape_cast %mul3A_402 : vector<16xf32> to vector<1x16xf32>
        tpu.vector_store %arg11[%swap3A_403, %swap3A_404], %swap3A_407 {strides = array<i32>} : memref<128x128xf32, #tpu.memory_space<vmem>>, vector<1x16xf32>,
        %get3A_408 = arith.index_cast %add3A_387 : i32 to index
        %get3A_409 = arith.constant 32 : index
        %get3A_410 = tpu.vector_load %arg11[%get3A_408, %get3A_409] {strides = array<i32>} : memref<128x128xf32, #tpu.memory_space<vmem>>, vector<1x16xf32>,
        %get3A_411 = vector.shape_cast %get3A_410 : vector<1x16xf32> to vector<16xf32>
        %mul3A_412 = arith.mulf %get3A_411, %broadcast_in_dim3A_383 : vector<16xf32>
        %swap3A_413 = arith.index_cast %add3A_387 : i32 to index
        %swap3A_414 = arith.constant 32 : index
        %swap3A_415 = tpu.vector_load %arg11[%swap3A_413, %swap3A_414] {strides = array<i32>} : memref<128x128xf32, #tpu.memory_space<vmem>>, vector<1x16xf32>,
        %swap3A_416 = vector.shape_cast %swap3A_415 : vector<1x16xf32> to vector<16xf32>
        %swap3A_417 = vector.shape_cast %mul3A_412 : vector<16xf32> to vector<1x16xf32>
        tpu.vector_store %arg11[%swap3A_413, %swap3A_414], %swap3A_417 {strides = array<i32>} : memref<128x128xf32, #tpu.memory_space<vmem>>, vector<1x16xf32>,
        %get3A_418 = arith.index_cast %add3A_387 : i32 to index
        %get3A_419 = arith.constant 48 : index
        %get3A_420 = tpu.vector_load %arg11[%get3A_418, %get3A_419] {strides = array<i32>} : memref<128x128xf32, #tpu.memory_space<vmem>>, vector<1x16xf32>,
        %get3A_421 = vector.shape_cast %get3A_420 : vector<1x16xf32> to vector<16xf32>
        %mul3A_422 = arith.mulf %get3A_421, %broadcast_in_dim3A_383 : vector<16xf32>
        %swap3A_423 = arith.index_cast %add3A_387 : i32 to index
        %swap3A_424 = arith.constant 48 : index
        %swap3A_425 = tpu.vector_load %arg11[%swap3A_423, %swap3A_424] {strides = array<i32>} : memref<128x128xf32, #tpu.memory_space<vmem>>, vector<1x16xf32>,
        %swap3A_426 = vector.shape_cast %swap3A_425 : vector<1x16xf32> to vector<16xf32>
        %swap3A_427 = vector.shape_cast %mul3A_422 : vector<16xf32> to vector<1x16xf32>
        tpu.vector_store %arg11[%swap3A_423, %swap3A_424], %swap3A_427 {strides = array<i32>} : memref<128x128xf32, #tpu.memory_space<vmem>>, vector<1x16xf32>,
        %get3A_428 = arith.index_cast %add3A_387 : i32 to index
        %get3A_429 = arith.constant 64 : index
        %get3A_430 = tpu.vector_load %arg11[%get3A_428, %get3A_429] {strides = array<i32>} : memref<128x128xf32, #tpu.memory_space<vmem>>, vector<1x16xf32>,
        %get3A_431 = vector.shape_cast %get3A_430 : vector<1x16xf32> to vector<16xf32>
        %mul3A_432 = arith.mulf %get3A_431, %broadcast_in_dim3A_383 : vector<16xf32>
        %swap3A_433 = arith.index_cast %add3A_387 : i32 to index
        %swap3A_434 = arith.constant 64 : index
        %swap3A_435 = tpu.vector_load %arg11[%swap3A_433, %swap3A_434] {strides = array<i32>} : memref<128x128xf32, #tpu.memory_space<vmem>>, vector<1x16xf32>,
        %swap3A_436 = vector.shape_cast %swap3A_435 : vector<1x16xf32> to vector<16xf32>
        %swap3A_437 = vector.shape_cast %mul3A_432 : vector<16xf32> to vector<1x16xf32>
        tpu.vector_store %arg11[%swap3A_433, %swap3A_434], %swap3A_437 {strides = array<i32>} : memref<128x128xf32, #tpu.memory_space<vmem>>, vector<1x16xf32>,
        %get3A_438 = arith.index_cast %add3A_387 : i32 to index
        %get3A_439 = arith.constant 80 : index
        %get3A_440 = tpu.vector_load %arg11[%get3A_438, %get3A_439] {strides = array<i32>} : memref<128x128xf32, #tpu.memory_space<vmem>>, vector<1x16xf32>,
        %get3A_441 = vector.shape_cast %get3A_440 : vector<1x16xf32> to vector<16xf32>
        %mul3A_442 = arith.mulf %get3A_441, %broadcast_in_dim3A_383 : vector<16xf32>
        %swap3A_443 = arith.index_cast %add3A_387 : i32 to index
        %swap3A_444 = arith.constant 80 : index
        %swap3A_445 = tpu.vector_load %arg11[%swap3A_443, %swap3A_444] {strides = array<i32>} : memref<128x128xf32, #tpu.memory_space<vmem>>, vector<1x16xf32>,
        %swap3A_446 = vector.shape_cast %swap3A_445 : vector<1x16xf32> to vector<16xf32>
        %swap3A_447 = vector.shape_cast %mul3A_442 : vector<16xf32> to vector<1x16xf32>
        tpu.vector_store %arg11[%swap3A_443, %swap3A_444], %swap3A_447 {strides = array<i32>} : memref<128x128xf32, #tpu.memory_space<vmem>>, vector<1x16xf32>,
        %get3A_448 = arith.index_cast %add3A_387 : i32 to index
        %get3A_449 = arith.constant 96 : index
        %get3A_450 = tpu.vector_load %arg11[%get3A_448, %get3A_449] {strides = array<i32>} : memref<128x128xf32, #tpu.memory_space<vmem>>, vector<1x16xf32>,
        %get3A_451 = vector.shape_cast %get3A_450 : vector<1x16xf32> to vector<16xf32>
        %mul3A_452 = arith.mulf %get3A_451, %broadcast_in_dim3A_383 : vector<16xf32>
        %swap3A_453 = arith.index_cast %add3A_387 : i32 to index
        %swap3A_454 = arith.constant 96 : index
        %swap3A_455 = tpu.vector_load %arg11[%swap3A_453, %swap3A_454] {strides = array<i32>} : memref<128x128xf32, #tpu.memory_space<vmem>>, vector<1x16xf32>,
        %swap3A_456 = vector.shape_cast %swap3A_455 : vector<1x16xf32> to vector<16xf32>
        %swap3A_457 = vector.shape_cast %mul3A_452 : vector<16xf32> to vector<1x16xf32>
        tpu.vector_store %arg11[%swap3A_453, %swap3A_454], %swap3A_457 {strides = array<i32>} : memref<128x128xf32, #tpu.memory_space<vmem>>, vector<1x16xf32>,
        %get3A_458 = arith.index_cast %add3A_387 : i32 to index
        %get3A_459 = arith.constant 112 : index
        %get3A_460 = tpu.vector_load %arg11[%get3A_458, %get3A_459] {strides = array<i32>} : memref<128x128xf32, #tpu.memory_space<vmem>>, vector<1x16xf32>,
        %get3A_461 = vector.shape_cast %get3A_460 : vector<1x16xf32> to vector<16xf32>
        %mul3A_462 = arith.mulf %get3A_461, %broadcast_in_dim3A_383 : vector<16xf32>
        %swap3A_463 = arith.index_cast %add3A_387 : i32 to index
        %swap3A_464 = arith.constant 112 : index
        %swap3A_465 = tpu.vector_load %arg11[%swap3A_463, %swap3A_464] {strides = array<i32>} : memref<128x128xf32, #tpu.memory_space<vmem>>, vector<1x16xf32>,
        %swap3A_466 = vector.shape_cast %swap3A_465 : vector<1x16xf32> to vector<16xf32>
        %swap3A_467 = vector.shape_cast %mul3A_462 : vector<16xf32> to vector<1x16xf32>
        tpu.vector_store %arg11[%swap3A_463, %swap3A_464], %swap3A_467 {strides = array<i32>} : memref<128x128xf32, #tpu.memory_space<vmem>>, vector<1x16xf32>,
        %slice3A_468 = vector.extract_strided_slice %get3A_36 {offsets = [5], sizes = [1], strides = [1]} : vector<16xf32> to vector<1xf32>
        %squeeze3A_469 = vector.extract %slice3A_468[0] : f32 from vector<1xf32>
        %broadcast_in_dim3A_470 = vector.broadcast %squeeze3A_469 : f32 to vector<16xf32>
        %mul3A_471 = arith.constant 16 : i32
        %mul3A_472 = arith.muli %scan3A_31, %mul3A_471 : i32
        %add3A_473 = arith.constant 5 : i32
        %add3A_474 = arith.addi %mul3A_472, %add3A_473 : i32
        %get3A_475 = arith.index_cast %add3A_474 : i32 to index
        %get3A_476 = arith.constant 0 : index
        %get3A_477 = tpu.vector_load %arg11[%get3A_475, %get3A_476] {strides = array<i32>} : memref<128x128xf32, #tpu.memory_space<vmem>>, vector<1x16xf32>,
        %get3A_478 = vector.shape_cast %get3A_477 : vector<1x16xf32> to vector<16xf32>
        %mul3A_479 = arith.mulf %get3A_478, %broadcast_in_dim3A_470 : vector<16xf32>
        %swap3A_480 = arith.index_cast %add3A_474 : i32 to index
        %swap3A_481 = arith.constant 0 : index
        %swap3A_482 = tpu.vector_load %arg11[%swap3A_480, %swap3A_481] {strides = array<i32>} : memref<128x128xf32, #tpu.memory_space<vmem>>, vector<1x16xf32>,
        %swap3A_483 = vector.shape_cast %swap3A_482 : vector<1x16xf32> to vector<16xf32>
        %swap3A_484 = vector.shape_cast %mul3A_479 : vector<16xf32> to vector<1x16xf32>
        tpu.vector_store %arg11[%swap3A_480, %swap3A_481], %swap3A_484 {strides = array<i32>} : memref<128x128xf32, #tpu.memory_space<vmem>>, vector<1x16xf32>,
        %get3A_485 = arith.index_cast %add3A_474 : i32 to index
        %get3A_486 = arith.constant 16 : index
        %get3A_487 = tpu.vector_load %arg11[%get3A_485, %get3A_486] {strides = array<i32>} : memref<128x128xf32, #tpu.memory_space<vmem>>, vector<1x16xf32>,
        %get3A_488 = vector.shape_cast %get3A_487 : vector<1x16xf32> to vector<16xf32>
        %mul3A_489 = arith.mulf %get3A_488, %broadcast_in_dim3A_470 : vector<16xf32>
        %swap3A_490 = arith.index_cast %add3A_474 : i32 to index
        %swap3A_491 = arith.constant 16 : index
        %swap3A_492 = tpu.vector_load %arg11[%swap3A_490, %swap3A_491] {strides = array<i32>} : memref<128x128xf32, #tpu.memory_space<vmem>>, vector<1x16xf32>,
        %swap3A_493 = vector.shape_cast %swap3A_492 : vector<1x16xf32> to vector<16xf32>
        %swap3A_494 = vector.shape_cast %mul3A_489 : vector<16xf32> to vector<1x16xf32>
        tpu.vector_store %arg11[%swap3A_490, %swap3A_491], %swap3A_494 {strides = array<i32>} : memref<128x128xf32, #tpu.memory_space<vmem>>, vector<1x16xf32>,
        %get3A_495 = arith.index_cast %add3A_474 : i32 to index
        %get3A_496 = arith.constant 32 : index
        %get3A_497 = tpu.vector_load %arg11[%get3A_495, %get3A_496] {strides = array<i32>} : memref<128x128xf32, #tpu.memory_space<vmem>>, vector<1x16xf32>,
        %get3A_498 = vector.shape_cast %get3A_497 : vector<1x16xf32> to vector<16xf32>
        %mul3A_499 = arith.mulf %get3A_498, %broadcast_in_dim3A_470 : vector<16xf32>
        %swap3A_500 = arith.index_cast %add3A_474 : i32 to index
        %swap3A_501 = arith.constant 32 : index
        %swap3A_502 = tpu.vector_load %arg11[%swap3A_500, %swap3A_501] {strides = array<i32>} : memref<128x128xf32, #tpu.memory_space<vmem>>, vector<1x16xf32>,
        %swap3A_503 = vector.shape_cast %swap3A_502 : vector<1x16xf32> to vector<16xf32>
        %swap3A_504 = vector.shape_cast %mul3A_499 : vector<16xf32> to vector<1x16xf32>
        tpu.vector_store %arg11[%swap3A_500, %swap3A_501], %swap3A_504 {strides = array<i32>} : memref<128x128xf32, #tpu.memory_space<vmem>>, vector<1x16xf32>,
        %get3A_505 = arith.index_cast %add3A_474 : i32 to index
        %get3A_506 = arith.constant 48 : index
        %get3A_507 = tpu.vector_load %arg11[%get3A_505, %get3A_506] {strides = array<i32>} : memref<128x128xf32, #tpu.memory_space<vmem>>, vector<1x16xf32>,
        %get3A_508 = vector.shape_cast %get3A_507 : vector<1x16xf32> to vector<16xf32>
        %mul3A_509 = arith.mulf %get3A_508, %broadcast_in_dim3A_470 : vector<16xf32>
        %swap3A_510 = arith.index_cast %add3A_474 : i32 to index
        %swap3A_511 = arith.constant 48 : index
        %swap3A_512 = tpu.vector_load %arg11[%swap3A_510, %swap3A_511] {strides = array<i32>} : memref<128x128xf32, #tpu.memory_space<vmem>>, vector<1x16xf32>,
        %swap3A_513 = vector.shape_cast %swap3A_512 : vector<1x16xf32> to vector<16xf32>
        %swap3A_514 = vector.shape_cast %mul3A_509 : vector<16xf32> to vector<1x16xf32>
        tpu.vector_store %arg11[%swap3A_510, %swap3A_511], %swap3A_514 {strides = array<i32>} : memref<128x128xf32, #tpu.memory_space<vmem>>, vector<1x16xf32>,
        %get3A_515 = arith.index_cast %add3A_474 : i32 to index
        %get3A_516 = arith.constant 64 : index
        %get3A_517 = tpu.vector_load %arg11[%get3A_515, %get3A_516] {strides = array<i32>} : memref<128x128xf32, #tpu.memory_space<vmem>>, vector<1x16xf32>,
        %get3A_518 = vector.shape_cast %get3A_517 : vector<1x16xf32> to vector<16xf32>
        %mul3A_519 = arith.mulf %get3A_518, %broadcast_in_dim3A_470 : vector<16xf32>
        %swap3A_520 = arith.index_cast %add3A_474 : i32 to index
        %swap3A_521 = arith.constant 64 : index
        %swap3A_522 = tpu.vector_load %arg11[%swap3A_520, %swap3A_521] {strides = array<i32>} : memref<128x128xf32, #tpu.memory_space<vmem>>, vector<1x16xf32>,
        %swap3A_523 = vector.shape_cast %swap3A_522 : vector<1x16xf32> to vector<16xf32>
        %swap3A_524 = vector.shape_cast %mul3A_519 : vector<16xf32> to vector<1x16xf32>
        tpu.vector_store %arg11[%swap3A_520, %swap3A_521], %swap3A_524 {strides = array<i32>} : memref<128x128xf32, #tpu.memory_space<vmem>>, vector<1x16xf32>,
        %get3A_525 = arith.index_cast %add3A_474 : i32 to index
        %get3A_526 = arith.constant 80 : index
        %get3A_527 = tpu.vector_load %arg11[%get3A_525, %get3A_526] {strides = array<i32>} : memref<128x128xf32, #tpu.memory_space<vmem>>, vector<1x16xf32>,
        %get3A_528 = vector.shape_cast %get3A_527 : vector<1x16xf32> to vector<16xf32>
        %mul3A_529 = arith.mulf %get3A_528, %broadcast_in_dim3A_470 : vector<16xf32>
        %swap3A_530 = arith.index_cast %add3A_474 : i32 to index
        %swap3A_531 = arith.constant 80 : index
        %swap3A_532 = tpu.vector_load %arg11[%swap3A_530, %swap3A_531] {strides = array<i32>} : memref<128x128xf32, #tpu.memory_space<vmem>>, vector<1x16xf32>,
        %swap3A_533 = vector.shape_cast %swap3A_532 : vector<1x16xf32> to vector<16xf32>
        %swap3A_534 = vector.shape_cast %mul3A_529 : vector<16xf32> to vector<1x16xf32>
        tpu.vector_store %arg11[%swap3A_530, %swap3A_531], %swap3A_534 {strides = array<i32>} : memref<128x128xf32, #tpu.memory_space<vmem>>, vector<1x16xf32>,
        %get3A_535 = arith.index_cast %add3A_474 : i32 to index
        %get3A_536 = arith.constant 96 : index
        %get3A_537 = tpu.vector_load %arg11[%get3A_535, %get3A_536] {strides = array<i32>} : memref<128x128xf32, #tpu.memory_space<vmem>>, vector<1x16xf32>,
        %get3A_538 = vector.shape_cast %get3A_537 : vector<1x16xf32> to vector<16xf32>
        %mul3A_539 = arith.mulf %get3A_538, %broadcast_in_dim3A_470 : vector<16xf32>
        %swap3A_540 = arith.index_cast %add3A_474 : i32 to index
        %swap3A_541 = arith.constant 96 : index
        %swap3A_542 = tpu.vector_load %arg11[%swap3A_540, %swap3A_541] {strides = array<i32>} : memref<128x128xf32, #tpu.memory_space<vmem>>, vector<1x16xf32>,
        %swap3A_543 = vector.shape_cast %swap3A_542 : vector<1x16xf32> to vector<16xf32>
        %swap3A_544 = vector.shape_cast %mul3A_539 : vector<16xf32> to vector<1x16xf32>
        tpu.vector_store %arg11[%swap3A_540, %swap3A_541], %swap3A_544 {strides = array<i32>} : memref<128x128xf32, #tpu.memory_space<vmem>>, vector<1x16xf32>,
        %get3A_545 = arith.index_cast %add3A_474 : i32 to index
        %get3A_546 = arith.constant 112 : index
        %get3A_547 = tpu.vector_load %arg11[%get3A_545, %get3A_546] {strides = array<i32>} : memref<128x128xf32, #tpu.memory_space<vmem>>, vector<1x16xf32>,
        %get3A_548 = vector.shape_cast %get3A_547 : vector<1x16xf32> to vector<16xf32>
        %mul3A_549 = arith.mulf %get3A_548, %broadcast_in_dim3A_470 : vector<16xf32>
        %swap3A_550 = arith.index_cast %add3A_474 : i32 to index
        %swap3A_551 = arith.constant 112 : index
        %swap3A_552 = tpu.vector_load %arg11[%swap3A_550, %swap3A_551] {strides = array<i32>} : memref<128x128xf32, #tpu.memory_space<vmem>>, vector<1x16xf32>,
        %swap3A_553 = vector.shape_cast %swap3A_552 : vector<1x16xf32> to vector<16xf32>
        %swap3A_554 = vector.shape_cast %mul3A_549 : vector<16xf32> to vector<1x16xf32>
        tpu.vector_store %arg11[%swap3A_550, %swap3A_551], %swap3A_554 {strides = array<i32>} : memref<128x128xf32, #tpu.memory_space<vmem>>, vector<1x16xf32>,
        %slice3A_555 = vector.extract_strided_slice %get3A_36 {offsets = [6], sizes = [1], strides = [1]} : vector<16xf32> to vector<1xf32>
        %squeeze3A_556 = vector.extract %slice3A_555[0] : f32 from vector<1xf32>
        %broadcast_in_dim3A_557 = vector.broadcast %squeeze3A_556 : f32 to vector<16xf32>
        %mul3A_558 = arith.constant 16 : i32
        %mul3A_559 = arith.muli %scan3A_31, %mul3A_558 : i32
        %add3A_560 = arith.constant 6 : i32
        %add3A_561 = arith.addi %mul3A_559, %add3A_560 : i32
        %get3A_562 = arith.index_cast %add3A_561 : i32 to index
        %get3A_563 = arith.constant 0 : index
        %get3A_564 = tpu.vector_load %arg11[%get3A_562, %get3A_563] {strides = array<i32>} : memref<128x128xf32, #tpu.memory_space<vmem>>, vector<1x16xf32>,
        %get3A_565 = vector.shape_cast %get3A_564 : vector<1x16xf32> to vector<16xf32>
        %mul3A_566 = arith.mulf %get3A_565, %broadcast_in_dim3A_557 : vector<16xf32>
        %swap3A_567 = arith.index_cast %add3A_561 : i32 to index
        %swap3A_568 = arith.constant 0 : index
        %swap3A_569 = tpu.vector_load %arg11[%swap3A_567, %swap3A_568] {strides = array<i32>} : memref<128x128xf32, #tpu.memory_space<vmem>>, vector<1x16xf32>,
        %swap3A_570 = vector.shape_cast %swap3A_569 : vector<1x16xf32> to vector<16xf32>
        %swap3A_571 = vector.shape_cast %mul3A_566 : vector<16xf32> to vector<1x16xf32>
        tpu.vector_store %arg11[%swap3A_567, %swap3A_568], %swap3A_571 {strides = array<i32>} : memref<128x128xf32, #tpu.memory_space<vmem>>, vector<1x16xf32>,
        %get3A_572 = arith.index_cast %add3A_561 : i32 to index
        %get3A_573 = arith.constant 16 : index
        %get3A_574 = tpu.vector_load %arg11[%get3A_572, %get3A_573] {strides = array<i32>} : memref<128x128xf32, #tpu.memory_space<vmem>>, vector<1x16xf32>,
        %get3A_575 = vector.shape_cast %get3A_574 : vector<1x16xf32> to vector<16xf32>
        %mul3A_576 = arith.mulf %get3A_575, %broadcast_in_dim3A_557 : vector<16xf32>
        %swap3A_577 = arith.index_cast %add3A_561 : i32 to index
        %swap3A_578 = arith.constant 16 : index
        %swap3A_579 = tpu.vector_load %arg11[%swap3A_577, %swap3A_578] {strides = array<i32>} : memref<128x128xf32, #tpu.memory_space<vmem>>, vector<1x16xf32>,
        %swap3A_580 = vector.shape_cast %swap3A_579 : vector<1x16xf32> to vector<16xf32>
        %swap3A_581 = vector.shape_cast %mul3A_576 : vector<16xf32> to vector<1x16xf32>
        tpu.vector_store %arg11[%swap3A_577, %swap3A_578], %swap3A_581 {strides = array<i32>} : memref<128x128xf32, #tpu.memory_space<vmem>>, vector<1x16xf32>,
        %get3A_582 = arith.index_cast %add3A_561 : i32 to index
        %get3A_583 = arith.constant 32 : index
        %get3A_584 = tpu.vector_load %arg11[%get3A_582, %get3A_583] {strides = array<i32>} : memref<128x128xf32, #tpu.memory_space<vmem>>, vector<1x16xf32>,
        %get3A_585 = vector.shape_cast %get3A_584 : vector<1x16xf32> to vector<16xf32>
        %mul3A_586 = arith.mulf %get3A_585, %broadcast_in_dim3A_557 : vector<16xf32>
        %swap3A_587 = arith.index_cast %add3A_561 : i32 to index
        %swap3A_588 = arith.constant 32 : index
        %swap3A_589 = tpu.vector_load %arg11[%swap3A_587, %swap3A_588] {strides = array<i32>} : memref<128x128xf32, #tpu.memory_space<vmem>>, vector<1x16xf32>,
        %swap3A_590 = vector.shape_cast %swap3A_589 : vector<1x16xf32> to vector<16xf32>
        %swap3A_591 = vector.shape_cast %mul3A_586 : vector<16xf32> to vector<1x16xf32>
        tpu.vector_store %arg11[%swap3A_587, %swap3A_588], %swap3A_591 {strides = array<i32>} : memref<128x128xf32, #tpu.memory_space<vmem>>, vector<1x16xf32>,
        %get3A_592 = arith.index_cast %add3A_561 : i32 to index
        %get3A_593 = arith.constant 48 : index
        %get3A_594 = tpu.vector_load %arg11[%get3A_592, %get3A_593] {strides = array<i32>} : memref<128x128xf32, #tpu.memory_space<vmem>>, vector<1x16xf32>,
        %get3A_595 = vector.shape_cast %get3A_594 : vector<1x16xf32> to vector<16xf32>
        %mul3A_596 = arith.mulf %get3A_595, %broadcast_in_dim3A_557 : vector<16xf32>
        %swap3A_597 = arith.index_cast %add3A_561 : i32 to index
        %swap3A_598 = arith.constant 48 : index
        %swap3A_599 = tpu.vector_load %arg11[%swap3A_597, %swap3A_598] {strides = array<i32>} : memref<128x128xf32, #tpu.memory_space<vmem>>, vector<1x16xf32>,
        %swap3A_600 = vector.shape_cast %swap3A_599 : vector<1x16xf32> to vector<16xf32>
        %swap3A_601 = vector.shape_cast %mul3A_596 : vector<16xf32> to vector<1x16xf32>
        tpu.vector_store %arg11[%swap3A_597, %swap3A_598], %swap3A_601 {strides = array<i32>} : memref<128x128xf32, #tpu.memory_space<vmem>>, vector<1x16xf32>,
        %get3A_602 = arith.index_cast %add3A_561 : i32 to index
        %get3A_603 = arith.constant 64 : index
        %get3A_604 = tpu.vector_load %arg11[%get3A_602, %get3A_603] {strides = array<i32>} : memref<128x128xf32, #tpu.memory_space<vmem>>, vector<1x16xf32>,
        %get3A_605 = vector.shape_cast %get3A_604 : vector<1x16xf32> to vector<16xf32>
        %mul3A_606 = arith.mulf %get3A_605, %broadcast_in_dim3A_557 : vector<16xf32>
        %swap3A_607 = arith.index_cast %add3A_561 : i32 to index
        %swap3A_608 = arith.constant 64 : index
        %swap3A_609 = tpu.vector_load %arg11[%swap3A_607, %swap3A_608] {strides = array<i32>} : memref<128x128xf32, #tpu.memory_space<vmem>>, vector<1x16xf32>,
        %swap3A_610 = vector.shape_cast %swap3A_609 : vector<1x16xf32> to vector<16xf32>
        %swap3A_611 = vector.shape_cast %mul3A_606 : vector<16xf32> to vector<1x16xf32>
        tpu.vector_store %arg11[%swap3A_607, %swap3A_608], %swap3A_611 {strides = array<i32>} : memref<128x128xf32, #tpu.memory_space<vmem>>, vector<1x16xf32>,
        %get3A_612 = arith.index_cast %add3A_561 : i32 to index
        %get3A_613 = arith.constant 80 : index
        %get3A_614 = tpu.vector_load %arg11[%get3A_612, %get3A_613] {strides = array<i32>} : memref<128x128xf32, #tpu.memory_space<vmem>>, vector<1x16xf32>,
        %get3A_615 = vector.shape_cast %get3A_614 : vector<1x16xf32> to vector<16xf32>
        %mul3A_616 = arith.mulf %get3A_615, %broadcast_in_dim3A_557 : vector<16xf32>
        %swap3A_617 = arith.index_cast %add3A_561 : i32 to index
        %swap3A_618 = arith.constant 80 : index
        %swap3A_619 = tpu.vector_load %arg11[%swap3A_617, %swap3A_618] {strides = array<i32>} : memref<128x128xf32, #tpu.memory_space<vmem>>, vector<1x16xf32>,
        %swap3A_620 = vector.shape_cast %swap3A_619 : vector<1x16xf32> to vector<16xf32>
        %swap3A_621 = vector.shape_cast %mul3A_616 : vector<16xf32> to vector<1x16xf32>
        tpu.vector_store %arg11[%swap3A_617, %swap3A_618], %swap3A_621 {strides = array<i32>} : memref<128x128xf32, #tpu.memory_space<vmem>>, vector<1x16xf32>,
        %get3A_622 = arith.index_cast %add3A_561 : i32 to index
        %get3A_623 = arith.constant 96 : index
        %get3A_624 = tpu.vector_load %arg11[%get3A_622, %get3A_623] {strides = array<i32>} : memref<128x128xf32, #tpu.memory_space<vmem>>, vector<1x16xf32>,
        %get3A_625 = vector.shape_cast %get3A_624 : vector<1x16xf32> to vector<16xf32>
        %mul3A_626 = arith.mulf %get3A_625, %broadcast_in_dim3A_557 : vector<16xf32>
        %swap3A_627 = arith.index_cast %add3A_561 : i32 to index
        %swap3A_628 = arith.constant 96 : index
        %swap3A_629 = tpu.vector_load %arg11[%swap3A_627, %swap3A_628] {strides = array<i32>} : memref<128x128xf32, #tpu.memory_space<vmem>>, vector<1x16xf32>,
        %swap3A_630 = vector.shape_cast %swap3A_629 : vector<1x16xf32> to vector<16xf32>
        %swap3A_631 = vector.shape_cast %mul3A_626 : vector<16xf32> to vector<1x16xf32>
        tpu.vector_store %arg11[%swap3A_627, %swap3A_628], %swap3A_631 {strides = array<i32>} : memref<128x128xf32, #tpu.memory_space<vmem>>, vector<1x16xf32>,
        %get3A_632 = arith.index_cast %add3A_561 : i32 to index
        %get3A_633 = arith.constant 112 : index
        %get3A_634 = tpu.vector_load %arg11[%get3A_632, %get3A_633] {strides = array<i32>} : memref<128x128xf32, #tpu.memory_space<vmem>>, vector<1x16xf32>,
        %get3A_635 = vector.shape_cast %get3A_634 : vector<1x16xf32> to vector<16xf32>
        %mul3A_636 = arith.mulf %get3A_635, %broadcast_in_dim3A_557 : vector<16xf32>
        %swap3A_637 = arith.index_cast %add3A_561 : i32 to index
        %swap3A_638 = arith.constant 112 : index
        %swap3A_639 = tpu.vector_load %arg11[%swap3A_637, %swap3A_638] {strides = array<i32>} : memref<128x128xf32, #tpu.memory_space<vmem>>, vector<1x16xf32>,
        %swap3A_640 = vector.shape_cast %swap3A_639 : vector<1x16xf32> to vector<16xf32>
        %swap3A_641 = vector.shape_cast %mul3A_636 : vector<16xf32> to vector<1x16xf32>
        tpu.vector_store %arg11[%swap3A_637, %swap3A_638], %swap3A_641 {strides = array<i32>} : memref<128x128xf32, #tpu.memory_space<vmem>>, vector<1x16xf32>,
        %slice3A_642 = vector.extract_strided_slice %get3A_36 {offsets = [7], sizes = [1], strides = [1]} : vector<16xf32> to vector<1xf32>
        %squeeze3A_643 = vector.extract %slice3A_642[0] : f32 from vector<1xf32>
        %broadcast_in_dim3A_644 = vector.broadcast %squeeze3A_643 : f32 to vector<16xf32>
        %mul3A_645 = arith.constant 16 : i32
        %mul3A_646 = arith.muli %scan3A_31, %mul3A_645 : i32
        %add3A_647 = arith.constant 7 : i32
        %add3A_648 = arith.addi %mul3A_646, %add3A_647 : i32
        %get3A_649 = arith.index_cast %add3A_648 : i32 to index
        %get3A_650 = arith.constant 0 : index
        %get3A_651 = tpu.vector_load %arg11[%get3A_649, %get3A_650] {strides = array<i32>} : memref<128x128xf32, #tpu.memory_space<vmem>>, vector<1x16xf32>,
        %get3A_652 = vector.shape_cast %get3A_651 : vector<1x16xf32> to vector<16xf32>
        %mul3A_653 = arith.mulf %get3A_652, %broadcast_in_dim3A_644 : vector<16xf32>
        %swap3A_654 = arith.index_cast %add3A_648 : i32 to index
        %swap3A_655 = arith.constant 0 : index
        %swap3A_656 = tpu.vector_load %arg11[%swap3A_654, %swap3A_655] {strides = array<i32>} : memref<128x128xf32, #tpu.memory_space<vmem>>, vector<1x16xf32>,
        %swap3A_657 = vector.shape_cast %swap3A_656 : vector<1x16xf32> to vector<16xf32>
        %swap3A_658 = vector.shape_cast %mul3A_653 : vector<16xf32> to vector<1x16xf32>
        tpu.vector_store %arg11[%swap3A_654, %swap3A_655], %swap3A_658 {strides = array<i32>} : memref<128x128xf32, #tpu.memory_space<vmem>>, vector<1x16xf32>,
        %get3A_659 = arith.index_cast %add3A_648 : i32 to index
        %get3A_660 = arith.constant 16 : index
        %get3A_661 = tpu.vector_load %arg11[%get3A_659, %get3A_660] {strides = array<i32>} : memref<128x128xf32, #tpu.memory_space<vmem>>, vector<1x16xf32>,
        %get3A_662 = vector.shape_cast %get3A_661 : vector<1x16xf32> to vector<16xf32>
        %mul3A_663 = arith.mulf %get3A_662, %broadcast_in_dim3A_644 : vector<16xf32>
        %swap3A_664 = arith.index_cast %add3A_648 : i32 to index
        %swap3A_665 = arith.constant 16 : index
        %swap3A_666 = tpu.vector_load %arg11[%swap3A_664, %swap3A_665] {strides = array<i32>} : memref<128x128xf32, #tpu.memory_space<vmem>>, vector<1x16xf32>,
        %swap3A_667 = vector.shape_cast %swap3A_666 : vector<1x16xf32> to vector<16xf32>
        %swap3A_668 = vector.shape_cast %mul3A_663 : vector<16xf32> to vector<1x16xf32>
        tpu.vector_store %arg11[%swap3A_664, %swap3A_665], %swap3A_668 {strides = array<i32>} : memref<128x128xf32, #tpu.memory_space<vmem>>, vector<1x16xf32>,
        %get3A_669 = arith.index_cast %add3A_648 : i32 to index
        %get3A_670 = arith.constant 32 : index
        %get3A_671 = tpu.vector_load %arg11[%get3A_669, %get3A_670] {strides = array<i32>} : memref<128x128xf32, #tpu.memory_space<vmem>>, vector<1x16xf32>,
        %get3A_672 = vector.shape_cast %get3A_671 : vector<1x16xf32> to vector<16xf32>
        %mul3A_673 = arith.mulf %get3A_672, %broadcast_in_dim3A_644 : vector<16xf32>
        %swap3A_674 = arith.index_cast %add3A_648 : i32 to index
        %swap3A_675 = arith.constant 32 : index
        %swap3A_676 = tpu.vector_load %arg11[%swap3A_674, %swap3A_675] {strides = array<i32>} : memref<128x128xf32, #tpu.memory_space<vmem>>, vector<1x16xf32>,
        %swap3A_677 = vector.shape_cast %swap3A_676 : vector<1x16xf32> to vector<16xf32>
        %swap3A_678 = vector.shape_cast %mul3A_673 : vector<16xf32> to vector<1x16xf32>
        tpu.vector_store %arg11[%swap3A_674, %swap3A_675], %swap3A_678 {strides = array<i32>} : memref<128x128xf32, #tpu.memory_space<vmem>>, vector<1x16xf32>,
        %get3A_679 = arith.index_cast %add3A_648 : i32 to index
        %get3A_680 = arith.constant 48 : index
        %get3A_681 = tpu.vector_load %arg11[%get3A_679, %get3A_680] {strides = array<i32>} : memref<128x128xf32, #tpu.memory_space<vmem>>, vector<1x16xf32>,
        %get3A_682 = vector.shape_cast %get3A_681 : vector<1x16xf32> to vector<16xf32>
        %mul3A_683 = arith.mulf %get3A_682, %broadcast_in_dim3A_644 : vector<16xf32>
        %swap3A_684 = arith.index_cast %add3A_648 : i32 to index
        %swap3A_685 = arith.constant 48 : index
        %swap3A_686 = tpu.vector_load %arg11[%swap3A_684, %swap3A_685] {strides = array<i32>} : memref<128x128xf32, #tpu.memory_space<vmem>>, vector<1x16xf32>,
        %swap3A_687 = vector.shape_cast %swap3A_686 : vector<1x16xf32> to vector<16xf32>
        %swap3A_688 = vector.shape_cast %mul3A_683 : vector<16xf32> to vector<1x16xf32>
        tpu.vector_store %arg11[%swap3A_684, %swap3A_685], %swap3A_688 {strides = array<i32>} : memref<128x128xf32, #tpu.memory_space<vmem>>, vector<1x16xf32>,
        %get3A_689 = arith.index_cast %add3A_648 : i32 to index
        %get3A_690 = arith.constant 64 : index
        %get3A_691 = tpu.vector_load %arg11[%get3A_689, %get3A_690] {strides = array<i32>} : memref<128x128xf32, #tpu.memory_space<vmem>>, vector<1x16xf32>,
        %get3A_692 = vector.shape_cast %get3A_691 : vector<1x16xf32> to vector<16xf32>
        %mul3A_693 = arith.mulf %get3A_692, %broadcast_in_dim3A_644 : vector<16xf32>
        %swap3A_694 = arith.index_cast %add3A_648 : i32 to index
        %swap3A_695 = arith.constant 64 : index
        %swap3A_696 = tpu.vector_load %arg11[%swap3A_694, %swap3A_695] {strides = array<i32>} : memref<128x128xf32, #tpu.memory_space<vmem>>, vector<1x16xf32>,
        %swap3A_697 = vector.shape_cast %swap3A_696 : vector<1x16xf32> to vector<16xf32>
        %swap3A_698 = vector.shape_cast %mul3A_693 : vector<16xf32> to vector<1x16xf32>
        tpu.vector_store %arg11[%swap3A_694, %swap3A_695], %swap3A_698 {strides = array<i32>} : memref<128x128xf32, #tpu.memory_space<vmem>>, vector<1x16xf32>,
        %get3A_699 = arith.index_cast %add3A_648 : i32 to index
        %get3A_700 = arith.constant 80 : index
        %get3A_701 = tpu.vector_load %arg11[%get3A_699, %get3A_700] {strides = array<i32>} : memref<128x128xf32, #tpu.memory_space<vmem>>, vector<1x16xf32>,
        %get3A_702 = vector.shape_cast %get3A_701 : vector<1x16xf32> to vector<16xf32>
        %mul3A_703 = arith.mulf %get3A_702, %broadcast_in_dim3A_644 : vector<16xf32>
        %swap3A_704 = arith.index_cast %add3A_648 : i32 to index
        %swap3A_705 = arith.constant 80 : index
        %swap3A_706 = tpu.vector_load %arg11[%swap3A_704, %swap3A_705] {strides = array<i32>} : memref<128x128xf32, #tpu.memory_space<vmem>>, vector<1x16xf32>,
        %swap3A_707 = vector.shape_cast %swap3A_706 : vector<1x16xf32> to vector<16xf32>
        %swap3A_708 = vector.shape_cast %mul3A_703 : vector<16xf32> to vector<1x16xf32>
        tpu.vector_store %arg11[%swap3A_704, %swap3A_705], %swap3A_708 {strides = array<i32>} : memref<128x128xf32, #tpu.memory_space<vmem>>, vector<1x16xf32>,
        %get3A_709 = arith.index_cast %add3A_648 : i32 to index
        %get3A_710 = arith.constant 96 : index
        %get3A_711 = tpu.vector_load %arg11[%get3A_709, %get3A_710] {strides = array<i32>} : memref<128x128xf32, #tpu.memory_space<vmem>>, vector<1x16xf32>,
        %get3A_712 = vector.shape_cast %get3A_711 : vector<1x16xf32> to vector<16xf32>
        %mul3A_713 = arith.mulf %get3A_712, %broadcast_in_dim3A_644 : vector<16xf32>
        %swap3A_714 = arith.index_cast %add3A_648 : i32 to index
        %swap3A_715 = arith.constant 96 : index
        %swap3A_716 = tpu.vector_load %arg11[%swap3A_714, %swap3A_715] {strides = array<i32>} : memref<128x128xf32, #tpu.memory_space<vmem>>, vector<1x16xf32>,
        %swap3A_717 = vector.shape_cast %swap3A_716 : vector<1x16xf32> to vector<16xf32>
        %swap3A_718 = vector.shape_cast %mul3A_713 : vector<16xf32> to vector<1x16xf32>
        tpu.vector_store %arg11[%swap3A_714, %swap3A_715], %swap3A_718 {strides = array<i32>} : memref<128x128xf32, #tpu.memory_space<vmem>>, vector<1x16xf32>,
        %get3A_719 = arith.index_cast %add3A_648 : i32 to index
        %get3A_720 = arith.constant 112 : index
        %get3A_721 = tpu.vector_load %arg11[%get3A_719, %get3A_720] {strides = array<i32>} : memref<128x128xf32, #tpu.memory_space<vmem>>, vector<1x16xf32>,
        %get3A_722 = vector.shape_cast %get3A_721 : vector<1x16xf32> to vector<16xf32>
        %mul3A_723 = arith.mulf %get3A_722, %broadcast_in_dim3A_644 : vector<16xf32>
        %swap3A_724 = arith.index_cast %add3A_648 : i32 to index
        %swap3A_725 = arith.constant 112 : index
        %swap3A_726 = tpu.vector_load %arg11[%swap3A_724, %swap3A_725] {strides = array<i32>} : memref<128x128xf32, #tpu.memory_space<vmem>>, vector<1x16xf32>,
        %swap3A_727 = vector.shape_cast %swap3A_726 : vector<1x16xf32> to vector<16xf32>
        %swap3A_728 = vector.shape_cast %mul3A_723 : vector<16xf32> to vector<1x16xf32>
        tpu.vector_store %arg11[%swap3A_724, %swap3A_725], %swap3A_728 {strides = array<i32>} : memref<128x128xf32, #tpu.memory_space<vmem>>, vector<1x16xf32>,
        %slice3A_729 = vector.extract_strided_slice %get3A_36 {offsets = [8], sizes = [1], strides = [1]} : vector<16xf32> to vector<1xf32>
        %squeeze3A_730 = vector.extract %slice3A_729[0] : f32 from vector<1xf32>
        %broadcast_in_dim3A_731 = vector.broadcast %squeeze3A_730 : f32 to vector<16xf32>
        %mul3A_732 = arith.constant 16 : i32
        %mul3A_733 = arith.muli %scan3A_31, %mul3A_732 : i32
        %add3A_734 = arith.constant 8 : i32
        %add3A_735 = arith.addi %mul3A_733, %add3A_734 : i32
        %get3A_736 = arith.index_cast %add3A_735 : i32 to index
        %get3A_737 = arith.constant 0 : index
        %get3A_738 = tpu.vector_load %arg11[%get3A_736, %get3A_737] {strides = array<i32>} : memref<128x128xf32, #tpu.memory_space<vmem>>, vector<1x16xf32>,
        %get3A_739 = vector.shape_cast %get3A_738 : vector<1x16xf32> to vector<16xf32>
        %mul3A_740 = arith.mulf %get3A_739, %broadcast_in_dim3A_731 : vector<16xf32>
        %swap3A_741 = arith.index_cast %add3A_735 : i32 to index
        %swap3A_742 = arith.constant 0 : index
        %swap3A_743 = tpu.vector_load %arg11[%swap3A_741, %swap3A_742] {strides = array<i32>} : memref<128x128xf32, #tpu.memory_space<vmem>>, vector<1x16xf32>,
        %swap3A_744 = vector.shape_cast %swap3A_743 : vector<1x16xf32> to vector<16xf32>
        %swap3A_745 = vector.shape_cast %mul3A_740 : vector<16xf32> to vector<1x16xf32>
        tpu.vector_store %arg11[%swap3A_741, %swap3A_742], %swap3A_745 {strides = array<i32>} : memref<128x128xf32, #tpu.memory_space<vmem>>, vector<1x16xf32>,
        %get3A_746 = arith.index_cast %add3A_735 : i32 to index
        %get3A_747 = arith.constant 16 : index
        %get3A_748 = tpu.vector_load %arg11[%get3A_746, %get3A_747] {strides = array<i32>} : memref<128x128xf32, #tpu.memory_space<vmem>>, vector<1x16xf32>,
        %get3A_749 = vector.shape_cast %get3A_748 : vector<1x16xf32> to vector<16xf32>
        %mul3A_750 = arith.mulf %get3A_749, %broadcast_in_dim3A_731 : vector<16xf32>
        %swap3A_751 = arith.index_cast %add3A_735 : i32 to index
        %swap3A_752 = arith.constant 16 : index
        %swap3A_753 = tpu.vector_load %arg11[%swap3A_751, %swap3A_752] {strides = array<i32>} : memref<128x128xf32, #tpu.memory_space<vmem>>, vector<1x16xf32>,
        %swap3A_754 = vector.shape_cast %swap3A_753 : vector<1x16xf32> to vector<16xf32>
        %swap3A_755 = vector.shape_cast %mul3A_750 : vector<16xf32> to vector<1x16xf32>
        tpu.vector_store %arg11[%swap3A_751, %swap3A_752], %swap3A_755 {strides = array<i32>} : memref<128x128xf32, #tpu.memory_space<vmem>>, vector<1x16xf32>,
        %get3A_756 = arith.index_cast %add3A_735 : i32 to index
        %get3A_757 = arith.constant 32 : index
        %get3A_758 = tpu.vector_load %arg11[%get3A_756, %get3A_757] {strides = array<i32>} : memref<128x128xf32, #tpu.memory_space<vmem>>, vector<1x16xf32>,
        %get3A_759 = vector.shape_cast %get3A_758 : vector<1x16xf32> to vector<16xf32>
        %mul3A_760 = arith.mulf %get3A_759, %broadcast_in_dim3A_731 : vector<16xf32>
        %swap3A_761 = arith.index_cast %add3A_735 : i32 to index
        %swap3A_762 = arith.constant 32 : index
        %swap3A_763 = tpu.vector_load %arg11[%swap3A_761, %swap3A_762] {strides = array<i32>} : memref<128x128xf32, #tpu.memory_space<vmem>>, vector<1x16xf32>,
        %swap3A_764 = vector.shape_cast %swap3A_763 : vector<1x16xf32> to vector<16xf32>
        %swap3A_765 = vector.shape_cast %mul3A_760 : vector<16xf32> to vector<1x16xf32>
        tpu.vector_store %arg11[%swap3A_761, %swap3A_762], %swap3A_765 {strides = array<i32>} : memref<128x128xf32, #tpu.memory_space<vmem>>, vector<1x16xf32>,
        %get3A_766 = arith.index_cast %add3A_735 : i32 to index
        %get3A_767 = arith.constant 48 : index
        %get3A_768 = tpu.vector_load %arg11[%get3A_766, %get3A_767] {strides = array<i32>} : memref<128x128xf32, #tpu.memory_space<vmem>>, vector<1x16xf32>,
        %get3A_769 = vector.shape_cast %get3A_768 : vector<1x16xf32> to vector<16xf32>
        %mul3A_770 = arith.mulf %get3A_769, %broadcast_in_dim3A_731 : vector<16xf32>
        %swap3A_771 = arith.index_cast %add3A_735 : i32 to index
        %swap3A_772 = arith.constant 48 : index
        %swap3A_773 = tpu.vector_load %arg11[%swap3A_771, %swap3A_772] {strides = array<i32>} : memref<128x128xf32, #tpu.memory_space<vmem>>, vector<1x16xf32>,
        %swap3A_774 = vector.shape_cast %swap3A_773 : vector<1x16xf32> to vector<16xf32>
        %swap3A_775 = vector.shape_cast %mul3A_770 : vector<16xf32> to vector<1x16xf32>
        tpu.vector_store %arg11[%swap3A_771, %swap3A_772], %swap3A_775 {strides = array<i32>} : memref<128x128xf32, #tpu.memory_space<vmem>>, vector<1x16xf32>,
        %get3A_776 = arith.index_cast %add3A_735 : i32 to index
        %get3A_777 = arith.constant 64 : index
        %get3A_778 = tpu.vector_load %arg11[%get3A_776, %get3A_777] {strides = array<i32>} : memref<128x128xf32, #tpu.memory_space<vmem>>, vector<1x16xf32>,
        %get3A_779 = vector.shape_cast %get3A_778 : vector<1x16xf32> to vector<16xf32>
        %mul3A_780 = arith.mulf %get3A_779, %broadcast_in_dim3A_731 : vector<16xf32>
        %swap3A_781 = arith.index_cast %add3A_735 : i32 to index
        %swap3A_782 = arith.constant 64 : index
        %swap3A_783 = tpu.vector_load %arg11[%swap3A_781, %swap3A_782] {strides = array<i32>} : memref<128x128xf32, #tpu.memory_space<vmem>>, vector<1x16xf32>,
        %swap3A_784 = vector.shape_cast %swap3A_783 : vector<1x16xf32> to vector<16xf32>
        %swap3A_785 = vector.shape_cast %mul3A_780 : vector<16xf32> to vector<1x16xf32>
        tpu.vector_store %arg11[%swap3A_781, %swap3A_782], %swap3A_785 {strides = array<i32>} : memref<128x128xf32, #tpu.memory_space<vmem>>, vector<1x16xf32>,
        %get3A_786 = arith.index_cast %add3A_735 : i32 to index
        %get3A_787 = arith.constant 80 : index
        %get3A_788 = tpu.vector_load %arg11[%get3A_786, %get3A_787] {strides = array<i32>} : memref<128x128xf32, #tpu.memory_space<vmem>>, vector<1x16xf32>,
        %get3A_789 = vector.shape_cast %get3A_788 : vector<1x16xf32> to vector<16xf32>
        %mul3A_790 = arith.mulf %get3A_789, %broadcast_in_dim3A_731 : vector<16xf32>
        %swap3A_791 = arith.index_cast %add3A_735 : i32 to index
        %swap3A_792 = arith.constant 80 : index
        %swap3A_793 = tpu.vector_load %arg11[%swap3A_791, %swap3A_792] {strides = array<i32>} : memref<128x128xf32, #tpu.memory_space<vmem>>, vector<1x16xf32>,
        %swap3A_794 = vector.shape_cast %swap3A_793 : vector<1x16xf32> to vector<16xf32>
        %swap3A_795 = vector.shape_cast %mul3A_790 : vector<16xf32> to vector<1x16xf32>
        tpu.vector_store %arg11[%swap3A_791, %swap3A_792], %swap3A_795 {strides = array<i32>} : memref<128x128xf32, #tpu.memory_space<vmem>>, vector<1x16xf32>,
        %get3A_796 = arith.index_cast %add3A_735 : i32 to index
        %get3A_797 = arith.constant 96 : index
        %get3A_798 = tpu.vector_load %arg11[%get3A_796, %get3A_797] {strides = array<i32>} : memref<128x128xf32, #tpu.memory_space<vmem>>, vector<1x16xf32>,
        %get3A_799 = vector.shape_cast %get3A_798 : vector<1x16xf32> to vector<16xf32>
        %mul3A_800 = arith.mulf %get3A_799, %broadcast_in_dim3A_731 : vector<16xf32>
        %swap3A_801 = arith.index_cast %add3A_735 : i32 to index
        %swap3A_802 = arith.constant 96 : index
        %swap3A_803 = tpu.vector_load %arg11[%swap3A_801, %swap3A_802] {strides = array<i32>} : memref<128x128xf32, #tpu.memory_space<vmem>>, vector<1x16xf32>,
        %swap3A_804 = vector.shape_cast %swap3A_803 : vector<1x16xf32> to vector<16xf32>
        %swap3A_805 = vector.shape_cast %mul3A_800 : vector<16xf32> to vector<1x16xf32>
        tpu.vector_store %arg11[%swap3A_801, %swap3A_802], %swap3A_805 {strides = array<i32>} : memref<128x128xf32, #tpu.memory_space<vmem>>, vector<1x16xf32>,
        %get3A_806 = arith.index_cast %add3A_735 : i32 to index
        %get3A_807 = arith.constant 112 : index
        %get3A_808 = tpu.vector_load %arg11[%get3A_806, %get3A_807] {strides = array<i32>} : memref<128x128xf32, #tpu.memory_space<vmem>>, vector<1x16xf32>,
        %get3A_809 = vector.shape_cast %get3A_808 : vector<1x16xf32> to vector<16xf32>
        %mul3A_810 = arith.mulf %get3A_809, %broadcast_in_dim3A_731 : vector<16xf32>
        %swap3A_811 = arith.index_cast %add3A_735 : i32 to index
        %swap3A_812 = arith.constant 112 : index
        %swap3A_813 = tpu.vector_load %arg11[%swap3A_811, %swap3A_812] {strides = array<i32>} : memref<128x128xf32, #tpu.memory_space<vmem>>, vector<1x16xf32>,
        %swap3A_814 = vector.shape_cast %swap3A_813 : vector<1x16xf32> to vector<16xf32>
        %swap3A_815 = vector.shape_cast %mul3A_810 : vector<16xf32> to vector<1x16xf32>
        tpu.vector_store %arg11[%swap3A_811, %swap3A_812], %swap3A_815 {strides = array<i32>} : memref<128x128xf32, #tpu.memory_space<vmem>>, vector<1x16xf32>,
        %slice3A_816 = vector.extract_strided_slice %get3A_36 {offsets = [9], sizes = [1], strides = [1]} : vector<16xf32> to vector<1xf32>
        %squeeze3A_817 = vector.extract %slice3A_816[0] : f32 from vector<1xf32>
        %broadcast_in_dim3A_818 = vector.broadcast %squeeze3A_817 : f32 to vector<16xf32>
        %mul3A_819 = arith.constant 16 : i32
        %mul3A_820 = arith.muli %scan3A_31, %mul3A_819 : i32
        %add3A_821 = arith.constant 9 : i32
        %add3A_822 = arith.addi %mul3A_820, %add3A_821 : i32
        %get3A_823 = arith.index_cast %add3A_822 : i32 to index
        %get3A_824 = arith.constant 0 : index
        %get3A_825 = tpu.vector_load %arg11[%get3A_823, %get3A_824] {strides = array<i32>} : memref<128x128xf32, #tpu.memory_space<vmem>>, vector<1x16xf32>,
        %get3A_826 = vector.shape_cast %get3A_825 : vector<1x16xf32> to vector<16xf32>
        %mul3A_827 = arith.mulf %get3A_826, %broadcast_in_dim3A_818 : vector<16xf32>
        %swap3A_828 = arith.index_cast %add3A_822 : i32 to index
        %swap3A_829 = arith.constant 0 : index
        %swap3A_830 = tpu.vector_load %arg11[%swap3A_828, %swap3A_829] {strides = array<i32>} : memref<128x128xf32, #tpu.memory_space<vmem>>, vector<1x16xf32>,
        %swap3A_831 = vector.shape_cast %swap3A_830 : vector<1x16xf32> to vector<16xf32>
        %swap3A_832 = vector.shape_cast %mul3A_827 : vector<16xf32> to vector<1x16xf32>
        tpu.vector_store %arg11[%swap3A_828, %swap3A_829], %swap3A_832 {strides = array<i32>} : memref<128x128xf32, #tpu.memory_space<vmem>>, vector<1x16xf32>,
        %get3A_833 = arith.index_cast %add3A_822 : i32 to index
        %get3A_834 = arith.constant 16 : index
        %get3A_835 = tpu.vector_load %arg11[%get3A_833, %get3A_834] {strides = array<i32>} : memref<128x128xf32, #tpu.memory_space<vmem>>, vector<1x16xf32>,
        %get3A_836 = vector.shape_cast %get3A_835 : vector<1x16xf32> to vector<16xf32>
        %mul3A_837 = arith.mulf %get3A_836, %broadcast_in_dim3A_818 : vector<16xf32>
        %swap3A_838 = arith.index_cast %add3A_822 : i32 to index
        %swap3A_839 = arith.constant 16 : index
        %swap3A_840 = tpu.vector_load %arg11[%swap3A_838, %swap3A_839] {strides = array<i32>} : memref<128x128xf32, #tpu.memory_space<vmem>>, vector<1x16xf32>,
        %swap3A_841 = vector.shape_cast %swap3A_840 : vector<1x16xf32> to vector<16xf32>
        %swap3A_842 = vector.shape_cast %mul3A_837 : vector<16xf32> to vector<1x16xf32>
        tpu.vector_store %arg11[%swap3A_838, %swap3A_839], %swap3A_842 {strides = array<i32>} : memref<128x128xf32, #tpu.memory_space<vmem>>, vector<1x16xf32>,
        %get3A_843 = arith.index_cast %add3A_822 : i32 to index
        %get3A_844 = arith.constant 32 : index
        %get3A_845 = tpu.vector_load %arg11[%get3A_843, %get3A_844] {strides = array<i32>} : memref<128x128xf32, #tpu.memory_space<vmem>>, vector<1x16xf32>,
        %get3A_846 = vector.shape_cast %get3A_845 : vector<1x16xf32> to vector<16xf32>
        %mul3A_847 = arith.mulf %get3A_846, %broadcast_in_dim3A_818 : vector<16xf32>
        %swap3A_848 = arith.index_cast %add3A_822 : i32 to index
        %swap3A_849 = arith.constant 32 : index
        %swap3A_850 = tpu.vector_load %arg11[%swap3A_848, %swap3A_849] {strides = array<i32>} : memref<128x128xf32, #tpu.memory_space<vmem>>, vector<1x16xf32>,
        %swap3A_851 = vector.shape_cast %swap3A_850 : vector<1x16xf32> to vector<16xf32>
        %swap3A_852 = vector.shape_cast %mul3A_847 : vector<16xf32> to vector<1x16xf32>
        tpu.vector_store %arg11[%swap3A_848, %swap3A_849], %swap3A_852 {strides = array<i32>} : memref<128x128xf32, #tpu.memory_space<vmem>>, vector<1x16xf32>,
        %get3A_853 = arith.index_cast %add3A_822 : i32 to index
        %get3A_854 = arith.constant 48 : index
        %get3A_855 = tpu.vector_load %arg11[%get3A_853, %get3A_854] {strides = array<i32>} : memref<128x128xf32, #tpu.memory_space<vmem>>, vector<1x16xf32>,
        %get3A_856 = vector.shape_cast %get3A_855 : vector<1x16xf32> to vector<16xf32>
        %mul3A_857 = arith.mulf %get3A_856, %broadcast_in_dim3A_818 : vector<16xf32>
        %swap3A_858 = arith.index_cast %add3A_822 : i32 to index
        %swap3A_859 = arith.constant 48 : index
        %swap3A_860 = tpu.vector_load %arg11[%swap3A_858, %swap3A_859] {strides = array<i32>} : memref<128x128xf32, #tpu.memory_space<vmem>>, vector<1x16xf32>,
        %swap3A_861 = vector.shape_cast %swap3A_860 : vector<1x16xf32> to vector<16xf32>
        %swap3A_862 = vector.shape_cast %mul3A_857 : vector<16xf32> to vector<1x16xf32>
        tpu.vector_store %arg11[%swap3A_858, %swap3A_859], %swap3A_862 {strides = array<i32>} : memref<128x128xf32, #tpu.memory_space<vmem>>, vector<1x16xf32>,
        %get3A_863 = arith.index_cast %add3A_822 : i32 to index
        %get3A_864 = arith.constant 64 : index
        %get3A_865 = tpu.vector_load %arg11[%get3A_863, %get3A_864] {strides = array<i32>} : memref<128x128xf32, #tpu.memory_space<vmem>>, vector<1x16xf32>,
        %get3A_866 = vector.shape_cast %get3A_865 : vector<1x16xf32> to vector<16xf32>
        %mul3A_867 = arith.mulf %get3A_866, %broadcast_in_dim3A_818 : vector<16xf32>
        %swap3A_868 = arith.index_cast %add3A_822 : i32 to index
        %swap3A_869 = arith.constant 64 : index
        %swap3A_870 = tpu.vector_load %arg11[%swap3A_868, %swap3A_869] {strides = array<i32>} : memref<128x128xf32, #tpu.memory_space<vmem>>, vector<1x16xf32>,
        %swap3A_871 = vector.shape_cast %swap3A_870 : vector<1x16xf32> to vector<16xf32>
        %swap3A_872 = vector.shape_cast %mul3A_867 : vector<16xf32> to vector<1x16xf32>
        tpu.vector_store %arg11[%swap3A_868, %swap3A_869], %swap3A_872 {strides = array<i32>} : memref<128x128xf32, #tpu.memory_space<vmem>>, vector<1x16xf32>,
        %get3A_873 = arith.index_cast %add3A_822 : i32 to index
        %get3A_874 = arith.constant 80 : index
        %get3A_875 = tpu.vector_load %arg11[%get3A_873, %get3A_874] {strides = array<i32>} : memref<128x128xf32, #tpu.memory_space<vmem>>, vector<1x16xf32>,
        %get3A_876 = vector.shape_cast %get3A_875 : vector<1x16xf32> to vector<16xf32>
        %mul3A_877 = arith.mulf %get3A_876, %broadcast_in_dim3A_818 : vector<16xf32>
        %swap3A_878 = arith.index_cast %add3A_822 : i32 to index
        %swap3A_879 = arith.constant 80 : index
        %swap3A_880 = tpu.vector_load %arg11[%swap3A_878, %swap3A_879] {strides = array<i32>} : memref<128x128xf32, #tpu.memory_space<vmem>>, vector<1x16xf32>,
        %swap3A_881 = vector.shape_cast %swap3A_880 : vector<1x16xf32> to vector<16xf32>
        %swap3A_882 = vector.shape_cast %mul3A_877 : vector<16xf32> to vector<1x16xf32>
        tpu.vector_store %arg11[%swap3A_878, %swap3A_879], %swap3A_882 {strides = array<i32>} : memref<128x128xf32, #tpu.memory_space<vmem>>, vector<1x16xf32>,
        %get3A_883 = arith.index_cast %add3A_822 : i32 to index
        %get3A_884 = arith.constant 96 : index
        %get3A_885 = tpu.vector_load %arg11[%get3A_883, %get3A_884] {strides = array<i32>} : memref<128x128xf32, #tpu.memory_space<vmem>>, vector<1x16xf32>,
        %get3A_886 = vector.shape_cast %get3A_885 : vector<1x16xf32> to vector<16xf32>
        %mul3A_887 = arith.mulf %get3A_886, %broadcast_in_dim3A_818 : vector<16xf32>
        %swap3A_888 = arith.index_cast %add3A_822 : i32 to index
        %swap3A_889 = arith.constant 96 : index
        %swap3A_890 = tpu.vector_load %arg11[%swap3A_888, %swap3A_889] {strides = array<i32>} : memref<128x128xf32, #tpu.memory_space<vmem>>, vector<1x16xf32>,
        %swap3A_891 = vector.shape_cast %swap3A_890 : vector<1x16xf32> to vector<16xf32>
        %swap3A_892 = vector.shape_cast %mul3A_887 : vector<16xf32> to vector<1x16xf32>
        tpu.vector_store %arg11[%swap3A_888, %swap3A_889], %swap3A_892 {strides = array<i32>} : memref<128x128xf32, #tpu.memory_space<vmem>>, vector<1x16xf32>,
        %get3A_893 = arith.index_cast %add3A_822 : i32 to index
        %get3A_894 = arith.constant 112 : index
        %get3A_895 = tpu.vector_load %arg11[%get3A_893, %get3A_894] {strides = array<i32>} : memref<128x128xf32, #tpu.memory_space<vmem>>, vector<1x16xf32>,
        %get3A_896 = vector.shape_cast %get3A_895 : vector<1x16xf32> to vector<16xf32>
        %mul3A_897 = arith.mulf %get3A_896, %broadcast_in_dim3A_818 : vector<16xf32>
        %swap3A_898 = arith.index_cast %add3A_822 : i32 to index
        %swap3A_899 = arith.constant 112 : index
        %swap3A_900 = tpu.vector_load %arg11[%swap3A_898, %swap3A_899] {strides = array<i32>} : memref<128x128xf32, #tpu.memory_space<vmem>>, vector<1x16xf32>,
        %swap3A_901 = vector.shape_cast %swap3A_900 : vector<1x16xf32> to vector<16xf32>
        %swap3A_902 = vector.shape_cast %mul3A_897 : vector<16xf32> to vector<1x16xf32>
        tpu.vector_store %arg11[%swap3A_898, %swap3A_899], %swap3A_902 {strides = array<i32>} : memref<128x128xf32, #tpu.memory_space<vmem>>, vector<1x16xf32>,
        %slice3A_903 = vector.extract_strided_slice %get3A_36 {offsets = [10], sizes = [1], strides = [1]} : vector<16xf32> to vector<1xf32>
        %squeeze3A_904 = vector.extract %slice3A_903[0] : f32 from vector<1xf32>
        %broadcast_in_dim3A_905 = vector.broadcast %squeeze3A_904 : f32 to vector<16xf32>
        %mul3A_906 = arith.constant 16 : i32
        %mul3A_907 = arith.muli %scan3A_31, %mul3A_906 : i32
        %add3A_908 = arith.constant 10 : i32
        %add3A_909 = arith.addi %mul3A_907, %add3A_908 : i32
        %get3A_910 = arith.index_cast %add3A_909 : i32 to index
        %get3A_911 = arith.constant 0 : index
        %get3A_912 = tpu.vector_load %arg11[%get3A_910, %get3A_911] {strides = array<i32>} : memref<128x128xf32, #tpu.memory_space<vmem>>, vector<1x16xf32>,
        %get3A_913 = vector.shape_cast %get3A_912 : vector<1x16xf32> to vector<16xf32>
        %mul3A_914 = arith.mulf %get3A_913, %broadcast_in_dim3A_905 : vector<16xf32>
        %swap3A_915 = arith.index_cast %add3A_909 : i32 to index
        %swap3A_916 = arith.constant 0 : index
        %swap3A_917 = tpu.vector_load %arg11[%swap3A_915, %swap3A_916] {strides = array<i32>} : memref<128x128xf32, #tpu.memory_space<vmem>>, vector<1x16xf32>,
        %swap3A_918 = vector.shape_cast %swap3A_917 : vector<1x16xf32> to vector<16xf32>
        %swap3A_919 = vector.shape_cast %mul3A_914 : vector<16xf32> to vector<1x16xf32>
        tpu.vector_store %arg11[%swap3A_915, %swap3A_916], %swap3A_919 {strides = array<i32>} : memref<128x128xf32, #tpu.memory_space<vmem>>, vector<1x16xf32>,
        %get3A_920 = arith.index_cast %add3A_909 : i32 to index
        %get3A_921 = arith.constant 16 : index
        %get3A_922 = tpu.vector_load %arg11[%get3A_920, %get3A_921] {strides = array<i32>} : memref<128x128xf32, #tpu.memory_space<vmem>>, vector<1x16xf32>,
        %get3A_923 = vector.shape_cast %get3A_922 : vector<1x16xf32> to vector<16xf32>
        %mul3A_924 = arith.mulf %get3A_923, %broadcast_in_dim3A_905 : vector<16xf32>
        %swap3A_925 = arith.index_cast %add3A_909 : i32 to index
        %swap3A_926 = arith.constant 16 : index
        %swap3A_927 = tpu.vector_load %arg11[%swap3A_925, %swap3A_926] {strides = array<i32>} : memref<128x128xf32, #tpu.memory_space<vmem>>, vector<1x16xf32>,
        %swap3A_928 = vector.shape_cast %swap3A_927 : vector<1x16xf32> to vector<16xf32>
        %swap3A_929 = vector.shape_cast %mul3A_924 : vector<16xf32> to vector<1x16xf32>
        tpu.vector_store %arg11[%swap3A_925, %swap3A_926], %swap3A_929 {strides = array<i32>} : memref<128x128xf32, #tpu.memory_space<vmem>>, vector<1x16xf32>,
        %get3A_930 = arith.index_cast %add3A_909 : i32 to index
        %get3A_931 = arith.constant 32 : index
        %get3A_932 = tpu.vector_load %arg11[%get3A_930, %get3A_931] {strides = array<i32>} : memref<128x128xf32, #tpu.memory_space<vmem>>, vector<1x16xf32>,
        %get3A_933 = vector.shape_cast %get3A_932 : vector<1x16xf32> to vector<16xf32>
        %mul3A_934 = arith.mulf %get3A_933, %broadcast_in_dim3A_905 : vector<16xf32>
        %swap3A_935 = arith.index_cast %add3A_909 : i32 to index
        %swap3A_936 = arith.constant 32 : index
        %swap3A_937 = tpu.vector_load %arg11[%swap3A_935, %swap3A_936] {strides = array<i32>} : memref<128x128xf32, #tpu.memory_space<vmem>>, vector<1x16xf32>,
        %swap3A_938 = vector.shape_cast %swap3A_937 : vector<1x16xf32> to vector<16xf32>
        %swap3A_939 = vector.shape_cast %mul3A_934 : vector<16xf32> to vector<1x16xf32>
        tpu.vector_store %arg11[%swap3A_935, %swap3A_936], %swap3A_939 {strides = array<i32>} : memref<128x128xf32, #tpu.memory_space<vmem>>, vector<1x16xf32>,
        %get3A_940 = arith.index_cast %add3A_909 : i32 to index
        %get3A_941 = arith.constant 48 : index
        %get3A_942 = tpu.vector_load %arg11[%get3A_940, %get3A_941] {strides = array<i32>} : memref<128x128xf32, #tpu.memory_space<vmem>>, vector<1x16xf32>,
        %get3A_943 = vector.shape_cast %get3A_942 : vector<1x16xf32> to vector<16xf32>
        %mul3A_944 = arith.mulf %get3A_943, %broadcast_in_dim3A_905 : vector<16xf32>
        %swap3A_945 = arith.index_cast %add3A_909 : i32 to index
        %swap3A_946 = arith.constant 48 : index
        %swap3A_947 = tpu.vector_load %arg11[%swap3A_945, %swap3A_946] {strides = array<i32>} : memref<128x128xf32, #tpu.memory_space<vmem>>, vector<1x16xf32>,
        %swap3A_948 = vector.shape_cast %swap3A_947 : vector<1x16xf32> to vector<16xf32>
        %swap3A_949 = vector.shape_cast %mul3A_944 : vector<16xf32> to vector<1x16xf32>
        tpu.vector_store %arg11[%swap3A_945, %swap3A_946], %swap3A_949 {strides = array<i32>} : memref<128x128xf32, #tpu.memory_space<vmem>>, vector<1x16xf32>,
        %get3A_950 = arith.index_cast %add3A_909 : i32 to index
        %get3A_951 = arith.constant 64 : index
        %get3A_952 = tpu.vector_load %arg11[%get3A_950, %get3A_951] {strides = array<i32>} : memref<128x128xf32, #tpu.memory_space<vmem>>, vector<1x16xf32>,
        %get3A_953 = vector.shape_cast %get3A_952 : vector<1x16xf32> to vector<16xf32>
        %mul3A_954 = arith.mulf %get3A_953, %broadcast_in_dim3A_905 : vector<16xf32>
        %swap3A_955 = arith.index_cast %add3A_909 : i32 to index
        %swap3A_956 = arith.constant 64 : index
        %swap3A_957 = tpu.vector_load %arg11[%swap3A_955, %swap3A_956] {strides = array<i32>} : memref<128x128xf32, #tpu.memory_space<vmem>>, vector<1x16xf32>,
        %swap3A_958 = vector.shape_cast %swap3A_957 : vector<1x16xf32> to vector<16xf32>
        %swap3A_959 = vector.shape_cast %mul3A_954 : vector<16xf32> to vector<1x16xf32>
        tpu.vector_store %arg11[%swap3A_955, %swap3A_956], %swap3A_959 {strides = array<i32>} : memref<128x128xf32, #tpu.memory_space<vmem>>, vector<1x16xf32>,
        %get3A_960 = arith.index_cast %add3A_909 : i32 to index
        %get3A_961 = arith.constant 80 : index
        %get3A_962 = tpu.vector_load %arg11[%get3A_960, %get3A_961] {strides = array<i32>} : memref<128x128xf32, #tpu.memory_space<vmem>>, vector<1x16xf32>,
        %get3A_963 = vector.shape_cast %get3A_962 : vector<1x16xf32> to vector<16xf32>
        %mul3A_964 = arith.mulf %get3A_963, %broadcast_in_dim3A_905 : vector<16xf32>
        %swap3A_965 = arith.index_cast %add3A_909 : i32 to index
        %swap3A_966 = arith.constant 80 : index
        %swap3A_967 = tpu.vector_load %arg11[%swap3A_965, %swap3A_966] {strides = array<i32>} : memref<128x128xf32, #tpu.memory_space<vmem>>, vector<1x16xf32>,
        %swap3A_968 = vector.shape_cast %swap3A_967 : vector<1x16xf32> to vector<16xf32>
        %swap3A_969 = vector.shape_cast %mul3A_964 : vector<16xf32> to vector<1x16xf32>
        tpu.vector_store %arg11[%swap3A_965, %swap3A_966], %swap3A_969 {strides = array<i32>} : memref<128x128xf32, #tpu.memory_space<vmem>>, vector<1x16xf32>,
        %get3A_970 = arith.index_cast %add3A_909 : i32 to index
        %get3A_971 = arith.constant 96 : index
        %get3A_972 = tpu.vector_load %arg11[%get3A_970, %get3A_971] {strides = array<i32>} : memref<128x128xf32, #tpu.memory_space<vmem>>, vector<1x16xf32>,
        %get3A_973 = vector.shape_cast %get3A_972 : vector<1x16xf32> to vector<16xf32>
        %mul3A_974 = arith.mulf %get3A_973, %broadcast_in_dim3A_905 : vector<16xf32>
        %swap3A_975 = arith.index_cast %add3A_909 : i32 to index
        %swap3A_976 = arith.constant 96 : index
        %swap3A_977 = tpu.vector_load %arg11[%swap3A_975, %swap3A_976] {strides = array<i32>} : memref<128x128xf32, #tpu.memory_space<vmem>>, vector<1x16xf32>,
        %swap3A_978 = vector.shape_cast %swap3A_977 : vector<1x16xf32> to vector<16xf32>
        %swap3A_979 = vector.shape_cast %mul3A_974 : vector<16xf32> to vector<1x16xf32>
        tpu.vector_store %arg11[%swap3A_975, %swap3A_976], %swap3A_979 {strides = array<i32>} : memref<128x128xf32, #tpu.memory_space<vmem>>, vector<1x16xf32>,
        %get3A_980 = arith.index_cast %add3A_909 : i32 to index
        %get3A_981 = arith.constant 112 : index
        %get3A_982 = tpu.vector_load %arg11[%get3A_980, %get3A_981] {strides = array<i32>} : memref<128x128xf32, #tpu.memory_space<vmem>>, vector<1x16xf32>,
        %get3A_983 = vector.shape_cast %get3A_982 : vector<1x16xf32> to vector<16xf32>
        %mul3A_984 = arith.mulf %get3A_983, %broadcast_in_dim3A_905 : vector<16xf32>
        %swap3A_985 = arith.index_cast %add3A_909 : i32 to index
        %swap3A_986 = arith.constant 112 : index
        %swap3A_987 = tpu.vector_load %arg11[%swap3A_985, %swap3A_986] {strides = array<i32>} : memref<128x128xf32, #tpu.memory_space<vmem>>, vector<1x16xf32>,
        %swap3A_988 = vector.shape_cast %swap3A_987 : vector<1x16xf32> to vector<16xf32>
        %swap3A_989 = vector.shape_cast %mul3A_984 : vector<16xf32> to vector<1x16xf32>
        tpu.vector_store %arg11[%swap3A_985, %swap3A_986], %swap3A_989 {strides = array<i32>} : memref<128x128xf32, #tpu.memory_space<vmem>>, vector<1x16xf32>,
        %slice3A_990 = vector.extract_strided_slice %get3A_36 {offsets = [11], sizes = [1], strides = [1]} : vector<16xf32> to vector<1xf32>
        %squeeze3A_991 = vector.extract %slice3A_990[0] : f32 from vector<1xf32>
        %broadcast_in_dim3A_992 = vector.broadcast %squeeze3A_991 : f32 to vector<16xf32>
        %mul3A_993 = arith.constant 16 : i32
        %mul3A_994 = arith.muli %scan3A_31, %mul3A_993 : i32
        %add3A_995 = arith.constant 11 : i32
        %add3A_996 = arith.addi %mul3A_994, %add3A_995 : i32
        %get3A_997 = arith.index_cast %add3A_996 : i32 to index
        %get3A_998 = arith.constant 0 : index
        %get3A_999 = tpu.vector_load %arg11[%get3A_997, %get3A_998] {strides = array<i32>} : memref<128x128xf32, #tpu.memory_space<vmem>>, vector<1x16xf32>,
        %get3A_1000 = vector.shape_cast %get3A_999 : vector<1x16xf32> to vector<16xf32>
        %mul3A_1001 = arith.mulf %get3A_1000, %broadcast_in_dim3A_992 : vector<16xf32>
        %swap3A_1002 = arith.index_cast %add3A_996 : i32 to index
        %swap3A_1003 = arith.constant 0 : index
        %swap3A_1004 = tpu.vector_load %arg11[%swap3A_1002, %swap3A_1003] {strides = array<i32>} : memref<128x128xf32, #tpu.memory_space<vmem>>, vector<1x16xf32>,
        %swap3A_1005 = vector.shape_cast %swap3A_1004 : vector<1x16xf32> to vector<16xf32>
        %swap3A_1006 = vector.shape_cast %mul3A_1001 : vector<16xf32> to vector<1x16xf32>
        tpu.vector_store %arg11[%swap3A_1002, %swap3A_1003], %swap3A_1006 {strides = array<i32>} : memref<128x128xf32, #tpu.memory_space<vmem>>, vector<1x16xf32>,
        %get3A_1007 = arith.index_cast %add3A_996 : i32 to index
        %get3A_1008 = arith.constant 16 : index
        %get3A_1009 = tpu.vector_load %arg11[%get3A_1007, %get3A_1008] {strides = array<i32>} : memref<128x128xf32, #tpu.memory_space<vmem>>, vector<1x16xf32>,
        %get3A_1010 = vector.shape_cast %get3A_1009 : vector<1x16xf32> to vector<16xf32>
        %mul3A_1011 = arith.mulf %get3A_1010, %broadcast_in_dim3A_992 : vector<16xf32>
        %swap3A_1012 = arith.index_cast %add3A_996 : i32 to index
        %swap3A_1013 = arith.constant 16 : index
        %swap3A_1014 = tpu.vector_load %arg11[%swap3A_1012, %swap3A_1013] {strides = array<i32>} : memref<128x128xf32, #tpu.memory_space<vmem>>, vector<1x16xf32>,
        %swap3A_1015 = vector.shape_cast %swap3A_1014 : vector<1x16xf32> to vector<16xf32>
        %swap3A_1016 = vector.shape_cast %mul3A_1011 : vector<16xf32> to vector<1x16xf32>
        tpu.vector_store %arg11[%swap3A_1012, %swap3A_1013], %swap3A_1016 {strides = array<i32>} : memref<128x128xf32, #tpu.memory_space<vmem>>, vector<1x16xf32>,
        %get3A_1017 = arith.index_cast %add3A_996 : i32 to index
        %get3A_1018 = arith.constant 32 : index
        %get3A_1019 = tpu.vector_load %arg11[%get3A_1017, %get3A_1018] {strides = array<i32>} : memref<128x128xf32, #tpu.memory_space<vmem>>, vector<1x16xf32>,
        %get3A_1020 = vector.shape_cast %get3A_1019 : vector<1x16xf32> to vector<16xf32>
        %mul3A_1021 = arith.mulf %get3A_1020, %broadcast_in_dim3A_992 : vector<16xf32>
        %swap3A_1022 = arith.index_cast %add3A_996 : i32 to index
        %swap3A_1023 = arith.constant 32 : index
        %swap3A_1024 = tpu.vector_load %arg11[%swap3A_1022, %swap3A_1023] {strides = array<i32>} : memref<128x128xf32, #tpu.memory_space<vmem>>, vector<1x16xf32>,
        %swap3A_1025 = vector.shape_cast %swap3A_1024 : vector<1x16xf32> to vector<16xf32>
        %swap3A_1026 = vector.shape_cast %mul3A_1021 : vector<16xf32> to vector<1x16xf32>
        tpu.vector_store %arg11[%swap3A_1022, %swap3A_1023], %swap3A_1026 {strides = array<i32>} : memref<128x128xf32, #tpu.memory_space<vmem>>, vector<1x16xf32>,
        %get3A_1027 = arith.index_cast %add3A_996 : i32 to index
        %get3A_1028 = arith.constant 48 : index
        %get3A_1029 = tpu.vector_load %arg11[%get3A_1027, %get3A_1028] {strides = array<i32>} : memref<128x128xf32, #tpu.memory_space<vmem>>, vector<1x16xf32>,
        %get3A_1030 = vector.shape_cast %get3A_1029 : vector<1x16xf32> to vector<16xf32>
        %mul3A_1031 = arith.mulf %get3A_1030, %broadcast_in_dim3A_992 : vector<16xf32>
        %swap3A_1032 = arith.index_cast %add3A_996 : i32 to index
        %swap3A_1033 = arith.constant 48 : index
        %swap3A_1034 = tpu.vector_load %arg11[%swap3A_1032, %swap3A_1033] {strides = array<i32>} : memref<128x128xf32, #tpu.memory_space<vmem>>, vector<1x16xf32>,
        %swap3A_1035 = vector.shape_cast %swap3A_1034 : vector<1x16xf32> to vector<16xf32>
        %swap3A_1036 = vector.shape_cast %mul3A_1031 : vector<16xf32> to vector<1x16xf32>
        tpu.vector_store %arg11[%swap3A_1032, %swap3A_1033], %swap3A_1036 {strides = array<i32>} : memref<128x128xf32, #tpu.memory_space<vmem>>, vector<1x16xf32>,
        %get3A_1037 = arith.index_cast %add3A_996 : i32 to index
        %get3A_1038 = arith.constant 64 : index
        %get3A_1039 = tpu.vector_load %arg11[%get3A_1037, %get3A_1038] {strides = array<i32>} : memref<128x128xf32, #tpu.memory_space<vmem>>, vector<1x16xf32>,
        %get3A_1040 = vector.shape_cast %get3A_1039 : vector<1x16xf32> to vector<16xf32>
        %mul3A_1041 = arith.mulf %get3A_1040, %broadcast_in_dim3A_992 : vector<16xf32>
        %swap3A_1042 = arith.index_cast %add3A_996 : i32 to index
        %swap3A_1043 = arith.constant 64 : index
        %swap3A_1044 = tpu.vector_load %arg11[%swap3A_1042, %swap3A_1043] {strides = array<i32>} : memref<128x128xf32, #tpu.memory_space<vmem>>, vector<1x16xf32>,
        %swap3A_1045 = vector.shape_cast %swap3A_1044 : vector<1x16xf32> to vector<16xf32>
        %swap3A_1046 = vector.shape_cast %mul3A_1041 : vector<16xf32> to vector<1x16xf32>
        tpu.vector_store %arg11[%swap3A_1042, %swap3A_1043], %swap3A_1046 {strides = array<i32>} : memref<128x128xf32, #tpu.memory_space<vmem>>, vector<1x16xf32>,
        %get3A_1047 = arith.index_cast %add3A_996 : i32 to index
        %get3A_1048 = arith.constant 80 : index
        %get3A_1049 = tpu.vector_load %arg11[%get3A_1047, %get3A_1048] {strides = array<i32>} : memref<128x128xf32, #tpu.memory_space<vmem>>, vector<1x16xf32>,
        %get3A_1050 = vector.shape_cast %get3A_1049 : vector<1x16xf32> to vector<16xf32>
        %mul3A_1051 = arith.mulf %get3A_1050, %broadcast_in_dim3A_992 : vector<16xf32>
        %swap3A_1052 = arith.index_cast %add3A_996 : i32 to index
        %swap3A_1053 = arith.constant 80 : index
        %swap3A_1054 = tpu.vector_load %arg11[%swap3A_1052, %swap3A_1053] {strides = array<i32>} : memref<128x128xf32, #tpu.memory_space<vmem>>, vector<1x16xf32>,
        %swap3A_1055 = vector.shape_cast %swap3A_1054 : vector<1x16xf32> to vector<16xf32>
        %swap3A_1056 = vector.shape_cast %mul3A_1051 : vector<16xf32> to vector<1x16xf32>
        tpu.vector_store %arg11[%swap3A_1052, %swap3A_1053], %swap3A_1056 {strides = array<i32>} : memref<128x128xf32, #tpu.memory_space<vmem>>, vector<1x16xf32>,
        %get3A_1057 = arith.index_cast %add3A_996 : i32 to index
        %get3A_1058 = arith.constant 96 : index
        %get3A_1059 = tpu.vector_load %arg11[%get3A_1057, %get3A_1058] {strides = array<i32>} : memref<128x128xf32, #tpu.memory_space<vmem>>, vector<1x16xf32>,
        %get3A_1060 = vector.shape_cast %get3A_1059 : vector<1x16xf32> to vector<16xf32>
        %mul3A_1061 = arith.mulf %get3A_1060, %broadcast_in_dim3A_992 : vector<16xf32>
        %swap3A_1062 = arith.index_cast %add3A_996 : i32 to index
        %swap3A_1063 = arith.constant 96 : index
        %swap3A_1064 = tpu.vector_load %arg11[%swap3A_1062, %swap3A_1063] {strides = array<i32>} : memref<128x128xf32, #tpu.memory_space<vmem>>, vector<1x16xf32>,
        %swap3A_1065 = vector.shape_cast %swap3A_1064 : vector<1x16xf32> to vector<16xf32>
        %swap3A_1066 = vector.shape_cast %mul3A_1061 : vector<16xf32> to vector<1x16xf32>
        tpu.vector_store %arg11[%swap3A_1062, %swap3A_1063], %swap3A_1066 {strides = array<i32>} : memref<128x128xf32, #tpu.memory_space<vmem>>, vector<1x16xf32>,
        %get3A_1067 = arith.index_cast %add3A_996 : i32 to index
        %get3A_1068 = arith.constant 112 : index
        %get3A_1069 = tpu.vector_load %arg11[%get3A_1067, %get3A_1068] {strides = array<i32>} : memref<128x128xf32, #tpu.memory_space<vmem>>, vector<1x16xf32>,
        %get3A_1070 = vector.shape_cast %get3A_1069 : vector<1x16xf32> to vector<16xf32>
        %mul3A_1071 = arith.mulf %get3A_1070, %broadcast_in_dim3A_992 : vector<16xf32>
        %swap3A_1072 = arith.index_cast %add3A_996 : i32 to index
        %swap3A_1073 = arith.constant 112 : index
        %swap3A_1074 = tpu.vector_load %arg11[%swap3A_1072, %swap3A_1073] {strides = array<i32>} : memref<128x128xf32, #tpu.memory_space<vmem>>, vector<1x16xf32>,
        %swap3A_1075 = vector.shape_cast %swap3A_1074 : vector<1x16xf32> to vector<16xf32>
        %swap3A_1076 = vector.shape_cast %mul3A_1071 : vector<16xf32> to vector<1x16xf32>
        tpu.vector_store %arg11[%swap3A_1072, %swap3A_1073], %swap3A_1076 {strides = array<i32>} : memref<128x128xf32, #tpu.memory_space<vmem>>, vector<1x16xf32>,
        %slice3A_1077 = vector.extract_strided_slice %get3A_36 {offsets = [12], sizes = [1], strides = [1]} : vector<16xf32> to vector<1xf32>
        %squeeze3A_1078 = vector.extract %slice3A_1077[0] : f32 from vector<1xf32>
        %broadcast_in_dim3A_1079 = vector.broadcast %squeeze3A_1078 : f32 to vector<16xf32>
        %mul3A_1080 = arith.constant 16 : i32
        %mul3A_1081 = arith.muli %scan3A_31, %mul3A_1080 : i32
        %add3A_1082 = arith.constant 12 : i32
        %add3A_1083 = arith.addi %mul3A_1081, %add3A_1082 : i32
        %get3A_1084 = arith.index_cast %add3A_1083 : i32 to index
        %get3A_1085 = arith.constant 0 : index
        %get3A_1086 = tpu.vector_load %arg11[%get3A_1084, %get3A_1085] {strides = array<i32>} : memref<128x128xf32, #tpu.memory_space<vmem>>, vector<1x16xf32>,
        %get3A_1087 = vector.shape_cast %get3A_1086 : vector<1x16xf32> to vector<16xf32>
        %mul3A_1088 = arith.mulf %get3A_1087, %broadcast_in_dim3A_1079 : vector<16xf32>
        %swap3A_1089 = arith.index_cast %add3A_1083 : i32 to index
        %swap3A_1090 = arith.constant 0 : index
        %swap3A_1091 = tpu.vector_load %arg11[%swap3A_1089, %swap3A_1090] {strides = array<i32>} : memref<128x128xf32, #tpu.memory_space<vmem>>, vector<1x16xf32>,
        %swap3A_1092 = vector.shape_cast %swap3A_1091 : vector<1x16xf32> to vector<16xf32>
        %swap3A_1093 = vector.shape_cast %mul3A_1088 : vector<16xf32> to vector<1x16xf32>
        tpu.vector_store %arg11[%swap3A_1089, %swap3A_1090], %swap3A_1093 {strides = array<i32>} : memref<128x128xf32, #tpu.memory_space<vmem>>, vector<1x16xf32>,
        %get3A_1094 = arith.index_cast %add3A_1083 : i32 to index
        %get3A_1095 = arith.constant 16 : index
        %get3A_1096 = tpu.vector_load %arg11[%get3A_1094, %get3A_1095] {strides = array<i32>} : memref<128x128xf32, #tpu.memory_space<vmem>>, vector<1x16xf32>,
        %get3A_1097 = vector.shape_cast %get3A_1096 : vector<1x16xf32> to vector<16xf32>
        %mul3A_1098 = arith.mulf %get3A_1097, %broadcast_in_dim3A_1079 : vector<16xf32>
        %swap3A_1099 = arith.index_cast %add3A_1083 : i32 to index
        %swap3A_1100 = arith.constant 16 : index
        %swap3A_1101 = tpu.vector_load %arg11[%swap3A_1099, %swap3A_1100] {strides = array<i32>} : memref<128x128xf32, #tpu.memory_space<vmem>>, vector<1x16xf32>,
        %swap3A_1102 = vector.shape_cast %swap3A_1101 : vector<1x16xf32> to vector<16xf32>
        %swap3A_1103 = vector.shape_cast %mul3A_1098 : vector<16xf32> to vector<1x16xf32>
        tpu.vector_store %arg11[%swap3A_1099, %swap3A_1100], %swap3A_1103 {strides = array<i32>} : memref<128x128xf32, #tpu.memory_space<vmem>>, vector<1x16xf32>,
        %get3A_1104 = arith.index_cast %add3A_1083 : i32 to index
        %get3A_1105 = arith.constant 32 : index
        %get3A_1106 = tpu.vector_load %arg11[%get3A_1104, %get3A_1105] {strides = array<i32>} : memref<128x128xf32, #tpu.memory_space<vmem>>, vector<1x16xf32>,
        %get3A_1107 = vector.shape_cast %get3A_1106 : vector<1x16xf32> to vector<16xf32>
        %mul3A_1108 = arith.mulf %get3A_1107, %broadcast_in_dim3A_1079 : vector<16xf32>
        %swap3A_1109 = arith.index_cast %add3A_1083 : i32 to index
        %swap3A_1110 = arith.constant 32 : index
        %swap3A_1111 = tpu.vector_load %arg11[%swap3A_1109, %swap3A_1110] {strides = array<i32>} : memref<128x128xf32, #tpu.memory_space<vmem>>, vector<1x16xf32>,
        %swap3A_1112 = vector.shape_cast %swap3A_1111 : vector<1x16xf32> to vector<16xf32>
        %swap3A_1113 = vector.shape_cast %mul3A_1108 : vector<16xf32> to vector<1x16xf32>
        tpu.vector_store %arg11[%swap3A_1109, %swap3A_1110], %swap3A_1113 {strides = array<i32>} : memref<128x128xf32, #tpu.memory_space<vmem>>, vector<1x16xf32>,
        %get3A_1114 = arith.index_cast %add3A_1083 : i32 to index
        %get3A_1115 = arith.constant 48 : index
        %get3A_1116 = tpu.vector_load %arg11[%get3A_1114, %get3A_1115] {strides = array<i32>} : memref<128x128xf32, #tpu.memory_space<vmem>>, vector<1x16xf32>,
        %get3A_1117 = vector.shape_cast %get3A_1116 : vector<1x16xf32> to vector<16xf32>
        %mul3A_1118 = arith.mulf %get3A_1117, %broadcast_in_dim3A_1079 : vector<16xf32>
        %swap3A_1119 = arith.index_cast %add3A_1083 : i32 to index
        %swap3A_1120 = arith.constant 48 : index
        %swap3A_1121 = tpu.vector_load %arg11[%swap3A_1119, %swap3A_1120] {strides = array<i32>} : memref<128x128xf32, #tpu.memory_space<vmem>>, vector<1x16xf32>,
        %swap3A_1122 = vector.shape_cast %swap3A_1121 : vector<1x16xf32> to vector<16xf32>
        %swap3A_1123 = vector.shape_cast %mul3A_1118 : vector<16xf32> to vector<1x16xf32>
        tpu.vector_store %arg11[%swap3A_1119, %swap3A_1120], %swap3A_1123 {strides = array<i32>} : memref<128x128xf32, #tpu.memory_space<vmem>>, vector<1x16xf32>,
        %get3A_1124 = arith.index_cast %add3A_1083 : i32 to index
        %get3A_1125 = arith.constant 64 : index
        %get3A_1126 = tpu.vector_load %arg11[%get3A_1124, %get3A_1125] {strides = array<i32>} : memref<128x128xf32, #tpu.memory_space<vmem>>, vector<1x16xf32>,
        %get3A_1127 = vector.shape_cast %get3A_1126 : vector<1x16xf32> to vector<16xf32>
        %mul3A_1128 = arith.mulf %get3A_1127, %broadcast_in_dim3A_1079 : vector<16xf32>
        %swap3A_1129 = arith.index_cast %add3A_1083 : i32 to index
        %swap3A_1130 = arith.constant 64 : index
        %swap3A_1131 = tpu.vector_load %arg11[%swap3A_1129, %swap3A_1130] {strides = array<i32>} : memref<128x128xf32, #tpu.memory_space<vmem>>, vector<1x16xf32>,
        %swap3A_1132 = vector.shape_cast %swap3A_1131 : vector<1x16xf32> to vector<16xf32>
        %swap3A_1133 = vector.shape_cast %mul3A_1128 : vector<16xf32> to vector<1x16xf32>
        tpu.vector_store %arg11[%swap3A_1129, %swap3A_1130], %swap3A_1133 {strides = array<i32>} : memref<128x128xf32, #tpu.memory_space<vmem>>, vector<1x16xf32>,
        %get3A_1134 = arith.index_cast %add3A_1083 : i32 to index
        %get3A_1135 = arith.constant 80 : index
        %get3A_1136 = tpu.vector_load %arg11[%get3A_1134, %get3A_1135] {strides = array<i32>} : memref<128x128xf32, #tpu.memory_space<vmem>>, vector<1x16xf32>,
        %get3A_1137 = vector.shape_cast %get3A_1136 : vector<1x16xf32> to vector<16xf32>
        %mul3A_1138 = arith.mulf %get3A_1137, %broadcast_in_dim3A_1079 : vector<16xf32>
        %swap3A_1139 = arith.index_cast %add3A_1083 : i32 to index
        %swap3A_1140 = arith.constant 80 : index
        %swap3A_1141 = tpu.vector_load %arg11[%swap3A_1139, %swap3A_1140] {strides = array<i32>} : memref<128x128xf32, #tpu.memory_space<vmem>>, vector<1x16xf32>,
        %swap3A_1142 = vector.shape_cast %swap3A_1141 : vector<1x16xf32> to vector<16xf32>
        %swap3A_1143 = vector.shape_cast %mul3A_1138 : vector<16xf32> to vector<1x16xf32>
        tpu.vector_store %arg11[%swap3A_1139, %swap3A_1140], %swap3A_1143 {strides = array<i32>} : memref<128x128xf32, #tpu.memory_space<vmem>>, vector<1x16xf32>,
        %get3A_1144 = arith.index_cast %add3A_1083 : i32 to index
        %get3A_1145 = arith.constant 96 : index
        %get3A_1146 = tpu.vector_load %arg11[%get3A_1144, %get3A_1145] {strides = array<i32>} : memref<128x128xf32, #tpu.memory_space<vmem>>, vector<1x16xf32>,
        %get3A_1147 = vector.shape_cast %get3A_1146 : vector<1x16xf32> to vector<16xf32>
        %mul3A_1148 = arith.mulf %get3A_1147, %broadcast_in_dim3A_1079 : vector<16xf32>
        %swap3A_1149 = arith.index_cast %add3A_1083 : i32 to index
        %swap3A_1150 = arith.constant 96 : index
        %swap3A_1151 = tpu.vector_load %arg11[%swap3A_1149, %swap3A_1150] {strides = array<i32>} : memref<128x128xf32, #tpu.memory_space<vmem>>, vector<1x16xf32>,
        %swap3A_1152 = vector.shape_cast %swap3A_1151 : vector<1x16xf32> to vector<16xf32>
        %swap3A_1153 = vector.shape_cast %mul3A_1148 : vector<16xf32> to vector<1x16xf32>
        tpu.vector_store %arg11[%swap3A_1149, %swap3A_1150], %swap3A_1153 {strides = array<i32>} : memref<128x128xf32, #tpu.memory_space<vmem>>, vector<1x16xf32>,
        %get3A_1154 = arith.index_cast %add3A_1083 : i32 to index
        %get3A_1155 = arith.constant 112 : index
        %get3A_1156 = tpu.vector_load %arg11[%get3A_1154, %get3A_1155] {strides = array<i32>} : memref<128x128xf32, #tpu.memory_space<vmem>>, vector<1x16xf32>,
        %get3A_1157 = vector.shape_cast %get3A_1156 : vector<1x16xf32> to vector<16xf32>
        %mul3A_1158 = arith.mulf %get3A_1157, %broadcast_in_dim3A_1079 : vector<16xf32>
        %swap3A_1159 = arith.index_cast %add3A_1083 : i32 to index
        %swap3A_1160 = arith.constant 112 : index
        %swap3A_1161 = tpu.vector_load %arg11[%swap3A_1159, %swap3A_1160] {strides = array<i32>} : memref<128x128xf32, #tpu.memory_space<vmem>>, vector<1x16xf32>,
        %swap3A_1162 = vector.shape_cast %swap3A_1161 : vector<1x16xf32> to vector<16xf32>
        %swap3A_1163 = vector.shape_cast %mul3A_1158 : vector<16xf32> to vector<1x16xf32>
        tpu.vector_store %arg11[%swap3A_1159, %swap3A_1160], %swap3A_1163 {strides = array<i32>} : memref<128x128xf32, #tpu.memory_space<vmem>>, vector<1x16xf32>,
        %slice3A_1164 = vector.extract_strided_slice %get3A_36 {offsets = [13], sizes = [1], strides = [1]} : vector<16xf32> to vector<1xf32>
        %squeeze3A_1165 = vector.extract %slice3A_1164[0] : f32 from vector<1xf32>
        %broadcast_in_dim3A_1166 = vector.broadcast %squeeze3A_1165 : f32 to vector<16xf32>
        %mul3A_1167 = arith.constant 16 : i32
        %mul3A_1168 = arith.muli %scan3A_31, %mul3A_1167 : i32
        %add3A_1169 = arith.constant 13 : i32
        %add3A_1170 = arith.addi %mul3A_1168, %add3A_1169 : i32
        %get3A_1171 = arith.index_cast %add3A_1170 : i32 to index
        %get3A_1172 = arith.constant 0 : index
        %get3A_1173 = tpu.vector_load %arg11[%get3A_1171, %get3A_1172] {strides = array<i32>} : memref<128x128xf32, #tpu.memory_space<vmem>>, vector<1x16xf32>,
        %get3A_1174 = vector.shape_cast %get3A_1173 : vector<1x16xf32> to vector<16xf32>
        %mul3A_1175 = arith.mulf %get3A_1174, %broadcast_in_dim3A_1166 : vector<16xf32>
        %swap3A_1176 = arith.index_cast %add3A_1170 : i32 to index
        %swap3A_1177 = arith.constant 0 : index
        %swap3A_1178 = tpu.vector_load %arg11[%swap3A_1176, %swap3A_1177] {strides = array<i32>} : memref<128x128xf32, #tpu.memory_space<vmem>>, vector<1x16xf32>,
        %swap3A_1179 = vector.shape_cast %swap3A_1178 : vector<1x16xf32> to vector<16xf32>
        %swap3A_1180 = vector.shape_cast %mul3A_1175 : vector<16xf32> to vector<1x16xf32>
        tpu.vector_store %arg11[%swap3A_1176, %swap3A_1177], %swap3A_1180 {strides = array<i32>} : memref<128x128xf32, #tpu.memory_space<vmem>>, vector<1x16xf32>,
        %get3A_1181 = arith.index_cast %add3A_1170 : i32 to index
        %get3A_1182 = arith.constant 16 : index
        %get3A_1183 = tpu.vector_load %arg11[%get3A_1181, %get3A_1182] {strides = array<i32>} : memref<128x128xf32, #tpu.memory_space<vmem>>, vector<1x16xf32>,
        %get3A_1184 = vector.shape_cast %get3A_1183 : vector<1x16xf32> to vector<16xf32>
        %mul3A_1185 = arith.mulf %get3A_1184, %broadcast_in_dim3A_1166 : vector<16xf32>
        %swap3A_1186 = arith.index_cast %add3A_1170 : i32 to index
        %swap3A_1187 = arith.constant 16 : index
        %swap3A_1188 = tpu.vector_load %arg11[%swap3A_1186, %swap3A_1187] {strides = array<i32>} : memref<128x128xf32, #tpu.memory_space<vmem>>, vector<1x16xf32>,
        %swap3A_1189 = vector.shape_cast %swap3A_1188 : vector<1x16xf32> to vector<16xf32>
        %swap3A_1190 = vector.shape_cast %mul3A_1185 : vector<16xf32> to vector<1x16xf32>
        tpu.vector_store %arg11[%swap3A_1186, %swap3A_1187], %swap3A_1190 {strides = array<i32>} : memref<128x128xf32, #tpu.memory_space<vmem>>, vector<1x16xf32>,
        %get3A_1191 = arith.index_cast %add3A_1170 : i32 to index
        %get3A_1192 = arith.constant 32 : index
        %get3A_1193 = tpu.vector_load %arg11[%get3A_1191, %get3A_1192] {strides = array<i32>} : memref<128x128xf32, #tpu.memory_space<vmem>>, vector<1x16xf32>,
        %get3A_1194 = vector.shape_cast %get3A_1193 : vector<1x16xf32> to vector<16xf32>
        %mul3A_1195 = arith.mulf %get3A_1194, %broadcast_in_dim3A_1166 : vector<16xf32>
        %swap3A_1196 = arith.index_cast %add3A_1170 : i32 to index
        %swap3A_1197 = arith.constant 32 : index
        %swap3A_1198 = tpu.vector_load %arg11[%swap3A_1196, %swap3A_1197] {strides = array<i32>} : memref<128x128xf32, #tpu.memory_space<vmem>>, vector<1x16xf32>,
        %swap3A_1199 = vector.shape_cast %swap3A_1198 : vector<1x16xf32> to vector<16xf32>
        %swap3A_1200 = vector.shape_cast %mul3A_1195 : vector<16xf32> to vector<1x16xf32>
        tpu.vector_store %arg11[%swap3A_1196, %swap3A_1197], %swap3A_1200 {strides = array<i32>} : memref<128x128xf32, #tpu.memory_space<vmem>>, vector<1x16xf32>,
        %get3A_1201 = arith.index_cast %add3A_1170 : i32 to index
        %get3A_1202 = arith.constant 48 : index
        %get3A_1203 = tpu.vector_load %arg11[%get3A_1201, %get3A_1202] {strides = array<i32>} : memref<128x128xf32, #tpu.memory_space<vmem>>, vector<1x16xf32>,
        %get3A_1204 = vector.shape_cast %get3A_1203 : vector<1x16xf32> to vector<16xf32>
        %mul3A_1205 = arith.mulf %get3A_1204, %broadcast_in_dim3A_1166 : vector<16xf32>
        %swap3A_1206 = arith.index_cast %add3A_1170 : i32 to index
        %swap3A_1207 = arith.constant 48 : index
        %swap3A_1208 = tpu.vector_load %arg11[%swap3A_1206, %swap3A_1207] {strides = array<i32>} : memref<128x128xf32, #tpu.memory_space<vmem>>, vector<1x16xf32>,
        %swap3A_1209 = vector.shape_cast %swap3A_1208 : vector<1x16xf32> to vector<16xf32>
        %swap3A_1210 = vector.shape_cast %mul3A_1205 : vector<16xf32> to vector<1x16xf32>
        tpu.vector_store %arg11[%swap3A_1206, %swap3A_1207], %swap3A_1210 {strides = array<i32>} : memref<128x128xf32, #tpu.memory_space<vmem>>, vector<1x16xf32>,
        %get3A_1211 = arith.index_cast %add3A_1170 : i32 to index
        %get3A_1212 = arith.constant 64 : index
        %get3A_1213 = tpu.vector_load %arg11[%get3A_1211, %get3A_1212] {strides = array<i32>} : memref<128x128xf32, #tpu.memory_space<vmem>>, vector<1x16xf32>,
        %get3A_1214 = vector.shape_cast %get3A_1213 : vector<1x16xf32> to vector<16xf32>
        %mul3A_1215 = arith.mulf %get3A_1214, %broadcast_in_dim3A_1166 : vector<16xf32>
        %swap3A_1216 = arith.index_cast %add3A_1170 : i32 to index
        %swap3A_1217 = arith.constant 64 : index
        %swap3A_1218 = tpu.vector_load %arg11[%swap3A_1216, %swap3A_1217] {strides = array<i32>} : memref<128x128xf32, #tpu.memory_space<vmem>>, vector<1x16xf32>,
        %swap3A_1219 = vector.shape_cast %swap3A_1218 : vector<1x16xf32> to vector<16xf32>
        %swap3A_1220 = vector.shape_cast %mul3A_1215 : vector<16xf32> to vector<1x16xf32>
        tpu.vector_store %arg11[%swap3A_1216, %swap3A_1217], %swap3A_1220 {strides = array<i32>} : memref<128x128xf32, #tpu.memory_space<vmem>>, vector<1x16xf32>,
        %get3A_1221 = arith.index_cast %add3A_1170 : i32 to index
        %get3A_1222 = arith.constant 80 : index
        %get3A_1223 = tpu.vector_load %arg11[%get3A_1221, %get3A_1222] {strides = array<i32>} : memref<128x128xf32, #tpu.memory_space<vmem>>, vector<1x16xf32>,
        %get3A_1224 = vector.shape_cast %get3A_1223 : vector<1x16xf32> to vector<16xf32>
        %mul3A_1225 = arith.mulf %get3A_1224, %broadcast_in_dim3A_1166 : vector<16xf32>
        %swap3A_1226 = arith.index_cast %add3A_1170 : i32 to index
        %swap3A_1227 = arith.constant 80 : index
        %swap3A_1228 = tpu.vector_load %arg11[%swap3A_1226, %swap3A_1227] {strides = array<i32>} : memref<128x128xf32, #tpu.memory_space<vmem>>, vector<1x16xf32>,
        %swap3A_1229 = vector.shape_cast %swap3A_1228 : vector<1x16xf32> to vector<16xf32>
        %swap3A_1230 = vector.shape_cast %mul3A_1225 : vector<16xf32> to vector<1x16xf32>
        tpu.vector_store %arg11[%swap3A_1226, %swap3A_1227], %swap3A_1230 {strides = array<i32>} : memref<128x128xf32, #tpu.memory_space<vmem>>, vector<1x16xf32>,
        %get3A_1231 = arith.index_cast %add3A_1170 : i32 to index
        %get3A_1232 = arith.constant 96 : index
        %get3A_1233 = tpu.vector_load %arg11[%get3A_1231, %get3A_1232] {strides = array<i32>} : memref<128x128xf32, #tpu.memory_space<vmem>>, vector<1x16xf32>,
        %get3A_1234 = vector.shape_cast %get3A_1233 : vector<1x16xf32> to vector<16xf32>
        %mul3A_1235 = arith.mulf %get3A_1234, %broadcast_in_dim3A_1166 : vector<16xf32>
        %swap3A_1236 = arith.index_cast %add3A_1170 : i32 to index
        %swap3A_1237 = arith.constant 96 : index
        %swap3A_1238 = tpu.vector_load %arg11[%swap3A_1236, %swap3A_1237] {strides = array<i32>} : memref<128x128xf32, #tpu.memory_space<vmem>>, vector<1x16xf32>,
        %swap3A_1239 = vector.shape_cast %swap3A_1238 : vector<1x16xf32> to vector<16xf32>
        %swap3A_1240 = vector.shape_cast %mul3A_1235 : vector<16xf32> to vector<1x16xf32>
        tpu.vector_store %arg11[%swap3A_1236, %swap3A_1237], %swap3A_1240 {strides = array<i32>} : memref<128x128xf32, #tpu.memory_space<vmem>>, vector<1x16xf32>,
        %get3A_1241 = arith.index_cast %add3A_1170 : i32 to index
        %get3A_1242 = arith.constant 112 : index
        %get3A_1243 = tpu.vector_load %arg11[%get3A_1241, %get3A_1242] {strides = array<i32>} : memref<128x128xf32, #tpu.memory_space<vmem>>, vector<1x16xf32>,
        %get3A_1244 = vector.shape_cast %get3A_1243 : vector<1x16xf32> to vector<16xf32>
        %mul3A_1245 = arith.mulf %get3A_1244, %broadcast_in_dim3A_1166 : vector<16xf32>
        %swap3A_1246 = arith.index_cast %add3A_1170 : i32 to index
        %swap3A_1247 = arith.constant 112 : index
        %swap3A_1248 = tpu.vector_load %arg11[%swap3A_1246, %swap3A_1247] {strides = array<i32>} : memref<128x128xf32, #tpu.memory_space<vmem>>, vector<1x16xf32>,
        %swap3A_1249 = vector.shape_cast %swap3A_1248 : vector<1x16xf32> to vector<16xf32>
        %swap3A_1250 = vector.shape_cast %mul3A_1245 : vector<16xf32> to vector<1x16xf32>
        tpu.vector_store %arg11[%swap3A_1246, %swap3A_1247], %swap3A_1250 {strides = array<i32>} : memref<128x128xf32, #tpu.memory_space<vmem>>, vector<1x16xf32>,
        %slice3A_1251 = vector.extract_strided_slice %get3A_36 {offsets = [14], sizes = [1], strides = [1]} : vector<16xf32> to vector<1xf32>
        %squeeze3A_1252 = vector.extract %slice3A_1251[0] : f32 from vector<1xf32>
        %broadcast_in_dim3A_1253 = vector.broadcast %squeeze3A_1252 : f32 to vector<16xf32>
        %mul3A_1254 = arith.constant 16 : i32
        %mul3A_1255 = arith.muli %scan3A_31, %mul3A_1254 : i32
        %add3A_1256 = arith.constant 14 : i32
        %add3A_1257 = arith.addi %mul3A_1255, %add3A_1256 : i32
        %get3A_1258 = arith.index_cast %add3A_1257 : i32 to index
        %get3A_1259 = arith.constant 0 : index
        %get3A_1260 = tpu.vector_load %arg11[%get3A_1258, %get3A_1259] {strides = array<i32>} : memref<128x128xf32, #tpu.memory_space<vmem>>, vector<1x16xf32>,
        %get3A_1261 = vector.shape_cast %get3A_1260 : vector<1x16xf32> to vector<16xf32>
        %mul3A_1262 = arith.mulf %get3A_1261, %broadcast_in_dim3A_1253 : vector<16xf32>
        %swap3A_1263 = arith.index_cast %add3A_1257 : i32 to index
        %swap3A_1264 = arith.constant 0 : index
        %swap3A_1265 = tpu.vector_load %arg11[%swap3A_1263, %swap3A_1264] {strides = array<i32>} : memref<128x128xf32, #tpu.memory_space<vmem>>, vector<1x16xf32>,
        %swap3A_1266 = vector.shape_cast %swap3A_1265 : vector<1x16xf32> to vector<16xf32>
        %swap3A_1267 = vector.shape_cast %mul3A_1262 : vector<16xf32> to vector<1x16xf32>
        tpu.vector_store %arg11[%swap3A_1263, %swap3A_1264], %swap3A_1267 {strides = array<i32>} : memref<128x128xf32, #tpu.memory_space<vmem>>, vector<1x16xf32>,
        %get3A_1268 = arith.index_cast %add3A_1257 : i32 to index
        %get3A_1269 = arith.constant 16 : index
        %get3A_1270 = tpu.vector_load %arg11[%get3A_1268, %get3A_1269] {strides = array<i32>} : memref<128x128xf32, #tpu.memory_space<vmem>>, vector<1x16xf32>,
        %get3A_1271 = vector.shape_cast %get3A_1270 : vector<1x16xf32> to vector<16xf32>
        %mul3A_1272 = arith.mulf %get3A_1271, %broadcast_in_dim3A_1253 : vector<16xf32>
        %swap3A_1273 = arith.index_cast %add3A_1257 : i32 to index
        %swap3A_1274 = arith.constant 16 : index
        %swap3A_1275 = tpu.vector_load %arg11[%swap3A_1273, %swap3A_1274] {strides = array<i32>} : memref<128x128xf32, #tpu.memory_space<vmem>>, vector<1x16xf32>,
        %swap3A_1276 = vector.shape_cast %swap3A_1275 : vector<1x16xf32> to vector<16xf32>
        %swap3A_1277 = vector.shape_cast %mul3A_1272 : vector<16xf32> to vector<1x16xf32>
        tpu.vector_store %arg11[%swap3A_1273, %swap3A_1274], %swap3A_1277 {strides = array<i32>} : memref<128x128xf32, #tpu.memory_space<vmem>>, vector<1x16xf32>,
        %get3A_1278 = arith.index_cast %add3A_1257 : i32 to index
        %get3A_1279 = arith.constant 32 : index
        %get3A_1280 = tpu.vector_load %arg11[%get3A_1278, %get3A_1279] {strides = array<i32>} : memref<128x128xf32, #tpu.memory_space<vmem>>, vector<1x16xf32>,
        %get3A_1281 = vector.shape_cast %get3A_1280 : vector<1x16xf32> to vector<16xf32>
        %mul3A_1282 = arith.mulf %get3A_1281, %broadcast_in_dim3A_1253 : vector<16xf32>
        %swap3A_1283 = arith.index_cast %add3A_1257 : i32 to index
        %swap3A_1284 = arith.constant 32 : index
        %swap3A_1285 = tpu.vector_load %arg11[%swap3A_1283, %swap3A_1284] {strides = array<i32>} : memref<128x128xf32, #tpu.memory_space<vmem>>, vector<1x16xf32>,
        %swap3A_1286 = vector.shape_cast %swap3A_1285 : vector<1x16xf32> to vector<16xf32>
        %swap3A_1287 = vector.shape_cast %mul3A_1282 : vector<16xf32> to vector<1x16xf32>
        tpu.vector_store %arg11[%swap3A_1283, %swap3A_1284], %swap3A_1287 {strides = array<i32>} : memref<128x128xf32, #tpu.memory_space<vmem>>, vector<1x16xf32>,
        %get3A_1288 = arith.index_cast %add3A_1257 : i32 to index
        %get3A_1289 = arith.constant 48 : index
        %get3A_1290 = tpu.vector_load %arg11[%get3A_1288, %get3A_1289] {strides = array<i32>} : memref<128x128xf32, #tpu.memory_space<vmem>>, vector<1x16xf32>,
        %get3A_1291 = vector.shape_cast %get3A_1290 : vector<1x16xf32> to vector<16xf32>
        %mul3A_1292 = arith.mulf %get3A_1291, %broadcast_in_dim3A_1253 : vector<16xf32>
        %swap3A_1293 = arith.index_cast %add3A_1257 : i32 to index
        %swap3A_1294 = arith.constant 48 : index
        %swap3A_1295 = tpu.vector_load %arg11[%swap3A_1293, %swap3A_1294] {strides = array<i32>} : memref<128x128xf32, #tpu.memory_space<vmem>>, vector<1x16xf32>,
        %swap3A_1296 = vector.shape_cast %swap3A_1295 : vector<1x16xf32> to vector<16xf32>
        %swap3A_1297 = vector.shape_cast %mul3A_1292 : vector<16xf32> to vector<1x16xf32>
        tpu.vector_store %arg11[%swap3A_1293, %swap3A_1294], %swap3A_1297 {strides = array<i32>} : memref<128x128xf32, #tpu.memory_space<vmem>>, vector<1x16xf32>,
        %get3A_1298 = arith.index_cast %add3A_1257 : i32 to index
        %get3A_1299 = arith.constant 64 : index
        %get3A_1300 = tpu.vector_load %arg11[%get3A_1298, %get3A_1299] {strides = array<i32>} : memref<128x128xf32, #tpu.memory_space<vmem>>, vector<1x16xf32>,
        %get3A_1301 = vector.shape_cast %get3A_1300 : vector<1x16xf32> to vector<16xf32>
        %mul3A_1302 = arith.mulf %get3A_1301, %broadcast_in_dim3A_1253 : vector<16xf32>
        %swap3A_1303 = arith.index_cast %add3A_1257 : i32 to index
        %swap3A_1304 = arith.constant 64 : index
        %swap3A_1305 = tpu.vector_load %arg11[%swap3A_1303, %swap3A_1304] {strides = array<i32>} : memref<128x128xf32, #tpu.memory_space<vmem>>, vector<1x16xf32>,
        %swap3A_1306 = vector.shape_cast %swap3A_1305 : vector<1x16xf32> to vector<16xf32>
        %swap3A_1307 = vector.shape_cast %mul3A_1302 : vector<16xf32> to vector<1x16xf32>
        tpu.vector_store %arg11[%swap3A_1303, %swap3A_1304], %swap3A_1307 {strides = array<i32>} : memref<128x128xf32, #tpu.memory_space<vmem>>, vector<1x16xf32>,
        %get3A_1308 = arith.index_cast %add3A_1257 : i32 to index
        %get3A_1309 = arith.constant 80 : index
        %get3A_1310 = tpu.vector_load %arg11[%get3A_1308, %get3A_1309] {strides = array<i32>} : memref<128x128xf32, #tpu.memory_space<vmem>>, vector<1x16xf32>,
        %get3A_1311 = vector.shape_cast %get3A_1310 : vector<1x16xf32> to vector<16xf32>
        %mul3A_1312 = arith.mulf %get3A_1311, %broadcast_in_dim3A_1253 : vector<16xf32>
        %swap3A_1313 = arith.index_cast %add3A_1257 : i32 to index
        %swap3A_1314 = arith.constant 80 : index
        %swap3A_1315 = tpu.vector_load %arg11[%swap3A_1313, %swap3A_1314] {strides = array<i32>} : memref<128x128xf32, #tpu.memory_space<vmem>>, vector<1x16xf32>,
        %swap3A_1316 = vector.shape_cast %swap3A_1315 : vector<1x16xf32> to vector<16xf32>
        %swap3A_1317 = vector.shape_cast %mul3A_1312 : vector<16xf32> to vector<1x16xf32>
        tpu.vector_store %arg11[%swap3A_1313, %swap3A_1314], %swap3A_1317 {strides = array<i32>} : memref<128x128xf32, #tpu.memory_space<vmem>>, vector<1x16xf32>,
        %get3A_1318 = arith.index_cast %add3A_1257 : i32 to index
        %get3A_1319 = arith.constant 96 : index
        %get3A_1320 = tpu.vector_load %arg11[%get3A_1318, %get3A_1319] {strides = array<i32>} : memref<128x128xf32, #tpu.memory_space<vmem>>, vector<1x16xf32>,
        %get3A_1321 = vector.shape_cast %get3A_1320 : vector<1x16xf32> to vector<16xf32>
        %mul3A_1322 = arith.mulf %get3A_1321, %broadcast_in_dim3A_1253 : vector<16xf32>
        %swap3A_1323 = arith.index_cast %add3A_1257 : i32 to index
        %swap3A_1324 = arith.constant 96 : index
        %swap3A_1325 = tpu.vector_load %arg11[%swap3A_1323, %swap3A_1324] {strides = array<i32>} : memref<128x128xf32, #tpu.memory_space<vmem>>, vector<1x16xf32>,
        %swap3A_1326 = vector.shape_cast %swap3A_1325 : vector<1x16xf32> to vector<16xf32>
        %swap3A_1327 = vector.shape_cast %mul3A_1322 : vector<16xf32> to vector<1x16xf32>
        tpu.vector_store %arg11[%swap3A_1323, %swap3A_1324], %swap3A_1327 {strides = array<i32>} : memref<128x128xf32, #tpu.memory_space<vmem>>, vector<1x16xf32>,
        %get3A_1328 = arith.index_cast %add3A_1257 : i32 to index
        %get3A_1329 = arith.constant 112 : index
        %get3A_1330 = tpu.vector_load %arg11[%get3A_1328, %get3A_1329] {strides = array<i32>} : memref<128x128xf32, #tpu.memory_space<vmem>>, vector<1x16xf32>,
        %get3A_1331 = vector.shape_cast %get3A_1330 : vector<1x16xf32> to vector<16xf32>
        %mul3A_1332 = arith.mulf %get3A_1331, %broadcast_in_dim3A_1253 : vector<16xf32>
        %swap3A_1333 = arith.index_cast %add3A_1257 : i32 to index
        %swap3A_1334 = arith.constant 112 : index
        %swap3A_1335 = tpu.vector_load %arg11[%swap3A_1333, %swap3A_1334] {strides = array<i32>} : memref<128x128xf32, #tpu.memory_space<vmem>>, vector<1x16xf32>,
        %swap3A_1336 = vector.shape_cast %swap3A_1335 : vector<1x16xf32> to vector<16xf32>
        %swap3A_1337 = vector.shape_cast %mul3A_1332 : vector<16xf32> to vector<1x16xf32>
        tpu.vector_store %arg11[%swap3A_1333, %swap3A_1334], %swap3A_1337 {strides = array<i32>} : memref<128x128xf32, #tpu.memory_space<vmem>>, vector<1x16xf32>,
        %slice3A_1338 = vector.extract_strided_slice %get3A_36 {offsets = [15], sizes = [1], strides = [1]} : vector<16xf32> to vector<1xf32>
        %squeeze3A_1339 = vector.extract %slice3A_1338[0] : f32 from vector<1xf32>
        %broadcast_in_dim3A_1340 = vector.broadcast %squeeze3A_1339 : f32 to vector<16xf32>
        %mul3A_1341 = arith.constant 16 : i32
        %mul3A_1342 = arith.muli %scan3A_31, %mul3A_1341 : i32
        %add3A_1343 = arith.constant 15 : i32
        %add3A_1344 = arith.addi %mul3A_1342, %add3A_1343 : i32
        %get3A_1345 = arith.index_cast %add3A_1344 : i32 to index
        %get3A_1346 = arith.constant 0 : index
        %get3A_1347 = tpu.vector_load %arg11[%get3A_1345, %get3A_1346] {strides = array<i32>} : memref<128x128xf32, #tpu.memory_space<vmem>>, vector<1x16xf32>,
        %get3A_1348 = vector.shape_cast %get3A_1347 : vector<1x16xf32> to vector<16xf32>
        %mul3A_1349 = arith.mulf %get3A_1348, %broadcast_in_dim3A_1340 : vector<16xf32>
        %swap3A_1350 = arith.index_cast %add3A_1344 : i32 to index
        %swap3A_1351 = arith.constant 0 : index
        %swap3A_1352 = tpu.vector_load %arg11[%swap3A_1350, %swap3A_1351] {strides = array<i32>} : memref<128x128xf32, #tpu.memory_space<vmem>>, vector<1x16xf32>,
        %swap3A_1353 = vector.shape_cast %swap3A_1352 : vector<1x16xf32> to vector<16xf32>
        %swap3A_1354 = vector.shape_cast %mul3A_1349 : vector<16xf32> to vector<1x16xf32>
        tpu.vector_store %arg11[%swap3A_1350, %swap3A_1351], %swap3A_1354 {strides = array<i32>} : memref<128x128xf32, #tpu.memory_space<vmem>>, vector<1x16xf32>,
        %get3A_1355 = arith.index_cast %add3A_1344 : i32 to index
        %get3A_1356 = arith.constant 16 : index
        %get3A_1357 = tpu.vector_load %arg11[%get3A_1355, %get3A_1356] {strides = array<i32>} : memref<128x128xf32, #tpu.memory_space<vmem>>, vector<1x16xf32>,
        %get3A_1358 = vector.shape_cast %get3A_1357 : vector<1x16xf32> to vector<16xf32>
        %mul3A_1359 = arith.mulf %get3A_1358, %broadcast_in_dim3A_1340 : vector<16xf32>
        %swap3A_1360 = arith.index_cast %add3A_1344 : i32 to index
        %swap3A_1361 = arith.constant 16 : index
        %swap3A_1362 = tpu.vector_load %arg11[%swap3A_1360, %swap3A_1361] {strides = array<i32>} : memref<128x128xf32, #tpu.memory_space<vmem>>, vector<1x16xf32>,
        %swap3A_1363 = vector.shape_cast %swap3A_1362 : vector<1x16xf32> to vector<16xf32>
        %swap3A_1364 = vector.shape_cast %mul3A_1359 : vector<16xf32> to vector<1x16xf32>
        tpu.vector_store %arg11[%swap3A_1360, %swap3A_1361], %swap3A_1364 {strides = array<i32>} : memref<128x128xf32, #tpu.memory_space<vmem>>, vector<1x16xf32>,
        %get3A_1365 = arith.index_cast %add3A_1344 : i32 to index
        %get3A_1366 = arith.constant 32 : index
        %get3A_1367 = tpu.vector_load %arg11[%get3A_1365, %get3A_1366] {strides = array<i32>} : memref<128x128xf32, #tpu.memory_space<vmem>>, vector<1x16xf32>,
        %get3A_1368 = vector.shape_cast %get3A_1367 : vector<1x16xf32> to vector<16xf32>
        %mul3A_1369 = arith.mulf %get3A_1368, %broadcast_in_dim3A_1340 : vector<16xf32>
        %swap3A_1370 = arith.index_cast %add3A_1344 : i32 to index
        %swap3A_1371 = arith.constant 32 : index
        %swap3A_1372 = tpu.vector_load %arg11[%swap3A_1370, %swap3A_1371] {strides = array<i32>} : memref<128x128xf32, #tpu.memory_space<vmem>>, vector<1x16xf32>,
        %swap3A_1373 = vector.shape_cast %swap3A_1372 : vector<1x16xf32> to vector<16xf32>
        %swap3A_1374 = vector.shape_cast %mul3A_1369 : vector<16xf32> to vector<1x16xf32>
        tpu.vector_store %arg11[%swap3A_1370, %swap3A_1371], %swap3A_1374 {strides = array<i32>} : memref<128x128xf32, #tpu.memory_space<vmem>>, vector<1x16xf32>,
        %get3A_1375 = arith.index_cast %add3A_1344 : i32 to index
        %get3A_1376 = arith.constant 48 : index
        %get3A_1377 = tpu.vector_load %arg11[%get3A_1375, %get3A_1376] {strides = array<i32>} : memref<128x128xf32, #tpu.memory_space<vmem>>, vector<1x16xf32>,
        %get3A_1378 = vector.shape_cast %get3A_1377 : vector<1x16xf32> to vector<16xf32>
        %mul3A_1379 = arith.mulf %get3A_1378, %broadcast_in_dim3A_1340 : vector<16xf32>
        %swap3A_1380 = arith.index_cast %add3A_1344 : i32 to index
        %swap3A_1381 = arith.constant 48 : index
        %swap3A_1382 = tpu.vector_load %arg11[%swap3A_1380, %swap3A_1381] {strides = array<i32>} : memref<128x128xf32, #tpu.memory_space<vmem>>, vector<1x16xf32>,
        %swap3A_1383 = vector.shape_cast %swap3A_1382 : vector<1x16xf32> to vector<16xf32>
        %swap3A_1384 = vector.shape_cast %mul3A_1379 : vector<16xf32> to vector<1x16xf32>
        tpu.vector_store %arg11[%swap3A_1380, %swap3A_1381], %swap3A_1384 {strides = array<i32>} : memref<128x128xf32, #tpu.memory_space<vmem>>, vector<1x16xf32>,
        %get3A_1385 = arith.index_cast %add3A_1344 : i32 to index
        %get3A_1386 = arith.constant 64 : index
        %get3A_1387 = tpu.vector_load %arg11[%get3A_1385, %get3A_1386] {strides = array<i32>} : memref<128x128xf32, #tpu.memory_space<vmem>>, vector<1x16xf32>,
        %get3A_1388 = vector.shape_cast %get3A_1387 : vector<1x16xf32> to vector<16xf32>
        %mul3A_1389 = arith.mulf %get3A_1388, %broadcast_in_dim3A_1340 : vector<16xf32>
        %swap3A_1390 = arith.index_cast %add3A_1344 : i32 to index
        %swap3A_1391 = arith.constant 64 : index
        %swap3A_1392 = tpu.vector_load %arg11[%swap3A_1390, %swap3A_1391] {strides = array<i32>} : memref<128x128xf32, #tpu.memory_space<vmem>>, vector<1x16xf32>,
        %swap3A_1393 = vector.shape_cast %swap3A_1392 : vector<1x16xf32> to vector<16xf32>
        %swap3A_1394 = vector.shape_cast %mul3A_1389 : vector<16xf32> to vector<1x16xf32>
        tpu.vector_store %arg11[%swap3A_1390, %swap3A_1391], %swap3A_1394 {strides = array<i32>} : memref<128x128xf32, #tpu.memory_space<vmem>>, vector<1x16xf32>,
        %get3A_1395 = arith.index_cast %add3A_1344 : i32 to index
        %get3A_1396 = arith.constant 80 : index
        %get3A_1397 = tpu.vector_load %arg11[%get3A_1395, %get3A_1396] {strides = array<i32>} : memref<128x128xf32, #tpu.memory_space<vmem>>, vector<1x16xf32>,
        %get3A_1398 = vector.shape_cast %get3A_1397 : vector<1x16xf32> to vector<16xf32>
        %mul3A_1399 = arith.mulf %get3A_1398, %broadcast_in_dim3A_1340 : vector<16xf32>
        %swap3A_1400 = arith.index_cast %add3A_1344 : i32 to index
        %swap3A_1401 = arith.constant 80 : index
        %swap3A_1402 = tpu.vector_load %arg11[%swap3A_1400, %swap3A_1401] {strides = array<i32>} : memref<128x128xf32, #tpu.memory_space<vmem>>, vector<1x16xf32>,
        %swap3A_1403 = vector.shape_cast %swap3A_1402 : vector<1x16xf32> to vector<16xf32>
        %swap3A_1404 = vector.shape_cast %mul3A_1399 : vector<16xf32> to vector<1x16xf32>
        tpu.vector_store %arg11[%swap3A_1400, %swap3A_1401], %swap3A_1404 {strides = array<i32>} : memref<128x128xf32, #tpu.memory_space<vmem>>, vector<1x16xf32>,
        %get3A_1405 = arith.index_cast %add3A_1344 : i32 to index
        %get3A_1406 = arith.constant 96 : index
        %get3A_1407 = tpu.vector_load %arg11[%get3A_1405, %get3A_1406] {strides = array<i32>} : memref<128x128xf32, #tpu.memory_space<vmem>>, vector<1x16xf32>,
        %get3A_1408 = vector.shape_cast %get3A_1407 : vector<1x16xf32> to vector<16xf32>
        %mul3A_1409 = arith.mulf %get3A_1408, %broadcast_in_dim3A_1340 : vector<16xf32>
        %swap3A_1410 = arith.index_cast %add3A_1344 : i32 to index
        %swap3A_1411 = arith.constant 96 : index
        %swap3A_1412 = tpu.vector_load %arg11[%swap3A_1410, %swap3A_1411] {strides = array<i32>} : memref<128x128xf32, #tpu.memory_space<vmem>>, vector<1x16xf32>,
        %swap3A_1413 = vector.shape_cast %swap3A_1412 : vector<1x16xf32> to vector<16xf32>
        %swap3A_1414 = vector.shape_cast %mul3A_1409 : vector<16xf32> to vector<1x16xf32>
        tpu.vector_store %arg11[%swap3A_1410, %swap3A_1411], %swap3A_1414 {strides = array<i32>} : memref<128x128xf32, #tpu.memory_space<vmem>>, vector<1x16xf32>,
        %get3A_1415 = arith.index_cast %add3A_1344 : i32 to index
        %get3A_1416 = arith.constant 112 : index
        %get3A_1417 = tpu.vector_load %arg11[%get3A_1415, %get3A_1416] {strides = array<i32>} : memref<128x128xf32, #tpu.memory_space<vmem>>, vector<1x16xf32>,
        %get3A_1418 = vector.shape_cast %get3A_1417 : vector<1x16xf32> to vector<16xf32>
        %mul3A_1419 = arith.mulf %get3A_1418, %broadcast_in_dim3A_1340 : vector<16xf32>
        %swap3A_1420 = arith.index_cast %add3A_1344 : i32 to index
        %swap3A_1421 = arith.constant 112 : index
        %swap3A_1422 = tpu.vector_load %arg11[%swap3A_1420, %swap3A_1421] {strides = array<i32>} : memref<128x128xf32, #tpu.memory_space<vmem>>, vector<1x16xf32>,
        %swap3A_1423 = vector.shape_cast %swap3A_1422 : vector<1x16xf32> to vector<16xf32>
        %swap3A_1424 = vector.shape_cast %mul3A_1419 : vector<16xf32> to vector<1x16xf32>
        tpu.vector_store %arg11[%swap3A_1420, %swap3A_1421], %swap3A_1424 {strides = array<i32>} : memref<128x128xf32, #tpu.memory_space<vmem>>, vector<1x16xf32>,
      }
      %scan3A_30 = arith.constant 8 : i32
      "tpu.region"() ({
        %run_scoped3A = tpu.sem_alloc : memref<!tpu.dma_semaphore, #tpu.memory_space<semaphore_mem>>
        %dma_start3A_31 = arith.constant 0 : i32
        %dma_start3A_32 = tpu.memref_slice %arg9[%scan3A_14, %dma_start3A_31] : memref<79x128xi32, #tpu.memory_space<vmem>> -> memref<1x128xi32, #tpu.memory_space<vmem>>
        %dma_start3A_33 = tpu.memref_squeeze %dma_start3A_32 : memref<1x128xi32, #tpu.memory_space<vmem>> -> memref<128xi32, #tpu.memory_space<vmem>>
        %dma_start3A_34 = arith.constant 0 : i32
        %dma_start3A_35 = arith.constant 0 : i32
        %dma_start3A_36 = tpu.memref_slice %arg12[%dma_start3A_34, %dma_start3A_35] : memref<10000x128xf32, #tpu.memory_space<vmem_shared>> -> memref<10000x128xf32, #tpu.memory_space<vmem_shared>>
        tpu.enqueue_indirect_dma source(%arg11 : memref<128x128xf32, #tpu.memory_space<vmem>>) target(%dma_start3A_36 : memref<10000x128xf32, #tpu.memory_space<vmem_shared>>) offsets(%dma_start3A_33 : memref<128xi32, #tpu.memory_space<vmem>>) semaphore(%run_scoped3A : memref<!tpu.dma_semaphore, #tpu.memory_space<semaphore_mem>>) {add = true}
        %dma_wait3A_37 = arith.constant 0 : i32
        %dma_wait3A_38 = tpu.memref_slice %arg9[%scan3A_14, %dma_wait3A_37] : memref<79x128xi32, #tpu.memory_space<vmem>> -> memref<1x128xi32, #tpu.memory_space<vmem>>
        %dma_wait3A_39 = tpu.memref_squeeze %dma_wait3A_38 : memref<1x128xi32, #tpu.memory_space<vmem>> -> memref<128xi32, #tpu.memory_space<vmem>>
        %dma_wait3A_40 = arith.constant 0 : i32
        %dma_wait3A_41 = arith.constant 0 : i32
        %dma_wait3A_42 = tpu.memref_slice %arg12[%dma_wait3A_40, %dma_wait3A_41] : memref<10000x128xf32, #tpu.memory_space<vmem_shared>> -> memref<10000x128xf32, #tpu.memory_space<vmem_shared>>
        tpu.wait_indirect_dma semaphore(%run_scoped3A : memref<!tpu.dma_semaphore, #tpu.memory_space<semaphore_mem>>) src(%arg11 : memref<128x128xf32, #tpu.memory_space<vmem>>) dst(%dma_wait3A_42 : memref<10000x128xf32, #tpu.memory_space<vmem_shared>>)
        tpu.yield
      }) : () -> ()
    }
    %scan3A_7 = arith.constant 79 : i32
    %barrier3A_8 = arith.constant 0 : index
    tpu.barrier barrier_id(%barrier3A_8)
    %eq3A_9 = arith.constant 0 : i32
    %eq3A_10 = arith.cmpi eq, %arg1, %eq3A_9 : i32
    %convert_element_type3A_11 = arith.extui %eq3A_10 : i1 to i32
    %cond3A_12 = arith.constant 0 : i32
    %cond3A_13 = arith.cmpi ne, %convert_element_type3A_11, %cond3A_12 : i32
    scf.if %cond3A_13 {
      "tpu.region"() ({
        %run_scoped3A = tpu.sem_alloc : memref<!tpu.dma_semaphore, #tpu.memory_space<semaphore_mem>>
        %dma_start3A = arith.constant 0 : i32
        %dma_start3A_14 = arith.constant 0 : i32
        %dma_start3A_15 = tpu.memref_slice %arg7[%arg0, %dma_start3A, %dma_start3A_14] : memref<2x10000x128xf32, #tpu.memory_space<hbm>> -> memref<1x10000x128xf32, #tpu.memory_space<hbm>>
        %dma_start3A_16 = tpu.memref_squeeze %dma_start3A_15 : memref<1x10000x128xf32, #tpu.memory_space<hbm>> -> memref<10000x128xf32, #tpu.memory_space<hbm>>
        tpu.enqueue_dma source(%arg12 : memref<10000x128xf32, #tpu.memory_space<vmem_shared>>) target(%dma_start3A_16 : memref<10000x128xf32, #tpu.memory_space<hbm>>) target_semaphore(%run_scoped3A : memref<!tpu.dma_semaphore, #tpu.memory_space<semaphore_mem>>)
        %dma_wait3A = arith.constant 0 : i32
        %dma_wait3A_17 = arith.constant 0 : i32
        %dma_wait3A_18 = tpu.memref_slice %arg7[%arg0, %dma_wait3A, %dma_wait3A_17] : memref<2x10000x128xf32, #tpu.memory_space<hbm>> -> memref<1x10000x128xf32, #tpu.memory_space<hbm>>
        %dma_wait3A_19 = tpu.memref_squeeze %dma_wait3A_18 : memref<1x10000x128xf32, #tpu.memory_space<hbm>> -> memref<10000x128xf32, #tpu.memory_space<hbm>>
        tpu.wait_dma2 semaphore(%run_scoped3A : memref<!tpu.dma_semaphore, #tpu.memory_space<semaphore_mem>>) src(%arg12 : memref<10000x128xf32, #tpu.memory_space<vmem_shared>>) dst(%dma_wait3A_19 : memref<10000x128xf32, #tpu.memory_space<hbm>>)
        tpu.yield
      }) : () -> ()
    } else {
    }
    return
  }
}

module attributes {stable_mosaic.version = 14 : i64} {
  func.func @_mm_bias_body(%arg0: i32, %arg1: memref<400x128xf32, #tpu.memory_space<vmem>>, %arg2: memref<128x128xf32, #tpu.memory_space<vmem>>, %arg3: memref<1x128xf32, #tpu.memory_space<vmem>>, %arg4: memref<400x128xf32, #tpu.memory_space<vmem>>) attributes {dimension_semantics = [#tpu.dimension_semantics<arbitrary>], iteration_bounds = array<i64: 25>, scalar_prefetch = 0 : i64, scratch_operands = 0 : i64, tpu.core_type = #tpu.core_type<tc>, window_params = [{transform_indices = @transform_0, window_bounds = array<i64: 400, 128>}, {pipeline_mode = #tpu.pipeline_mode<synchronous>, transform_indices = @transform_1, window_bounds = array<i64: 128, 128>}, {pipeline_mode = #tpu.pipeline_mode<synchronous>, transform_indices = @transform_2, window_bounds = array<i64: 1, 128>}, {transform_indices = @transform_3, window_bounds = array<i64: 400, 128>}]} {
    %get3A = arith.constant 0 : index
    %get3A_0 = arith.constant 0 : index
    %get3A_1 = vector.load %arg1[%get3A, %get3A_0] : memref<400x128xf32, #tpu.memory_space<vmem>>, vector<400x128xf32>
    %get3A_2 = arith.constant 0 : index
    %get3A_3 = arith.constant 0 : index
    %get3A_4 = vector.load %arg2[%get3A_2, %get3A_3] : memref<128x128xf32, #tpu.memory_space<vmem>>, vector<128x128xf32>
    %dot_general3A = arith.constant dense<0.000000e+00> : vector<400x128xf32>
    %dot_general3A_5 = tpu.matmul %get3A_1, %get3A_4, %dot_general3A {dimension_numbers = #tpu.dot_dimension_numbers<[1], [0], [0], [1], [0, 0, 1, 1], [], []>, transpose_lhs_hint = false} : vector<400x128xf32>, vector<128x128xf32>, vector<400x128xf32> -> vector<400x128xf32>
    %get3A_6 = arith.constant 0 : index
    %get3A_7 = arith.constant 0 : index
    %get3A_8 = vector.load %arg3[%get3A_6, %get3A_7] : memref<1x128xf32, #tpu.memory_space<vmem>>, vector<1x128xf32>
    %add3A = vector.broadcast %get3A_8 : vector<1x128xf32> to vector<400x128xf32>
    %add3A_9 = arith.addf %dot_general3A_5, %add3A : vector<400x128xf32>
    %swap3A = arith.constant 0 : index
    %swap3A_10 = arith.constant 0 : index
    %swap3A_11 = vector.load %arg4[%swap3A, %swap3A_10] : memref<400x128xf32, #tpu.memory_space<vmem>>, vector<400x128xf32>
    tpu.vector_store %arg4[%swap3A, %swap3A_10], %add3A_9 {strides = array<i32>} : memref<400x128xf32, #tpu.memory_space<vmem>>, vector<400x128xf32>,
    return
  }
  func.func @transform_0(%arg0: i32) -> (i32, i32) {
    %c0_i32 = arith.constant 0 : i32
    %c0_i32_0 = arith.constant 0 : i32
    return %arg0, %c0_i32 : i32, i32
  }
  func.func @transform_1(%arg0: i32) -> (i32, i32) {
    %c0_i32 = arith.constant 0 : i32
    %c0_i32_0 = arith.constant 0 : i32
    %c0_i32_1 = arith.constant 0 : i32
    return %c0_i32, %c0_i32_0 : i32, i32
  }
  func.func @transform_2(%arg0: i32) -> (i32, i32) {
    %c0_i32 = arith.constant 0 : i32
    %c0_i32_0 = arith.constant 0 : i32
    %c0_i32_1 = arith.constant 0 : i32
    return %c0_i32, %c0_i32_0 : i32, i32
  }
  func.func @transform_3(%arg0: i32) -> (i32, i32) {
    %c0_i32 = arith.constant 0 : i32
    %c0_i32_0 = arith.constant 0 : i32
    return %arg0, %c0_i32 : i32, i32
  }
}

module attributes {stable_mosaic.version = 14 : i64} {
  func.func @_comb_mm_body(%arg0: i32, %arg1: memref<2x400x128xf32, #tpu.memory_space<vmem>>, %arg2: memref<128x128xf32, #tpu.memory_space<vmem>>, %arg3: memref<1x128xf32, #tpu.memory_space<vmem>>, %arg4: memref<400x128xf32, #tpu.memory_space<vmem>>) attributes {dimension_semantics = [#tpu.dimension_semantics<arbitrary>], iteration_bounds = array<i64: 25>, scalar_prefetch = 0 : i64, scratch_operands = 0 : i64, tpu.core_type = #tpu.core_type<tc>, window_params = [{transform_indices = @transform_0, window_bounds = array<i64: 2, 400, 128>}, {pipeline_mode = #tpu.pipeline_mode<synchronous>, transform_indices = @transform_1, window_bounds = array<i64: 128, 128>}, {pipeline_mode = #tpu.pipeline_mode<synchronous>, transform_indices = @transform_2, window_bounds = array<i64: 1, 128>}, {transform_indices = @transform_3, window_bounds = array<i64: 400, 128>}]} {
    %get3A = arith.constant 0 : index
    %get3A_0 = arith.constant 0 : index
    %get3A_1 = arith.constant 0 : index
    %get3A_2 = vector.load %arg1[%get3A, %get3A_0, %get3A_1] : memref<2x400x128xf32, #tpu.memory_space<vmem>>, vector<1x400x128xf32>
    %get3A_3 = vector.shape_cast %get3A_2 : vector<1x400x128xf32> to vector<400x128xf32>
    %get3A_4 = arith.constant 1 : index
    %get3A_5 = arith.constant 0 : index
    %get3A_6 = arith.constant 0 : index
    %get3A_7 = vector.load %arg1[%get3A_4, %get3A_5, %get3A_6] : memref<2x400x128xf32, #tpu.memory_space<vmem>>, vector<1x400x128xf32>
    %get3A_8 = vector.shape_cast %get3A_7 : vector<1x400x128xf32> to vector<400x128xf32>
    %add3A = arith.addf %get3A_3, %get3A_8 : vector<400x128xf32>
    %max3A = arith.constant 0.000000e+00 : f32
    %max3A_9 = vector.broadcast %max3A : f32 to vector<400x128xf32>
    %max3A_10 = arith.maximumf %add3A, %max3A_9 : vector<400x128xf32>
    %get3A_11 = arith.constant 0 : index
    %get3A_12 = arith.constant 0 : index
    %get3A_13 = vector.load %arg2[%get3A_11, %get3A_12] : memref<128x128xf32, #tpu.memory_space<vmem>>, vector<128x128xf32>
    %dot_general3A = arith.constant dense<0.000000e+00> : vector<400x128xf32>
    %dot_general3A_14 = tpu.matmul %max3A_10, %get3A_13, %dot_general3A {dimension_numbers = #tpu.dot_dimension_numbers<[1], [0], [0], [1], [0, 0, 1, 1], [], []>, transpose_lhs_hint = false} : vector<400x128xf32>, vector<128x128xf32>, vector<400x128xf32> -> vector<400x128xf32>
    %get3A_15 = arith.constant 0 : index
    %get3A_16 = arith.constant 0 : index
    %get3A_17 = vector.load %arg3[%get3A_15, %get3A_16] : memref<1x128xf32, #tpu.memory_space<vmem>>, vector<1x128xf32>
    %add3A_18 = vector.broadcast %get3A_17 : vector<1x128xf32> to vector<400x128xf32>
    %add3A_19 = arith.addf %dot_general3A_14, %add3A_18 : vector<400x128xf32>
    %swap3A = arith.constant 0 : index
    %swap3A_20 = arith.constant 0 : index
    %swap3A_21 = vector.load %arg4[%swap3A, %swap3A_20] : memref<400x128xf32, #tpu.memory_space<vmem>>, vector<400x128xf32>
    tpu.vector_store %arg4[%swap3A, %swap3A_20], %add3A_19 {strides = array<i32>} : memref<400x128xf32, #tpu.memory_space<vmem>>, vector<400x128xf32>,
    return
  }
  func.func @transform_0(%arg0: i32) -> (i32, i32, i32) {
    %c0_i32 = arith.constant 0 : i32
    %c0_i32_0 = arith.constant 0 : i32
    %c0_i32_1 = arith.constant 0 : i32
    return %c0_i32, %arg0, %c0_i32_0 : i32, i32, i32
  }
  func.func @transform_1(%arg0: i32) -> (i32, i32) {
    %c0_i32 = arith.constant 0 : i32
    %c0_i32_0 = arith.constant 0 : i32
    %c0_i32_1 = arith.constant 0 : i32
    return %c0_i32, %c0_i32_0 : i32, i32
  }
  func.func @transform_2(%arg0: i32) -> (i32, i32) {
    %c0_i32 = arith.constant 0 : i32
    %c0_i32_0 = arith.constant 0 : i32
    %c0_i32_1 = arith.constant 0 : i32
    return %c0_i32, %c0_i32_0 : i32, i32
  }
  func.func @transform_3(%arg0: i32) -> (i32, i32) {
    %c0_i32 = arith.constant 0 : i32
    %c0_i32_0 = arith.constant 0 : i32
    return %arg0, %c0_i32 : i32, i32
  }
}

module attributes {stable_mosaic.version = 14 : i64} {
  func.func @_comb_mm_body(%arg0: i32, %arg1: memref<2x400x128xf32, #tpu.memory_space<vmem>>, %arg2: memref<128x40xf32, #tpu.memory_space<vmem>>, %arg3: memref<1x40xf32, #tpu.memory_space<vmem>>, %arg4: memref<400x40xf32, #tpu.memory_space<vmem>>) attributes {dimension_semantics = [#tpu.dimension_semantics<arbitrary>], iteration_bounds = array<i64: 25>, scalar_prefetch = 0 : i64, scratch_operands = 0 : i64, tpu.core_type = #tpu.core_type<tc>, window_params = [{transform_indices = @transform_0, window_bounds = array<i64: 2, 400, 128>}, {pipeline_mode = #tpu.pipeline_mode<synchronous>, transform_indices = @transform_1, window_bounds = array<i64: 128, 40>}, {pipeline_mode = #tpu.pipeline_mode<synchronous>, transform_indices = @transform_2, window_bounds = array<i64: 1, 40>}, {transform_indices = @transform_3, window_bounds = array<i64: 400, 40>}]} {
    %get3A = arith.constant 0 : index
    %get3A_0 = arith.constant 0 : index
    %get3A_1 = arith.constant 0 : index
    %get3A_2 = vector.load %arg1[%get3A, %get3A_0, %get3A_1] : memref<2x400x128xf32, #tpu.memory_space<vmem>>, vector<1x400x128xf32>
    %get3A_3 = vector.shape_cast %get3A_2 : vector<1x400x128xf32> to vector<400x128xf32>
    %get3A_4 = arith.constant 1 : index
    %get3A_5 = arith.constant 0 : index
    %get3A_6 = arith.constant 0 : index
    %get3A_7 = vector.load %arg1[%get3A_4, %get3A_5, %get3A_6] : memref<2x400x128xf32, #tpu.memory_space<vmem>>, vector<1x400x128xf32>
    %get3A_8 = vector.shape_cast %get3A_7 : vector<1x400x128xf32> to vector<400x128xf32>
    %add3A = arith.addf %get3A_3, %get3A_8 : vector<400x128xf32>
    %get3A_9 = arith.constant 0 : index
    %get3A_10 = arith.constant 0 : index
    %get3A_11 = vector.load %arg2[%get3A_9, %get3A_10] : memref<128x40xf32, #tpu.memory_space<vmem>>, vector<128x40xf32>
    %dot_general3A = arith.constant dense<0.000000e+00> : vector<400x40xf32>
    %dot_general3A_12 = tpu.matmul %add3A, %get3A_11, %dot_general3A {dimension_numbers = #tpu.dot_dimension_numbers<[1], [0], [0], [1], [0, 0, 1, 1], [], []>, transpose_lhs_hint = false} : vector<400x128xf32>, vector<128x40xf32>, vector<400x40xf32> -> vector<400x40xf32>
    %get3A_13 = arith.constant 0 : index
    %get3A_14 = arith.constant 0 : index
    %get3A_15 = vector.load %arg3[%get3A_13, %get3A_14] : memref<1x40xf32, #tpu.memory_space<vmem>>, vector<1x40xf32>
    %add3A_16 = vector.broadcast %get3A_15 : vector<1x40xf32> to vector<400x40xf32>
    %add3A_17 = arith.addf %dot_general3A_12, %add3A_16 : vector<400x40xf32>
    %swap3A = arith.constant 0 : index
    %swap3A_18 = arith.constant 0 : index
    %swap3A_19 = vector.load %arg4[%swap3A, %swap3A_18] : memref<400x40xf32, #tpu.memory_space<vmem>>, vector<400x40xf32>
    tpu.vector_store %arg4[%swap3A, %swap3A_18], %add3A_17 {strides = array<i32>} : memref<400x40xf32, #tpu.memory_space<vmem>>, vector<400x40xf32>,
    return
  }
  func.func @transform_0(%arg0: i32) -> (i32, i32, i32) {
    %c0_i32 = arith.constant 0 : i32
    %c0_i32_0 = arith.constant 0 : i32
    %c0_i32_1 = arith.constant 0 : i32
    return %c0_i32, %arg0, %c0_i32_0 : i32, i32, i32
  }
  func.func @transform_1(%arg0: i32) -> (i32, i32) {
    %c0_i32 = arith.constant 0 : i32
    %c0_i32_0 = arith.constant 0 : i32
    %c0_i32_1 = arith.constant 0 : i32
    return %c0_i32, %c0_i32_0 : i32, i32
  }
  func.func @transform_2(%arg0: i32) -> (i32, i32) {
    %c0_i32 = arith.constant 0 : i32
    %c0_i32_0 = arith.constant 0 : i32
    %c0_i32_1 = arith.constant 0 : i32
    return %c0_i32, %c0_i32_0 : i32, i32
  }
  func.func @transform_3(%arg0: i32) -> (i32, i32) {
    %c0_i32 = arith.constant 0 : i32
    %c0_i32_0 = arith.constant 0 : i32
    return %arg0, %c0_i32 : i32, i32
  }
}

</mosaic_0001>

<sc_bundles>
// kernel: kernel.10.cloned.1.call-start
scs
__scs_entry_jumppad:
0x0: {  	(pc) =	sbr.rel $0x88, $3  }
0x1: {  	(tag) =	ssettag $0x0;
	lr =	simm.s32 $0x1  }
0x2: {  	[smem:$0x3F98] =	sst lr;
	_ =	strace $0xD0000000  }
0x3: {  	_ = 	snop  }
0x4: {  	_ = 	snop  }
0x5: {  	_ = 	snop  }
0x6: {  	_ = 	snop  }
0x7: {  	_ = 	snop  }
__scs_overlays_trampoline_lowered:
0x8: {  	[smem:$0x3FA7] =	sst s0  }
0x9: {  	[smem:$0x3FA8] =	sst s1  }
0xa: {  	[smem:$0x3FA9] =	sst s2  }
0xb: {  	[smem:$0x3FAA] =	sst s3  }
0xc: {  	[smem:$0x3FAB] =	sst s4  }
0xd: {  	[smem:$0x3FAC] =	sst s5  }
0xe: {  	[smem:$0x3FAD] =	sst s6  }
0xf: {  	[smem:$0x3FAE] =	sst s7  }
0x10: {  	[smem:$0x3FAF] =	sst s8  }
0x11: {  	[smem:$0x3FB0] =	sst s9;
	s0 =	simm.s32 @!p0 $0x0  }
0x12: {  	s1 =	sld [smem:$0x3F96];
	s0 =	simm.s32 @p0 $0x1  }
0x13: {  	[smem:$0x3FB1] =	sst s0;
	s0 =	simm.s32 @!p1 $0x0  }
0x14: {  	s2 =	sld [smem:$0x3F95];
	s0 =	simm.s32 @p1 $0x1  }
0x15: {  	[smem:$0x3FB2] =	sst s0;
	s0 =	simm.s32 @!p2 $0x0  }
0x16: {  	s3 =	sld [smem:$0x3FDB];
	s0 =	simm.s32 @p2 $0x1  }
0x17: {  	s4 =	simm.s32 $0x1BF5;
	[smem:$0x3FB4] =	sst s0  }
0x18: {  	s0 =	sld [smem:$0x3F97];
	_ =	swait.ge [sflag:s4], $0x0  }
0x19: {  	s7 =	sld [smem:$0x3F98]  }
0x1a: {  	s8 =	sadd.s32 $0xFFFFE003, lr  }
0x1b: {  	s9 =	sadd.s32 $0xFFFFFEF7, lr;
	s5 =	simm.s32 $0xFFFFFFFF;
	p2 =	slt.u32 s8, $0xFFFFF086  }
0x1c: {  	p1 =	slt.u32 s9, $0xF7A;
	s5 =	simm.s32 @!p2 $0x0  }
0x1d: {  	s5 =	simm.s32 @p1 $0x1;
	p0 =	seq.s32 s7, s2  }
0x1e: {  	s7 =	smul.u32 @!p0 $0xF7A, s2;
	p2 =	seq.s32 @!p0 s5, $0x0  }
0x1f: {  	s9 =	smul.u32 $0xF7A, s1;
	s8 =	simm.s32 @!p0 $0x1BF5;
	p2 =	por !p2, p0  }
0x20: {  	[sflag:s8] =	ssyncset.s32 @!p0 $0xFFFFF086;
	s6 =	sadd.s32 @!p0 s3, s7;
	s7 =	simm.s32 @!p0 $0x108  }
0x21: {  	s3 =	sadd.s32 s3, s9;
	s6 =	sadd.s32 @!p0 $0x88, s6;
	s7 =	simm.s32 @p2 $0x1082  }
0x22: {  	[simem:s7], [sflag:s8] =	dma.local @!p0 [hbm:s6], $0xF7A  }
0x23: {  	s9 =	sor.u32 $0xD0000000, s2;
	s6 =	simm.s32 $0x108;
	_ =	swait.ge @!p0 [sflag:s8], $0x0  }
0x24: {  	s3 =	sadd.s32 $0x88, s3;
	s6 =	simm.s32 @!p1 $0x1082;
	[sflag:s4] =	ssyncset.s32 $0xFFFFF086  }
0x25: {  	[simem:s6], [sflag:s4] =	dma.local [hbm:s3], $0xF7A  }
0x26: {  	[smem:$0x3F98] =	sst s1;
	(tag) =	ssettag s2;
	_ =	strace s9  }
0x27: {  	s1 =	sld [smem:$0x3FA8]  }
0x28: {  	s2 =	sld [smem:$0x3FA9]  }
0x29: {  	s4 =	sld [smem:$0x3FAB]  }
0x2a: {  	p0 =	seq.s32 s5, $0x0;
	s5 =	sld [smem:$0x3FAC]  }
0x2b: {  	s6 =	sld [smem:$0x3FAD]  }
0x2c: {  	s7 =	sld [smem:$0x3FAE]  }
0x2d: {  	s3 =	simm.s32 $0x108;
	s8 =	sld [smem:$0x3FAF]  }
0x2e: {  	s3 =	simm.s32 @!p0 $0x1082;
	s9 =	sld [smem:$0x3FB0]  }
0x2f: {  	lr =	sadd.s32 s0, s3;
	s0 =	sld [smem:$0x3FA7]  }
0x30: {  	s3 =	sld [smem:$0x3FAA]  }
0x31: {  	[smem:$0x3FB3] =	sst s10  }
0x32: {  	s10 =	sld [smem:$0x3FB1];
	_ =	sdelay $0x3  }
0x33: {  	p0 =	seq.s32 s10, $0x1;
	s10 =	sld [smem:$0x3FB3];
	_ =	sdelay $0x3  }
0x34: {  	[smem:$0x3FB3] =	sst s10  }
0x35: {  	s10 =	sld [smem:$0x3FB2];
	_ =	sdelay $0x3  }
0x36: {  	p1 =	seq.s32 s10, $0x1;
	s10 =	sld [smem:$0x3FB3];
	_ =	sdelay $0x3  }
0x37: {  	[smem:$0x3FB3] =	sst s10  }
0x38: {  	s10 =	sld [smem:$0x3FB4]  }
0x39: {  	_ = 	snop;
	(pc) =	sbr.ind lr, $3  }
0x3a: {  	_ = 	snop  }
0x3b: {  	_ = 	snop  }
0x3c: {  	p2 =	seq.s32 s10, $0x1;
	s10 =	sld [smem:$0x3FB3]  }
0x3d: {  	_ =	shalt  }
0x3e: {  	_ =	shalt  }
0x3f: {  	_ =	shalt  }
0x40: {  	_ =	shalt  }
0x41: {  	_ =	shalt  }
0x42: {  	_ =	shalt  }
0x43: {  	_ =	shalt  }
0x44: {  	_ =	shalt  }
0x45: {  	_ =	shalt  }
0x46: {  	_ =	shalt  }
0x47: {  	_ =	shalt  }
0x48: {  	_ =	shalt  }
0x49: {  	_ =	shalt  }
0x4a: {  	_ =	shalt  }
0x4b: {  	_ =	shalt  }
0x4c: {  	_ =	shalt  }
0x4d: {  	_ =	shalt  }
0x4e: {  	_ =	shalt  }
0x4f: {  	_ =	shalt  }
0x50: {  	_ =	shalt  }
0x51: {  	_ =	shalt  }
0x52: {  	_ =	shalt  }
0x53: {  	_ =	shalt  }
0x54: {  	_ =	shalt  }
0x55: {  	_ =	shalt  }
0x56: {  	_ =	shalt  }
0x57: {  	_ =	shalt  }
0x58: {  	_ =	shalt  }
0x59: {  	_ =	shalt  }
0x5a: {  	_ =	shalt  }
0x5b: {  	_ =	shalt  }
0x5c: {  	_ =	shalt  }
0x5d: {  	_ =	shalt  }
0x5e: {  	_ =	shalt  }
0x5f: {  	_ =	shalt  }
0x60: {  	_ =	shalt  }
0x61: {  	_ =	shalt  }
0x62: {  	_ =	shalt  }
0x63: {  	_ =	shalt  }
0x64: {  	_ =	shalt  }
0x65: {  	_ =	shalt  }
0x66: {  	_ =	shalt  }
0x67: {  	_ =	shalt  }
0x68: {  	_ =	shalt  }
0x69: {  	_ =	shalt  }
0x6a: {  	_ =	shalt  }
0x6b: {  	_ =	shalt  }
0x6c: {  	_ =	shalt  }
0x6d: {  	_ =	shalt  }
0x6e: {  	_ =	shalt  }
0x6f: {  	_ =	shalt  }
0x70: {  	_ =	shalt  }
0x71: {  	_ =	shalt  }
0x72: {  	_ =	shalt  }
0x73: {  	_ =	shalt  }
0x74: {  	_ =	shalt  }
0x75: {  	_ =	shalt  }
0x76: {  	_ =	shalt  }
0x77: {  	_ =	shalt  }
0x78: {  	_ =	shalt  }
0x79: {  	_ =	shalt  }
0x7a: {  	_ =	shalt  }
0x7b: {  	_ =	shalt  }
0x7c: {  	_ =	shalt  }
0x7d: {  	_ =	shalt  }
0x7e: {  	_ =	shalt  }
0x7f: {  	_ =	shalt  }
0x80: {  	_ =	shalt  }
0x81: {  	_ =	shalt  }
0x82: {  	_ =	shalt  }
0x83: {  	_ =	shalt  }
0x84: {  	_ =	shalt  }
0x85: {  	_ =	shalt  }
0x86: {  	_ =	shalt  }
0x87: {  	_ =	shalt  }
.Lfunc_end0:
.L_simem_size_0:
called_computation.1_lowered:
.L_overlay_start_0:
0x88: {  	s2 =	sld [smem:$0x3FD9]  }
0x89: {  	s3 =	sld [smem:$0x3FFE];
	_ =	sdelay $0x1  }
0x8a: {  	s1 =	srdreg.scid  }
0x8b: {  	s0 =	sand.u32 $0x1, s1  }
0x8c: {  	s17 =	sshll.u32 s0, $0xA;
	s2 =	sadd.s32 s3, s2  }
0x8d: {  	s2 =	sadd.s32 s2, s17  }
0x8e: {  	[smem:$0x3FBF] =	sst s2  }
0x8f: {  	_ = 	snop  }
0x90: {  	s2 =	sld [smem:$0x3FD0];
	(tm) =	ssettm $0x1  }
0x91: {  	s18 =	sld [smem:$0x3FFB];
	_ =	sdelay $0x3  }
0x92: {  	_ =	strace s18  }
0x93: {  	s3 =	sld [smem:$0x3FFC];
	_ =	sdelay $0x3  }
0x94: {  	_ =	strace s3  }
0x95: {  	s3 =	sld [smem:$0x3FFD];
	_ =	sdelay $0x3  }
0x96: {  	_ =	strace s3  }
0x97: {  	_ =	strace $0x8FFFFFFF  }
0x98: {  	s19 =	sld [smem:$0x3FDB];
	_ =	sdelay $0x1  }
0x99: {  	s4 =	simm.s32 $_scs_section_size  }
0x9a: {  	s5 =	simm.s32 $_size__tile_overlayer_lowered;
	s6 =	simm.s32 $_tile_overlayer_lowered  }
0x9b: {  	s22 =	simm.s32 $0x1BFF;
	s21 =	sshll.u32 s6, $0x1;
	s3 =	sadd.s32 s4, s19  }
0x9c: {  	s7 =	simm.s32 $0x0;
	s20 =	sshll.u32 s5, $0x1;
	s5 =	sadd.s32 s21, s3  }
0x9d: {  	[timem:s7], [sflag:s22] =	dma.local [hbm:s5], s20  }
0x9e: {  	_ =	swait.ge [sflag:s22], s20  }
0x9f: {  	s4 =	ssub.s32 $0x0, s20;
	[sflag:s22] =	ssyncset.done $0x0  }
0xa0: {  	[sflag:s22] =	ssyncadd.s32 s4;
	_ =	sdelay $0x1  }
0xa1: {  	s23 =	simm.s32 $0x1B8B  }
0xa2: {  	_ =	swait.ge [sflag:s23], $0x1  }
0xa3: {  	[sflag:s23] =	ssyncset.done $0x0  }
0xa4: {  	s25 =	simm.s32 $0x1B8E;
	s24 =	sld [smem:$0x3FFE];
	[sflag:s23] =	ssyncadd.s32 $0xFFFFFFFF  }
0xa5: {  	s26 =	simm.s32 $execute0_lowered;
	[smem:$0x3FD2] =	sst s25  }
0xa6: {  	s5 =	sshll.u32 s26, $0x1;
	_ =	strace $0x80000049;
	[dreg:$0x1] =	wrdreg $0xFFFFFFFF  }
0xa7: {  	s28 =	simm.s32 $_size_execute0_lowered;
	s3 =	sadd.s32 s3, s5;
	[dreg:$0x0] =	wrdreg $0x0  }
0xa8: {  	s5 =	sshll.u32 s28, $0x1;
	[dreg:$0x2] =	wrdreg s3  }
0xa9: {  	[dreg:$0x3] =	wrdreg s5  }
0xaa: {  	[dreg:$0x4] =	wrdreg $0xC0  }
0xab: {  	_ =	task [dreg:s7], $0x5FFFF  }
0xac: {  	[dreg:$0x1] =	wrdreg $0xFFFFFFFF  }
0xad: {  	[dreg:$0x0] =	wrdreg $0x60  }
0xae: {  	[dreg:$0x2] =	wrdreg s24  }
0xaf: {  	[dreg:$0x3] =	wrdreg s2  }
0xb0: {  	[dreg:$0x4] =	wrdreg $0xB8000  }
0xb1: {  	[dreg:$0x5] =	wrdreg $0x9  }
0xb2: {  	_ =	task.clear_ibuf [dreg:s7], $0x6FFFF;
	_ =	strace $0x90000049  }
0xb3: {  	s29 =	simm.s32 $0x9;
	_ =	strace $0x8000004B  }
0xb4: {  	_ =	swait.ge [sflag:s29], $0x1  }
0xb5: {  	[sflag:s29] =	ssyncadd.s32 $0xFFFFFFFF  }
0xb6: {  	_ =	strace $0x9000004B  }
0xb7: {  	_ =	sfence  }
0xb8: {  	s30 =	sld [smem:$0x0];
	_ =	sdelay $0x2  }
0xb9: {  	s31 =	sshll.u32 s1, $0xD;
	s1 =	sshrl.u32 s1, $0x2  }
0xba: {  	s3 =	sand.u32 $0x4000, s31;
	s1 =	sadd.s32 s1, s30  }
0xbb: {  	s0 =	sor.u32 s3, s0;
	s1 =	sshll.u32 s1, $0x11  }
0xbc: {  	s0 =	sor.u32 s1, s0  }
0xbd: {  	s0 =	sadd.s32 $0x8F2B, s0  }
0xbe: {  	[sflag:s0] =	ssyncadd.remote.s32 $0x1  }
0xbf: {  	_ =	sfence.sel $0xFFFF  }
0xc0: {  	[dreg:$0x0] =	wrdreg $0xFFFFFFFF;
	(pc) =	sbr.abs _section_cstart, $3  }
0xc1: {  	[dreg:$0x1] =	wrdreg $0xFFFFFFFF  }
0xc2: {  	_ =	task.clear_ibuf [dreg:s7], $0x2FFFF;
	_ =	strace $0x9FFFFFFF  }
0xc3: {  	(tm) =	ssettm $0x7FFFFFFF  }
tec
execute0_lowered:
.L_overlay_start_1:
0x0: {  	(tag) =	ssettag $0x1  }
0x1: {  	s5 =	rddreg [dreg:$0x0]  }
0x2: {  	s6 =	rddreg [dreg:$0x1];
	s0 =	srdreg.scid  }
0x3: {  	s9 =	stileid.u32;
	s1 =	rddreg [dreg:$0x2]  }
0x4: {  	s2 =	simm.s32 $0x0;
	s12 =	simm.s32 $0x2800;
	s13 =	simm.s32 $0x5000  }
0x5: {  	s14 =	simm.s32 $0x80;
	s15 =	simm.s32 $0x7800;
	s16 =	simm.s32 $0x1  }
0x6: {  	s17 =	simm.s32 $0x0;
	s4 =	sand.u32 $0x1, s0;
	s0 =	rddreg [dreg:$0x3]  }
0x7: {  	s3 =	sshll.u32 s9, $0x1;
	[smem:$0x7FF] =	sst s2;
	p0 =	sne.s32 s9, $0x0  }
0x8: {  	s3 =	sor.u32 s4, s3;
	_ =	strace $0x8000004A;
	s8 =	smul.u32 $0x27100, s4  }
0x9: {  	s11 =	ssub.s32 $0x2, s4;
	s4 =	sadd.s32 $0x3D000, s5;
	s7 =	smul.u32 $0x500, s3  }
0xa: {  	s3 =	sadd.s32 $0x15E00, s5;
	s31 =	sshrl.u32 s11, $0x1;
	s8 =	sadd.s32 s8, s5  }
0xb: {  	s11 =	ssub.s32 s11, s31;
	s10 =	sadd.s32 s7, s5;
	s6 =	sadd.s32 s6, s7  }
0xc: {  	s8 =	sadd.s32 $0x64200, s8;
	s9 =	smax.u32 s11, $0x1;
	s11 =	simm.s32 $0x2  }
0xd: {  	s5 =	sadd.s32 $0x1E00, s10;
	s7 =	sadd.s32 $0xBE00, s10;
	s10 =	sshrl.u32 @!p0 s1, $0x3  }
.LBB2_1:
0xe: {  	s18 =	simm.s32 @!p0 $0x1C02  }
0xf: {  	[spmem:s10], [sflag:s18] =	dma.local @!p0 [hbm:s4], $0x27100  }
0x10: {  	s18 =	simm.s32 @!p0 $0x2  }
0x11: {  	_ =	swait.ge @!p0 [sflag:s18], $0x27100  }
0x12: {  	[sflag:s18] =	ssyncset.done @!p0 $0x0  }
0x13: {  	[sflag:s18] =	ssyncadd.s32 @!p0 $0xFFFD8F00  }
0x14: {  	[tilespmem:s2], [sflag:$0x2] =	stream.linear.gather [hbm4b:s5+s2], $0x2780, $0x38;
	[tilespmem:$0x1F080] =	vst v63  }
0x15: {  	_ =	swait.ge [sflag:s11], $0x2780  }
0x16: {  	[sflag:s11] =	ssyncset.done $0x0  }
0x17: {  	[sflag:s11] =	ssyncadd.s32 $0xFFFFD880  }
0x18: {  	[tilespmem:s12], [sflag:$0x2] =	stream.linear.gather [hbm4b:s6+s2], $0x2780, $0x38;
	[tilespmem:$0x1F080] =	vst v63  }
0x19: {  	_ =	swait.ge [sflag:s11], $0x2780  }
0x1a: {  	[sflag:s11] =	ssyncset.done $0x0  }
0x1b: {  	[sflag:s11] =	ssyncadd.s32 $0xFFFFD880  }
0x1c: {  	[tilespmem:s13], [sflag:$0x2] =	stream.linear.gather [hbm4b:s7+s2], $0x2780, $0x38;
	[tilespmem:$0x1F080] =	vst v63  }
0x1d: {  	_ =	swait.ge [sflag:s11], $0x2780  }
0x1e: {  	[sflag:s11] =	ssyncset.done $0x0  }
0x1f: {  	[sflag:s11] =	ssyncadd.s32 $0xFFFFD880  }
0x20: {  	s18 =	simm.s32 $0x0;
	[bflag:$0x0] =	sbarrier.arrive $0xFFFF  }
.LBB2_2:
0x21: {  	s19 =	sshll.u32 s18, $0x7  }
0x22: {  	[tilespmem:s15], [sflag:$0x1] =	stream.indirect.gather [hbm4b:s3+s14], $0x80, s19, s14, $0xb8;
	[tilespmem:$0x1F080] =	vst v63  }
0x23: {  	s21 =	sadd.s32 $0x5000, s19  }
0x24: {  	_ =	swait.ge [sflag:s16], $0x4000;
	v0 =	vmov s21  }
0x25: {  	[sflag:s16] =	ssyncset.done $0x0  }
0x26: {  	s20 =	simm.s32 $0x0;
	[sflag:s16] =	ssyncadd.s32 $0xFFFFC000  }
.LBB2_3:
0x27: {  	s21 =	sshll.u32 s20, $0x4  }
0x28: {  	s21 =	sand.u32 $0x3FFFFFF0, s21  }
0x29: {  	s31 =	sshll.u32 s20, $0xB;
	v1 =	vld.idx.msk [tilespmem:v0+s21+$0x0 ss:$0x1], $0xffff  }
0x2a: {  	s21 =	sand.u32 $0x3FFFF800, s31  }
0x2b: {  	v2 =	vld [tilespmem:s21+$0x7800]  }
0x2c: {  	v3 =	vld [tilespmem:s21+$0x7810]  }
0x2d: {  	v4 =	vld [tilespmem:s21+$0x7820]  }
0x2e: {  	v6 =	vld [tilespmem:s21+$0x7830];
	v5 =	vbroadcast v1, $0x0  }
0x2f: {  	v7 =	vld [tilespmem:s21+$0x7840]  }
0x30: {  	v8 =	vld [tilespmem:s21+$0x7850];
	v2 =	vmul.f32 v5, v2  }
0x31: {  	v9 =	vld [tilespmem:s21+$0x7860];
	v3 =	vmul.f32 v3, v5  }
0x32: {  	v34 =	vld [tilespmem:s21+$0x7870];
	[tilespmem:s21+$0x7800] =	vst v2;
	v2 =	vmul.f32 v4, v5  }
0x33: {  	v35 =	vld [tilespmem:s21+$0x7880];
	[tilespmem:s21+$0x7810] =	vst v3;
	v3 =	vmul.f32 v6, v5  }
0x34: {  	v36 =	vld [tilespmem:s21+$0x7890];
	[tilespmem:s21+$0x7820] =	vst v2;
	v2 =	vmul.f32 v7, v5  }
0x35: {  	v37 =	vld [tilespmem:s21+$0x78A0];
	[tilespmem:s21+$0x7830] =	vst v3;
	v3 =	vmul.f32 v8, v5  }
0x36: {  	v10 =	vld [tilespmem:s21+$0x78B0];
	v38 =	vbroadcast v1, $0x1;
	[tilespmem:s21+$0x7840] =	vst v2;
	v2 =	vmul.f32 v9, v5  }
0x37: {  	v39 =	vld [tilespmem:s21+$0x78C0];
	[tilespmem:s21+$0x7850] =	vst v3;
	v3 =	vmul.f32 v34, v5  }
0x38: {  	v40 =	vld [tilespmem:s21+$0x78D0];
	[tilespmem:s21+$0x7860] =	vst v2;
	v2 =	vmul.f32 v35, v38  }
0x39: {  	v41 =	vld [tilespmem:s21+$0x78E0];
	[tilespmem:s21+$0x7870] =	vst v3;
	v3 =	vmul.f32 v36, v38  }
0x3a: {  	v42 =	vld [tilespmem:s21+$0x78F0];
	[tilespmem:s21+$0x7880] =	vst v2;
	v2 =	vmul.f32 v37, v38  }
0x3b: {  	v43 =	vld [tilespmem:s21+$0x7900];
	[tilespmem:s21+$0x7890] =	vst v3;
	v3 =	vmul.f32 v10, v38  }
0x3c: {  	v44 =	vld [tilespmem:s21+$0x7910];
	[tilespmem:s21+$0x78A0] =	vst v2;
	v2 =	vmul.f32 v39, v38  }
0x3d: {  	v45 =	vld [tilespmem:s21+$0x7920];
	[tilespmem:s21+$0x78B0] =	vst v3;
	v3 =	vmul.f32 v40, v38  }
0x3e: {  	v47 =	vld [tilespmem:s21+$0x7930];
	v46 =	vbroadcast v1, $0x2;
	[tilespmem:s21+$0x78C0] =	vst v2;
	v2 =	vmul.f32 v41, v38  }
0x3f: {  	v48 =	vld [tilespmem:s21+$0x7940];
	[tilespmem:s21+$0x78D0] =	vst v3;
	v3 =	vmul.f32 v42, v38  }
0x40: {  	v49 =	vld [tilespmem:s21+$0x7950];
	[tilespmem:s21+$0x78E0] =	vst v2;
	v2 =	vmul.f32 v43, v46  }
0x41: {  	v50 =	vld [tilespmem:s21+$0x7960];
	[tilespmem:s21+$0x78F0] =	vst v3;
	v3 =	vmul.f32 v44, v46  }
0x42: {  	v51 =	vld [tilespmem:s21+$0x7970];
	[tilespmem:s21+$0x7900] =	vst v2;
	v2 =	vmul.f32 v45, v46  }
0x43: {  	v52 =	vld [tilespmem:s21+$0x7980];
	[tilespmem:s21+$0x7910] =	vst v3;
	v3 =	vmul.f32 v47, v46  }
0x44: {  	v53 =	vld [tilespmem:s21+$0x7990];
	[tilespmem:s21+$0x7920] =	vst v2;
	v2 =	vmul.f32 v48, v46  }
0x45: {  	v54 =	vld [tilespmem:s21+$0x79A0];
	[tilespmem:s21+$0x7930] =	vst v3;
	v3 =	vmul.f32 v49, v46  }
0x46: {  	v56 =	vld [tilespmem:s21+$0x79B0];
	v55 =	vbroadcast v1, $0x3;
	[tilespmem:s21+$0x7940] =	vst v2;
	v2 =	vmul.f32 v50, v46  }
0x47: {  	v57 =	vld [tilespmem:s21+$0x79C0];
	[tilespmem:s21+$0x7950] =	vst v3;
	v3 =	vmul.f32 v51, v46  }
0x48: {  	v58 =	vld [tilespmem:s21+$0x79D0];
	[tilespmem:s21+$0x7960] =	vst v2;
	v2 =	vmul.f32 v52, v55  }
0x49: {  	v59 =	vld [tilespmem:s21+$0x79E0];
	[tilespmem:s21+$0x7970] =	vst v3;
	v3 =	vmul.f32 v53, v55  }
0x4a: {  	v60 =	vld [tilespmem:s21+$0x79F0];
	[tilespmem:s21+$0x7980] =	vst v2;
	v2 =	vmul.f32 v54, v55  }
0x4b: {  	v61 =	vld [tilespmem:s21+$0x7A00];
	[tilespmem:s21+$0x7990] =	vst v3;
	v3 =	vmul.f32 v56, v55  }
0x4c: {  	v62 =	vld [tilespmem:s21+$0x7A10];
	[tilespmem:s21+$0x79A0] =	vst v2;
	v2 =	vmul.f32 v57, v55  }
0x4d: {  	v63 =	vld [tilespmem:s21+$0x7A20];
	[tilespmem:s21+$0x79B0] =	vst v3;
	v3 =	vmul.f32 v58, v55  }
0x4e: {  	v13 =	vld [tilespmem:s21+$0x7A30];
	v12 =	vbroadcast v1, $0x4;
	[tilespmem:s21+$0x79C0] =	vst v2;
	v2 =	vmul.f32 v59, v55  }
0x4f: {  	v14 =	vld [tilespmem:s21+$0x7A40];
	[tilespmem:s21+$0x79D0] =	vst v3;
	v3 =	vmul.f32 v60, v55  }
0x50: {  	v15 =	vld [tilespmem:s21+$0x7A50];
	[tilespmem:s21+$0x79E0] =	vst v2;
	v2 =	vmul.f32 v61, v12  }
0x51: {  	v16 =	vld [tilespmem:s21+$0x7A60];
	[tilespmem:s21+$0x79F0] =	vst v3;
	v3 =	vmul.f32 v62, v12  }
0x52: {  	v17 =	vld [tilespmem:s21+$0x7A70];
	[tilespmem:s21+$0x7A00] =	vst v2;
	v2 =	vmul.f32 v63, v12  }
0x53: {  	v18 =	vld [tilespmem:s21+$0x7A80];
	[tilespmem:s21+$0x7A10] =	vst v3;
	v3 =	vmul.f32 v13, v12  }
0x54: {  	v19 =	vld [tilespmem:s21+$0x7A90];
	[tilespmem:s21+$0x7A20] =	vst v2;
	v2 =	vmul.f32 v14, v12  }
0x55: {  	v20 =	vld [tilespmem:s21+$0x7AA0];
	[tilespmem:s21+$0x7A30] =	vst v3;
	v3 =	vmul.f32 v15, v12  }
0x56: {  	v22 =	vld [tilespmem:s21+$0x7AB0];
	v21 =	vbroadcast v1, $0x5;
	[tilespmem:s21+$0x7A40] =	vst v2;
	v2 =	vmul.f32 v16, v12  }
0x57: {  	v23 =	vld [tilespmem:s21+$0x7AC0];
	[tilespmem:s21+$0x7A50] =	vst v3;
	v3 =	vmul.f32 v17, v12  }
0x58: {  	v24 =	vld [tilespmem:s21+$0x7AD0];
	[tilespmem:s21+$0x7A60] =	vst v2;
	v2 =	vmul.f32 v18, v21  }
0x59: {  	v25 =	vld [tilespmem:s21+$0x7AE0];
	[tilespmem:s21+$0x7A70] =	vst v3;
	v3 =	vmul.f32 v19, v21  }
0x5a: {  	v26 =	vld [tilespmem:s21+$0x7AF0];
	[tilespmem:s21+$0x7A80] =	vst v2;
	v2 =	vmul.f32 v20, v21  }
0x5b: {  	v27 =	vld [tilespmem:s21+$0x7B00];
	[tilespmem:s21+$0x7A90] =	vst v3;
	v3 =	vmul.f32 v22, v21  }
0x5c: {  	v28 =	vld [tilespmem:s21+$0x7B10];
	[tilespmem:s21+$0x7AA0] =	vst v2;
	v2 =	vmul.f32 v23, v21  }
0x5d: {  	v29 =	vld [tilespmem:s21+$0x7B20];
	[tilespmem:s21+$0x7AB0] =	vst v3;
	v3 =	vmul.f32 v24, v21  }
0x5e: {  	v31 =	vld [tilespmem:s21+$0x7B30];
	v30 =	vbroadcast v1, $0x6;
	[tilespmem:s21+$0x7AC0] =	vst v2;
	v2 =	vmul.f32 v25, v21  }
0x5f: {  	v32 =	vld [tilespmem:s21+$0x7B40];
	[tilespmem:s21+$0x7AD0] =	vst v3;
	v3 =	vmul.f32 v26, v21  }
0x60: {  	v33 =	vld [tilespmem:s21+$0x7B50];
	[tilespmem:s21+$0x7AE0] =	vst v2;
	v2 =	vmul.f32 v27, v30  }
0x61: {  	v34 =	vld [tilespmem:s21+$0x7B60];
	[tilespmem:s21+$0x7AF0] =	vst v3;
	v3 =	vmul.f32 v28, v30  }
0x62: {  	v35 =	vld [tilespmem:s21+$0x7B70];
	[tilespmem:s21+$0x7B00] =	vst v2;
	v2 =	vmul.f32 v29, v30  }
0x63: {  	v36 =	vld [tilespmem:s21+$0x7B80];
	[tilespmem:s21+$0x7B10] =	vst v3;
	v3 =	vmul.f32 v31, v30  }
0x64: {  	v37 =	vld [tilespmem:s21+$0x7B90];
	[tilespmem:s21+$0x7B20] =	vst v2;
	v2 =	vmul.f32 v32, v30  }
0x65: {  	v38 =	vld [tilespmem:s21+$0x7BA0];
	[tilespmem:s21+$0x7B30] =	vst v3;
	v3 =	vmul.f32 v33, v30  }
0x66: {  	v39 =	vbroadcast v1, $0x7;
	v40 =	vld [tilespmem:s21+$0x7BB0];
	[tilespmem:s21+$0x7B40] =	vst v2;
	v2 =	vmul.f32 v34, v30  }
0x67: {  	v41 =	vld [tilespmem:s21+$0x7BC0];
	[tilespmem:s21+$0x7B50] =	vst v3;
	v3 =	vmul.f32 v35, v30  }
0x68: {  	v42 =	vld [tilespmem:s21+$0x7BD0];
	[tilespmem:s21+$0x7B60] =	vst v2;
	v2 =	vmul.f32 v36, v39  }
0x69: {  	v43 =	vld [tilespmem:s21+$0x7BE0];
	[tilespmem:s21+$0x7B70] =	vst v3;
	v3 =	vmul.f32 v37, v39  }
0x6a: {  	v44 =	vld [tilespmem:s21+$0x7BF0];
	[tilespmem:s21+$0x7B80] =	vst v2;
	v2 =	vmul.f32 v38, v39  }
0x6b: {  	v45 =	vld [tilespmem:s21+$0x7C00];
	[tilespmem:s21+$0x7B90] =	vst v3;
	v3 =	vmul.f32 v40, v39  }
0x6c: {  	v46 =	vld [tilespmem:s21+$0x7C10];
	[tilespmem:s21+$0x7BA0] =	vst v2;
	v2 =	vmul.f32 v41, v39  }
0x6d: {  	v47 =	vld [tilespmem:s21+$0x7C20];
	[tilespmem:s21+$0x7BB0] =	vst v3;
	v3 =	vmul.f32 v42, v39  }
0x6e: {  	v48 =	vbroadcast v1, $0x8;
	v49 =	vld [tilespmem:s21+$0x7C30];
	[tilespmem:s21+$0x7BC0] =	vst v2;
	v2 =	vmul.f32 v43, v39  }
0x6f: {  	v50 =	vld [tilespmem:s21+$0x7C40];
	[tilespmem:s21+$0x7BD0] =	vst v3;
	v3 =	vmul.f32 v44, v39  }
0x70: {  	v51 =	vld [tilespmem:s21+$0x7C50];
	[tilespmem:s21+$0x7BE0] =	vst v2;
	v2 =	vmul.f32 v45, v48  }
0x71: {  	v52 =	vld [tilespmem:s21+$0x7C60];
	[tilespmem:s21+$0x7BF0] =	vst v3;
	v3 =	vmul.f32 v46, v48  }
0x72: {  	v53 =	vld [tilespmem:s21+$0x7C70];
	[tilespmem:s21+$0x7C00] =	vst v2;
	v2 =	vmul.f32 v47, v48  }
0x73: {  	v54 =	vld [tilespmem:s21+$0x7C80];
	[tilespmem:s21+$0x7C10] =	vst v3;
	v3 =	vmul.f32 v49, v48  }
0x74: {  	v55 =	vld [tilespmem:s21+$0x7C90];
	[tilespmem:s21+$0x7C20] =	vst v2;
	v2 =	vmul.f32 v50, v48  }
0x75: {  	v56 =	vld [tilespmem:s21+$0x7CA0];
	[tilespmem:s21+$0x7C30] =	vst v3;
	v3 =	vmul.f32 v51, v48  }
0x76: {  	v57 =	vbroadcast v1, $0x9;
	v58 =	vld [tilespmem:s21+$0x7CB0];
	[tilespmem:s21+$0x7C40] =	vst v2;
	v2 =	vmul.f32 v52, v48  }
0x77: {  	v59 =	vld [tilespmem:s21+$0x7CC0];
	[tilespmem:s21+$0x7C50] =	vst v3;
	v3 =	vmul.f32 v53, v48  }
0x78: {  	v60 =	vld [tilespmem:s21+$0x7CD0];
	[tilespmem:s21+$0x7C60] =	vst v2;
	v2 =	vmul.f32 v54, v57  }
0x79: {  	v61 =	vld [tilespmem:s21+$0x7CE0];
	[tilespmem:s21+$0x7C70] =	vst v3;
	v3 =	vmul.f32 v55, v57  }
0x7a: {  	v62 =	vld [tilespmem:s21+$0x7CF0];
	[tilespmem:s21+$0x7C80] =	vst v2;
	v2 =	vmul.f32 v56, v57  }
0x7b: {  	v63 =	vld [tilespmem:s21+$0x7D00];
	[tilespmem:s21+$0x7C90] =	vst v3;
	v3 =	vmul.f32 v58, v57  }
0x7c: {  	v12 =	vld [tilespmem:s21+$0x7D10];
	[tilespmem:s21+$0x7CA0] =	vst v2;
	v2 =	vmul.f32 v59, v57  }
0x7d: {  	v13 =	vld [tilespmem:s21+$0x7D20];
	[tilespmem:s21+$0x7CB0] =	vst v3;
	v3 =	vmul.f32 v60, v57  }
0x7e: {  	v14 =	vbroadcast v1, $0xA;
	v15 =	vld [tilespmem:s21+$0x7D30];
	[tilespmem:s21+$0x7CC0] =	vst v2;
	v2 =	vmul.f32 v61, v57  }
0x7f: {  	v16 =	vld [tilespmem:s21+$0x7D40];
	[tilespmem:s21+$0x7CD0] =	vst v3;
	v3 =	vmul.f32 v62, v57  }
0x80: {  	v17 =	vld [tilespmem:s21+$0x7D50];
	[tilespmem:s21+$0x7CE0] =	vst v2;
	v2 =	vmul.f32 v63, v14  }
0x81: {  	v18 =	vld [tilespmem:s21+$0x7D60];
	[tilespmem:s21+$0x7CF0] =	vst v3;
	v3 =	vmul.f32 v12, v14  }
0x82: {  	v19 =	vld [tilespmem:s21+$0x7D70];
	[tilespmem:s21+$0x7D00] =	vst v2;
	v2 =	vmul.f32 v13, v14  }
0x83: {  	v20 =	vld [tilespmem:s21+$0x7D80];
	[tilespmem:s21+$0x7D10] =	vst v3;
	v3 =	vmul.f32 v15, v14  }
0x84: {  	v21 =	vld [tilespmem:s21+$0x7D90];
	[tilespmem:s21+$0x7D20] =	vst v2;
	v2 =	vmul.f32 v16, v14  }
0x85: {  	v22 =	vld [tilespmem:s21+$0x7DA0];
	[tilespmem:s21+$0x7D30] =	vst v3;
	v3 =	vmul.f32 v17, v14  }
0x86: {  	v23 =	vbroadcast v1, $0xB;
	v24 =	vld [tilespmem:s21+$0x7DB0];
	[tilespmem:s21+$0x7D40] =	vst v2;
	v2 =	vmul.f32 v18, v14  }
0x87: {  	v25 =	vld [tilespmem:s21+$0x7DC0];
	[tilespmem:s21+$0x7D50] =	vst v3;
	v3 =	vmul.f32 v19, v14  }
0x88: {  	v26 =	vld [tilespmem:s21+$0x7DD0];
	[tilespmem:s21+$0x7D60] =	vst v2;
	v2 =	vmul.f32 v20, v23  }
0x89: {  	v27 =	vld [tilespmem:s21+$0x7DE0];
	[tilespmem:s21+$0x7D70] =	vst v3;
	v3 =	vmul.f32 v21, v23  }
0x8a: {  	v28 =	vld [tilespmem:s21+$0x7DF0];
	[tilespmem:s21+$0x7D80] =	vst v2;
	v2 =	vmul.f32 v22, v23  }
0x8b: {  	v29 =	vld [tilespmem:s21+$0x7E00];
	[tilespmem:s21+$0x7D90] =	vst v3;
	v3 =	vmul.f32 v24, v23  }
0x8c: {  	v30 =	vld [tilespmem:s21+$0x7E10];
	[tilespmem:s21+$0x7DA0] =	vst v2;
	v2 =	vmul.f32 v25, v23  }
0x8d: {  	v31 =	vld [tilespmem:s21+$0x7E20];
	[tilespmem:s21+$0x7DB0] =	vst v3;
	v3 =	vmul.f32 v26, v23  }
0x8e: {  	v32 =	vbroadcast v1, $0xC;
	v33 =	vld [tilespmem:s21+$0x7E30];
	[tilespmem:s21+$0x7DC0] =	vst v2;
	v2 =	vmul.f32 v27, v23  }
0x8f: {  	v34 =	vld [tilespmem:s21+$0x7E40];
	[tilespmem:s21+$0x7DD0] =	vst v3;
	v3 =	vmul.f32 v28, v23  }
0x90: {  	v35 =	vld [tilespmem:s21+$0x7E50];
	[tilespmem:s21+$0x7DE0] =	vst v2;
	v2 =	vmul.f32 v29, v32  }
0x91: {  	v36 =	vld [tilespmem:s21+$0x7E60];
	[tilespmem:s21+$0x7DF0] =	vst v3;
	v3 =	vmul.f32 v30, v32  }
0x92: {  	v37 =	vld [tilespmem:s21+$0x7E70];
	[tilespmem:s21+$0x7E00] =	vst v2;
	v2 =	vmul.f32 v31, v32  }
0x93: {  	v38 =	vld [tilespmem:s21+$0x7E80];
	[tilespmem:s21+$0x7E10] =	vst v3;
	v3 =	vmul.f32 v33, v32  }
0x94: {  	v39 =	vld [tilespmem:s21+$0x7E90];
	[tilespmem:s21+$0x7E20] =	vst v2;
	v2 =	vmul.f32 v34, v32  }
0x95: {  	v40 =	vld [tilespmem:s21+$0x7EA0];
	[tilespmem:s21+$0x7E30] =	vst v3;
	v3 =	vmul.f32 v35, v32  }
0x96: {  	v41 =	vbroadcast v1, $0xD;
	v42 =	vld [tilespmem:s21+$0x7EB0];
	[tilespmem:s21+$0x7E40] =	vst v2;
	v2 =	vmul.f32 v36, v32  }
0x97: {  	v43 =	vld [tilespmem:s21+$0x7EC0];
	[tilespmem:s21+$0x7E50] =	vst v3;
	v3 =	vmul.f32 v37, v32  }
0x98: {  	v44 =	vld [tilespmem:s21+$0x7ED0];
	[tilespmem:s21+$0x7E60] =	vst v2;
	v2 =	vmul.f32 v38, v41  }
0x99: {  	v45 =	vld [tilespmem:s21+$0x7EE0];
	[tilespmem:s21+$0x7E70] =	vst v3;
	v3 =	vmul.f32 v39, v41  }
0x9a: {  	v46 =	vld [tilespmem:s21+$0x7EF0];
	[tilespmem:s21+$0x7E80] =	vst v2;
	v2 =	vmul.f32 v40, v41  }
0x9b: {  	v47 =	vld [tilespmem:s21+$0x7F00];
	[tilespmem:s21+$0x7E90] =	vst v3;
	v3 =	vmul.f32 v42, v41  }
0x9c: {  	v48 =	vld [tilespmem:s21+$0x7F10];
	[tilespmem:s21+$0x7EA0] =	vst v2;
	v2 =	vmul.f32 v43, v41  }
0x9d: {  	v49 =	vld [tilespmem:s21+$0x7F20];
	[tilespmem:s21+$0x7EB0] =	vst v3;
	v3 =	vmul.f32 v44, v41  }
0x9e: {  	v50 =	vbroadcast v1, $0xE;
	v51 =	vld [tilespmem:s21+$0x7F30];
	[tilespmem:s21+$0x7EC0] =	vst v2;
	v2 =	vmul.f32 v45, v41  }
0x9f: {  	v52 =	vld [tilespmem:s21+$0x7F40];
	[tilespmem:s21+$0x7ED0] =	vst v3;
	v3 =	vmul.f32 v46, v41  }
0xa0: {  	v53 =	vld [tilespmem:s21+$0x7F50];
	[tilespmem:s21+$0x7EE0] =	vst v2;
	v2 =	vmul.f32 v47, v50  }
0xa1: {  	v54 =	vld [tilespmem:s21+$0x7F60];
	[tilespmem:s21+$0x7EF0] =	vst v3;
	v3 =	vmul.f32 v48, v50  }
0xa2: {  	v55 =	vld [tilespmem:s21+$0x7F70];
	[tilespmem:s21+$0x7F00] =	vst v2;
	v2 =	vmul.f32 v49, v50  }
0xa3: {  	v56 =	vld [tilespmem:s21+$0x7F80];
	[tilespmem:s21+$0x7F10] =	vst v3;
	v3 =	vmul.f32 v51, v50  }
0xa4: {  	v57 =	vld [tilespmem:s21+$0x7F90];
	[tilespmem:s21+$0x7F20] =	vst v2;
	v2 =	vmul.f32 v52, v50  }
0xa5: {  	v58 =	vld [tilespmem:s21+$0x7FA0];
	[tilespmem:s21+$0x7F30] =	vst v3;
	v3 =	vmul.f32 v53, v50  }
0xa6: {  	v1 =	vbroadcast v1, $0xF;
	v59 =	vld [tilespmem:s21+$0x7FB0];
	[tilespmem:s21+$0x7F40] =	vst v2;
	v2 =	vmul.f32 v54, v50  }
0xa7: {  	v60 =	vld [tilespmem:s21+$0x7FC0];
	[tilespmem:s21+$0x7F50] =	vst v3;
	v3 =	vmul.f32 v55, v50  }
0xa8: {  	v61 =	vld [tilespmem:s21+$0x7FD0];
	[tilespmem:s21+$0x7F60] =	vst v2;
	v2 =	vmul.f32 v56, v1  }
0xa9: {  	v62 =	vld [tilespmem:s21+$0x7FE0];
	[tilespmem:s21+$0x7F70] =	vst v3;
	v3 =	vmul.f32 v57, v1  }
0xaa: {  	v63 =	vld [tilespmem:s21+$0x7FF0];
	[tilespmem:s21+$0x7F80] =	vst v2;
	v2 =	vmul.f32 v58, v1  }
0xab: {  	[tilespmem:s21+$0x7F90] =	vst v3;
	v3 =	vmul.f32 v59, v1  }
0xac: {  	p1 =	sne.s32 s20, $0x7;
	[tilespmem:s21+$0x7FA0] =	vst v2;
	v2 =	vmul.f32 v60, v1  }
.Ltmp0:
0xad: {  	[tilespmem:s21+$0x7FB0] =	vst v3;
	v3 =	vmul.f32 v61, v1;
	(pc) =	sbr.rel @p1 .LBB2_3-.Ltmp0, $4  }
0xae: {  	[tilespmem:s21+$0x7FC0] =	vst v2;
	v2 =	vmul.f32 v62, v1  }
0xaf: {  	[tilespmem:s21+$0x7FD0] =	vst v3;
	v1 =	vmul.f32 v63, v1  }
0xb0: {  	[tilespmem:s21+$0x7FE0] =	vst v2  }
0xb1: {  	s20 =	sadd.s32 $0x1, s20;
	[tilespmem:s21+$0x7FF0] =	vst v1  }
0xb2: {  	s18 =	sadd.s32 $0x1, s18  }
0xb3: {  	p1 =	sne.s32 s18, $0x4F  }
.Ltmp1:
0xb4: {  	s19 =	sadd.s32 $0x2800, s19;
	(pc) =	sbr.rel @p1 .LBB2_2-.Ltmp1, $4  }
0xb5: {  	[spmem:s1] =	stream.indirect.scatter.add.f32 [tilespmem:s15], [sflag:$0x2], $0x80, s19, s14, $0xb8;
	[tilespmem:$0x1F080] =	vst v63  }
0xb6: {  	_ =	swait.ge [sflag:s11], $0x4000  }
0xb7: {  	[sflag:s11] =	ssyncset.done $0x0  }
0xb8: {  	[sflag:s11] =	ssyncadd.s32 $0xFFFFC000  }
0xb9: {  	[bflag:$0x0] =	sbarrier.arrive $0xFFFF;
	s18 =	simm.s32 @!p0 $0x1C02;
	s17 =	sadd.s32 $0x1, s17  }
0xba: {  	[hbm:s8], [sflag:s18] =	dma.local @!p0 [spmem:s10], $0x27100  }
0xbb: {  	p1 =	sne.s32 s17, s9  }
.Ltmp2:
0xbc: {  	_ = 	snop;
	(pc) =	sbr.rel @p1 .LBB2_1-.Ltmp2, $4  }
0xbd: {  	s18 =	simm.s32 @!p0 $0x2  }
0xbe: {  	_ =	swait.ge @!p0 [sflag:s18], $0x27100  }
0xbf: {  	[sflag:s18] =	ssyncset.done @!p0 $0x0  }
0xc0: {  	[sflag:s18] =	ssyncadd.s32 @!p0 $0xFFFD8F00  }
0xc1: {  	_ =	sfence.sel $0x180000  }
0xc2: {  	[bflag:$0x0] =	sbarrier.arrive $0xFFFF  }
0xc3: {  	_ =	strace $0x9000004A  }
0xc4: {  	s0 =	sadd.s32 @!p0 $0x100000, s0;
	[bflag:$0x2] =	sbarrier.arrive $0xFFFF  }
0xc5: {  	[sflag:s0] =	ssyncadd.tile.s32 @!p0 $0x1;
	_ =	shalt  }
.Lfunc_end2:
_tile_overlayer_lowered:
.L_overlay_start_2:
0xc6: {  	(tag) =	ssettag $0x2  }
0xc7: {  	s0 =	rddreg [dreg:$0x0];
	s2 =	stileid.u32  }
0xc8: {  	s1 =	rddreg [dreg:$0x1];
	p0 =	sne.s32 s2, $0x0  }
0xc9: {  	s3 =	rddreg [dreg:$0x2];
	[bflag:$0x3] =	sbarrier.arrive $0xFFFF;
	s2 =	simm.s32 @!p0 $0x1C02  }
0xca: {  	[timem:s3], [sflag:s2] =	dma.local @!p0 [hbm:s0], s1  }
0xcb: {  	s0 =	simm.s32 @!p0 $0x2  }
0xcc: {  	_ =	swait.ge @!p0 [sflag:s0], s1  }
0xcd: {  	s1 =	ssub.s32 @!p0 $0x0, s1;
	[sflag:s0] =	ssyncset.done @!p0 $0x0  }
0xce: {  	[sflag:s0] =	ssyncadd.s32 @!p0 s1  }
0xcf: {  	[bflag:$0x3] =	sbarrier.arrive $0xFFFF  }
0xd0: {  	_ =	shalt  }

// kernel: kernel.7.cloned.1.call-start
scs
__scs_entry_jumppad:
0x0: {  	(pc) =	sbr.rel $0x88, $3  }
0x1: {  	(tag) =	ssettag $0x0;
	lr =	simm.s32 $0x1  }
0x2: {  	[smem:$0x3F98] =	sst lr;
	_ =	strace $0xD0000000  }
0x3: {  	_ = 	snop  }
0x4: {  	_ = 	snop  }
0x5: {  	_ = 	snop  }
0x6: {  	_ = 	snop  }
0x7: {  	_ = 	snop  }
__scs_overlays_trampoline_lowered:
0x8: {  	[smem:$0x3FA7] =	sst s0  }
0x9: {  	[smem:$0x3FA8] =	sst s1  }
0xa: {  	[smem:$0x3FA9] =	sst s2  }
0xb: {  	[smem:$0x3FAA] =	sst s3  }
0xc: {  	[smem:$0x3FAB] =	sst s4  }
0xd: {  	[smem:$0x3FAC] =	sst s5  }
0xe: {  	[smem:$0x3FAD] =	sst s6  }
0xf: {  	[smem:$0x3FAE] =	sst s7  }
0x10: {  	[smem:$0x3FAF] =	sst s8  }
0x11: {  	[smem:$0x3FB0] =	sst s9;
	s0 =	simm.s32 @!p0 $0x0  }
0x12: {  	s1 =	sld [smem:$0x3F96];
	s0 =	simm.s32 @p0 $0x1  }
0x13: {  	[smem:$0x3FB1] =	sst s0;
	s0 =	simm.s32 @!p1 $0x0  }
0x14: {  	s2 =	sld [smem:$0x3F95];
	s0 =	simm.s32 @p1 $0x1  }
0x15: {  	[smem:$0x3FB2] =	sst s0;
	s0 =	simm.s32 @!p2 $0x0  }
0x16: {  	s3 =	sld [smem:$0x3FDB];
	s0 =	simm.s32 @p2 $0x1  }
0x17: {  	s4 =	simm.s32 $0x1BF5;
	[smem:$0x3FB4] =	sst s0  }
0x18: {  	s0 =	sld [smem:$0x3F97];
	_ =	swait.ge [sflag:s4], $0x0  }
0x19: {  	s7 =	sld [smem:$0x3F98]  }
0x1a: {  	s8 =	sadd.s32 $0xFFFFE003, lr  }
0x1b: {  	s9 =	sadd.s32 $0xFFFFFEF7, lr;
	s5 =	simm.s32 $0xFFFFFFFF;
	p2 =	slt.u32 s8, $0xFFFFF086  }
0x1c: {  	p1 =	slt.u32 s9, $0xF7A;
	s5 =	simm.s32 @!p2 $0x0  }
0x1d: {  	s5 =	simm.s32 @p1 $0x1;
	p0 =	seq.s32 s7, s2  }
0x1e: {  	s7 =	smul.u32 @!p0 $0xF7A, s2;
	p2 =	seq.s32 @!p0 s5, $0x0  }
0x1f: {  	s9 =	smul.u32 $0xF7A, s1;
	s8 =	simm.s32 @!p0 $0x1BF5;
	p2 =	por !p2, p0  }
0x20: {  	[sflag:s8] =	ssyncset.s32 @!p0 $0xFFFFF086;
	s6 =	sadd.s32 @!p0 s3, s7;
	s7 =	simm.s32 @!p0 $0x108  }
0x21: {  	s3 =	sadd.s32 s3, s9;
	s6 =	sadd.s32 @!p0 $0x88, s6;
	s7 =	simm.s32 @p2 $0x1082  }
0x22: {  	[simem:s7], [sflag:s8] =	dma.local @!p0 [hbm:s6], $0xF7A  }
0x23: {  	s9 =	sor.u32 $0xD0000000, s2;
	s6 =	simm.s32 $0x108;
	_ =	swait.ge @!p0 [sflag:s8], $0x0  }
0x24: {  	s3 =	sadd.s32 $0x88, s3;
	s6 =	simm.s32 @!p1 $0x1082;
	[sflag:s4] =	ssyncset.s32 $0xFFFFF086  }
0x25: {  	[simem:s6], [sflag:s4] =	dma.local [hbm:s3], $0xF7A  }
0x26: {  	[smem:$0x3F98] =	sst s1;
	(tag) =	ssettag s2;
	_ =	strace s9  }
0x27: {  	s1 =	sld [smem:$0x3FA8]  }
0x28: {  	s2 =	sld [smem:$0x3FA9]  }
0x29: {  	s4 =	sld [smem:$0x3FAB]  }
0x2a: {  	p0 =	seq.s32 s5, $0x0;
	s5 =	sld [smem:$0x3FAC]  }
0x2b: {  	s6 =	sld [smem:$0x3FAD]  }
0x2c: {  	s7 =	sld [smem:$0x3FAE]  }
0x2d: {  	s3 =	simm.s32 $0x108;
	s8 =	sld [smem:$0x3FAF]  }
0x2e: {  	s3 =	simm.s32 @!p0 $0x1082;
	s9 =	sld [smem:$0x3FB0]  }
0x2f: {  	lr =	sadd.s32 s0, s3;
	s0 =	sld [smem:$0x3FA7]  }
0x30: {  	s3 =	sld [smem:$0x3FAA]  }
0x31: {  	[smem:$0x3FB3] =	sst s10  }
0x32: {  	s10 =	sld [smem:$0x3FB1];
	_ =	sdelay $0x3  }
0x33: {  	p0 =	seq.s32 s10, $0x1;
	s10 =	sld [smem:$0x3FB3];
	_ =	sdelay $0x3  }
0x34: {  	[smem:$0x3FB3] =	sst s10  }
0x35: {  	s10 =	sld [smem:$0x3FB2];
	_ =	sdelay $0x3  }
0x36: {  	p1 =	seq.s32 s10, $0x1;
	s10 =	sld [smem:$0x3FB3];
	_ =	sdelay $0x3  }
0x37: {  	[smem:$0x3FB3] =	sst s10  }
0x38: {  	s10 =	sld [smem:$0x3FB4]  }
0x39: {  	_ = 	snop;
	(pc) =	sbr.ind lr, $3  }
0x3a: {  	_ = 	snop  }
0x3b: {  	_ = 	snop  }
0x3c: {  	p2 =	seq.s32 s10, $0x1;
	s10 =	sld [smem:$0x3FB3]  }
0x3d: {  	_ =	shalt  }
0x3e: {  	_ =	shalt  }
0x3f: {  	_ =	shalt  }
0x40: {  	_ =	shalt  }
0x41: {  	_ =	shalt  }
0x42: {  	_ =	shalt  }
0x43: {  	_ =	shalt  }
0x44: {  	_ =	shalt  }
0x45: {  	_ =	shalt  }
0x46: {  	_ =	shalt  }
0x47: {  	_ =	shalt  }
0x48: {  	_ =	shalt  }
0x49: {  	_ =	shalt  }
0x4a: {  	_ =	shalt  }
0x4b: {  	_ =	shalt  }
0x4c: {  	_ =	shalt  }
0x4d: {  	_ =	shalt  }
0x4e: {  	_ =	shalt  }
0x4f: {  	_ =	shalt  }
0x50: {  	_ =	shalt  }
0x51: {  	_ =	shalt  }
0x52: {  	_ =	shalt  }
0x53: {  	_ =	shalt  }
0x54: {  	_ =	shalt  }
0x55: {  	_ =	shalt  }
0x56: {  	_ =	shalt  }
0x57: {  	_ =	shalt  }
0x58: {  	_ =	shalt  }
0x59: {  	_ =	shalt  }
0x5a: {  	_ =	shalt  }
0x5b: {  	_ =	shalt  }
0x5c: {  	_ =	shalt  }
0x5d: {  	_ =	shalt  }
0x5e: {  	_ =	shalt  }
0x5f: {  	_ =	shalt  }
0x60: {  	_ =	shalt  }
0x61: {  	_ =	shalt  }
0x62: {  	_ =	shalt  }
0x63: {  	_ =	shalt  }
0x64: {  	_ =	shalt  }
0x65: {  	_ =	shalt  }
0x66: {  	_ =	shalt  }
0x67: {  	_ =	shalt  }
0x68: {  	_ =	shalt  }
0x69: {  	_ =	shalt  }
0x6a: {  	_ =	shalt  }
0x6b: {  	_ =	shalt  }
0x6c: {  	_ =	shalt  }
0x6d: {  	_ =	shalt  }
0x6e: {  	_ =	shalt  }
0x6f: {  	_ =	shalt  }
0x70: {  	_ =	shalt  }
0x71: {  	_ =	shalt  }
0x72: {  	_ =	shalt  }
0x73: {  	_ =	shalt  }
0x74: {  	_ =	shalt  }
0x75: {  	_ =	shalt  }
0x76: {  	_ =	shalt  }
0x77: {  	_ =	shalt  }
0x78: {  	_ =	shalt  }
0x79: {  	_ =	shalt  }
0x7a: {  	_ =	shalt  }
0x7b: {  	_ =	shalt  }
0x7c: {  	_ =	shalt  }
0x7d: {  	_ =	shalt  }
0x7e: {  	_ =	shalt  }
0x7f: {  	_ =	shalt  }
0x80: {  	_ =	shalt  }
0x81: {  	_ =	shalt  }
0x82: {  	_ =	shalt  }
0x83: {  	_ =	shalt  }
0x84: {  	_ =	shalt  }
0x85: {  	_ =	shalt  }
0x86: {  	_ =	shalt  }
0x87: {  	_ =	shalt  }
.Lfunc_end0:
.L_simem_size_0:
called_computation_lowered:
.L_overlay_start_0:
0x88: {  	s2 =	sld [smem:$0x3FD9]  }
0x89: {  	s3 =	sld [smem:$0x3FFE];
	_ =	sdelay $0x1  }
0x8a: {  	s1 =	srdreg.scid  }
0x8b: {  	s0 =	sand.u32 $0x1, s1  }
0x8c: {  	s17 =	sshll.u32 s0, $0xA;
	s2 =	sadd.s32 s3, s2  }
0x8d: {  	s2 =	sadd.s32 s2, s17  }
0x8e: {  	[smem:$0x3FBF] =	sst s2  }
0x8f: {  	_ = 	snop  }
0x90: {  	s2 =	sld [smem:$0x3FD0];
	(tm) =	ssettm $0x1  }
0x91: {  	s18 =	sld [smem:$0x3FFB];
	_ =	sdelay $0x3  }
0x92: {  	_ =	strace s18  }
0x93: {  	s3 =	sld [smem:$0x3FFC];
	_ =	sdelay $0x3  }
0x94: {  	_ =	strace s3  }
0x95: {  	s3 =	sld [smem:$0x3FFD];
	_ =	sdelay $0x3  }
0x96: {  	_ =	strace s3  }
0x97: {  	_ =	strace $0x8FFFFFFF  }
0x98: {  	s19 =	sld [smem:$0x3FDB];
	_ =	sdelay $0x1  }
0x99: {  	s4 =	simm.s32 $_scs_section_size  }
0x9a: {  	s5 =	simm.s32 $_size__tile_overlayer_lowered;
	s6 =	simm.s32 $_tile_overlayer_lowered  }
0x9b: {  	s22 =	simm.s32 $0x1BFF;
	s21 =	sshll.u32 s6, $0x1;
	s3 =	sadd.s32 s4, s19  }
0x9c: {  	s7 =	simm.s32 $0x0;
	s20 =	sshll.u32 s5, $0x1;
	s5 =	sadd.s32 s21, s3  }
0x9d: {  	[timem:s7], [sflag:s22] =	dma.local [hbm:s5], s20  }
0x9e: {  	_ =	swait.ge [sflag:s22], s20  }
0x9f: {  	s4 =	ssub.s32 $0x0, s20;
	[sflag:s22] =	ssyncset.done $0x0  }
0xa0: {  	[sflag:s22] =	ssyncadd.s32 s4;
	_ =	sdelay $0x1  }
0xa1: {  	s23 =	simm.s32 $0x1B8B  }
0xa2: {  	_ =	swait.ge [sflag:s23], $0x1  }
0xa3: {  	[sflag:s23] =	ssyncset.done $0x0  }
0xa4: {  	s25 =	simm.s32 $0x1B8E;
	s24 =	sld [smem:$0x3FFE];
	[sflag:s23] =	ssyncadd.s32 $0xFFFFFFFF  }
0xa5: {  	s26 =	simm.s32 $execute0_lowered;
	[smem:$0x3FD2] =	sst s25  }
0xa6: {  	s5 =	sshll.u32 s26, $0x1;
	_ =	strace $0x80000046;
	[dreg:$0x1] =	wrdreg $0xFFFFFFFF  }
0xa7: {  	s28 =	simm.s32 $_size_execute0_lowered;
	s3 =	sadd.s32 s3, s5;
	[dreg:$0x0] =	wrdreg $0x0  }
0xa8: {  	s5 =	sshll.u32 s28, $0x1;
	[dreg:$0x2] =	wrdreg s3  }
0xa9: {  	[dreg:$0x3] =	wrdreg s5  }
0xaa: {  	[dreg:$0x4] =	wrdreg $0xC0  }
0xab: {  	_ =	task [dreg:s7], $0x5FFFF  }
0xac: {  	[dreg:$0x1] =	wrdreg $0xFFFFFFFF  }
0xad: {  	[dreg:$0x0] =	wrdreg $0x60  }
0xae: {  	[dreg:$0x2] =	wrdreg s24  }
0xaf: {  	[dreg:$0x3] =	wrdreg s2  }
0xb0: {  	[dreg:$0x4] =	wrdreg $0xB8000  }
0xb1: {  	[dreg:$0x5] =	wrdreg $0x9  }
0xb2: {  	_ =	task.clear_ibuf [dreg:s7], $0x6FFFF;
	_ =	strace $0x90000046  }
0xb3: {  	s29 =	simm.s32 $0x9;
	_ =	strace $0x80000048  }
0xb4: {  	_ =	swait.ge [sflag:s29], $0x1  }
0xb5: {  	[sflag:s29] =	ssyncadd.s32 $0xFFFFFFFF  }
0xb6: {  	_ =	strace $0x90000048  }
0xb7: {  	_ =	sfence  }
0xb8: {  	s30 =	sld [smem:$0x0];
	_ =	sdelay $0x2  }
0xb9: {  	s31 =	sshll.u32 s1, $0xD;
	s1 =	sshrl.u32 s1, $0x2  }
0xba: {  	s3 =	sand.u32 $0x4000, s31;
	s1 =	sadd.s32 s1, s30  }
0xbb: {  	s0 =	sor.u32 s3, s0;
	s1 =	sshll.u32 s1, $0x11  }
0xbc: {  	s0 =	sor.u32 s1, s0  }
0xbd: {  	s0 =	sadd.s32 $0x8F2B, s0  }
0xbe: {  	[sflag:s0] =	ssyncadd.remote.s32 $0x1  }
0xbf: {  	_ =	sfence.sel $0xFFFF  }
0xc0: {  	[dreg:$0x0] =	wrdreg $0xFFFFFFFF;
	(pc) =	sbr.abs _section_cstart, $3  }
0xc1: {  	[dreg:$0x1] =	wrdreg $0xFFFFFFFF  }
0xc2: {  	_ =	task.clear_ibuf [dreg:s7], $0x2FFFF;
	_ =	strace $0x9FFFFFFF  }
0xc3: {  	(tm) =	ssettm $0x7FFFFFFF  }
tec
execute0_lowered:
.L_overlay_start_1:
0x0: {  	(tag) =	ssettag $0x1  }
0x1: {  	s5 =	rddreg [dreg:$0x0]  }
0x2: {  	s6 =	rddreg [dreg:$0x1];
	s0 =	srdreg.scid  }
0x3: {  	s9 =	stileid.u32;
	s1 =	rddreg [dreg:$0x2]  }
0x4: {  	s2 =	simm.s32 $0x0;
	s12 =	simm.s32 $0x2800;
	s13 =	simm.s32 $0x5000  }
0x5: {  	s14 =	simm.s32 $0x80;
	s15 =	simm.s32 $0x7800;
	s16 =	simm.s32 $0x1  }
0x6: {  	s17 =	simm.s32 $0x0;
	s4 =	sand.u32 $0x1, s0;
	s0 =	rddreg [dreg:$0x3]  }
0x7: {  	s3 =	sshll.u32 s9, $0x1;
	[smem:$0x7FF] =	sst s2;
	p0 =	sne.s32 s9, $0x0  }
0x8: {  	s3 =	sor.u32 s4, s3;
	_ =	strace $0x80000047;
	s8 =	smul.u32 $0x27100, s4  }
0x9: {  	s11 =	ssub.s32 $0x2, s4;
	s4 =	sadd.s32 $0x3D000, s5;
	s7 =	smul.u32 $0x500, s3  }
0xa: {  	s3 =	sadd.s32 $0x15E00, s5;
	s31 =	sshrl.u32 s11, $0x1;
	s8 =	sadd.s32 s8, s5  }
0xb: {  	s11 =	ssub.s32 s11, s31;
	s10 =	sadd.s32 s7, s5;
	s6 =	sadd.s32 s6, s7  }
0xc: {  	s8 =	sadd.s32 $0x64200, s8;
	s9 =	smax.u32 s11, $0x1;
	s11 =	simm.s32 $0x2  }
0xd: {  	s5 =	sadd.s32 $0x1E00, s10;
	s7 =	sadd.s32 $0xBE00, s10;
	s10 =	sshrl.u32 @!p0 s1, $0x3  }
.LBB2_1:
0xe: {  	s18 =	simm.s32 @!p0 $0x1C02  }
0xf: {  	[spmem:s10], [sflag:s18] =	dma.local @!p0 [hbm:s4], $0x27100  }
0x10: {  	s18 =	simm.s32 @!p0 $0x2  }
0x11: {  	_ =	swait.ge @!p0 [sflag:s18], $0x27100  }
0x12: {  	[sflag:s18] =	ssyncset.done @!p0 $0x0  }
0x13: {  	[sflag:s18] =	ssyncadd.s32 @!p0 $0xFFFD8F00  }
0x14: {  	[tilespmem:s2], [sflag:$0x2] =	stream.linear.gather [hbm4b:s5+s2], $0x2780, $0x38;
	[tilespmem:$0x1F080] =	vst v63  }
0x15: {  	_ =	swait.ge [sflag:s11], $0x2780  }
0x16: {  	[sflag:s11] =	ssyncset.done $0x0  }
0x17: {  	[sflag:s11] =	ssyncadd.s32 $0xFFFFD880  }
0x18: {  	[tilespmem:s12], [sflag:$0x2] =	stream.linear.gather [hbm4b:s6+s2], $0x2780, $0x38;
	[tilespmem:$0x1F080] =	vst v63  }
0x19: {  	_ =	swait.ge [sflag:s11], $0x2780  }
0x1a: {  	[sflag:s11] =	ssyncset.done $0x0  }
0x1b: {  	[sflag:s11] =	ssyncadd.s32 $0xFFFFD880  }
0x1c: {  	[tilespmem:s13], [sflag:$0x2] =	stream.linear.gather [hbm4b:s7+s2], $0x2780, $0x38;
	[tilespmem:$0x1F080] =	vst v63  }
0x1d: {  	_ =	swait.ge [sflag:s11], $0x2780  }
0x1e: {  	[sflag:s11] =	ssyncset.done $0x0  }
0x1f: {  	[sflag:s11] =	ssyncadd.s32 $0xFFFFD880  }
0x20: {  	s18 =	simm.s32 $0x0;
	[bflag:$0x0] =	sbarrier.arrive $0xFFFF  }
.LBB2_2:
0x21: {  	s19 =	sshll.u32 s18, $0x7  }
0x22: {  	[tilespmem:s15], [sflag:$0x1] =	stream.indirect.gather [hbm4b:s3+s14], $0x80, s19, s14, $0xb8;
	[tilespmem:$0x1F080] =	vst v63  }
0x23: {  	s21 =	sadd.s32 $0x5000, s19  }
0x24: {  	_ =	swait.ge [sflag:s16], $0x4000;
	v0 =	vmov s21  }
0x25: {  	[sflag:s16] =	ssyncset.done $0x0  }
0x26: {  	s20 =	simm.s32 $0x0;
	[sflag:s16] =	ssyncadd.s32 $0xFFFFC000  }
.LBB2_3:
0x27: {  	s21 =	sshll.u32 s20, $0x4  }
0x28: {  	s21 =	sand.u32 $0x3FFFFFF0, s21  }
0x29: {  	s31 =	sshll.u32 s20, $0xB;
	v1 =	vld.idx.msk [tilespmem:v0+s21+$0x0 ss:$0x1], $0xffff  }
0x2a: {  	s21 =	sand.u32 $0x3FFFF800, s31  }
0x2b: {  	v2 =	vld [tilespmem:s21+$0x7800]  }
0x2c: {  	v3 =	vld [tilespmem:s21+$0x7810]  }
0x2d: {  	v4 =	vld [tilespmem:s21+$0x7820]  }
0x2e: {  	v6 =	vld [tilespmem:s21+$0x7830];
	v5 =	vbroadcast v1, $0x0  }
0x2f: {  	v7 =	vld [tilespmem:s21+$0x7840]  }
0x30: {  	v8 =	vld [tilespmem:s21+$0x7850];
	v2 =	vmul.f32 v5, v2  }
0x31: {  	v9 =	vld [tilespmem:s21+$0x7860];
	v3 =	vmul.f32 v3, v5  }
0x32: {  	v34 =	vld [tilespmem:s21+$0x7870];
	[tilespmem:s21+$0x7800] =	vst v2;
	v2 =	vmul.f32 v4, v5  }
0x33: {  	v35 =	vld [tilespmem:s21+$0x7880];
	[tilespmem:s21+$0x7810] =	vst v3;
	v3 =	vmul.f32 v6, v5  }
0x34: {  	v36 =	vld [tilespmem:s21+$0x7890];
	[tilespmem:s21+$0x7820] =	vst v2;
	v2 =	vmul.f32 v7, v5  }
0x35: {  	v37 =	vld [tilespmem:s21+$0x78A0];
	[tilespmem:s21+$0x7830] =	vst v3;
	v3 =	vmul.f32 v8, v5  }
0x36: {  	v10 =	vld [tilespmem:s21+$0x78B0];
	v38 =	vbroadcast v1, $0x1;
	[tilespmem:s21+$0x7840] =	vst v2;
	v2 =	vmul.f32 v9, v5  }
0x37: {  	v39 =	vld [tilespmem:s21+$0x78C0];
	[tilespmem:s21+$0x7850] =	vst v3;
	v3 =	vmul.f32 v34, v5  }
0x38: {  	v40 =	vld [tilespmem:s21+$0x78D0];
	[tilespmem:s21+$0x7860] =	vst v2;
	v2 =	vmul.f32 v35, v38  }
0x39: {  	v41 =	vld [tilespmem:s21+$0x78E0];
	[tilespmem:s21+$0x7870] =	vst v3;
	v3 =	vmul.f32 v36, v38  }
0x3a: {  	v42 =	vld [tilespmem:s21+$0x78F0];
	[tilespmem:s21+$0x7880] =	vst v2;
	v2 =	vmul.f32 v37, v38  }
0x3b: {  	v43 =	vld [tilespmem:s21+$0x7900];
	[tilespmem:s21+$0x7890] =	vst v3;
	v3 =	vmul.f32 v10, v38  }
0x3c: {  	v44 =	vld [tilespmem:s21+$0x7910];
	[tilespmem:s21+$0x78A0] =	vst v2;
	v2 =	vmul.f32 v39, v38  }
0x3d: {  	v45 =	vld [tilespmem:s21+$0x7920];
	[tilespmem:s21+$0x78B0] =	vst v3;
	v3 =	vmul.f32 v40, v38  }
0x3e: {  	v47 =	vld [tilespmem:s21+$0x7930];
	v46 =	vbroadcast v1, $0x2;
	[tilespmem:s21+$0x78C0] =	vst v2;
	v2 =	vmul.f32 v41, v38  }
0x3f: {  	v48 =	vld [tilespmem:s21+$0x7940];
	[tilespmem:s21+$0x78D0] =	vst v3;
	v3 =	vmul.f32 v42, v38  }
0x40: {  	v49 =	vld [tilespmem:s21+$0x7950];
	[tilespmem:s21+$0x78E0] =	vst v2;
	v2 =	vmul.f32 v43, v46  }
0x41: {  	v50 =	vld [tilespmem:s21+$0x7960];
	[tilespmem:s21+$0x78F0] =	vst v3;
	v3 =	vmul.f32 v44, v46  }
0x42: {  	v51 =	vld [tilespmem:s21+$0x7970];
	[tilespmem:s21+$0x7900] =	vst v2;
	v2 =	vmul.f32 v45, v46  }
0x43: {  	v52 =	vld [tilespmem:s21+$0x7980];
	[tilespmem:s21+$0x7910] =	vst v3;
	v3 =	vmul.f32 v47, v46  }
0x44: {  	v53 =	vld [tilespmem:s21+$0x7990];
	[tilespmem:s21+$0x7920] =	vst v2;
	v2 =	vmul.f32 v48, v46  }
0x45: {  	v54 =	vld [tilespmem:s21+$0x79A0];
	[tilespmem:s21+$0x7930] =	vst v3;
	v3 =	vmul.f32 v49, v46  }
0x46: {  	v56 =	vld [tilespmem:s21+$0x79B0];
	v55 =	vbroadcast v1, $0x3;
	[tilespmem:s21+$0x7940] =	vst v2;
	v2 =	vmul.f32 v50, v46  }
0x47: {  	v57 =	vld [tilespmem:s21+$0x79C0];
	[tilespmem:s21+$0x7950] =	vst v3;
	v3 =	vmul.f32 v51, v46  }
0x48: {  	v58 =	vld [tilespmem:s21+$0x79D0];
	[tilespmem:s21+$0x7960] =	vst v2;
	v2 =	vmul.f32 v52, v55  }
0x49: {  	v59 =	vld [tilespmem:s21+$0x79E0];
	[tilespmem:s21+$0x7970] =	vst v3;
	v3 =	vmul.f32 v53, v55  }
0x4a: {  	v60 =	vld [tilespmem:s21+$0x79F0];
	[tilespmem:s21+$0x7980] =	vst v2;
	v2 =	vmul.f32 v54, v55  }
0x4b: {  	v61 =	vld [tilespmem:s21+$0x7A00];
	[tilespmem:s21+$0x7990] =	vst v3;
	v3 =	vmul.f32 v56, v55  }
0x4c: {  	v62 =	vld [tilespmem:s21+$0x7A10];
	[tilespmem:s21+$0x79A0] =	vst v2;
	v2 =	vmul.f32 v57, v55  }
0x4d: {  	v63 =	vld [tilespmem:s21+$0x7A20];
	[tilespmem:s21+$0x79B0] =	vst v3;
	v3 =	vmul.f32 v58, v55  }
0x4e: {  	v13 =	vld [tilespmem:s21+$0x7A30];
	v12 =	vbroadcast v1, $0x4;
	[tilespmem:s21+$0x79C0] =	vst v2;
	v2 =	vmul.f32 v59, v55  }
0x4f: {  	v14 =	vld [tilespmem:s21+$0x7A40];
	[tilespmem:s21+$0x79D0] =	vst v3;
	v3 =	vmul.f32 v60, v55  }
0x50: {  	v15 =	vld [tilespmem:s21+$0x7A50];
	[tilespmem:s21+$0x79E0] =	vst v2;
	v2 =	vmul.f32 v61, v12  }
0x51: {  	v16 =	vld [tilespmem:s21+$0x7A60];
	[tilespmem:s21+$0x79F0] =	vst v3;
	v3 =	vmul.f32 v62, v12  }
0x52: {  	v17 =	vld [tilespmem:s21+$0x7A70];
	[tilespmem:s21+$0x7A00] =	vst v2;
	v2 =	vmul.f32 v63, v12  }
0x53: {  	v18 =	vld [tilespmem:s21+$0x7A80];
	[tilespmem:s21+$0x7A10] =	vst v3;
	v3 =	vmul.f32 v13, v12  }
0x54: {  	v19 =	vld [tilespmem:s21+$0x7A90];
	[tilespmem:s21+$0x7A20] =	vst v2;
	v2 =	vmul.f32 v14, v12  }
0x55: {  	v20 =	vld [tilespmem:s21+$0x7AA0];
	[tilespmem:s21+$0x7A30] =	vst v3;
	v3 =	vmul.f32 v15, v12  }
0x56: {  	v22 =	vld [tilespmem:s21+$0x7AB0];
	v21 =	vbroadcast v1, $0x5;
	[tilespmem:s21+$0x7A40] =	vst v2;
	v2 =	vmul.f32 v16, v12  }
0x57: {  	v23 =	vld [tilespmem:s21+$0x7AC0];
	[tilespmem:s21+$0x7A50] =	vst v3;
	v3 =	vmul.f32 v17, v12  }
0x58: {  	v24 =	vld [tilespmem:s21+$0x7AD0];
	[tilespmem:s21+$0x7A60] =	vst v2;
	v2 =	vmul.f32 v18, v21  }
0x59: {  	v25 =	vld [tilespmem:s21+$0x7AE0];
	[tilespmem:s21+$0x7A70] =	vst v3;
	v3 =	vmul.f32 v19, v21  }
0x5a: {  	v26 =	vld [tilespmem:s21+$0x7AF0];
	[tilespmem:s21+$0x7A80] =	vst v2;
	v2 =	vmul.f32 v20, v21  }
0x5b: {  	v27 =	vld [tilespmem:s21+$0x7B00];
	[tilespmem:s21+$0x7A90] =	vst v3;
	v3 =	vmul.f32 v22, v21  }
0x5c: {  	v28 =	vld [tilespmem:s21+$0x7B10];
	[tilespmem:s21+$0x7AA0] =	vst v2;
	v2 =	vmul.f32 v23, v21  }
0x5d: {  	v29 =	vld [tilespmem:s21+$0x7B20];
	[tilespmem:s21+$0x7AB0] =	vst v3;
	v3 =	vmul.f32 v24, v21  }
0x5e: {  	v31 =	vld [tilespmem:s21+$0x7B30];
	v30 =	vbroadcast v1, $0x6;
	[tilespmem:s21+$0x7AC0] =	vst v2;
	v2 =	vmul.f32 v25, v21  }
0x5f: {  	v32 =	vld [tilespmem:s21+$0x7B40];
	[tilespmem:s21+$0x7AD0] =	vst v3;
	v3 =	vmul.f32 v26, v21  }
0x60: {  	v33 =	vld [tilespmem:s21+$0x7B50];
	[tilespmem:s21+$0x7AE0] =	vst v2;
	v2 =	vmul.f32 v27, v30  }
0x61: {  	v34 =	vld [tilespmem:s21+$0x7B60];
	[tilespmem:s21+$0x7AF0] =	vst v3;
	v3 =	vmul.f32 v28, v30  }
0x62: {  	v35 =	vld [tilespmem:s21+$0x7B70];
	[tilespmem:s21+$0x7B00] =	vst v2;
	v2 =	vmul.f32 v29, v30  }
0x63: {  	v36 =	vld [tilespmem:s21+$0x7B80];
	[tilespmem:s21+$0x7B10] =	vst v3;
	v3 =	vmul.f32 v31, v30  }
0x64: {  	v37 =	vld [tilespmem:s21+$0x7B90];
	[tilespmem:s21+$0x7B20] =	vst v2;
	v2 =	vmul.f32 v32, v30  }
0x65: {  	v38 =	vld [tilespmem:s21+$0x7BA0];
	[tilespmem:s21+$0x7B30] =	vst v3;
	v3 =	vmul.f32 v33, v30  }
0x66: {  	v39 =	vbroadcast v1, $0x7;
	v40 =	vld [tilespmem:s21+$0x7BB0];
	[tilespmem:s21+$0x7B40] =	vst v2;
	v2 =	vmul.f32 v34, v30  }
0x67: {  	v41 =	vld [tilespmem:s21+$0x7BC0];
	[tilespmem:s21+$0x7B50] =	vst v3;
	v3 =	vmul.f32 v35, v30  }
0x68: {  	v42 =	vld [tilespmem:s21+$0x7BD0];
	[tilespmem:s21+$0x7B60] =	vst v2;
	v2 =	vmul.f32 v36, v39  }
0x69: {  	v43 =	vld [tilespmem:s21+$0x7BE0];
	[tilespmem:s21+$0x7B70] =	vst v3;
	v3 =	vmul.f32 v37, v39  }
0x6a: {  	v44 =	vld [tilespmem:s21+$0x7BF0];
	[tilespmem:s21+$0x7B80] =	vst v2;
	v2 =	vmul.f32 v38, v39  }
0x6b: {  	v45 =	vld [tilespmem:s21+$0x7C00];
	[tilespmem:s21+$0x7B90] =	vst v3;
	v3 =	vmul.f32 v40, v39  }
0x6c: {  	v46 =	vld [tilespmem:s21+$0x7C10];
	[tilespmem:s21+$0x7BA0] =	vst v2;
	v2 =	vmul.f32 v41, v39  }
0x6d: {  	v47 =	vld [tilespmem:s21+$0x7C20];
	[tilespmem:s21+$0x7BB0] =	vst v3;
	v3 =	vmul.f32 v42, v39  }
0x6e: {  	v48 =	vbroadcast v1, $0x8;
	v49 =	vld [tilespmem:s21+$0x7C30];
	[tilespmem:s21+$0x7BC0] =	vst v2;
	v2 =	vmul.f32 v43, v39  }
0x6f: {  	v50 =	vld [tilespmem:s21+$0x7C40];
	[tilespmem:s21+$0x7BD0] =	vst v3;
	v3 =	vmul.f32 v44, v39  }
0x70: {  	v51 =	vld [tilespmem:s21+$0x7C50];
	[tilespmem:s21+$0x7BE0] =	vst v2;
	v2 =	vmul.f32 v45, v48  }
0x71: {  	v52 =	vld [tilespmem:s21+$0x7C60];
	[tilespmem:s21+$0x7BF0] =	vst v3;
	v3 =	vmul.f32 v46, v48  }
0x72: {  	v53 =	vld [tilespmem:s21+$0x7C70];
	[tilespmem:s21+$0x7C00] =	vst v2;
	v2 =	vmul.f32 v47, v48  }
0x73: {  	v54 =	vld [tilespmem:s21+$0x7C80];
	[tilespmem:s21+$0x7C10] =	vst v3;
	v3 =	vmul.f32 v49, v48  }
0x74: {  	v55 =	vld [tilespmem:s21+$0x7C90];
	[tilespmem:s21+$0x7C20] =	vst v2;
	v2 =	vmul.f32 v50, v48  }
0x75: {  	v56 =	vld [tilespmem:s21+$0x7CA0];
	[tilespmem:s21+$0x7C30] =	vst v3;
	v3 =	vmul.f32 v51, v48  }
0x76: {  	v57 =	vbroadcast v1, $0x9;
	v58 =	vld [tilespmem:s21+$0x7CB0];
	[tilespmem:s21+$0x7C40] =	vst v2;
	v2 =	vmul.f32 v52, v48  }
0x77: {  	v59 =	vld [tilespmem:s21+$0x7CC0];
	[tilespmem:s21+$0x7C50] =	vst v3;
	v3 =	vmul.f32 v53, v48  }
0x78: {  	v60 =	vld [tilespmem:s21+$0x7CD0];
	[tilespmem:s21+$0x7C60] =	vst v2;
	v2 =	vmul.f32 v54, v57  }
0x79: {  	v61 =	vld [tilespmem:s21+$0x7CE0];
	[tilespmem:s21+$0x7C70] =	vst v3;
	v3 =	vmul.f32 v55, v57  }
0x7a: {  	v62 =	vld [tilespmem:s21+$0x7CF0];
	[tilespmem:s21+$0x7C80] =	vst v2;
	v2 =	vmul.f32 v56, v57  }
0x7b: {  	v63 =	vld [tilespmem:s21+$0x7D00];
	[tilespmem:s21+$0x7C90] =	vst v3;
	v3 =	vmul.f32 v58, v57  }
0x7c: {  	v12 =	vld [tilespmem:s21+$0x7D10];
	[tilespmem:s21+$0x7CA0] =	vst v2;
	v2 =	vmul.f32 v59, v57  }
0x7d: {  	v13 =	vld [tilespmem:s21+$0x7D20];
	[tilespmem:s21+$0x7CB0] =	vst v3;
	v3 =	vmul.f32 v60, v57  }
0x7e: {  	v14 =	vbroadcast v1, $0xA;
	v15 =	vld [tilespmem:s21+$0x7D30];
	[tilespmem:s21+$0x7CC0] =	vst v2;
	v2 =	vmul.f32 v61, v57  }
0x7f: {  	v16 =	vld [tilespmem:s21+$0x7D40];
	[tilespmem:s21+$0x7CD0] =	vst v3;
	v3 =	vmul.f32 v62, v57  }
0x80: {  	v17 =	vld [tilespmem:s21+$0x7D50];
	[tilespmem:s21+$0x7CE0] =	vst v2;
	v2 =	vmul.f32 v63, v14  }
0x81: {  	v18 =	vld [tilespmem:s21+$0x7D60];
	[tilespmem:s21+$0x7CF0] =	vst v3;
	v3 =	vmul.f32 v12, v14  }
0x82: {  	v19 =	vld [tilespmem:s21+$0x7D70];
	[tilespmem:s21+$0x7D00] =	vst v2;
	v2 =	vmul.f32 v13, v14  }
0x83: {  	v20 =	vld [tilespmem:s21+$0x7D80];
	[tilespmem:s21+$0x7D10] =	vst v3;
	v3 =	vmul.f32 v15, v14  }
0x84: {  	v21 =	vld [tilespmem:s21+$0x7D90];
	[tilespmem:s21+$0x7D20] =	vst v2;
	v2 =	vmul.f32 v16, v14  }
0x85: {  	v22 =	vld [tilespmem:s21+$0x7DA0];
	[tilespmem:s21+$0x7D30] =	vst v3;
	v3 =	vmul.f32 v17, v14  }
0x86: {  	v23 =	vbroadcast v1, $0xB;
	v24 =	vld [tilespmem:s21+$0x7DB0];
	[tilespmem:s21+$0x7D40] =	vst v2;
	v2 =	vmul.f32 v18, v14  }
0x87: {  	v25 =	vld [tilespmem:s21+$0x7DC0];
	[tilespmem:s21+$0x7D50] =	vst v3;
	v3 =	vmul.f32 v19, v14  }
0x88: {  	v26 =	vld [tilespmem:s21+$0x7DD0];
	[tilespmem:s21+$0x7D60] =	vst v2;
	v2 =	vmul.f32 v20, v23  }
0x89: {  	v27 =	vld [tilespmem:s21+$0x7DE0];
	[tilespmem:s21+$0x7D70] =	vst v3;
	v3 =	vmul.f32 v21, v23  }
0x8a: {  	v28 =	vld [tilespmem:s21+$0x7DF0];
	[tilespmem:s21+$0x7D80] =	vst v2;
	v2 =	vmul.f32 v22, v23  }
0x8b: {  	v29 =	vld [tilespmem:s21+$0x7E00];
	[tilespmem:s21+$0x7D90] =	vst v3;
	v3 =	vmul.f32 v24, v23  }
0x8c: {  	v30 =	vld [tilespmem:s21+$0x7E10];
	[tilespmem:s21+$0x7DA0] =	vst v2;
	v2 =	vmul.f32 v25, v23  }
0x8d: {  	v31 =	vld [tilespmem:s21+$0x7E20];
	[tilespmem:s21+$0x7DB0] =	vst v3;
	v3 =	vmul.f32 v26, v23  }
0x8e: {  	v32 =	vbroadcast v1, $0xC;
	v33 =	vld [tilespmem:s21+$0x7E30];
	[tilespmem:s21+$0x7DC0] =	vst v2;
	v2 =	vmul.f32 v27, v23  }
0x8f: {  	v34 =	vld [tilespmem:s21+$0x7E40];
	[tilespmem:s21+$0x7DD0] =	vst v3;
	v3 =	vmul.f32 v28, v23  }
0x90: {  	v35 =	vld [tilespmem:s21+$0x7E50];
	[tilespmem:s21+$0x7DE0] =	vst v2;
	v2 =	vmul.f32 v29, v32  }
0x91: {  	v36 =	vld [tilespmem:s21+$0x7E60];
	[tilespmem:s21+$0x7DF0] =	vst v3;
	v3 =	vmul.f32 v30, v32  }
0x92: {  	v37 =	vld [tilespmem:s21+$0x7E70];
	[tilespmem:s21+$0x7E00] =	vst v2;
	v2 =	vmul.f32 v31, v32  }
0x93: {  	v38 =	vld [tilespmem:s21+$0x7E80];
	[tilespmem:s21+$0x7E10] =	vst v3;
	v3 =	vmul.f32 v33, v32  }
0x94: {  	v39 =	vld [tilespmem:s21+$0x7E90];
	[tilespmem:s21+$0x7E20] =	vst v2;
	v2 =	vmul.f32 v34, v32  }
0x95: {  	v40 =	vld [tilespmem:s21+$0x7EA0];
	[tilespmem:s21+$0x7E30] =	vst v3;
	v3 =	vmul.f32 v35, v32  }
0x96: {  	v41 =	vbroadcast v1, $0xD;
	v42 =	vld [tilespmem:s21+$0x7EB0];
	[tilespmem:s21+$0x7E40] =	vst v2;
	v2 =	vmul.f32 v36, v32  }
0x97: {  	v43 =	vld [tilespmem:s21+$0x7EC0];
	[tilespmem:s21+$0x7E50] =	vst v3;
	v3 =	vmul.f32 v37, v32  }
0x98: {  	v44 =	vld [tilespmem:s21+$0x7ED0];
	[tilespmem:s21+$0x7E60] =	vst v2;
	v2 =	vmul.f32 v38, v41  }
0x99: {  	v45 =	vld [tilespmem:s21+$0x7EE0];
	[tilespmem:s21+$0x7E70] =	vst v3;
	v3 =	vmul.f32 v39, v41  }
0x9a: {  	v46 =	vld [tilespmem:s21+$0x7EF0];
	[tilespmem:s21+$0x7E80] =	vst v2;
	v2 =	vmul.f32 v40, v41  }
0x9b: {  	v47 =	vld [tilespmem:s21+$0x7F00];
	[tilespmem:s21+$0x7E90] =	vst v3;
	v3 =	vmul.f32 v42, v41  }
0x9c: {  	v48 =	vld [tilespmem:s21+$0x7F10];
	[tilespmem:s21+$0x7EA0] =	vst v2;
	v2 =	vmul.f32 v43, v41  }
0x9d: {  	v49 =	vld [tilespmem:s21+$0x7F20];
	[tilespmem:s21+$0x7EB0] =	vst v3;
	v3 =	vmul.f32 v44, v41  }
0x9e: {  	v50 =	vbroadcast v1, $0xE;
	v51 =	vld [tilespmem:s21+$0x7F30];
	[tilespmem:s21+$0x7EC0] =	vst v2;
	v2 =	vmul.f32 v45, v41  }
0x9f: {  	v52 =	vld [tilespmem:s21+$0x7F40];
	[tilespmem:s21+$0x7ED0] =	vst v3;
	v3 =	vmul.f32 v46, v41  }
0xa0: {  	v53 =	vld [tilespmem:s21+$0x7F50];
	[tilespmem:s21+$0x7EE0] =	vst v2;
	v2 =	vmul.f32 v47, v50  }
0xa1: {  	v54 =	vld [tilespmem:s21+$0x7F60];
	[tilespmem:s21+$0x7EF0] =	vst v3;
	v3 =	vmul.f32 v48, v50  }
0xa2: {  	v55 =	vld [tilespmem:s21+$0x7F70];
	[tilespmem:s21+$0x7F00] =	vst v2;
	v2 =	vmul.f32 v49, v50  }
0xa3: {  	v56 =	vld [tilespmem:s21+$0x7F80];
	[tilespmem:s21+$0x7F10] =	vst v3;
	v3 =	vmul.f32 v51, v50  }
0xa4: {  	v57 =	vld [tilespmem:s21+$0x7F90];
	[tilespmem:s21+$0x7F20] =	vst v2;
	v2 =	vmul.f32 v52, v50  }
0xa5: {  	v58 =	vld [tilespmem:s21+$0x7FA0];
	[tilespmem:s21+$0x7F30] =	vst v3;
	v3 =	vmul.f32 v53, v50  }
0xa6: {  	v1 =	vbroadcast v1, $0xF;
	v59 =	vld [tilespmem:s21+$0x7FB0];
	[tilespmem:s21+$0x7F40] =	vst v2;
	v2 =	vmul.f32 v54, v50  }
0xa7: {  	v60 =	vld [tilespmem:s21+$0x7FC0];
	[tilespmem:s21+$0x7F50] =	vst v3;
	v3 =	vmul.f32 v55, v50  }
0xa8: {  	v61 =	vld [tilespmem:s21+$0x7FD0];
	[tilespmem:s21+$0x7F60] =	vst v2;
	v2 =	vmul.f32 v56, v1  }
0xa9: {  	v62 =	vld [tilespmem:s21+$0x7FE0];
	[tilespmem:s21+$0x7F70] =	vst v3;
	v3 =	vmul.f32 v57, v1  }
0xaa: {  	v63 =	vld [tilespmem:s21+$0x7FF0];
	[tilespmem:s21+$0x7F80] =	vst v2;
	v2 =	vmul.f32 v58, v1  }
0xab: {  	[tilespmem:s21+$0x7F90] =	vst v3;
	v3 =	vmul.f32 v59, v1  }
0xac: {  	p1 =	sne.s32 s20, $0x7;
	[tilespmem:s21+$0x7FA0] =	vst v2;
	v2 =	vmul.f32 v60, v1  }
.Ltmp0:
0xad: {  	[tilespmem:s21+$0x7FB0] =	vst v3;
	v3 =	vmul.f32 v61, v1;
	(pc) =	sbr.rel @p1 .LBB2_3-.Ltmp0, $4  }
0xae: {  	[tilespmem:s21+$0x7FC0] =	vst v2;
	v2 =	vmul.f32 v62, v1  }
0xaf: {  	[tilespmem:s21+$0x7FD0] =	vst v3;
	v1 =	vmul.f32 v63, v1  }
0xb0: {  	[tilespmem:s21+$0x7FE0] =	vst v2  }
0xb1: {  	s20 =	sadd.s32 $0x1, s20;
	[tilespmem:s21+$0x7FF0] =	vst v1  }
0xb2: {  	s18 =	sadd.s32 $0x1, s18  }
0xb3: {  	p1 =	sne.s32 s18, $0x4F  }
.Ltmp1:
0xb4: {  	s19 =	sadd.s32 $0x2800, s19;
	(pc) =	sbr.rel @p1 .LBB2_2-.Ltmp1, $4  }
0xb5: {  	[spmem:s1] =	stream.indirect.scatter.add.f32 [tilespmem:s15], [sflag:$0x2], $0x80, s19, s14, $0xb8;
	[tilespmem:$0x1F080] =	vst v63  }
0xb6: {  	_ =	swait.ge [sflag:s11], $0x4000  }
0xb7: {  	[sflag:s11] =	ssyncset.done $0x0  }
0xb8: {  	[sflag:s11] =	ssyncadd.s32 $0xFFFFC000  }
0xb9: {  	[bflag:$0x0] =	sbarrier.arrive $0xFFFF;
	s18 =	simm.s32 @!p0 $0x1C02;
	s17 =	sadd.s32 $0x1, s17  }
0xba: {  	[hbm:s8], [sflag:s18] =	dma.local @!p0 [spmem:s10], $0x27100  }
0xbb: {  	p1 =	sne.s32 s17, s9  }
.Ltmp2:
0xbc: {  	_ = 	snop;
	(pc) =	sbr.rel @p1 .LBB2_1-.Ltmp2, $4  }
0xbd: {  	s18 =	simm.s32 @!p0 $0x2  }
0xbe: {  	_ =	swait.ge @!p0 [sflag:s18], $0x27100  }
0xbf: {  	[sflag:s18] =	ssyncset.done @!p0 $0x0  }
0xc0: {  	[sflag:s18] =	ssyncadd.s32 @!p0 $0xFFFD8F00  }
0xc1: {  	_ =	sfence.sel $0x180000  }
0xc2: {  	[bflag:$0x0] =	sbarrier.arrive $0xFFFF  }
0xc3: {  	_ =	strace $0x90000047  }
0xc4: {  	s0 =	sadd.s32 @!p0 $0x100000, s0;
	[bflag:$0x2] =	sbarrier.arrive $0xFFFF  }
0xc5: {  	[sflag:s0] =	ssyncadd.tile.s32 @!p0 $0x1;
	_ =	shalt  }
.Lfunc_end2:
_tile_overlayer_lowered:
.L_overlay_start_2:
0xc6: {  	(tag) =	ssettag $0x2  }
0xc7: {  	s0 =	rddreg [dreg:$0x0];
	s2 =	stileid.u32  }
0xc8: {  	s1 =	rddreg [dreg:$0x1];
	p0 =	sne.s32 s2, $0x0  }
0xc9: {  	s3 =	rddreg [dreg:$0x2];
	[bflag:$0x3] =	sbarrier.arrive $0xFFFF;
	s2 =	simm.s32 @!p0 $0x1C02  }
0xca: {  	[timem:s3], [sflag:s2] =	dma.local @!p0 [hbm:s0], s1  }
0xcb: {  	s0 =	simm.s32 @!p0 $0x2  }
0xcc: {  	_ =	swait.ge @!p0 [sflag:s0], s1  }
0xcd: {  	s1 =	ssub.s32 @!p0 $0x0, s1;
	[sflag:s0] =	ssyncset.done @!p0 $0x0  }
0xce: {  	[sflag:s0] =	ssyncadd.s32 @!p0 s1  }
0xcf: {  	[bflag:$0x3] =	sbarrier.arrive $0xFFFF  }
0xd0: {  	_ =	shalt  }

</sc_bundles>
